<compile_context>
chip_gen: v7x
topology: tpu7x:2x2x1
jax: 0.10.2.dev20260603
libtpu: 0.0.44.dev20260713+nightly
codegen_flags: <defaults>
</compile_context>

<pallas_src>
import functools

import jax
import jax.numpy as jnp
import numpy as np
from jax import lax
from jax.experimental import pallas as pl
from jax.experimental.pallas import tpu as pltpu
from jax.experimental.pallas import tpu_sc as plsc

_N = 50000
_D = 256
_MAXP = 100000
_NW = 32
_PAIRS_PER_W = _MAXP // _NW
_CSLOT = 128
_CPAIR = _CSLOT // 2
_CHUNKS = 50
_ROWBLK = 1000


def _draws():
    key = jax.random.key(42)
    kc, k0, k1 = jax.random.split(key, 3)
    g = jax.random.gumbel(kc, (_MAXP, 2), jnp.float32)
    u0 = jax.random.uniform(k0, (2 * _MAXP,), jnp.float32)
    u1 = jax.random.uniform(k1, (2 * _MAXP,), jnp.float32)
    return g, u0, u1


_CROWS = 392
_GROWS = 782


def _aux_body(margin_ref, emb_ref, e_ref, aux_ref):
    x = emb_ref[...]
    ss = jnp.sum(x * x, axis=1, keepdims=True)
    norm = jnp.sqrt(ss)
    scale = 1.0 / jnp.maximum(norm, 1e-12)
    mg = jnp.full_like(scale, margin_ref[0, 0])
    z = jnp.zeros((x.shape[0], 124), jnp.float32)
    aux_ref[...] = jnp.concatenate([e_ref[...], scale, mg, z], axis=1)


def _cdf_body(np_ref, g0_ref, g1_ref, ep_ref, cs_ref, pi_ref, pf_ref):
    if True:
        g0 = g0_ref[...]
        g1 = g1_ref[...]
        ep = ep_ref[...]
        rfl = jax.lax.broadcasted_iota(jnp.int32, (_CROWS, 128), 0)
        cfl = jax.lax.broadcasted_iota(jnp.int32, (_CROWS, 128), 1)
        validm = (rfl * 128 + cfl) < _N
        w = jnp.where(validm[None], ep + 1e-6, 0.0)
        s = jnp.sum(w, axis=(1, 2), keepdims=True)
        p = w / s
        msum = jnp.sum(ep, axis=(1, 2))
        l0 = jnp.log(msum[0] / _N)
        l1 = jnp.log(msum[1] / _N)
        n0 = jnp.sum(((g0 + l0) >= (g1 + l1)).astype(jnp.int32))
        n1 = np_ref[0, 0] - n0
        p2 = p.reshape(2 * _CROWS, 128)
        ur = jax.lax.broadcasted_iota(jnp.int32, (128, 128), 0)
        uc = jax.lax.broadcasted_iota(jnp.int32, (128, 128), 1)
        U = (ur <= uc).astype(jnp.float32)
        y2 = jax.lax.dot_general(p2, U, (((1,), (0,)), ((), ())),
                                 precision=jax.lax.Precision.HIGHEST,
                                 preferred_element_type=jnp.float32)
        rs = y2[:, 127:128]
        lr = jax.lax.broadcasted_iota(jnp.int32, (2 * _CROWS, 2 * _CROWS), 0)
        lc = jax.lax.broadcasted_iota(jnp.int32, (2 * _CROWS, 2 * _CROWS), 1)
        L = ((lc < lr) & ((lc // _CROWS) == (lr // _CROWS))).astype(
            jnp.float32)
        offs = jax.lax.dot_general(L, rs, (((1,), (0,)), ((), ())),
                                   precision=jax.lax.Precision.HIGHEST,
                                   preferred_element_type=jnp.float32)
        cs2 = y2 + offs
        cs_ref[...] = cs2.reshape(2, _CROWS, 128)
        t0 = cs2[_CROWS - 1, 127]
        t1 = cs2[2 * _CROWS - 1, 127]
        pi_ref[...] = jnp.concatenate(
            [jnp.reshape(2 * n0, (1, 1)), jnp.reshape(2 * (n0 + n1), (1, 1)),
             jnp.zeros((1, 14), jnp.int32)], axis=1)
        pf_ref[...] = jnp.concatenate(
            [jnp.reshape(t0, (1, 1)), jnp.reshape(t1, (1, 1)),
             jnp.zeros((1, 14), jnp.float32)], axis=1)


def _build_aux(embeddings, E, margin):
    grid = (_N // _ROWBLK,)
    return pl.pallas_call(
        _aux_body,
        grid=grid,
        in_specs=[
            pl.BlockSpec((1, 1), lambda i: (0, 0)),
            pl.BlockSpec((_ROWBLK, _D), lambda i: (i, 0)),
            pl.BlockSpec((_ROWBLK, 2), lambda i: (i, 0)),
        ],
        out_specs=pl.BlockSpec((_ROWBLK, 128), lambda i: (i, 0)),
        out_shape=jax.ShapeDtypeStruct((_N, 128), jnp.float32),
    )(margin.reshape(1, 1), embeddings, E)


def _build_cdf(num_pairs, g0p, g1p, ep):
    npa = jnp.asarray(num_pairs, jnp.int32).reshape(1, 1)
    return pl.pallas_call(
        _cdf_body,
        in_specs=[
            pl.BlockSpec((1, 1), lambda: (0, 0)),
            pl.BlockSpec((_GROWS, 128), lambda: (0, 0)),
            pl.BlockSpec((_GROWS, 128), lambda: (0, 0)),
            pl.BlockSpec((2, _CROWS, 128), lambda: (0, 0, 0)),
        ],
        out_specs=[
            pl.BlockSpec((2, _CROWS, 128), lambda: (0, 0, 0)),
            pl.BlockSpec((1, 16), lambda: (0, 0)),
            pl.BlockSpec((1, 16), lambda: (0, 0)),
        ],
        out_shape=[
            jax.ShapeDtypeStruct((2, _CROWS, 128), jnp.float32),
            jax.ShapeDtypeStruct((1, 16), jnp.int32),
            jax.ShapeDtypeStruct((1, 16), jnp.float32),
        ],
    )(npa, g0p, g1p, ep)


_UWIN = 6408
_UMAXST = 2 * _MAXP - _UWIN
_GROUPS = _CHUNKS * _CSLOT // 16


def _search_body(cs_hbm, u0_hbm, u1_hbm, pi_hbm, pf_hbm, idx_out_hbm,
                 cs_v, u0_v, u1_v, idx_v, pi_v, pf_v):
    wid = lax.axis_index("s") * 2 + lax.axis_index("c")
    base = wid * (2 * _PAIRS_PER_W)
    pltpu.sync_copy(cs_hbm, cs_v)
    pltpu.sync_copy(pi_hbm, pi_v)
    pltpu.sync_copy(pf_hbm, pf_v)
    pi = pi_v[...]
    pf = pf_v[...]
    n0_2 = pi[0]
    nvalid2 = pi[1]
    total0 = pf[0]
    total1 = pf[1]

    start0 = jnp.minimum((base // 8) * 8, _UMAXST)
    start1 = (jnp.clip(base - n0_2, 0, _UMAXST) // 8) * 8
    start0 = pl.multiple_of(start0, 8)
    start1 = pl.multiple_of(start1, 8)
    pltpu.sync_copy(u0_hbm.at[pl.ds(start0, _UWIN)], u0_v.at[0])
    pltpu.sync_copy(u1_hbm.at[pl.ds(start1, _UWIN)], u1_v.at[0])

    lane = lax.iota(jnp.int32, 16)

    def query(g):
        t = base + g * 16 + lane
        is_c0 = t < n0_2
        i0 = jnp.clip(t - start0, 0, _UWIN - 1)
        i1 = jnp.clip(jnp.clip(t - n0_2, 0, 2 * _MAXP - 1) - start1,
                      0, _UWIN - 1)
        zz = jnp.zeros((16,), jnp.int32)
        uv0 = plsc.load_gather(u0_v, [zz, i0])
        uv1 = plsc.load_gather(u1_v, [zz, i1])
        u = jnp.where(is_c0, uv0, uv1)
        total = jnp.where(is_c0, total0, total1)
        r = total * (1.0 - u)
        cls = jnp.where(is_c0, 0, 1)
        return t, r, cls

    def group_body(gg, carry):
        ga = 2 * gg
        gb = 2 * gg + 1
        ta, ra, ca = query(ga)
        tb, rb, cb = query(gb)

        lo_a = jnp.zeros((16,), jnp.int32)
        hi_a = jnp.full((16,), _N, jnp.int32)
        lo_b = jnp.zeros((16,), jnp.int32)
        hi_b = jnp.full((16,), _N, jnp.int32)

        def step(_, st):
            lo_a, hi_a, lo_b, hi_b = st
            mid_a = (lo_a + hi_a) >> 1
            mid_b = (lo_b + hi_b) >> 1
            va = plsc.load_gather(cs_v, [ca, mid_a >> 7, mid_a & 127])
            vb = plsc.load_gather(cs_v, [cb, mid_b >> 7, mid_b & 127])
            ba = va < ra
            bb = vb < rb
            return (jnp.where(ba, mid_a + 1, lo_a),
                    jnp.where(ba, hi_a, mid_a),
                    jnp.where(bb, mid_b + 1, lo_b),
                    jnp.where(bb, hi_b, mid_b))

        lo_a, hi_a, lo_b, hi_b = lax.fori_loop(
            0, 16, step, (lo_a, hi_a, lo_b, hi_b))
        idx_a = jnp.where(ta < nvalid2, jnp.clip(lo_a, 0, _N - 1), 0)
        idx_b = jnp.where(tb < nvalid2, jnp.clip(lo_b, 0, _N - 1), 0)
        idx_v[pl.ds(ga * 16, 16)] = idx_a
        idx_v[pl.ds(gb * 16, 16)] = idx_b
        return carry

    lax.fori_loop(0, _GROUPS // 2, group_body, 0)
    pltpu.sync_copy(idx_v, idx_out_hbm.at[wid])


def _search_indices(cs01, u0, u1, pi, pf):
    mesh = plsc.VectorSubcoreMesh(core_axis_name="c", subcore_axis_name="s")
    fn = pl.kernel(
        _search_body,
        out_type=jax.ShapeDtypeStruct((_NW, _CHUNKS * _CSLOT), jnp.int32),
        mesh=mesh,
        scratch_types=[
            pltpu.VMEM((2, _CROWS, 128), jnp.float32),
            pltpu.VMEM((1, _UWIN), jnp.float32),
            pltpu.VMEM((1, _UWIN), jnp.float32),
            pltpu.VMEM((_CHUNKS * _CSLOT,), jnp.int32),
            pltpu.VMEM((16,), jnp.int32),
            pltpu.VMEM((16,), jnp.float32),
        ],
        compiler_params=pltpu.CompilerParams(needs_layout_passes=False),
    )
    return fn(cs01, u0, u1, pi, pf)


def _loss_body(emb_hbm, aux_hbm, idx_hbm, out_hbm, idx_v, rows0, auxr0,
               rows1, auxr1, out_v, sem0e, sem0a, sem1e, sem1a):
    wid = lax.axis_index("s") * 2 + lax.axis_index("c")
    pltpu.sync_copy(idx_hbm.at[wid], idx_v)
    lane = lax.iota(jnp.int32, 16)

    def issue(c, rows_v, auxr_v, seme, sema):
        pltpu.async_copy(emb_hbm.at[idx_v.at[c]], rows_v, seme)
        pltpu.async_copy(aux_hbm.at[idx_v.at[c]], auxr_v, sema)

    def drain(rows_v, auxr_v, seme, sema):
        pltpu.make_async_copy(emb_hbm.at[idx_v.at[0]], rows_v, seme).wait()
        pltpu.make_async_copy(aux_hbm.at[idx_v.at[0]], auxr_v, sema).wait()

    def compute(c, rows_v, auxr_v, total):
        def one_pair(p):
            i = 2 * p
            j = 2 * p + 1
            acc = rows_v[i, pl.ds(0, 16)] * rows_v[j, pl.ds(0, 16)]
            for k in range(1, _D // 16):
                acc = acc + (rows_v[i, pl.ds(16 * k, 16)] *
                             rows_v[j, pl.ds(16 * k, 16)])
            dot = acc[0]
            for k in range(1, 16):
                dot = dot + acc[k]
            ap = auxr_v[i] * auxr_v[j]
            cos = dot * ap[2]
            post = ap[0] + ap[1]
            mg = auxr_v[i][3]
            dpos = cos - 1.0
            dneg = jnp.maximum(cos - mg, 0.0)
            pls = dpos * dpos * post + dneg * dneg * (1.0 - post)
            valid = (c * _CPAIR + p) < _PAIRS_PER_W
            return jnp.where(valid, pls, jnp.float32(0.0))

        def pair_body(pp, t):
            return t + one_pair(2 * pp) + one_pair(2 * pp + 1)

        return lax.fori_loop(0, _CPAIR // 2, pair_body, total)

    issue(0, rows0, auxr0, sem0e, sem0a)
    issue(1, rows1, auxr1, sem1e, sem1a)

    def dstep(cc, total):
        c0 = 2 * cc
        drain(rows0, auxr0, sem0e, sem0a)
        total = compute(c0, rows0, auxr0, total)

        @pl.when(cc < _CHUNKS // 2 - 1)
        def _():
            issue(c0 + 2, rows0, auxr0, sem0e, sem0a)

        drain(rows1, auxr1, sem1e, sem1a)
        total = compute(c0 + 1, rows1, auxr1, total)

        @pl.when(cc < _CHUNKS // 2 - 1)
        def _():
            issue(c0 + 3, rows1, auxr1, sem1e, sem1a)

        return total

    total = lax.fori_loop(0, _CHUNKS // 2, dstep, jnp.float32(0.0))
    out_v[...] = jnp.where(lane == 0, total, jnp.float32(0.0))
    pltpu.sync_copy(out_v, out_hbm.at[wid])


def _pair_loss_sums(embeddings, aux, idx3):
    mesh = plsc.VectorSubcoreMesh(core_axis_name="c", subcore_axis_name="s")
    fn = pl.kernel(
        _loss_body,
        out_type=jax.ShapeDtypeStruct((_NW, 16), jnp.float32),
        mesh=mesh,
        scratch_types=[
            pltpu.VMEM((_CHUNKS, _CSLOT), jnp.int32),
            pltpu.VMEM((_CSLOT, _D), jnp.float32),
            pltpu.VMEM((_CSLOT, 128), jnp.float32),
            pltpu.VMEM((_CSLOT, _D), jnp.float32),
            pltpu.VMEM((_CSLOT, 128), jnp.float32),
            pltpu.VMEM((16,), jnp.float32),
            pltpu.SemaphoreType.DMA,
            pltpu.SemaphoreType.DMA,
            pltpu.SemaphoreType.DMA,
            pltpu.SemaphoreType.DMA,
        ],
    )
    return fn(embeddings, aux, idx3)


def kernel(embeddings, E, raw_margin, num_pairs):
    g, u0, u1 = _draws()
    margin = jax.nn.softplus(raw_margin)
    ep = jnp.pad(E, ((0, _CROWS * 128 - _N), (0, 0))).T.reshape(
        2, _CROWS, 128)
    gpad = _GROWS * 128 - _MAXP
    g0p = jnp.pad(g[:, 0], (0, gpad), constant_values=-1e30).reshape(
        _GROWS, 128)
    g1p = jnp.pad(g[:, 1], (0, gpad)).reshape(_GROWS, 128)
    cs3, pi, pf = _build_cdf(num_pairs, g0p, g1p, ep)
    aux = _build_aux(embeddings, E, margin)

    idx2 = _search_indices(cs3, u0, u1, pi.reshape(16), pf.reshape(16))
    idx3 = idx2.reshape(_NW, _CHUNKS, _CSLOT)

    sums = _pair_loss_sums(embeddings, aux, idx3)
    return jnp.sum(sums) / _MAXP

# --- scband reference (transcript-rebuilt; emitter-appended) ---
"""Pipeline reference for scband-contrastive-loss-22978075034435 (READ-ONLY COPY).

The authoritative reference and input builder live on the scoring server;
editing this copy changes nothing except your own understanding.
"""

import jax, jax.numpy as jnp
import numpy as np


def _sample_pairs(E, num_pairs):
    # Faithful re-implementation of the torch sampling logic using jax PRNG.
    key = jax.random.key(42)
    kc, k0, k1 = jax.random.split(key, 3)
    global_class_probs = E.mean(axis=0)
    logits = jnp.log(global_class_probs)
    max_pairs = 100000
    sampled_classes = jax.random.categorical(kc, logits, shape=(max_pairs,))
    eps = 1e-06
    N = E.shape[0]
    n0 = (sampled_classes == 0).sum()
    n1 = num_pairs - n0
    idx_by_cls = []
    for cls, kk in ((0, k0), (1, k1)):
        weights = E[:, cls] + eps
        p = weights / weights.sum()
        idx = jax.random.choice(kk, N, shape=(2 * max_pairs,), replace=True, p=p)
        idx_by_cls.append(idx)
    t = jnp.arange(2 * max_pairs)
    in_c0 = t < 2 * n0
    in_c1 = (t >= 2 * n0) & (t < 2 * (n0 + n1))
    shifted = jnp.clip(t - 2 * n0, 0, 2 * max_pairs - 1)
    flat = jnp.where(in_c0, idx_by_cls[0], jnp.where(in_c1, idx_by_cls[1][shifted], 0))
    return flat.reshape(-1, 2)


def setup_inputs(seed: int = 0):
    key = jax.random.key(seed)
    k1, k2 = jax.random.split(key)
    N, d = 50000, 256
    embeddings = jax.random.normal(k1, (N, d), dtype=jnp.float32)
    E = jax.random.uniform(k2, (N, 2), dtype=jnp.float32)
    raw_margin = jnp.array(0.5, dtype=jnp.float32)  # learned parameter
    return {"embeddings": embeddings, "E": E, "raw_margin": raw_margin, "num_pairs": 100000}


def reference(embeddings, E, raw_margin, num_pairs):
    sampled_pairs = _sample_pairs(E, num_pairs)
    idx_i = sampled_pairs[:, 0]
    idx_j = sampled_pairs[:, 1]
    norms = jnp.linalg.norm(embeddings, axis=1, keepdims=True)
    normalized_embeddings = embeddings / jnp.maximum(norms, 1e-12)
    cosine_similarities = (normalized_embeddings[idx_i] * normalized_embeddings[idx_j]).sum(axis=1)
    posterior_similarity = E[idx_i, 0] * E[idx_j, 0] + E[idx_i, 1] * E[idx_j, 1]
    effective_margin = jax.nn.softplus(raw_margin)
    positive_loss = (cosine_similarities - 1.0) ** 2
    negative_loss = jnp.maximum(cosine_similarities - effective_margin, 0.0) ** 2
    pair_loss = positive_loss * posterior_similarity + negative_loss * (1.0 - posterior_similarity)
    return pair_loss.mean()

if __name__ == "__main__":
    import jax
    _d = setup_inputs()
    print(jax.jit(kernel)(*tuple(_d.values())))

</pallas_src>

<mosaic_0001>
#map = affine_map<(d0, d1) -> (0, 0)>
#map1 = affine_map<(d0, d1) -> (0, 0, 0)>
module attributes {stable_mosaic.version = 14 : i64} {
  func.func @_loss_body(%arg0: i32, %arg1: i32, %arg2: memref<50000x256xf32, #tpu.memory_space<hbm>>, %arg3: memref<50000x128xf32, #tpu.memory_space<hbm>>, %arg4: memref<32x50x128xi32, #tpu.memory_space<hbm>>, %arg5: memref<32x16xf32, #tpu.memory_space<hbm>>, %arg6: memref<50x128xi32, #tpu.memory_space<vmem>>, %arg7: memref<128x256xf32, #tpu.memory_space<vmem>>, %arg8: memref<128x128xf32, #tpu.memory_space<vmem>>, %arg9: memref<128x256xf32, #tpu.memory_space<vmem>>, %arg10: memref<128x128xf32, #tpu.memory_space<vmem>>, %arg11: memref<16xf32, #tpu.memory_space<vmem>>, %arg12: memref<!tpu.dma_semaphore, #tpu.memory_space<semaphore_mem>>, %arg13: memref<!tpu.dma_semaphore, #tpu.memory_space<semaphore_mem>>, %arg14: memref<!tpu.dma_semaphore, #tpu.memory_space<semaphore_mem>>, %arg15: memref<!tpu.dma_semaphore, #tpu.memory_space<semaphore_mem>>) attributes {dimension_semantics = [#tpu.dimension_semantics<core_parallel>, #tpu.dimension_semantics<subcore_parallel>], iteration_bounds = array<i64: 2, 16>, scalar_prefetch = 0 : i64, scratch_operands = 10 : i64, tpu.core_type = #tpu.core_type<sc_vector_subcore>, window_params = [{transform_indices = #map}, {transform_indices = #map}, {transform_indices = #map1}, {transform_indices = #map}]} {
    %mul3A = arith.constant 2 : i32
    %mul3A_0 = arith.muli %arg1, %mul3A : i32
    %add3A = arith.addi %mul3A_0, %arg0 : i32
    "tpu.region"() ({
      %run_scoped3A = tpu.sem_alloc : memref<!tpu.dma_semaphore, #tpu.memory_space<semaphore_mem>>
      %dma_start3A_40 = arith.constant 0 : i32
      %dma_start3A_41 = arith.constant 0 : i32
      %dma_start3A_42 = tpu.memref_slice %arg4[%add3A, %dma_start3A_40, %dma_start3A_41] : memref<32x50x128xi32, #tpu.memory_space<hbm>> -> memref<1x50x128xi32, #tpu.memory_space<hbm>>
      %dma_start3A_43 = tpu.memref_squeeze %dma_start3A_42 : memref<1x50x128xi32, #tpu.memory_space<hbm>> -> memref<50x128xi32, #tpu.memory_space<hbm>>
      %dma_start3A_44 = arith.constant 0 : i32
      %dma_start3A_45 = arith.constant 0 : i32
      %dma_start3A_46 = tpu.memref_slice %arg4[%add3A, %dma_start3A_44, %dma_start3A_45] : memref<32x50x128xi32, #tpu.memory_space<hbm>> -> memref<1x50x128xi32, #tpu.memory_space<hbm>>
      %dma_start3A_47 = tpu.memref_squeeze %dma_start3A_46 : memref<1x50x128xi32, #tpu.memory_space<hbm>> -> memref<50x128xi32, #tpu.memory_space<hbm>>
      tpu.enqueue_dma source(%dma_start3A_47 : memref<50x128xi32, #tpu.memory_space<hbm>>) target(%arg6 : memref<50x128xi32, #tpu.memory_space<vmem>>) target_semaphore(%run_scoped3A : memref<!tpu.dma_semaphore, #tpu.memory_space<semaphore_mem>>)
      %dma_wait3A = arith.constant 0 : i32
      %dma_wait3A_48 = arith.constant 0 : i32
      %dma_wait3A_49 = tpu.memref_slice %arg4[%add3A, %dma_wait3A, %dma_wait3A_48] : memref<32x50x128xi32, #tpu.memory_space<hbm>> -> memref<1x50x128xi32, #tpu.memory_space<hbm>>
      %dma_wait3A_50 = tpu.memref_squeeze %dma_wait3A_49 : memref<1x50x128xi32, #tpu.memory_space<hbm>> -> memref<50x128xi32, #tpu.memory_space<hbm>>
      %dma_wait3A_51 = arith.constant 0 : i32
      %dma_wait3A_52 = arith.constant 0 : i32
      %dma_wait3A_53 = tpu.memref_slice %arg4[%add3A, %dma_wait3A_51, %dma_wait3A_52] : memref<32x50x128xi32, #tpu.memory_space<hbm>> -> memref<1x50x128xi32, #tpu.memory_space<hbm>>
      %dma_wait3A_54 = tpu.memref_squeeze %dma_wait3A_53 : memref<1x50x128xi32, #tpu.memory_space<hbm>> -> memref<50x128xi32, #tpu.memory_space<hbm>>
      tpu.wait_dma2 semaphore(%run_scoped3A : memref<!tpu.dma_semaphore, #tpu.memory_space<semaphore_mem>>) src(%dma_wait3A_54 : memref<50x128xi32, #tpu.memory_space<hbm>>) dst(%arg6 : memref<50x128xi32, #tpu.memory_space<vmem>>)
      tpu.yield
    }) : () -> ()
    %iota3A = tpu.iota {dimensions = array<i32: 0>} : vector<16xi32>
    %dma_start3A = arith.constant 0 : i32
    %dma_start3A_1 = arith.constant 0 : i32
    %dma_start3A_2 = tpu.memref_slice %arg6[%dma_start3A, %dma_start3A_1] : memref<50x128xi32, #tpu.memory_space<vmem>> -> memref<1x128xi32, #tpu.memory_space<vmem>>
    %dma_start3A_3 = tpu.memref_squeeze %dma_start3A_2 : memref<1x128xi32, #tpu.memory_space<vmem>> -> memref<128xi32, #tpu.memory_space<vmem>>
    %dma_start3A_4 = arith.constant 0 : i32
    %dma_start3A_5 = arith.constant 0 : i32
    %dma_start3A_6 = tpu.memref_slice %arg2[%dma_start3A_4, %dma_start3A_5] : memref<50000x256xf32, #tpu.memory_space<hbm>> -> memref<50000x256xf32, #tpu.memory_space<hbm>>
    tpu.enqueue_indirect_dma source(%dma_start3A_6 : memref<50000x256xf32, #tpu.memory_space<hbm>>) target(%arg7 : memref<128x256xf32, #tpu.memory_space<vmem>>) offsets(%dma_start3A_3 : memref<128xi32, #tpu.memory_space<vmem>>) semaphore(%arg12 : memref<!tpu.dma_semaphore, #tpu.memory_space<semaphore_mem>>)
    %dma_start3A_7 = arith.constant 0 : i32
    %dma_start3A_8 = arith.constant 0 : i32
    %dma_start3A_9 = tpu.memref_slice %arg6[%dma_start3A_7, %dma_start3A_8] : memref<50x128xi32, #tpu.memory_space<vmem>> -> memref<1x128xi32, #tpu.memory_space<vmem>>
    %dma_start3A_10 = tpu.memref_squeeze %dma_start3A_9 : memref<1x128xi32, #tpu.memory_space<vmem>> -> memref<128xi32, #tpu.memory_space<vmem>>
    %dma_start3A_11 = arith.constant 0 : i32
    %dma_start3A_12 = arith.constant 0 : i32
    %dma_start3A_13 = tpu.memref_slice %arg3[%dma_start3A_11, %dma_start3A_12] : memref<50000x128xf32, #tpu.memory_space<hbm>> -> memref<50000x128xf32, #tpu.memory_space<hbm>>
    tpu.enqueue_indirect_dma source(%dma_start3A_13 : memref<50000x128xf32, #tpu.memory_space<hbm>>) target(%arg8 : memref<128x128xf32, #tpu.memory_space<vmem>>) offsets(%dma_start3A_10 : memref<128xi32, #tpu.memory_space<vmem>>) semaphore(%arg13 : memref<!tpu.dma_semaphore, #tpu.memory_space<semaphore_mem>>)
    %dma_start3A_14 = arith.constant 1 : i32
    %dma_start3A_15 = arith.constant 0 : i32
    %dma_start3A_16 = tpu.memref_slice %arg6[%dma_start3A_14, %dma_start3A_15] : memref<50x128xi32, #tpu.memory_space<vmem>> -> memref<1x128xi32, #tpu.memory_space<vmem>>
    %dma_start3A_17 = tpu.memref_squeeze %dma_start3A_16 : memref<1x128xi32, #tpu.memory_space<vmem>> -> memref<128xi32, #tpu.memory_space<vmem>>
    %dma_start3A_18 = arith.constant 0 : i32
    %dma_start3A_19 = arith.constant 0 : i32
    %dma_start3A_20 = tpu.memref_slice %arg2[%dma_start3A_18, %dma_start3A_19] : memref<50000x256xf32, #tpu.memory_space<hbm>> -> memref<50000x256xf32, #tpu.memory_space<hbm>>
    tpu.enqueue_indirect_dma source(%dma_start3A_20 : memref<50000x256xf32, #tpu.memory_space<hbm>>) target(%arg9 : memref<128x256xf32, #tpu.memory_space<vmem>>) offsets(%dma_start3A_17 : memref<128xi32, #tpu.memory_space<vmem>>) semaphore(%arg14 : memref<!tpu.dma_semaphore, #tpu.memory_space<semaphore_mem>>)
    %dma_start3A_21 = arith.constant 1 : i32
    %dma_start3A_22 = arith.constant 0 : i32
    %dma_start3A_23 = tpu.memref_slice %arg6[%dma_start3A_21, %dma_start3A_22] : memref<50x128xi32, #tpu.memory_space<vmem>> -> memref<1x128xi32, #tpu.memory_space<vmem>>
    %dma_start3A_24 = tpu.memref_squeeze %dma_start3A_23 : memref<1x128xi32, #tpu.memory_space<vmem>> -> memref<128xi32, #tpu.memory_space<vmem>>
    %dma_start3A_25 = arith.constant 0 : i32
    %dma_start3A_26 = arith.constant 0 : i32
    %dma_start3A_27 = tpu.memref_slice %arg3[%dma_start3A_25, %dma_start3A_26] : memref<50000x128xf32, #tpu.memory_space<hbm>> -> memref<50000x128xf32, #tpu.memory_space<hbm>>
    tpu.enqueue_indirect_dma source(%dma_start3A_27 : memref<50000x128xf32, #tpu.memory_space<hbm>>) target(%arg10 : memref<128x128xf32, #tpu.memory_space<vmem>>) offsets(%dma_start3A_24 : memref<128xi32, #tpu.memory_space<vmem>>) semaphore(%arg15 : memref<!tpu.dma_semaphore, #tpu.memory_space<semaphore_mem>>)
    %scan3A = arith.constant 0.000000e+00 : f32
    %scan3A_28 = arith.constant 0 : i32
    %scan3A_29 = arith.constant 25 : i32
    %scan3A_30 = arith.addi %scan3A_28, %scan3A_29 : i32
    %scan3A_31 = arith.constant 1 : i32
    %scan3A_32 = scf.for %scan3A_40 = %scan3A_28 to %scan3A_30 step %scan3A_31 iter_args(%scan3A_41 = %scan3A) -> (f32)  : i32 {
      %mul3A_42 = arith.constant 2 : i32
      %mul3A_43 = arith.muli %mul3A_42, %scan3A_40 : i32
      %dma_wait3A = arith.constant 0 : i32
      %dma_wait3A_44 = arith.constant 0 : i32
      %dma_wait3A_45 = tpu.memref_slice %arg6[%dma_wait3A, %dma_wait3A_44] : memref<50x128xi32, #tpu.memory_space<vmem>> -> memref<1x128xi32, #tpu.memory_space<vmem>>
      %dma_wait3A_46 = tpu.memref_squeeze %dma_wait3A_45 : memref<1x128xi32, #tpu.memory_space<vmem>> -> memref<128xi32, #tpu.memory_space<vmem>>
      %dma_wait3A_47 = arith.constant 0 : i32
      %dma_wait3A_48 = arith.constant 0 : i32
      %dma_wait3A_49 = tpu.memref_slice %arg2[%dma_wait3A_47, %dma_wait3A_48] : memref<50000x256xf32, #tpu.memory_space<hbm>> -> memref<50000x256xf32, #tpu.memory_space<hbm>>
      tpu.wait_indirect_dma semaphore(%arg12 : memref<!tpu.dma_semaphore, #tpu.memory_space<semaphore_mem>>) src(%dma_wait3A_49 : memref<50000x256xf32, #tpu.memory_space<hbm>>) dst(%arg7 : memref<128x256xf32, #tpu.memory_space<vmem>>)
      %dma_wait3A_50 = arith.constant 0 : i32
      %dma_wait3A_51 = arith.constant 0 : i32
      %dma_wait3A_52 = tpu.memref_slice %arg6[%dma_wait3A_50, %dma_wait3A_51] : memref<50x128xi32, #tpu.memory_space<vmem>> -> memref<1x128xi32, #tpu.memory_space<vmem>>
      %dma_wait3A_53 = tpu.memref_squeeze %dma_wait3A_52 : memref<1x128xi32, #tpu.memory_space<vmem>> -> memref<128xi32, #tpu.memory_space<vmem>>
      %dma_wait3A_54 = arith.constant 0 : i32
      %dma_wait3A_55 = arith.constant 0 : i32
      %dma_wait3A_56 = tpu.memref_slice %arg3[%dma_wait3A_54, %dma_wait3A_55] : memref<50000x128xf32, #tpu.memory_space<hbm>> -> memref<50000x128xf32, #tpu.memory_space<hbm>>
      tpu.wait_indirect_dma semaphore(%arg13 : memref<!tpu.dma_semaphore, #tpu.memory_space<semaphore_mem>>) src(%dma_wait3A_56 : memref<50000x128xf32, #tpu.memory_space<hbm>>) dst(%arg8 : memref<128x128xf32, #tpu.memory_space<vmem>>)
      %scan3A_57 = arith.constant 0 : i32
      %scan3A_58 = arith.constant 32 : i32
      %scan3A_59 = arith.addi %scan3A_57, %scan3A_58 : i32
      %scan3A_60 = arith.constant 1 : i32
      %scan3A_61 = scf.for %scan3A_92 = %scan3A_57 to %scan3A_59 step %scan3A_60 iter_args(%scan3A_93 = %scan3A_41) -> (f32)  : i32 {
        %mul3A_94 = arith.constant 2 : i32
        %mul3A_95 = arith.muli %mul3A_94, %scan3A_92 : i32
        %mul3A_96 = arith.constant 2 : i32
        %mul3A_97 = arith.muli %mul3A_96, %mul3A_95 : i32
        %mul3A_98 = arith.constant 2 : i32
        %mul3A_99 = arith.muli %mul3A_98, %mul3A_95 : i32
        %add3A_100 = arith.constant 1 : i32
        %add3A_101 = arith.addi %mul3A_99, %add3A_100 : i32
        %get3A = arith.index_cast %mul3A_97 : i32 to index
        %get3A_102 = arith.constant 0 : index
        %get3A_103 = tpu.vector_load %arg7[%get3A, %get3A_102] {strides = array<i32>} : memref<128x256xf32, #tpu.memory_space<vmem>>, vector<1x16xf32>,
        %get3A_104 = vector.shape_cast %get3A_103 : vector<1x16xf32> to vector<16xf32>
        %get3A_105 = arith.index_cast %add3A_101 : i32 to index
        %get3A_106 = arith.constant 0 : index
        %get3A_107 = tpu.vector_load %arg7[%get3A_105, %get3A_106] {strides = array<i32>} : memref<128x256xf32, #tpu.memory_space<vmem>>, vector<1x16xf32>,
        %get3A_108 = vector.shape_cast %get3A_107 : vector<1x16xf32> to vector<16xf32>
        %mul3A_109 = arith.mulf %get3A_104, %get3A_108 : vector<16xf32>
        %get3A_110 = arith.index_cast %mul3A_97 : i32 to index
        %get3A_111 = arith.constant 16 : index
        %get3A_112 = tpu.vector_load %arg7[%get3A_110, %get3A_111] {strides = array<i32>} : memref<128x256xf32, #tpu.memory_space<vmem>>, vector<1x16xf32>,
        %get3A_113 = vector.shape_cast %get3A_112 : vector<1x16xf32> to vector<16xf32>
        %get3A_114 = arith.index_cast %add3A_101 : i32 to index
        %get3A_115 = arith.constant 16 : index
        %get3A_116 = tpu.vector_load %arg7[%get3A_114, %get3A_115] {strides = array<i32>} : memref<128x256xf32, #tpu.memory_space<vmem>>, vector<1x16xf32>,
        %get3A_117 = vector.shape_cast %get3A_116 : vector<1x16xf32> to vector<16xf32>
        %mul3A_118 = arith.mulf %get3A_113, %get3A_117 : vector<16xf32>
        %add3A_119 = arith.addf %mul3A_109, %mul3A_118 : vector<16xf32>
        %get3A_120 = arith.index_cast %mul3A_97 : i32 to index
        %get3A_121 = arith.constant 32 : index
        %get3A_122 = tpu.vector_load %arg7[%get3A_120, %get3A_121] {strides = array<i32>} : memref<128x256xf32, #tpu.memory_space<vmem>>, vector<1x16xf32>,
        %get3A_123 = vector.shape_cast %get3A_122 : vector<1x16xf32> to vector<16xf32>
        %get3A_124 = arith.index_cast %add3A_101 : i32 to index
        %get3A_125 = arith.constant 32 : index
        %get3A_126 = tpu.vector_load %arg7[%get3A_124, %get3A_125] {strides = array<i32>} : memref<128x256xf32, #tpu.memory_space<vmem>>, vector<1x16xf32>,
        %get3A_127 = vector.shape_cast %get3A_126 : vector<1x16xf32> to vector<16xf32>
        %mul3A_128 = arith.mulf %get3A_123, %get3A_127 : vector<16xf32>
        %add3A_129 = arith.addf %add3A_119, %mul3A_128 : vector<16xf32>
        %get3A_130 = arith.index_cast %mul3A_97 : i32 to index
        %get3A_131 = arith.constant 48 : index
        %get3A_132 = tpu.vector_load %arg7[%get3A_130, %get3A_131] {strides = array<i32>} : memref<128x256xf32, #tpu.memory_space<vmem>>, vector<1x16xf32>,
        %get3A_133 = vector.shape_cast %get3A_132 : vector<1x16xf32> to vector<16xf32>
        %get3A_134 = arith.index_cast %add3A_101 : i32 to index
        %get3A_135 = arith.constant 48 : index
        %get3A_136 = tpu.vector_load %arg7[%get3A_134, %get3A_135] {strides = array<i32>} : memref<128x256xf32, #tpu.memory_space<vmem>>, vector<1x16xf32>,
        %get3A_137 = vector.shape_cast %get3A_136 : vector<1x16xf32> to vector<16xf32>
        %mul3A_138 = arith.mulf %get3A_133, %get3A_137 : vector<16xf32>
        %add3A_139 = arith.addf %add3A_129, %mul3A_138 : vector<16xf32>
        %get3A_140 = arith.index_cast %mul3A_97 : i32 to index
        %get3A_141 = arith.constant 64 : index
        %get3A_142 = tpu.vector_load %arg7[%get3A_140, %get3A_141] {strides = array<i32>} : memref<128x256xf32, #tpu.memory_space<vmem>>, vector<1x16xf32>,
        %get3A_143 = vector.shape_cast %get3A_142 : vector<1x16xf32> to vector<16xf32>
        %get3A_144 = arith.index_cast %add3A_101 : i32 to index
        %get3A_145 = arith.constant 64 : index
        %get3A_146 = tpu.vector_load %arg7[%get3A_144, %get3A_145] {strides = array<i32>} : memref<128x256xf32, #tpu.memory_space<vmem>>, vector<1x16xf32>,
        %get3A_147 = vector.shape_cast %get3A_146 : vector<1x16xf32> to vector<16xf32>
        %mul3A_148 = arith.mulf %get3A_143, %get3A_147 : vector<16xf32>
        %add3A_149 = arith.addf %add3A_139, %mul3A_148 : vector<16xf32>
        %get3A_150 = arith.index_cast %mul3A_97 : i32 to index
        %get3A_151 = arith.constant 80 : index
        %get3A_152 = tpu.vector_load %arg7[%get3A_150, %get3A_151] {strides = array<i32>} : memref<128x256xf32, #tpu.memory_space<vmem>>, vector<1x16xf32>,
        %get3A_153 = vector.shape_cast %get3A_152 : vector<1x16xf32> to vector<16xf32>
        %get3A_154 = arith.index_cast %add3A_101 : i32 to index
        %get3A_155 = arith.constant 80 : index
        %get3A_156 = tpu.vector_load %arg7[%get3A_154, %get3A_155] {strides = array<i32>} : memref<128x256xf32, #tpu.memory_space<vmem>>, vector<1x16xf32>,
        %get3A_157 = vector.shape_cast %get3A_156 : vector<1x16xf32> to vector<16xf32>
        %mul3A_158 = arith.mulf %get3A_153, %get3A_157 : vector<16xf32>
        %add3A_159 = arith.addf %add3A_149, %mul3A_158 : vector<16xf32>
        %get3A_160 = arith.index_cast %mul3A_97 : i32 to index
        %get3A_161 = arith.constant 96 : index
        %get3A_162 = tpu.vector_load %arg7[%get3A_160, %get3A_161] {strides = array<i32>} : memref<128x256xf32, #tpu.memory_space<vmem>>, vector<1x16xf32>,
        %get3A_163 = vector.shape_cast %get3A_162 : vector<1x16xf32> to vector<16xf32>
        %get3A_164 = arith.index_cast %add3A_101 : i32 to index
        %get3A_165 = arith.constant 96 : index
        %get3A_166 = tpu.vector_load %arg7[%get3A_164, %get3A_165] {strides = array<i32>} : memref<128x256xf32, #tpu.memory_space<vmem>>, vector<1x16xf32>,
        %get3A_167 = vector.shape_cast %get3A_166 : vector<1x16xf32> to vector<16xf32>
        %mul3A_168 = arith.mulf %get3A_163, %get3A_167 : vector<16xf32>
        %add3A_169 = arith.addf %add3A_159, %mul3A_168 : vector<16xf32>
        %get3A_170 = arith.index_cast %mul3A_97 : i32 to index
        %get3A_171 = arith.constant 112 : index
        %get3A_172 = tpu.vector_load %arg7[%get3A_170, %get3A_171] {strides = array<i32>} : memref<128x256xf32, #tpu.memory_space<vmem>>, vector<1x16xf32>,
        %get3A_173 = vector.shape_cast %get3A_172 : vector<1x16xf32> to vector<16xf32>
        %get3A_174 = arith.index_cast %add3A_101 : i32 to index
        %get3A_175 = arith.constant 112 : index
        %get3A_176 = tpu.vector_load %arg7[%get3A_174, %get3A_175] {strides = array<i32>} : memref<128x256xf32, #tpu.memory_space<vmem>>, vector<1x16xf32>,
        %get3A_177 = vector.shape_cast %get3A_176 : vector<1x16xf32> to vector<16xf32>
        %mul3A_178 = arith.mulf %get3A_173, %get3A_177 : vector<16xf32>
        %add3A_179 = arith.addf %add3A_169, %mul3A_178 : vector<16xf32>
        %get3A_180 = arith.index_cast %mul3A_97 : i32 to index
        %get3A_181 = arith.constant 128 : index
        %get3A_182 = tpu.vector_load %arg7[%get3A_180, %get3A_181] {strides = array<i32>} : memref<128x256xf32, #tpu.memory_space<vmem>>, vector<1x16xf32>,
        %get3A_183 = vector.shape_cast %get3A_182 : vector<1x16xf32> to vector<16xf32>
        %get3A_184 = arith.index_cast %add3A_101 : i32 to index
        %get3A_185 = arith.constant 128 : index
        %get3A_186 = tpu.vector_load %arg7[%get3A_184, %get3A_185] {strides = array<i32>} : memref<128x256xf32, #tpu.memory_space<vmem>>, vector<1x16xf32>,
        %get3A_187 = vector.shape_cast %get3A_186 : vector<1x16xf32> to vector<16xf32>
        %mul3A_188 = arith.mulf %get3A_183, %get3A_187 : vector<16xf32>
        %add3A_189 = arith.addf %add3A_179, %mul3A_188 : vector<16xf32>
        %get3A_190 = arith.index_cast %mul3A_97 : i32 to index
        %get3A_191 = arith.constant 144 : index
        %get3A_192 = tpu.vector_load %arg7[%get3A_190, %get3A_191] {strides = array<i32>} : memref<128x256xf32, #tpu.memory_space<vmem>>, vector<1x16xf32>,
        %get3A_193 = vector.shape_cast %get3A_192 : vector<1x16xf32> to vector<16xf32>
        %get3A_194 = arith.index_cast %add3A_101 : i32 to index
        %get3A_195 = arith.constant 144 : index
        %get3A_196 = tpu.vector_load %arg7[%get3A_194, %get3A_195] {strides = array<i32>} : memref<128x256xf32, #tpu.memory_space<vmem>>, vector<1x16xf32>,
        %get3A_197 = vector.shape_cast %get3A_196 : vector<1x16xf32> to vector<16xf32>
        %mul3A_198 = arith.mulf %get3A_193, %get3A_197 : vector<16xf32>
        %add3A_199 = arith.addf %add3A_189, %mul3A_198 : vector<16xf32>
        %get3A_200 = arith.index_cast %mul3A_97 : i32 to index
        %get3A_201 = arith.constant 160 : index
        %get3A_202 = tpu.vector_load %arg7[%get3A_200, %get3A_201] {strides = array<i32>} : memref<128x256xf32, #tpu.memory_space<vmem>>, vector<1x16xf32>,
        %get3A_203 = vector.shape_cast %get3A_202 : vector<1x16xf32> to vector<16xf32>
        %get3A_204 = arith.index_cast %add3A_101 : i32 to index
        %get3A_205 = arith.constant 160 : index
        %get3A_206 = tpu.vector_load %arg7[%get3A_204, %get3A_205] {strides = array<i32>} : memref<128x256xf32, #tpu.memory_space<vmem>>, vector<1x16xf32>,
        %get3A_207 = vector.shape_cast %get3A_206 : vector<1x16xf32> to vector<16xf32>
        %mul3A_208 = arith.mulf %get3A_203, %get3A_207 : vector<16xf32>
        %add3A_209 = arith.addf %add3A_199, %mul3A_208 : vector<16xf32>
        %get3A_210 = arith.index_cast %mul3A_97 : i32 to index
        %get3A_211 = arith.constant 176 : index
        %get3A_212 = tpu.vector_load %arg7[%get3A_210, %get3A_211] {strides = array<i32>} : memref<128x256xf32, #tpu.memory_space<vmem>>, vector<1x16xf32>,
        %get3A_213 = vector.shape_cast %get3A_212 : vector<1x16xf32> to vector<16xf32>
        %get3A_214 = arith.index_cast %add3A_101 : i32 to index
        %get3A_215 = arith.constant 176 : index
        %get3A_216 = tpu.vector_load %arg7[%get3A_214, %get3A_215] {strides = array<i32>} : memref<128x256xf32, #tpu.memory_space<vmem>>, vector<1x16xf32>,
        %get3A_217 = vector.shape_cast %get3A_216 : vector<1x16xf32> to vector<16xf32>
        %mul3A_218 = arith.mulf %get3A_213, %get3A_217 : vector<16xf32>
        %add3A_219 = arith.addf %add3A_209, %mul3A_218 : vector<16xf32>
        %get3A_220 = arith.index_cast %mul3A_97 : i32 to index
        %get3A_221 = arith.constant 192 : index
        %get3A_222 = tpu.vector_load %arg7[%get3A_220, %get3A_221] {strides = array<i32>} : memref<128x256xf32, #tpu.memory_space<vmem>>, vector<1x16xf32>,
        %get3A_223 = vector.shape_cast %get3A_222 : vector<1x16xf32> to vector<16xf32>
        %get3A_224 = arith.index_cast %add3A_101 : i32 to index
        %get3A_225 = arith.constant 192 : index
        %get3A_226 = tpu.vector_load %arg7[%get3A_224, %get3A_225] {strides = array<i32>} : memref<128x256xf32, #tpu.memory_space<vmem>>, vector<1x16xf32>,
        %get3A_227 = vector.shape_cast %get3A_226 : vector<1x16xf32> to vector<16xf32>
        %mul3A_228 = arith.mulf %get3A_223, %get3A_227 : vector<16xf32>
        %add3A_229 = arith.addf %add3A_219, %mul3A_228 : vector<16xf32>
        %get3A_230 = arith.index_cast %mul3A_97 : i32 to index
        %get3A_231 = arith.constant 208 : index
        %get3A_232 = tpu.vector_load %arg7[%get3A_230, %get3A_231] {strides = array<i32>} : memref<128x256xf32, #tpu.memory_space<vmem>>, vector<1x16xf32>,
        %get3A_233 = vector.shape_cast %get3A_232 : vector<1x16xf32> to vector<16xf32>
        %get3A_234 = arith.index_cast %add3A_101 : i32 to index
        %get3A_235 = arith.constant 208 : index
        %get3A_236 = tpu.vector_load %arg7[%get3A_234, %get3A_235] {strides = array<i32>} : memref<128x256xf32, #tpu.memory_space<vmem>>, vector<1x16xf32>,
        %get3A_237 = vector.shape_cast %get3A_236 : vector<1x16xf32> to vector<16xf32>
        %mul3A_238 = arith.mulf %get3A_233, %get3A_237 : vector<16xf32>
        %add3A_239 = arith.addf %add3A_229, %mul3A_238 : vector<16xf32>
        %get3A_240 = arith.index_cast %mul3A_97 : i32 to index
        %get3A_241 = arith.constant 224 : index
        %get3A_242 = tpu.vector_load %arg7[%get3A_240, %get3A_241] {strides = array<i32>} : memref<128x256xf32, #tpu.memory_space<vmem>>, vector<1x16xf32>,
        %get3A_243 = vector.shape_cast %get3A_242 : vector<1x16xf32> to vector<16xf32>
        %get3A_244 = arith.index_cast %add3A_101 : i32 to index
        %get3A_245 = arith.constant 224 : index
        %get3A_246 = tpu.vector_load %arg7[%get3A_244, %get3A_245] {strides = array<i32>} : memref<128x256xf32, #tpu.memory_space<vmem>>, vector<1x16xf32>,
        %get3A_247 = vector.shape_cast %get3A_246 : vector<1x16xf32> to vector<16xf32>
        %mul3A_248 = arith.mulf %get3A_243, %get3A_247 : vector<16xf32>
        %add3A_249 = arith.addf %add3A_239, %mul3A_248 : vector<16xf32>
        %get3A_250 = arith.index_cast %mul3A_97 : i32 to index
        %get3A_251 = arith.constant 240 : index
        %get3A_252 = tpu.vector_load %arg7[%get3A_250, %get3A_251] {strides = array<i32>} : memref<128x256xf32, #tpu.memory_space<vmem>>, vector<1x16xf32>,
        %get3A_253 = vector.shape_cast %get3A_252 : vector<1x16xf32> to vector<16xf32>
        %get3A_254 = arith.index_cast %add3A_101 : i32 to index
        %get3A_255 = arith.constant 240 : index
        %get3A_256 = tpu.vector_load %arg7[%get3A_254, %get3A_255] {strides = array<i32>} : memref<128x256xf32, #tpu.memory_space<vmem>>, vector<1x16xf32>,
        %get3A_257 = vector.shape_cast %get3A_256 : vector<1x16xf32> to vector<16xf32>
        %mul3A_258 = arith.mulf %get3A_253, %get3A_257 : vector<16xf32>
        %add3A_259 = arith.addf %add3A_249, %mul3A_258 : vector<16xf32>
        %slice3A = vector.extract_strided_slice %add3A_259 {offsets = [0], sizes = [1], strides = [1]} : vector<16xf32> to vector<1xf32>
        %squeeze3A = vector.extract %slice3A[0] : f32 from vector<1xf32>
        %slice3A_260 = vector.extract_strided_slice %add3A_259 {offsets = [1], sizes = [1], strides = [1]} : vector<16xf32> to vector<1xf32>
        %squeeze3A_261 = vector.extract %slice3A_260[0] : f32 from vector<1xf32>
        %add3A_262 = arith.addf %squeeze3A, %squeeze3A_261 : f32
        %slice3A_263 = vector.extract_strided_slice %add3A_259 {offsets = [2], sizes = [1], strides = [1]} : vector<16xf32> to vector<1xf32>
        %squeeze3A_264 = vector.extract %slice3A_263[0] : f32 from vector<1xf32>
        %add3A_265 = arith.addf %add3A_262, %squeeze3A_264 : f32
        %slice3A_266 = vector.extract_strided_slice %add3A_259 {offsets = [3], sizes = [1], strides = [1]} : vector<16xf32> to vector<1xf32>
        %squeeze3A_267 = vector.extract %slice3A_266[0] : f32 from vector<1xf32>
        %add3A_268 = arith.addf %add3A_265, %squeeze3A_267 : f32
        %slice3A_269 = vector.extract_strided_slice %add3A_259 {offsets = [4], sizes = [1], strides = [1]} : vector<16xf32> to vector<1xf32>
        %squeeze3A_270 = vector.extract %slice3A_269[0] : f32 from vector<1xf32>
        %add3A_271 = arith.addf %add3A_268, %squeeze3A_270 : f32
        %slice3A_272 = vector.extract_strided_slice %add3A_259 {offsets = [5], sizes = [1], strides = [1]} : vector<16xf32> to vector<1xf32>
        %squeeze3A_273 = vector.extract %slice3A_272[0] : f32 from vector<1xf32>
        %add3A_274 = arith.addf %add3A_271, %squeeze3A_273 : f32
        %slice3A_275 = vector.extract_strided_slice %add3A_259 {offsets = [6], sizes = [1], strides = [1]} : vector<16xf32> to vector<1xf32>
        %squeeze3A_276 = vector.extract %slice3A_275[0] : f32 from vector<1xf32>
        %add3A_277 = arith.addf %add3A_274, %squeeze3A_276 : f32
        %slice3A_278 = vector.extract_strided_slice %add3A_259 {offsets = [7], sizes = [1], strides = [1]} : vector<16xf32> to vector<1xf32>
        %squeeze3A_279 = vector.extract %slice3A_278[0] : f32 from vector<1xf32>
        %add3A_280 = arith.addf %add3A_277, %squeeze3A_279 : f32
        %slice3A_281 = vector.extract_strided_slice %add3A_259 {offsets = [8], sizes = [1], strides = [1]} : vector<16xf32> to vector<1xf32>
        %squeeze3A_282 = vector.extract %slice3A_281[0] : f32 from vector<1xf32>
        %add3A_283 = arith.addf %add3A_280, %squeeze3A_282 : f32
        %slice3A_284 = vector.extract_strided_slice %add3A_259 {offsets = [9], sizes = [1], strides = [1]} : vector<16xf32> to vector<1xf32>
        %squeeze3A_285 = vector.extract %slice3A_284[0] : f32 from vector<1xf32>
        %add3A_286 = arith.addf %add3A_283, %squeeze3A_285 : f32
        %slice3A_287 = vector.extract_strided_slice %add3A_259 {offsets = [10], sizes = [1], strides = [1]} : vector<16xf32> to vector<1xf32>
        %squeeze3A_288 = vector.extract %slice3A_287[0] : f32 from vector<1xf32>
        %add3A_289 = arith.addf %add3A_286, %squeeze3A_288 : f32
        %slice3A_290 = vector.extract_strided_slice %add3A_259 {offsets = [11], sizes = [1], strides = [1]} : vector<16xf32> to vector<1xf32>
        %squeeze3A_291 = vector.extract %slice3A_290[0] : f32 from vector<1xf32>
        %add3A_292 = arith.addf %add3A_289, %squeeze3A_291 : f32
        %slice3A_293 = vector.extract_strided_slice %add3A_259 {offsets = [12], sizes = [1], strides = [1]} : vector<16xf32> to vector<1xf32>
        %squeeze3A_294 = vector.extract %slice3A_293[0] : f32 from vector<1xf32>
        %add3A_295 = arith.addf %add3A_292, %squeeze3A_294 : f32
        %slice3A_296 = vector.extract_strided_slice %add3A_259 {offsets = [13], sizes = [1], strides = [1]} : vector<16xf32> to vector<1xf32>
        %squeeze3A_297 = vector.extract %slice3A_296[0] : f32 from vector<1xf32>
        %add3A_298 = arith.addf %add3A_295, %squeeze3A_297 : f32
        %slice3A_299 = vector.extract_strided_slice %add3A_259 {offsets = [14], sizes = [1], strides = [1]} : vector<16xf32> to vector<1xf32>
        %squeeze3A_300 = vector.extract %slice3A_299[0] : f32 from vector<1xf32>
        %add3A_301 = arith.addf %add3A_298, %squeeze3A_300 : f32
        %slice3A_302 = vector.extract_strided_slice %add3A_259 {offsets = [15], sizes = [1], strides = [1]} : vector<16xf32> to vector<1xf32>
        %squeeze3A_303 = vector.extract %slice3A_302[0] : f32 from vector<1xf32>
        %add3A_304 = arith.addf %add3A_301, %squeeze3A_303 : f32
        %get3A_305 = arith.index_cast %mul3A_97 : i32 to index
        %get3A_306 = arith.constant 0 : index
        %get3A_307 = tpu.vector_load %arg8[%get3A_305, %get3A_306] {strides = array<i32>} : memref<128x128xf32, #tpu.memory_space<vmem>>, vector<1x128xf32>,
        %get3A_308 = vector.shape_cast %get3A_307 : vector<1x128xf32> to vector<128xf32>
        %get3A_309 = arith.index_cast %add3A_101 : i32 to index
        %get3A_310 = arith.constant 0 : index
        %get3A_311 = tpu.vector_load %arg8[%get3A_309, %get3A_310] {strides = array<i32>} : memref<128x128xf32, #tpu.memory_space<vmem>>, vector<1x128xf32>,
        %get3A_312 = vector.shape_cast %get3A_311 : vector<1x128xf32> to vector<128xf32>
        %mul3A_313 = arith.mulf %get3A_308, %get3A_312 : vector<128xf32>
        %slice3A_314 = vector.extract_strided_slice %mul3A_313 {offsets = [2], sizes = [1], strides = [1]} : vector<128xf32> to vector<1xf32>
        %squeeze3A_315 = vector.extract %slice3A_314[0] : f32 from vector<1xf32>
        %mul3A_316 = arith.mulf %add3A_304, %squeeze3A_315 : f32
        %slice3A_317 = vector.extract_strided_slice %mul3A_313 {offsets = [0], sizes = [1], strides = [1]} : vector<128xf32> to vector<1xf32>
        %squeeze3A_318 = vector.extract %slice3A_317[0] : f32 from vector<1xf32>
        %slice3A_319 = vector.extract_strided_slice %mul3A_313 {offsets = [1], sizes = [1], strides = [1]} : vector<128xf32> to vector<1xf32>
        %squeeze3A_320 = vector.extract %slice3A_319[0] : f32 from vector<1xf32>
        %add3A_321 = arith.addf %squeeze3A_318, %squeeze3A_320 : f32
        %get3A_322 = arith.index_cast %mul3A_97 : i32 to index
        %get3A_323 = arith.constant 0 : index
        %get3A_324 = tpu.vector_load %arg8[%get3A_322, %get3A_323] {strides = array<i32>} : memref<128x128xf32, #tpu.memory_space<vmem>>, vector<1x128xf32>,
        %get3A_325 = vector.shape_cast %get3A_324 : vector<1x128xf32> to vector<128xf32>
        %slice3A_326 = vector.extract_strided_slice %get3A_325 {offsets = [3], sizes = [1], strides = [1]} : vector<128xf32> to vector<1xf32>
        %squeeze3A_327 = vector.extract %slice3A_326[0] : f32 from vector<1xf32>
        %sub3A = arith.constant 1.000000e+00 : f32
        %sub3A_328 = arith.subf %mul3A_316, %sub3A : f32
        %sub3A_329 = arith.subf %mul3A_316, %squeeze3A_327 : f32
        %max3A = arith.constant 0.000000e+00 : f32
        %max3A_330 = arith.maximumf %sub3A_329, %max3A : f32
        %mul3A_331 = arith.mulf %sub3A_328, %sub3A_328 : f32
        %mul3A_332 = arith.mulf %mul3A_331, %add3A_321 : f32
        %mul3A_333 = arith.mulf %max3A_330, %max3A_330 : f32
        %sub3A_334 = arith.constant 1.000000e+00 : f32
        %sub3A_335 = arith.subf %sub3A_334, %add3A_321 : f32
        %mul3A_336 = arith.mulf %mul3A_333, %sub3A_335 : f32
        %add3A_337 = arith.addf %mul3A_332, %mul3A_336 : f32
        %mul3A_338 = arith.constant 64 : i32
        %mul3A_339 = arith.muli %mul3A_43, %mul3A_338 : i32
        %add3A_340 = arith.addi %mul3A_339, %mul3A_95 : i32
        %lt3A_341 = arith.constant 3125 : i32
        %lt3A_342 = arith.cmpi slt, %add3A_340, %lt3A_341 : i32
        %jit3A_343 = arith.constant 0.000000e+00 : f32
        %select_n3A_344 = arith.select %lt3A_342, %add3A_337, %jit3A_343 : f32
        %add3A_345 = arith.addf %scan3A_93, %select_n3A_344 : f32
        %mul3A_346 = arith.constant 2 : i32
        %mul3A_347 = arith.muli %mul3A_346, %scan3A_92 : i32
        %add3A_348 = arith.constant 1 : i32
        %add3A_349 = arith.addi %mul3A_347, %add3A_348 : i32
        %mul3A_350 = arith.constant 2 : i32
        %mul3A_351 = arith.muli %mul3A_350, %add3A_349 : i32
        %mul3A_352 = arith.constant 2 : i32
        %mul3A_353 = arith.muli %mul3A_352, %add3A_349 : i32
        %add3A_354 = arith.constant 1 : i32
        %add3A_355 = arith.addi %mul3A_353, %add3A_354 : i32
        %get3A_356 = arith.index_cast %mul3A_351 : i32 to index
        %get3A_357 = arith.constant 0 : index
        %get3A_358 = tpu.vector_load %arg7[%get3A_356, %get3A_357] {strides = array<i32>} : memref<128x256xf32, #tpu.memory_space<vmem>>, vector<1x16xf32>,
        %get3A_359 = vector.shape_cast %get3A_358 : vector<1x16xf32> to vector<16xf32>
        %get3A_360 = arith.index_cast %add3A_355 : i32 to index
        %get3A_361 = arith.constant 0 : index
        %get3A_362 = tpu.vector_load %arg7[%get3A_360, %get3A_361] {strides = array<i32>} : memref<128x256xf32, #tpu.memory_space<vmem>>, vector<1x16xf32>,
        %get3A_363 = vector.shape_cast %get3A_362 : vector<1x16xf32> to vector<16xf32>
        %mul3A_364 = arith.mulf %get3A_359, %get3A_363 : vector<16xf32>
        %get3A_365 = arith.index_cast %mul3A_351 : i32 to index
        %get3A_366 = arith.constant 16 : index
        %get3A_367 = tpu.vector_load %arg7[%get3A_365, %get3A_366] {strides = array<i32>} : memref<128x256xf32, #tpu.memory_space<vmem>>, vector<1x16xf32>,
        %get3A_368 = vector.shape_cast %get3A_367 : vector<1x16xf32> to vector<16xf32>
        %get3A_369 = arith.index_cast %add3A_355 : i32 to index
        %get3A_370 = arith.constant 16 : index
        %get3A_371 = tpu.vector_load %arg7[%get3A_369, %get3A_370] {strides = array<i32>} : memref<128x256xf32, #tpu.memory_space<vmem>>, vector<1x16xf32>,
        %get3A_372 = vector.shape_cast %get3A_371 : vector<1x16xf32> to vector<16xf32>
        %mul3A_373 = arith.mulf %get3A_368, %get3A_372 : vector<16xf32>
        %add3A_374 = arith.addf %mul3A_364, %mul3A_373 : vector<16xf32>
        %get3A_375 = arith.index_cast %mul3A_351 : i32 to index
        %get3A_376 = arith.constant 32 : index
        %get3A_377 = tpu.vector_load %arg7[%get3A_375, %get3A_376] {strides = array<i32>} : memref<128x256xf32, #tpu.memory_space<vmem>>, vector<1x16xf32>,
        %get3A_378 = vector.shape_cast %get3A_377 : vector<1x16xf32> to vector<16xf32>
        %get3A_379 = arith.index_cast %add3A_355 : i32 to index
        %get3A_380 = arith.constant 32 : index
        %get3A_381 = tpu.vector_load %arg7[%get3A_379, %get3A_380] {strides = array<i32>} : memref<128x256xf32, #tpu.memory_space<vmem>>, vector<1x16xf32>,
        %get3A_382 = vector.shape_cast %get3A_381 : vector<1x16xf32> to vector<16xf32>
        %mul3A_383 = arith.mulf %get3A_378, %get3A_382 : vector<16xf32>
        %add3A_384 = arith.addf %add3A_374, %mul3A_383 : vector<16xf32>
        %get3A_385 = arith.index_cast %mul3A_351 : i32 to index
        %get3A_386 = arith.constant 48 : index
        %get3A_387 = tpu.vector_load %arg7[%get3A_385, %get3A_386] {strides = array<i32>} : memref<128x256xf32, #tpu.memory_space<vmem>>, vector<1x16xf32>,
        %get3A_388 = vector.shape_cast %get3A_387 : vector<1x16xf32> to vector<16xf32>
        %get3A_389 = arith.index_cast %add3A_355 : i32 to index
        %get3A_390 = arith.constant 48 : index
        %get3A_391 = tpu.vector_load %arg7[%get3A_389, %get3A_390] {strides = array<i32>} : memref<128x256xf32, #tpu.memory_space<vmem>>, vector<1x16xf32>,
        %get3A_392 = vector.shape_cast %get3A_391 : vector<1x16xf32> to vector<16xf32>
        %mul3A_393 = arith.mulf %get3A_388, %get3A_392 : vector<16xf32>
        %add3A_394 = arith.addf %add3A_384, %mul3A_393 : vector<16xf32>
        %get3A_395 = arith.index_cast %mul3A_351 : i32 to index
        %get3A_396 = arith.constant 64 : index
        %get3A_397 = tpu.vector_load %arg7[%get3A_395, %get3A_396] {strides = array<i32>} : memref<128x256xf32, #tpu.memory_space<vmem>>, vector<1x16xf32>,
        %get3A_398 = vector.shape_cast %get3A_397 : vector<1x16xf32> to vector<16xf32>
        %get3A_399 = arith.index_cast %add3A_355 : i32 to index
        %get3A_400 = arith.constant 64 : index
        %get3A_401 = tpu.vector_load %arg7[%get3A_399, %get3A_400] {strides = array<i32>} : memref<128x256xf32, #tpu.memory_space<vmem>>, vector<1x16xf32>,
        %get3A_402 = vector.shape_cast %get3A_401 : vector<1x16xf32> to vector<16xf32>
        %mul3A_403 = arith.mulf %get3A_398, %get3A_402 : vector<16xf32>
        %add3A_404 = arith.addf %add3A_394, %mul3A_403 : vector<16xf32>
        %get3A_405 = arith.index_cast %mul3A_351 : i32 to index
        %get3A_406 = arith.constant 80 : index
        %get3A_407 = tpu.vector_load %arg7[%get3A_405, %get3A_406] {strides = array<i32>} : memref<128x256xf32, #tpu.memory_space<vmem>>, vector<1x16xf32>,
        %get3A_408 = vector.shape_cast %get3A_407 : vector<1x16xf32> to vector<16xf32>
        %get3A_409 = arith.index_cast %add3A_355 : i32 to index
        %get3A_410 = arith.constant 80 : index
        %get3A_411 = tpu.vector_load %arg7[%get3A_409, %get3A_410] {strides = array<i32>} : memref<128x256xf32, #tpu.memory_space<vmem>>, vector<1x16xf32>,
        %get3A_412 = vector.shape_cast %get3A_411 : vector<1x16xf32> to vector<16xf32>
        %mul3A_413 = arith.mulf %get3A_408, %get3A_412 : vector<16xf32>
        %add3A_414 = arith.addf %add3A_404, %mul3A_413 : vector<16xf32>
        %get3A_415 = arith.index_cast %mul3A_351 : i32 to index
        %get3A_416 = arith.constant 96 : index
        %get3A_417 = tpu.vector_load %arg7[%get3A_415, %get3A_416] {strides = array<i32>} : memref<128x256xf32, #tpu.memory_space<vmem>>, vector<1x16xf32>,
        %get3A_418 = vector.shape_cast %get3A_417 : vector<1x16xf32> to vector<16xf32>
        %get3A_419 = arith.index_cast %add3A_355 : i32 to index
        %get3A_420 = arith.constant 96 : index
        %get3A_421 = tpu.vector_load %arg7[%get3A_419, %get3A_420] {strides = array<i32>} : memref<128x256xf32, #tpu.memory_space<vmem>>, vector<1x16xf32>,
        %get3A_422 = vector.shape_cast %get3A_421 : vector<1x16xf32> to vector<16xf32>
        %mul3A_423 = arith.mulf %get3A_418, %get3A_422 : vector<16xf32>
        %add3A_424 = arith.addf %add3A_414, %mul3A_423 : vector<16xf32>
        %get3A_425 = arith.index_cast %mul3A_351 : i32 to index
        %get3A_426 = arith.constant 112 : index
        %get3A_427 = tpu.vector_load %arg7[%get3A_425, %get3A_426] {strides = array<i32>} : memref<128x256xf32, #tpu.memory_space<vmem>>, vector<1x16xf32>,
        %get3A_428 = vector.shape_cast %get3A_427 : vector<1x16xf32> to vector<16xf32>
        %get3A_429 = arith.index_cast %add3A_355 : i32 to index
        %get3A_430 = arith.constant 112 : index
        %get3A_431 = tpu.vector_load %arg7[%get3A_429, %get3A_430] {strides = array<i32>} : memref<128x256xf32, #tpu.memory_space<vmem>>, vector<1x16xf32>,
        %get3A_432 = vector.shape_cast %get3A_431 : vector<1x16xf32> to vector<16xf32>
        %mul3A_433 = arith.mulf %get3A_428, %get3A_432 : vector<16xf32>
        %add3A_434 = arith.addf %add3A_424, %mul3A_433 : vector<16xf32>
        %get3A_435 = arith.index_cast %mul3A_351 : i32 to index
        %get3A_436 = arith.constant 128 : index
        %get3A_437 = tpu.vector_load %arg7[%get3A_435, %get3A_436] {strides = array<i32>} : memref<128x256xf32, #tpu.memory_space<vmem>>, vector<1x16xf32>,
        %get3A_438 = vector.shape_cast %get3A_437 : vector<1x16xf32> to vector<16xf32>
        %get3A_439 = arith.index_cast %add3A_355 : i32 to index
        %get3A_440 = arith.constant 128 : index
        %get3A_441 = tpu.vector_load %arg7[%get3A_439, %get3A_440] {strides = array<i32>} : memref<128x256xf32, #tpu.memory_space<vmem>>, vector<1x16xf32>,
        %get3A_442 = vector.shape_cast %get3A_441 : vector<1x16xf32> to vector<16xf32>
        %mul3A_443 = arith.mulf %get3A_438, %get3A_442 : vector<16xf32>
        %add3A_444 = arith.addf %add3A_434, %mul3A_443 : vector<16xf32>
        %get3A_445 = arith.index_cast %mul3A_351 : i32 to index
        %get3A_446 = arith.constant 144 : index
        %get3A_447 = tpu.vector_load %arg7[%get3A_445, %get3A_446] {strides = array<i32>} : memref<128x256xf32, #tpu.memory_space<vmem>>, vector<1x16xf32>,
        %get3A_448 = vector.shape_cast %get3A_447 : vector<1x16xf32> to vector<16xf32>
        %get3A_449 = arith.index_cast %add3A_355 : i32 to index
        %get3A_450 = arith.constant 144 : index
        %get3A_451 = tpu.vector_load %arg7[%get3A_449, %get3A_450] {strides = array<i32>} : memref<128x256xf32, #tpu.memory_space<vmem>>, vector<1x16xf32>,
        %get3A_452 = vector.shape_cast %get3A_451 : vector<1x16xf32> to vector<16xf32>
        %mul3A_453 = arith.mulf %get3A_448, %get3A_452 : vector<16xf32>
        %add3A_454 = arith.addf %add3A_444, %mul3A_453 : vector<16xf32>
        %get3A_455 = arith.index_cast %mul3A_351 : i32 to index
        %get3A_456 = arith.constant 160 : index
        %get3A_457 = tpu.vector_load %arg7[%get3A_455, %get3A_456] {strides = array<i32>} : memref<128x256xf32, #tpu.memory_space<vmem>>, vector<1x16xf32>,
        %get3A_458 = vector.shape_cast %get3A_457 : vector<1x16xf32> to vector<16xf32>
        %get3A_459 = arith.index_cast %add3A_355 : i32 to index
        %get3A_460 = arith.constant 160 : index
        %get3A_461 = tpu.vector_load %arg7[%get3A_459, %get3A_460] {strides = array<i32>} : memref<128x256xf32, #tpu.memory_space<vmem>>, vector<1x16xf32>,
        %get3A_462 = vector.shape_cast %get3A_461 : vector<1x16xf32> to vector<16xf32>
        %mul3A_463 = arith.mulf %get3A_458, %get3A_462 : vector<16xf32>
        %add3A_464 = arith.addf %add3A_454, %mul3A_463 : vector<16xf32>
        %get3A_465 = arith.index_cast %mul3A_351 : i32 to index
        %get3A_466 = arith.constant 176 : index
        %get3A_467 = tpu.vector_load %arg7[%get3A_465, %get3A_466] {strides = array<i32>} : memref<128x256xf32, #tpu.memory_space<vmem>>, vector<1x16xf32>,
        %get3A_468 = vector.shape_cast %get3A_467 : vector<1x16xf32> to vector<16xf32>
        %get3A_469 = arith.index_cast %add3A_355 : i32 to index
        %get3A_470 = arith.constant 176 : index
        %get3A_471 = tpu.vector_load %arg7[%get3A_469, %get3A_470] {strides = array<i32>} : memref<128x256xf32, #tpu.memory_space<vmem>>, vector<1x16xf32>,
        %get3A_472 = vector.shape_cast %get3A_471 : vector<1x16xf32> to vector<16xf32>
        %mul3A_473 = arith.mulf %get3A_468, %get3A_472 : vector<16xf32>
        %add3A_474 = arith.addf %add3A_464, %mul3A_473 : vector<16xf32>
        %get3A_475 = arith.index_cast %mul3A_351 : i32 to index
        %get3A_476 = arith.constant 192 : index
        %get3A_477 = tpu.vector_load %arg7[%get3A_475, %get3A_476] {strides = array<i32>} : memref<128x256xf32, #tpu.memory_space<vmem>>, vector<1x16xf32>,
        %get3A_478 = vector.shape_cast %get3A_477 : vector<1x16xf32> to vector<16xf32>
        %get3A_479 = arith.index_cast %add3A_355 : i32 to index
        %get3A_480 = arith.constant 192 : index
        %get3A_481 = tpu.vector_load %arg7[%get3A_479, %get3A_480] {strides = array<i32>} : memref<128x256xf32, #tpu.memory_space<vmem>>, vector<1x16xf32>,
        %get3A_482 = vector.shape_cast %get3A_481 : vector<1x16xf32> to vector<16xf32>
        %mul3A_483 = arith.mulf %get3A_478, %get3A_482 : vector<16xf32>
        %add3A_484 = arith.addf %add3A_474, %mul3A_483 : vector<16xf32>
        %get3A_485 = arith.index_cast %mul3A_351 : i32 to index
        %get3A_486 = arith.constant 208 : index
        %get3A_487 = tpu.vector_load %arg7[%get3A_485, %get3A_486] {strides = array<i32>} : memref<128x256xf32, #tpu.memory_space<vmem>>, vector<1x16xf32>,
        %get3A_488 = vector.shape_cast %get3A_487 : vector<1x16xf32> to vector<16xf32>
        %get3A_489 = arith.index_cast %add3A_355 : i32 to index
        %get3A_490 = arith.constant 208 : index
        %get3A_491 = tpu.vector_load %arg7[%get3A_489, %get3A_490] {strides = array<i32>} : memref<128x256xf32, #tpu.memory_space<vmem>>, vector<1x16xf32>,
        %get3A_492 = vector.shape_cast %get3A_491 : vector<1x16xf32> to vector<16xf32>
        %mul3A_493 = arith.mulf %get3A_488, %get3A_492 : vector<16xf32>
        %add3A_494 = arith.addf %add3A_484, %mul3A_493 : vector<16xf32>
        %get3A_495 = arith.index_cast %mul3A_351 : i32 to index
        %get3A_496 = arith.constant 224 : index
        %get3A_497 = tpu.vector_load %arg7[%get3A_495, %get3A_496] {strides = array<i32>} : memref<128x256xf32, #tpu.memory_space<vmem>>, vector<1x16xf32>,
        %get3A_498 = vector.shape_cast %get3A_497 : vector<1x16xf32> to vector<16xf32>
        %get3A_499 = arith.index_cast %add3A_355 : i32 to index
        %get3A_500 = arith.constant 224 : index
        %get3A_501 = tpu.vector_load %arg7[%get3A_499, %get3A_500] {strides = array<i32>} : memref<128x256xf32, #tpu.memory_space<vmem>>, vector<1x16xf32>,
        %get3A_502 = vector.shape_cast %get3A_501 : vector<1x16xf32> to vector<16xf32>
        %mul3A_503 = arith.mulf %get3A_498, %get3A_502 : vector<16xf32>
        %add3A_504 = arith.addf %add3A_494, %mul3A_503 : vector<16xf32>
        %get3A_505 = arith.index_cast %mul3A_351 : i32 to index
        %get3A_506 = arith.constant 240 : index
        %get3A_507 = tpu.vector_load %arg7[%get3A_505, %get3A_506] {strides = array<i32>} : memref<128x256xf32, #tpu.memory_space<vmem>>, vector<1x16xf32>,
        %get3A_508 = vector.shape_cast %get3A_507 : vector<1x16xf32> to vector<16xf32>
        %get3A_509 = arith.index_cast %add3A_355 : i32 to index
        %get3A_510 = arith.constant 240 : index
        %get3A_511 = tpu.vector_load %arg7[%get3A_509, %get3A_510] {strides = array<i32>} : memref<128x256xf32, #tpu.memory_space<vmem>>, vector<1x16xf32>,
        %get3A_512 = vector.shape_cast %get3A_511 : vector<1x16xf32> to vector<16xf32>
        %mul3A_513 = arith.mulf %get3A_508, %get3A_512 : vector<16xf32>
        %add3A_514 = arith.addf %add3A_504, %mul3A_513 : vector<16xf32>
        %slice3A_515 = vector.extract_strided_slice %add3A_514 {offsets = [0], sizes = [1], strides = [1]} : vector<16xf32> to vector<1xf32>
        %squeeze3A_516 = vector.extract %slice3A_515[0] : f32 from vector<1xf32>
        %slice3A_517 = vector.extract_strided_slice %add3A_514 {offsets = [1], sizes = [1], strides = [1]} : vector<16xf32> to vector<1xf32>
        %squeeze3A_518 = vector.extract %slice3A_517[0] : f32 from vector<1xf32>
        %add3A_519 = arith.addf %squeeze3A_516, %squeeze3A_518 : f32
        %slice3A_520 = vector.extract_strided_slice %add3A_514 {offsets = [2], sizes = [1], strides = [1]} : vector<16xf32> to vector<1xf32>
        %squeeze3A_521 = vector.extract %slice3A_520[0] : f32 from vector<1xf32>
        %add3A_522 = arith.addf %add3A_519, %squeeze3A_521 : f32
        %slice3A_523 = vector.extract_strided_slice %add3A_514 {offsets = [3], sizes = [1], strides = [1]} : vector<16xf32> to vector<1xf32>
        %squeeze3A_524 = vector.extract %slice3A_523[0] : f32 from vector<1xf32>
        %add3A_525 = arith.addf %add3A_522, %squeeze3A_524 : f32
        %slice3A_526 = vector.extract_strided_slice %add3A_514 {offsets = [4], sizes = [1], strides = [1]} : vector<16xf32> to vector<1xf32>
        %squeeze3A_527 = vector.extract %slice3A_526[0] : f32 from vector<1xf32>
        %add3A_528 = arith.addf %add3A_525, %squeeze3A_527 : f32
        %slice3A_529 = vector.extract_strided_slice %add3A_514 {offsets = [5], sizes = [1], strides = [1]} : vector<16xf32> to vector<1xf32>
        %squeeze3A_530 = vector.extract %slice3A_529[0] : f32 from vector<1xf32>
        %add3A_531 = arith.addf %add3A_528, %squeeze3A_530 : f32
        %slice3A_532 = vector.extract_strided_slice %add3A_514 {offsets = [6], sizes = [1], strides = [1]} : vector<16xf32> to vector<1xf32>
        %squeeze3A_533 = vector.extract %slice3A_532[0] : f32 from vector<1xf32>
        %add3A_534 = arith.addf %add3A_531, %squeeze3A_533 : f32
        %slice3A_535 = vector.extract_strided_slice %add3A_514 {offsets = [7], sizes = [1], strides = [1]} : vector<16xf32> to vector<1xf32>
        %squeeze3A_536 = vector.extract %slice3A_535[0] : f32 from vector<1xf32>
        %add3A_537 = arith.addf %add3A_534, %squeeze3A_536 : f32
        %slice3A_538 = vector.extract_strided_slice %add3A_514 {offsets = [8], sizes = [1], strides = [1]} : vector<16xf32> to vector<1xf32>
        %squeeze3A_539 = vector.extract %slice3A_538[0] : f32 from vector<1xf32>
        %add3A_540 = arith.addf %add3A_537, %squeeze3A_539 : f32
        %slice3A_541 = vector.extract_strided_slice %add3A_514 {offsets = [9], sizes = [1], strides = [1]} : vector<16xf32> to vector<1xf32>
        %squeeze3A_542 = vector.extract %slice3A_541[0] : f32 from vector<1xf32>
        %add3A_543 = arith.addf %add3A_540, %squeeze3A_542 : f32
        %slice3A_544 = vector.extract_strided_slice %add3A_514 {offsets = [10], sizes = [1], strides = [1]} : vector<16xf32> to vector<1xf32>
        %squeeze3A_545 = vector.extract %slice3A_544[0] : f32 from vector<1xf32>
        %add3A_546 = arith.addf %add3A_543, %squeeze3A_545 : f32
        %slice3A_547 = vector.extract_strided_slice %add3A_514 {offsets = [11], sizes = [1], strides = [1]} : vector<16xf32> to vector<1xf32>
        %squeeze3A_548 = vector.extract %slice3A_547[0] : f32 from vector<1xf32>
        %add3A_549 = arith.addf %add3A_546, %squeeze3A_548 : f32
        %slice3A_550 = vector.extract_strided_slice %add3A_514 {offsets = [12], sizes = [1], strides = [1]} : vector<16xf32> to vector<1xf32>
        %squeeze3A_551 = vector.extract %slice3A_550[0] : f32 from vector<1xf32>
        %add3A_552 = arith.addf %add3A_549, %squeeze3A_551 : f32
        %slice3A_553 = vector.extract_strided_slice %add3A_514 {offsets = [13], sizes = [1], strides = [1]} : vector<16xf32> to vector<1xf32>
        %squeeze3A_554 = vector.extract %slice3A_553[0] : f32 from vector<1xf32>
        %add3A_555 = arith.addf %add3A_552, %squeeze3A_554 : f32
        %slice3A_556 = vector.extract_strided_slice %add3A_514 {offsets = [14], sizes = [1], strides = [1]} : vector<16xf32> to vector<1xf32>
        %squeeze3A_557 = vector.extract %slice3A_556[0] : f32 from vector<1xf32>
        %add3A_558 = arith.addf %add3A_555, %squeeze3A_557 : f32
        %slice3A_559 = vector.extract_strided_slice %add3A_514 {offsets = [15], sizes = [1], strides = [1]} : vector<16xf32> to vector<1xf32>
        %squeeze3A_560 = vector.extract %slice3A_559[0] : f32 from vector<1xf32>
        %add3A_561 = arith.addf %add3A_558, %squeeze3A_560 : f32
        %get3A_562 = arith.index_cast %mul3A_351 : i32 to index
        %get3A_563 = arith.constant 0 : index
        %get3A_564 = tpu.vector_load %arg8[%get3A_562, %get3A_563] {strides = array<i32>} : memref<128x128xf32, #tpu.memory_space<vmem>>, vector<1x128xf32>,
        %get3A_565 = vector.shape_cast %get3A_564 : vector<1x128xf32> to vector<128xf32>
        %get3A_566 = arith.index_cast %add3A_355 : i32 to index
        %get3A_567 = arith.constant 0 : index
        %get3A_568 = tpu.vector_load %arg8[%get3A_566, %get3A_567] {strides = array<i32>} : memref<128x128xf32, #tpu.memory_space<vmem>>, vector<1x128xf32>,
        %get3A_569 = vector.shape_cast %get3A_568 : vector<1x128xf32> to vector<128xf32>
        %mul3A_570 = arith.mulf %get3A_565, %get3A_569 : vector<128xf32>
        %slice3A_571 = vector.extract_strided_slice %mul3A_570 {offsets = [2], sizes = [1], strides = [1]} : vector<128xf32> to vector<1xf32>
        %squeeze3A_572 = vector.extract %slice3A_571[0] : f32 from vector<1xf32>
        %mul3A_573 = arith.mulf %add3A_561, %squeeze3A_572 : f32
        %slice3A_574 = vector.extract_strided_slice %mul3A_570 {offsets = [0], sizes = [1], strides = [1]} : vector<128xf32> to vector<1xf32>
        %squeeze3A_575 = vector.extract %slice3A_574[0] : f32 from vector<1xf32>
        %slice3A_576 = vector.extract_strided_slice %mul3A_570 {offsets = [1], sizes = [1], strides = [1]} : vector<128xf32> to vector<1xf32>
        %squeeze3A_577 = vector.extract %slice3A_576[0] : f32 from vector<1xf32>
        %add3A_578 = arith.addf %squeeze3A_575, %squeeze3A_577 : f32
        %get3A_579 = arith.index_cast %mul3A_351 : i32 to index
        %get3A_580 = arith.constant 0 : index
        %get3A_581 = tpu.vector_load %arg8[%get3A_579, %get3A_580] {strides = array<i32>} : memref<128x128xf32, #tpu.memory_space<vmem>>, vector<1x128xf32>,
        %get3A_582 = vector.shape_cast %get3A_581 : vector<1x128xf32> to vector<128xf32>
        %slice3A_583 = vector.extract_strided_slice %get3A_582 {offsets = [3], sizes = [1], strides = [1]} : vector<128xf32> to vector<1xf32>
        %squeeze3A_584 = vector.extract %slice3A_583[0] : f32 from vector<1xf32>
        %sub3A_585 = arith.constant 1.000000e+00 : f32
        %sub3A_586 = arith.subf %mul3A_573, %sub3A_585 : f32
        %sub3A_587 = arith.subf %mul3A_573, %squeeze3A_584 : f32
        %max3A_588 = arith.constant 0.000000e+00 : f32
        %max3A_589 = arith.maximumf %sub3A_587, %max3A_588 : f32
        %mul3A_590 = arith.mulf %sub3A_586, %sub3A_586 : f32
        %mul3A_591 = arith.mulf %mul3A_590, %add3A_578 : f32
        %mul3A_592 = arith.mulf %max3A_589, %max3A_589 : f32
        %sub3A_593 = arith.constant 1.000000e+00 : f32
        %sub3A_594 = arith.subf %sub3A_593, %add3A_578 : f32
        %mul3A_595 = arith.mulf %mul3A_592, %sub3A_594 : f32
        %add3A_596 = arith.addf %mul3A_591, %mul3A_595 : f32
        %mul3A_597 = arith.constant 64 : i32
        %mul3A_598 = arith.muli %mul3A_43, %mul3A_597 : i32
        %add3A_599 = arith.addi %mul3A_598, %add3A_349 : i32
        %lt3A_600 = arith.constant 3125 : i32
        %lt3A_601 = arith.cmpi slt, %add3A_599, %lt3A_600 : i32
        %jit3A_602 = arith.constant 0.000000e+00 : f32
        %select_n3A_603 = arith.select %lt3A_601, %add3A_596, %jit3A_602 : f32
        %add3A_604 = arith.addf %add3A_345, %select_n3A_603 : f32
        scf.yield %add3A_604 : f32
      }
      %scan3A_62 = arith.constant 32 : i32
      %lt3A = arith.constant 24 : i32
      %lt3A_63 = arith.cmpi slt, %scan3A_40, %lt3A : i32
      %convert_element_type3A = arith.extui %lt3A_63 : i1 to i32
      %cond3A = arith.constant 0 : i32
      %cond3A_64 = arith.cmpi ne, %convert_element_type3A, %cond3A : i32
      scf.if %cond3A_64 {
        %add3A_92 = arith.constant 2 : i32
        %add3A_93 = arith.addi %mul3A_43, %add3A_92 : i32
        %dma_start3A_94 = arith.constant 0 : i32
        %dma_start3A_95 = tpu.memref_slice %arg6[%add3A_93, %dma_start3A_94] : memref<50x128xi32, #tpu.memory_space<vmem>> -> memref<1x128xi32, #tpu.memory_space<vmem>>
        %dma_start3A_96 = tpu.memref_squeeze %dma_start3A_95 : memref<1x128xi32, #tpu.memory_space<vmem>> -> memref<128xi32, #tpu.memory_space<vmem>>
        %dma_start3A_97 = arith.constant 0 : i32
        %dma_start3A_98 = arith.constant 0 : i32
        %dma_start3A_99 = tpu.memref_slice %arg2[%dma_start3A_97, %dma_start3A_98] : memref<50000x256xf32, #tpu.memory_space<hbm>> -> memref<50000x256xf32, #tpu.memory_space<hbm>>
        tpu.enqueue_indirect_dma source(%dma_start3A_99 : memref<50000x256xf32, #tpu.memory_space<hbm>>) target(%arg7 : memref<128x256xf32, #tpu.memory_space<vmem>>) offsets(%dma_start3A_96 : memref<128xi32, #tpu.memory_space<vmem>>) semaphore(%arg12 : memref<!tpu.dma_semaphore, #tpu.memory_space<semaphore_mem>>)
        %dma_start3A_100 = arith.constant 0 : i32
        %dma_start3A_101 = tpu.memref_slice %arg6[%add3A_93, %dma_start3A_100] : memref<50x128xi32, #tpu.memory_space<vmem>> -> memref<1x128xi32, #tpu.memory_space<vmem>>
        %dma_start3A_102 = tpu.memref_squeeze %dma_start3A_101 : memref<1x128xi32, #tpu.memory_space<vmem>> -> memref<128xi32, #tpu.memory_space<vmem>>
        %dma_start3A_103 = arith.constant 0 : i32
        %dma_start3A_104 = arith.constant 0 : i32
        %dma_start3A_105 = tpu.memref_slice %arg3[%dma_start3A_103, %dma_start3A_104] : memref<50000x128xf32, #tpu.memory_space<hbm>> -> memref<50000x128xf32, #tpu.memory_space<hbm>>
        tpu.enqueue_indirect_dma source(%dma_start3A_105 : memref<50000x128xf32, #tpu.memory_space<hbm>>) target(%arg8 : memref<128x128xf32, #tpu.memory_space<vmem>>) offsets(%dma_start3A_102 : memref<128xi32, #tpu.memory_space<vmem>>) semaphore(%arg13 : memref<!tpu.dma_semaphore, #tpu.memory_space<semaphore_mem>>)
      } else {
      }
      %dma_wait3A_65 = arith.constant 0 : i32
      %dma_wait3A_66 = arith.constant 0 : i32
      %dma_wait3A_67 = tpu.memref_slice %arg6[%dma_wait3A_65, %dma_wait3A_66] : memref<50x128xi32, #tpu.memory_space<vmem>> -> memref<1x128xi32, #tpu.memory_space<vmem>>
      %dma_wait3A_68 = tpu.memref_squeeze %dma_wait3A_67 : memref<1x128xi32, #tpu.memory_space<vmem>> -> memref<128xi32, #tpu.memory_space<vmem>>
      %dma_wait3A_69 = arith.constant 0 : i32
      %dma_wait3A_70 = arith.constant 0 : i32
      %dma_wait3A_71 = tpu.memref_slice %arg2[%dma_wait3A_69, %dma_wait3A_70] : memref<50000x256xf32, #tpu.memory_space<hbm>> -> memref<50000x256xf32, #tpu.memory_space<hbm>>
      tpu.wait_indirect_dma semaphore(%arg14 : memref<!tpu.dma_semaphore, #tpu.memory_space<semaphore_mem>>) src(%dma_wait3A_71 : memref<50000x256xf32, #tpu.memory_space<hbm>>) dst(%arg9 : memref<128x256xf32, #tpu.memory_space<vmem>>)
      %dma_wait3A_72 = arith.constant 0 : i32
      %dma_wait3A_73 = arith.constant 0 : i32
      %dma_wait3A_74 = tpu.memref_slice %arg6[%dma_wait3A_72, %dma_wait3A_73] : memref<50x128xi32, #tpu.memory_space<vmem>> -> memref<1x128xi32, #tpu.memory_space<vmem>>
      %dma_wait3A_75 = tpu.memref_squeeze %dma_wait3A_74 : memref<1x128xi32, #tpu.memory_space<vmem>> -> memref<128xi32, #tpu.memory_space<vmem>>
      %dma_wait3A_76 = arith.constant 0 : i32
      %dma_wait3A_77 = arith.constant 0 : i32
      %dma_wait3A_78 = tpu.memref_slice %arg3[%dma_wait3A_76, %dma_wait3A_77] : memref<50000x128xf32, #tpu.memory_space<hbm>> -> memref<50000x128xf32, #tpu.memory_space<hbm>>
      tpu.wait_indirect_dma semaphore(%arg15 : memref<!tpu.dma_semaphore, #tpu.memory_space<semaphore_mem>>) src(%dma_wait3A_78 : memref<50000x128xf32, #tpu.memory_space<hbm>>) dst(%arg10 : memref<128x128xf32, #tpu.memory_space<vmem>>)
      %add3A_79 = arith.constant 1 : i32
      %add3A_80 = arith.addi %mul3A_43, %add3A_79 : i32
      %scan3A_81 = arith.constant 0 : i32
      %scan3A_82 = arith.constant 32 : i32
      %scan3A_83 = arith.addi %scan3A_81, %scan3A_82 : i32
      %scan3A_84 = arith.constant 1 : i32
      %scan3A_85 = scf.for %scan3A_92 = %scan3A_81 to %scan3A_83 step %scan3A_84 iter_args(%scan3A_93 = %scan3A_61) -> (f32)  : i32 {
        %mul3A_94 = arith.constant 2 : i32
        %mul3A_95 = arith.muli %mul3A_94, %scan3A_92 : i32
        %mul3A_96 = arith.constant 2 : i32
        %mul3A_97 = arith.muli %mul3A_96, %mul3A_95 : i32
        %mul3A_98 = arith.constant 2 : i32
        %mul3A_99 = arith.muli %mul3A_98, %mul3A_95 : i32
        %add3A_100 = arith.constant 1 : i32
        %add3A_101 = arith.addi %mul3A_99, %add3A_100 : i32
        %get3A = arith.index_cast %mul3A_97 : i32 to index
        %get3A_102 = arith.constant 0 : index
        %get3A_103 = tpu.vector_load %arg9[%get3A, %get3A_102] {strides = array<i32>} : memref<128x256xf32, #tpu.memory_space<vmem>>, vector<1x16xf32>,
        %get3A_104 = vector.shape_cast %get3A_103 : vector<1x16xf32> to vector<16xf32>
        %get3A_105 = arith.index_cast %add3A_101 : i32 to index
        %get3A_106 = arith.constant 0 : index
        %get3A_107 = tpu.vector_load %arg9[%get3A_105, %get3A_106] {strides = array<i32>} : memref<128x256xf32, #tpu.memory_space<vmem>>, vector<1x16xf32>,
        %get3A_108 = vector.shape_cast %get3A_107 : vector<1x16xf32> to vector<16xf32>
        %mul3A_109 = arith.mulf %get3A_104, %get3A_108 : vector<16xf32>
        %get3A_110 = arith.index_cast %mul3A_97 : i32 to index
        %get3A_111 = arith.constant 16 : index
        %get3A_112 = tpu.vector_load %arg9[%get3A_110, %get3A_111] {strides = array<i32>} : memref<128x256xf32, #tpu.memory_space<vmem>>, vector<1x16xf32>,
        %get3A_113 = vector.shape_cast %get3A_112 : vector<1x16xf32> to vector<16xf32>
        %get3A_114 = arith.index_cast %add3A_101 : i32 to index
        %get3A_115 = arith.constant 16 : index
        %get3A_116 = tpu.vector_load %arg9[%get3A_114, %get3A_115] {strides = array<i32>} : memref<128x256xf32, #tpu.memory_space<vmem>>, vector<1x16xf32>,
        %get3A_117 = vector.shape_cast %get3A_116 : vector<1x16xf32> to vector<16xf32>
        %mul3A_118 = arith.mulf %get3A_113, %get3A_117 : vector<16xf32>
        %add3A_119 = arith.addf %mul3A_109, %mul3A_118 : vector<16xf32>
        %get3A_120 = arith.index_cast %mul3A_97 : i32 to index
        %get3A_121 = arith.constant 32 : index
        %get3A_122 = tpu.vector_load %arg9[%get3A_120, %get3A_121] {strides = array<i32>} : memref<128x256xf32, #tpu.memory_space<vmem>>, vector<1x16xf32>,
        %get3A_123 = vector.shape_cast %get3A_122 : vector<1x16xf32> to vector<16xf32>
        %get3A_124 = arith.index_cast %add3A_101 : i32 to index
        %get3A_125 = arith.constant 32 : index
        %get3A_126 = tpu.vector_load %arg9[%get3A_124, %get3A_125] {strides = array<i32>} : memref<128x256xf32, #tpu.memory_space<vmem>>, vector<1x16xf32>,
        %get3A_127 = vector.shape_cast %get3A_126 : vector<1x16xf32> to vector<16xf32>
        %mul3A_128 = arith.mulf %get3A_123, %get3A_127 : vector<16xf32>
        %add3A_129 = arith.addf %add3A_119, %mul3A_128 : vector<16xf32>
        %get3A_130 = arith.index_cast %mul3A_97 : i32 to index
        %get3A_131 = arith.constant 48 : index
        %get3A_132 = tpu.vector_load %arg9[%get3A_130, %get3A_131] {strides = array<i32>} : memref<128x256xf32, #tpu.memory_space<vmem>>, vector<1x16xf32>,
        %get3A_133 = vector.shape_cast %get3A_132 : vector<1x16xf32> to vector<16xf32>
        %get3A_134 = arith.index_cast %add3A_101 : i32 to index
        %get3A_135 = arith.constant 48 : index
        %get3A_136 = tpu.vector_load %arg9[%get3A_134, %get3A_135] {strides = array<i32>} : memref<128x256xf32, #tpu.memory_space<vmem>>, vector<1x16xf32>,
        %get3A_137 = vector.shape_cast %get3A_136 : vector<1x16xf32> to vector<16xf32>
        %mul3A_138 = arith.mulf %get3A_133, %get3A_137 : vector<16xf32>
        %add3A_139 = arith.addf %add3A_129, %mul3A_138 : vector<16xf32>
        %get3A_140 = arith.index_cast %mul3A_97 : i32 to index
        %get3A_141 = arith.constant 64 : index
        %get3A_142 = tpu.vector_load %arg9[%get3A_140, %get3A_141] {strides = array<i32>} : memref<128x256xf32, #tpu.memory_space<vmem>>, vector<1x16xf32>,
        %get3A_143 = vector.shape_cast %get3A_142 : vector<1x16xf32> to vector<16xf32>
        %get3A_144 = arith.index_cast %add3A_101 : i32 to index
        %get3A_145 = arith.constant 64 : index
        %get3A_146 = tpu.vector_load %arg9[%get3A_144, %get3A_145] {strides = array<i32>} : memref<128x256xf32, #tpu.memory_space<vmem>>, vector<1x16xf32>,
        %get3A_147 = vector.shape_cast %get3A_146 : vector<1x16xf32> to vector<16xf32>
        %mul3A_148 = arith.mulf %get3A_143, %get3A_147 : vector<16xf32>
        %add3A_149 = arith.addf %add3A_139, %mul3A_148 : vector<16xf32>
        %get3A_150 = arith.index_cast %mul3A_97 : i32 to index
        %get3A_151 = arith.constant 80 : index
        %get3A_152 = tpu.vector_load %arg9[%get3A_150, %get3A_151] {strides = array<i32>} : memref<128x256xf32, #tpu.memory_space<vmem>>, vector<1x16xf32>,
        %get3A_153 = vector.shape_cast %get3A_152 : vector<1x16xf32> to vector<16xf32>
        %get3A_154 = arith.index_cast %add3A_101 : i32 to index
        %get3A_155 = arith.constant 80 : index
        %get3A_156 = tpu.vector_load %arg9[%get3A_154, %get3A_155] {strides = array<i32>} : memref<128x256xf32, #tpu.memory_space<vmem>>, vector<1x16xf32>,
        %get3A_157 = vector.shape_cast %get3A_156 : vector<1x16xf32> to vector<16xf32>
        %mul3A_158 = arith.mulf %get3A_153, %get3A_157 : vector<16xf32>
        %add3A_159 = arith.addf %add3A_149, %mul3A_158 : vector<16xf32>
        %get3A_160 = arith.index_cast %mul3A_97 : i32 to index
        %get3A_161 = arith.constant 96 : index
        %get3A_162 = tpu.vector_load %arg9[%get3A_160, %get3A_161] {strides = array<i32>} : memref<128x256xf32, #tpu.memory_space<vmem>>, vector<1x16xf32>,
        %get3A_163 = vector.shape_cast %get3A_162 : vector<1x16xf32> to vector<16xf32>
        %get3A_164 = arith.index_cast %add3A_101 : i32 to index
        %get3A_165 = arith.constant 96 : index
        %get3A_166 = tpu.vector_load %arg9[%get3A_164, %get3A_165] {strides = array<i32>} : memref<128x256xf32, #tpu.memory_space<vmem>>, vector<1x16xf32>,
        %get3A_167 = vector.shape_cast %get3A_166 : vector<1x16xf32> to vector<16xf32>
        %mul3A_168 = arith.mulf %get3A_163, %get3A_167 : vector<16xf32>
        %add3A_169 = arith.addf %add3A_159, %mul3A_168 : vector<16xf32>
        %get3A_170 = arith.index_cast %mul3A_97 : i32 to index
        %get3A_171 = arith.constant 112 : index
        %get3A_172 = tpu.vector_load %arg9[%get3A_170, %get3A_171] {strides = array<i32>} : memref<128x256xf32, #tpu.memory_space<vmem>>, vector<1x16xf32>,
        %get3A_173 = vector.shape_cast %get3A_172 : vector<1x16xf32> to vector<16xf32>
        %get3A_174 = arith.index_cast %add3A_101 : i32 to index
        %get3A_175 = arith.constant 112 : index
        %get3A_176 = tpu.vector_load %arg9[%get3A_174, %get3A_175] {strides = array<i32>} : memref<128x256xf32, #tpu.memory_space<vmem>>, vector<1x16xf32>,
        %get3A_177 = vector.shape_cast %get3A_176 : vector<1x16xf32> to vector<16xf32>
        %mul3A_178 = arith.mulf %get3A_173, %get3A_177 : vector<16xf32>
        %add3A_179 = arith.addf %add3A_169, %mul3A_178 : vector<16xf32>
        %get3A_180 = arith.index_cast %mul3A_97 : i32 to index
        %get3A_181 = arith.constant 128 : index
        %get3A_182 = tpu.vector_load %arg9[%get3A_180, %get3A_181] {strides = array<i32>} : memref<128x256xf32, #tpu.memory_space<vmem>>, vector<1x16xf32>,
        %get3A_183 = vector.shape_cast %get3A_182 : vector<1x16xf32> to vector<16xf32>
        %get3A_184 = arith.index_cast %add3A_101 : i32 to index
        %get3A_185 = arith.constant 128 : index
        %get3A_186 = tpu.vector_load %arg9[%get3A_184, %get3A_185] {strides = array<i32>} : memref<128x256xf32, #tpu.memory_space<vmem>>, vector<1x16xf32>,
        %get3A_187 = vector.shape_cast %get3A_186 : vector<1x16xf32> to vector<16xf32>
        %mul3A_188 = arith.mulf %get3A_183, %get3A_187 : vector<16xf32>
        %add3A_189 = arith.addf %add3A_179, %mul3A_188 : vector<16xf32>
        %get3A_190 = arith.index_cast %mul3A_97 : i32 to index
        %get3A_191 = arith.constant 144 : index
        %get3A_192 = tpu.vector_load %arg9[%get3A_190, %get3A_191] {strides = array<i32>} : memref<128x256xf32, #tpu.memory_space<vmem>>, vector<1x16xf32>,
        %get3A_193 = vector.shape_cast %get3A_192 : vector<1x16xf32> to vector<16xf32>
        %get3A_194 = arith.index_cast %add3A_101 : i32 to index
        %get3A_195 = arith.constant 144 : index
        %get3A_196 = tpu.vector_load %arg9[%get3A_194, %get3A_195] {strides = array<i32>} : memref<128x256xf32, #tpu.memory_space<vmem>>, vector<1x16xf32>,
        %get3A_197 = vector.shape_cast %get3A_196 : vector<1x16xf32> to vector<16xf32>
        %mul3A_198 = arith.mulf %get3A_193, %get3A_197 : vector<16xf32>
        %add3A_199 = arith.addf %add3A_189, %mul3A_198 : vector<16xf32>
        %get3A_200 = arith.index_cast %mul3A_97 : i32 to index
        %get3A_201 = arith.constant 160 : index
        %get3A_202 = tpu.vector_load %arg9[%get3A_200, %get3A_201] {strides = array<i32>} : memref<128x256xf32, #tpu.memory_space<vmem>>, vector<1x16xf32>,
        %get3A_203 = vector.shape_cast %get3A_202 : vector<1x16xf32> to vector<16xf32>
        %get3A_204 = arith.index_cast %add3A_101 : i32 to index
        %get3A_205 = arith.constant 160 : index
        %get3A_206 = tpu.vector_load %arg9[%get3A_204, %get3A_205] {strides = array<i32>} : memref<128x256xf32, #tpu.memory_space<vmem>>, vector<1x16xf32>,
        %get3A_207 = vector.shape_cast %get3A_206 : vector<1x16xf32> to vector<16xf32>
        %mul3A_208 = arith.mulf %get3A_203, %get3A_207 : vector<16xf32>
        %add3A_209 = arith.addf %add3A_199, %mul3A_208 : vector<16xf32>
        %get3A_210 = arith.index_cast %mul3A_97 : i32 to index
        %get3A_211 = arith.constant 176 : index
        %get3A_212 = tpu.vector_load %arg9[%get3A_210, %get3A_211] {strides = array<i32>} : memref<128x256xf32, #tpu.memory_space<vmem>>, vector<1x16xf32>,
        %get3A_213 = vector.shape_cast %get3A_212 : vector<1x16xf32> to vector<16xf32>
        %get3A_214 = arith.index_cast %add3A_101 : i32 to index
        %get3A_215 = arith.constant 176 : index
        %get3A_216 = tpu.vector_load %arg9[%get3A_214, %get3A_215] {strides = array<i32>} : memref<128x256xf32, #tpu.memory_space<vmem>>, vector<1x16xf32>,
        %get3A_217 = vector.shape_cast %get3A_216 : vector<1x16xf32> to vector<16xf32>
        %mul3A_218 = arith.mulf %get3A_213, %get3A_217 : vector<16xf32>
        %add3A_219 = arith.addf %add3A_209, %mul3A_218 : vector<16xf32>
        %get3A_220 = arith.index_cast %mul3A_97 : i32 to index
        %get3A_221 = arith.constant 192 : index
        %get3A_222 = tpu.vector_load %arg9[%get3A_220, %get3A_221] {strides = array<i32>} : memref<128x256xf32, #tpu.memory_space<vmem>>, vector<1x16xf32>,
        %get3A_223 = vector.shape_cast %get3A_222 : vector<1x16xf32> to vector<16xf32>
        %get3A_224 = arith.index_cast %add3A_101 : i32 to index
        %get3A_225 = arith.constant 192 : index
        %get3A_226 = tpu.vector_load %arg9[%get3A_224, %get3A_225] {strides = array<i32>} : memref<128x256xf32, #tpu.memory_space<vmem>>, vector<1x16xf32>,
        %get3A_227 = vector.shape_cast %get3A_226 : vector<1x16xf32> to vector<16xf32>
        %mul3A_228 = arith.mulf %get3A_223, %get3A_227 : vector<16xf32>
        %add3A_229 = arith.addf %add3A_219, %mul3A_228 : vector<16xf32>
        %get3A_230 = arith.index_cast %mul3A_97 : i32 to index
        %get3A_231 = arith.constant 208 : index
        %get3A_232 = tpu.vector_load %arg9[%get3A_230, %get3A_231] {strides = array<i32>} : memref<128x256xf32, #tpu.memory_space<vmem>>, vector<1x16xf32>,
        %get3A_233 = vector.shape_cast %get3A_232 : vector<1x16xf32> to vector<16xf32>
        %get3A_234 = arith.index_cast %add3A_101 : i32 to index
        %get3A_235 = arith.constant 208 : index
        %get3A_236 = tpu.vector_load %arg9[%get3A_234, %get3A_235] {strides = array<i32>} : memref<128x256xf32, #tpu.memory_space<vmem>>, vector<1x16xf32>,
        %get3A_237 = vector.shape_cast %get3A_236 : vector<1x16xf32> to vector<16xf32>
        %mul3A_238 = arith.mulf %get3A_233, %get3A_237 : vector<16xf32>
        %add3A_239 = arith.addf %add3A_229, %mul3A_238 : vector<16xf32>
        %get3A_240 = arith.index_cast %mul3A_97 : i32 to index
        %get3A_241 = arith.constant 224 : index
        %get3A_242 = tpu.vector_load %arg9[%get3A_240, %get3A_241] {strides = array<i32>} : memref<128x256xf32, #tpu.memory_space<vmem>>, vector<1x16xf32>,
        %get3A_243 = vector.shape_cast %get3A_242 : vector<1x16xf32> to vector<16xf32>
        %get3A_244 = arith.index_cast %add3A_101 : i32 to index
        %get3A_245 = arith.constant 224 : index
        %get3A_246 = tpu.vector_load %arg9[%get3A_244, %get3A_245] {strides = array<i32>} : memref<128x256xf32, #tpu.memory_space<vmem>>, vector<1x16xf32>,
        %get3A_247 = vector.shape_cast %get3A_246 : vector<1x16xf32> to vector<16xf32>
        %mul3A_248 = arith.mulf %get3A_243, %get3A_247 : vector<16xf32>
        %add3A_249 = arith.addf %add3A_239, %mul3A_248 : vector<16xf32>
        %get3A_250 = arith.index_cast %mul3A_97 : i32 to index
        %get3A_251 = arith.constant 240 : index
        %get3A_252 = tpu.vector_load %arg9[%get3A_250, %get3A_251] {strides = array<i32>} : memref<128x256xf32, #tpu.memory_space<vmem>>, vector<1x16xf32>,
        %get3A_253 = vector.shape_cast %get3A_252 : vector<1x16xf32> to vector<16xf32>
        %get3A_254 = arith.index_cast %add3A_101 : i32 to index
        %get3A_255 = arith.constant 240 : index
        %get3A_256 = tpu.vector_load %arg9[%get3A_254, %get3A_255] {strides = array<i32>} : memref<128x256xf32, #tpu.memory_space<vmem>>, vector<1x16xf32>,
        %get3A_257 = vector.shape_cast %get3A_256 : vector<1x16xf32> to vector<16xf32>
        %mul3A_258 = arith.mulf %get3A_253, %get3A_257 : vector<16xf32>
        %add3A_259 = arith.addf %add3A_249, %mul3A_258 : vector<16xf32>
        %slice3A = vector.extract_strided_slice %add3A_259 {offsets = [0], sizes = [1], strides = [1]} : vector<16xf32> to vector<1xf32>
        %squeeze3A = vector.extract %slice3A[0] : f32 from vector<1xf32>
        %slice3A_260 = vector.extract_strided_slice %add3A_259 {offsets = [1], sizes = [1], strides = [1]} : vector<16xf32> to vector<1xf32>
        %squeeze3A_261 = vector.extract %slice3A_260[0] : f32 from vector<1xf32>
        %add3A_262 = arith.addf %squeeze3A, %squeeze3A_261 : f32
        %slice3A_263 = vector.extract_strided_slice %add3A_259 {offsets = [2], sizes = [1], strides = [1]} : vector<16xf32> to vector<1xf32>
        %squeeze3A_264 = vector.extract %slice3A_263[0] : f32 from vector<1xf32>
        %add3A_265 = arith.addf %add3A_262, %squeeze3A_264 : f32
        %slice3A_266 = vector.extract_strided_slice %add3A_259 {offsets = [3], sizes = [1], strides = [1]} : vector<16xf32> to vector<1xf32>
        %squeeze3A_267 = vector.extract %slice3A_266[0] : f32 from vector<1xf32>
        %add3A_268 = arith.addf %add3A_265, %squeeze3A_267 : f32
        %slice3A_269 = vector.extract_strided_slice %add3A_259 {offsets = [4], sizes = [1], strides = [1]} : vector<16xf32> to vector<1xf32>
        %squeeze3A_270 = vector.extract %slice3A_269[0] : f32 from vector<1xf32>
        %add3A_271 = arith.addf %add3A_268, %squeeze3A_270 : f32
        %slice3A_272 = vector.extract_strided_slice %add3A_259 {offsets = [5], sizes = [1], strides = [1]} : vector<16xf32> to vector<1xf32>
        %squeeze3A_273 = vector.extract %slice3A_272[0] : f32 from vector<1xf32>
        %add3A_274 = arith.addf %add3A_271, %squeeze3A_273 : f32
        %slice3A_275 = vector.extract_strided_slice %add3A_259 {offsets = [6], sizes = [1], strides = [1]} : vector<16xf32> to vector<1xf32>
        %squeeze3A_276 = vector.extract %slice3A_275[0] : f32 from vector<1xf32>
        %add3A_277 = arith.addf %add3A_274, %squeeze3A_276 : f32
        %slice3A_278 = vector.extract_strided_slice %add3A_259 {offsets = [7], sizes = [1], strides = [1]} : vector<16xf32> to vector<1xf32>
        %squeeze3A_279 = vector.extract %slice3A_278[0] : f32 from vector<1xf32>
        %add3A_280 = arith.addf %add3A_277, %squeeze3A_279 : f32
        %slice3A_281 = vector.extract_strided_slice %add3A_259 {offsets = [8], sizes = [1], strides = [1]} : vector<16xf32> to vector<1xf32>
        %squeeze3A_282 = vector.extract %slice3A_281[0] : f32 from vector<1xf32>
        %add3A_283 = arith.addf %add3A_280, %squeeze3A_282 : f32
        %slice3A_284 = vector.extract_strided_slice %add3A_259 {offsets = [9], sizes = [1], strides = [1]} : vector<16xf32> to vector<1xf32>
        %squeeze3A_285 = vector.extract %slice3A_284[0] : f32 from vector<1xf32>
        %add3A_286 = arith.addf %add3A_283, %squeeze3A_285 : f32
        %slice3A_287 = vector.extract_strided_slice %add3A_259 {offsets = [10], sizes = [1], strides = [1]} : vector<16xf32> to vector<1xf32>
        %squeeze3A_288 = vector.extract %slice3A_287[0] : f32 from vector<1xf32>
        %add3A_289 = arith.addf %add3A_286, %squeeze3A_288 : f32
        %slice3A_290 = vector.extract_strided_slice %add3A_259 {offsets = [11], sizes = [1], strides = [1]} : vector<16xf32> to vector<1xf32>
        %squeeze3A_291 = vector.extract %slice3A_290[0] : f32 from vector<1xf32>
        %add3A_292 = arith.addf %add3A_289, %squeeze3A_291 : f32
        %slice3A_293 = vector.extract_strided_slice %add3A_259 {offsets = [12], sizes = [1], strides = [1]} : vector<16xf32> to vector<1xf32>
        %squeeze3A_294 = vector.extract %slice3A_293[0] : f32 from vector<1xf32>
        %add3A_295 = arith.addf %add3A_292, %squeeze3A_294 : f32
        %slice3A_296 = vector.extract_strided_slice %add3A_259 {offsets = [13], sizes = [1], strides = [1]} : vector<16xf32> to vector<1xf32>
        %squeeze3A_297 = vector.extract %slice3A_296[0] : f32 from vector<1xf32>
        %add3A_298 = arith.addf %add3A_295, %squeeze3A_297 : f32
        %slice3A_299 = vector.extract_strided_slice %add3A_259 {offsets = [14], sizes = [1], strides = [1]} : vector<16xf32> to vector<1xf32>
        %squeeze3A_300 = vector.extract %slice3A_299[0] : f32 from vector<1xf32>
        %add3A_301 = arith.addf %add3A_298, %squeeze3A_300 : f32
        %slice3A_302 = vector.extract_strided_slice %add3A_259 {offsets = [15], sizes = [1], strides = [1]} : vector<16xf32> to vector<1xf32>
        %squeeze3A_303 = vector.extract %slice3A_302[0] : f32 from vector<1xf32>
        %add3A_304 = arith.addf %add3A_301, %squeeze3A_303 : f32
        %get3A_305 = arith.index_cast %mul3A_97 : i32 to index
        %get3A_306 = arith.constant 0 : index
        %get3A_307 = tpu.vector_load %arg10[%get3A_305, %get3A_306] {strides = array<i32>} : memref<128x128xf32, #tpu.memory_space<vmem>>, vector<1x128xf32>,
        %get3A_308 = vector.shape_cast %get3A_307 : vector<1x128xf32> to vector<128xf32>
        %get3A_309 = arith.index_cast %add3A_101 : i32 to index
        %get3A_310 = arith.constant 0 : index
        %get3A_311 = tpu.vector_load %arg10[%get3A_309, %get3A_310] {strides = array<i32>} : memref<128x128xf32, #tpu.memory_space<vmem>>, vector<1x128xf32>,
        %get3A_312 = vector.shape_cast %get3A_311 : vector<1x128xf32> to vector<128xf32>
        %mul3A_313 = arith.mulf %get3A_308, %get3A_312 : vector<128xf32>
        %slice3A_314 = vector.extract_strided_slice %mul3A_313 {offsets = [2], sizes = [1], strides = [1]} : vector<128xf32> to vector<1xf32>
        %squeeze3A_315 = vector.extract %slice3A_314[0] : f32 from vector<1xf32>
        %mul3A_316 = arith.mulf %add3A_304, %squeeze3A_315 : f32
        %slice3A_317 = vector.extract_strided_slice %mul3A_313 {offsets = [0], sizes = [1], strides = [1]} : vector<128xf32> to vector<1xf32>
        %squeeze3A_318 = vector.extract %slice3A_317[0] : f32 from vector<1xf32>
        %slice3A_319 = vector.extract_strided_slice %mul3A_313 {offsets = [1], sizes = [1], strides = [1]} : vector<128xf32> to vector<1xf32>
        %squeeze3A_320 = vector.extract %slice3A_319[0] : f32 from vector<1xf32>
        %add3A_321 = arith.addf %squeeze3A_318, %squeeze3A_320 : f32
        %get3A_322 = arith.index_cast %mul3A_97 : i32 to index
        %get3A_323 = arith.constant 0 : index
        %get3A_324 = tpu.vector_load %arg10[%get3A_322, %get3A_323] {strides = array<i32>} : memref<128x128xf32, #tpu.memory_space<vmem>>, vector<1x128xf32>,
        %get3A_325 = vector.shape_cast %get3A_324 : vector<1x128xf32> to vector<128xf32>
        %slice3A_326 = vector.extract_strided_slice %get3A_325 {offsets = [3], sizes = [1], strides = [1]} : vector<128xf32> to vector<1xf32>
        %squeeze3A_327 = vector.extract %slice3A_326[0] : f32 from vector<1xf32>
        %sub3A = arith.constant 1.000000e+00 : f32
        %sub3A_328 = arith.subf %mul3A_316, %sub3A : f32
        %sub3A_329 = arith.subf %mul3A_316, %squeeze3A_327 : f32
        %max3A = arith.constant 0.000000e+00 : f32
        %max3A_330 = arith.maximumf %sub3A_329, %max3A : f32
        %mul3A_331 = arith.mulf %sub3A_328, %sub3A_328 : f32
        %mul3A_332 = arith.mulf %mul3A_331, %add3A_321 : f32
        %mul3A_333 = arith.mulf %max3A_330, %max3A_330 : f32
        %sub3A_334 = arith.constant 1.000000e+00 : f32
        %sub3A_335 = arith.subf %sub3A_334, %add3A_321 : f32
        %mul3A_336 = arith.mulf %mul3A_333, %sub3A_335 : f32
        %add3A_337 = arith.addf %mul3A_332, %mul3A_336 : f32
        %mul3A_338 = arith.constant 64 : i32
        %mul3A_339 = arith.muli %add3A_80, %mul3A_338 : i32
        %add3A_340 = arith.addi %mul3A_339, %mul3A_95 : i32
        %lt3A_341 = arith.constant 3125 : i32
        %lt3A_342 = arith.cmpi slt, %add3A_340, %lt3A_341 : i32
        %jit3A_343 = arith.constant 0.000000e+00 : f32
        %select_n3A_344 = arith.select %lt3A_342, %add3A_337, %jit3A_343 : f32
        %add3A_345 = arith.addf %scan3A_93, %select_n3A_344 : f32
        %mul3A_346 = arith.constant 2 : i32
        %mul3A_347 = arith.muli %mul3A_346, %scan3A_92 : i32
        %add3A_348 = arith.constant 1 : i32
        %add3A_349 = arith.addi %mul3A_347, %add3A_348 : i32
        %mul3A_350 = arith.constant 2 : i32
        %mul3A_351 = arith.muli %mul3A_350, %add3A_349 : i32
        %mul3A_352 = arith.constant 2 : i32
        %mul3A_353 = arith.muli %mul3A_352, %add3A_349 : i32
        %add3A_354 = arith.constant 1 : i32
        %add3A_355 = arith.addi %mul3A_353, %add3A_354 : i32
        %get3A_356 = arith.index_cast %mul3A_351 : i32 to index
        %get3A_357 = arith.constant 0 : index
        %get3A_358 = tpu.vector_load %arg9[%get3A_356, %get3A_357] {strides = array<i32>} : memref<128x256xf32, #tpu.memory_space<vmem>>, vector<1x16xf32>,
        %get3A_359 = vector.shape_cast %get3A_358 : vector<1x16xf32> to vector<16xf32>
        %get3A_360 = arith.index_cast %add3A_355 : i32 to index
        %get3A_361 = arith.constant 0 : index
        %get3A_362 = tpu.vector_load %arg9[%get3A_360, %get3A_361] {strides = array<i32>} : memref<128x256xf32, #tpu.memory_space<vmem>>, vector<1x16xf32>,
        %get3A_363 = vector.shape_cast %get3A_362 : vector<1x16xf32> to vector<16xf32>
        %mul3A_364 = arith.mulf %get3A_359, %get3A_363 : vector<16xf32>
        %get3A_365 = arith.index_cast %mul3A_351 : i32 to index
        %get3A_366 = arith.constant 16 : index
        %get3A_367 = tpu.vector_load %arg9[%get3A_365, %get3A_366] {strides = array<i32>} : memref<128x256xf32, #tpu.memory_space<vmem>>, vector<1x16xf32>,
        %get3A_368 = vector.shape_cast %get3A_367 : vector<1x16xf32> to vector<16xf32>
        %get3A_369 = arith.index_cast %add3A_355 : i32 to index
        %get3A_370 = arith.constant 16 : index
        %get3A_371 = tpu.vector_load %arg9[%get3A_369, %get3A_370] {strides = array<i32>} : memref<128x256xf32, #tpu.memory_space<vmem>>, vector<1x16xf32>,
        %get3A_372 = vector.shape_cast %get3A_371 : vector<1x16xf32> to vector<16xf32>
        %mul3A_373 = arith.mulf %get3A_368, %get3A_372 : vector<16xf32>
        %add3A_374 = arith.addf %mul3A_364, %mul3A_373 : vector<16xf32>
        %get3A_375 = arith.index_cast %mul3A_351 : i32 to index
        %get3A_376 = arith.constant 32 : index
        %get3A_377 = tpu.vector_load %arg9[%get3A_375, %get3A_376] {strides = array<i32>} : memref<128x256xf32, #tpu.memory_space<vmem>>, vector<1x16xf32>,
        %get3A_378 = vector.shape_cast %get3A_377 : vector<1x16xf32> to vector<16xf32>
        %get3A_379 = arith.index_cast %add3A_355 : i32 to index
        %get3A_380 = arith.constant 32 : index
        %get3A_381 = tpu.vector_load %arg9[%get3A_379, %get3A_380] {strides = array<i32>} : memref<128x256xf32, #tpu.memory_space<vmem>>, vector<1x16xf32>,
        %get3A_382 = vector.shape_cast %get3A_381 : vector<1x16xf32> to vector<16xf32>
        %mul3A_383 = arith.mulf %get3A_378, %get3A_382 : vector<16xf32>
        %add3A_384 = arith.addf %add3A_374, %mul3A_383 : vector<16xf32>
        %get3A_385 = arith.index_cast %mul3A_351 : i32 to index
        %get3A_386 = arith.constant 48 : index
        %get3A_387 = tpu.vector_load %arg9[%get3A_385, %get3A_386] {strides = array<i32>} : memref<128x256xf32, #tpu.memory_space<vmem>>, vector<1x16xf32>,
        %get3A_388 = vector.shape_cast %get3A_387 : vector<1x16xf32> to vector<16xf32>
        %get3A_389 = arith.index_cast %add3A_355 : i32 to index
        %get3A_390 = arith.constant 48 : index
        %get3A_391 = tpu.vector_load %arg9[%get3A_389, %get3A_390] {strides = array<i32>} : memref<128x256xf32, #tpu.memory_space<vmem>>, vector<1x16xf32>,
        %get3A_392 = vector.shape_cast %get3A_391 : vector<1x16xf32> to vector<16xf32>
        %mul3A_393 = arith.mulf %get3A_388, %get3A_392 : vector<16xf32>
        %add3A_394 = arith.addf %add3A_384, %mul3A_393 : vector<16xf32>
        %get3A_395 = arith.index_cast %mul3A_351 : i32 to index
        %get3A_396 = arith.constant 64 : index
        %get3A_397 = tpu.vector_load %arg9[%get3A_395, %get3A_396] {strides = array<i32>} : memref<128x256xf32, #tpu.memory_space<vmem>>, vector<1x16xf32>,
        %get3A_398 = vector.shape_cast %get3A_397 : vector<1x16xf32> to vector<16xf32>
        %get3A_399 = arith.index_cast %add3A_355 : i32 to index
        %get3A_400 = arith.constant 64 : index
        %get3A_401 = tpu.vector_load %arg9[%get3A_399, %get3A_400] {strides = array<i32>} : memref<128x256xf32, #tpu.memory_space<vmem>>, vector<1x16xf32>,
        %get3A_402 = vector.shape_cast %get3A_401 : vector<1x16xf32> to vector<16xf32>
        %mul3A_403 = arith.mulf %get3A_398, %get3A_402 : vector<16xf32>
        %add3A_404 = arith.addf %add3A_394, %mul3A_403 : vector<16xf32>
        %get3A_405 = arith.index_cast %mul3A_351 : i32 to index
        %get3A_406 = arith.constant 80 : index
        %get3A_407 = tpu.vector_load %arg9[%get3A_405, %get3A_406] {strides = array<i32>} : memref<128x256xf32, #tpu.memory_space<vmem>>, vector<1x16xf32>,
        %get3A_408 = vector.shape_cast %get3A_407 : vector<1x16xf32> to vector<16xf32>
        %get3A_409 = arith.index_cast %add3A_355 : i32 to index
        %get3A_410 = arith.constant 80 : index
        %get3A_411 = tpu.vector_load %arg9[%get3A_409, %get3A_410] {strides = array<i32>} : memref<128x256xf32, #tpu.memory_space<vmem>>, vector<1x16xf32>,
        %get3A_412 = vector.shape_cast %get3A_411 : vector<1x16xf32> to vector<16xf32>
        %mul3A_413 = arith.mulf %get3A_408, %get3A_412 : vector<16xf32>
        %add3A_414 = arith.addf %add3A_404, %mul3A_413 : vector<16xf32>
        %get3A_415 = arith.index_cast %mul3A_351 : i32 to index
        %get3A_416 = arith.constant 96 : index
        %get3A_417 = tpu.vector_load %arg9[%get3A_415, %get3A_416] {strides = array<i32>} : memref<128x256xf32, #tpu.memory_space<vmem>>, vector<1x16xf32>,
        %get3A_418 = vector.shape_cast %get3A_417 : vector<1x16xf32> to vector<16xf32>
        %get3A_419 = arith.index_cast %add3A_355 : i32 to index
        %get3A_420 = arith.constant 96 : index
        %get3A_421 = tpu.vector_load %arg9[%get3A_419, %get3A_420] {strides = array<i32>} : memref<128x256xf32, #tpu.memory_space<vmem>>, vector<1x16xf32>,
        %get3A_422 = vector.shape_cast %get3A_421 : vector<1x16xf32> to vector<16xf32>
        %mul3A_423 = arith.mulf %get3A_418, %get3A_422 : vector<16xf32>
        %add3A_424 = arith.addf %add3A_414, %mul3A_423 : vector<16xf32>
        %get3A_425 = arith.index_cast %mul3A_351 : i32 to index
        %get3A_426 = arith.constant 112 : index
        %get3A_427 = tpu.vector_load %arg9[%get3A_425, %get3A_426] {strides = array<i32>} : memref<128x256xf32, #tpu.memory_space<vmem>>, vector<1x16xf32>,
        %get3A_428 = vector.shape_cast %get3A_427 : vector<1x16xf32> to vector<16xf32>
        %get3A_429 = arith.index_cast %add3A_355 : i32 to index
        %get3A_430 = arith.constant 112 : index
        %get3A_431 = tpu.vector_load %arg9[%get3A_429, %get3A_430] {strides = array<i32>} : memref<128x256xf32, #tpu.memory_space<vmem>>, vector<1x16xf32>,
        %get3A_432 = vector.shape_cast %get3A_431 : vector<1x16xf32> to vector<16xf32>
        %mul3A_433 = arith.mulf %get3A_428, %get3A_432 : vector<16xf32>
        %add3A_434 = arith.addf %add3A_424, %mul3A_433 : vector<16xf32>
        %get3A_435 = arith.index_cast %mul3A_351 : i32 to index
        %get3A_436 = arith.constant 128 : index
        %get3A_437 = tpu.vector_load %arg9[%get3A_435, %get3A_436] {strides = array<i32>} : memref<128x256xf32, #tpu.memory_space<vmem>>, vector<1x16xf32>,
        %get3A_438 = vector.shape_cast %get3A_437 : vector<1x16xf32> to vector<16xf32>
        %get3A_439 = arith.index_cast %add3A_355 : i32 to index
        %get3A_440 = arith.constant 128 : index
        %get3A_441 = tpu.vector_load %arg9[%get3A_439, %get3A_440] {strides = array<i32>} : memref<128x256xf32, #tpu.memory_space<vmem>>, vector<1x16xf32>,
        %get3A_442 = vector.shape_cast %get3A_441 : vector<1x16xf32> to vector<16xf32>
        %mul3A_443 = arith.mulf %get3A_438, %get3A_442 : vector<16xf32>
        %add3A_444 = arith.addf %add3A_434, %mul3A_443 : vector<16xf32>
        %get3A_445 = arith.index_cast %mul3A_351 : i32 to index
        %get3A_446 = arith.constant 144 : index
        %get3A_447 = tpu.vector_load %arg9[%get3A_445, %get3A_446] {strides = array<i32>} : memref<128x256xf32, #tpu.memory_space<vmem>>, vector<1x16xf32>,
        %get3A_448 = vector.shape_cast %get3A_447 : vector<1x16xf32> to vector<16xf32>
        %get3A_449 = arith.index_cast %add3A_355 : i32 to index
        %get3A_450 = arith.constant 144 : index
        %get3A_451 = tpu.vector_load %arg9[%get3A_449, %get3A_450] {strides = array<i32>} : memref<128x256xf32, #tpu.memory_space<vmem>>, vector<1x16xf32>,
        %get3A_452 = vector.shape_cast %get3A_451 : vector<1x16xf32> to vector<16xf32>
        %mul3A_453 = arith.mulf %get3A_448, %get3A_452 : vector<16xf32>
        %add3A_454 = arith.addf %add3A_444, %mul3A_453 : vector<16xf32>
        %get3A_455 = arith.index_cast %mul3A_351 : i32 to index
        %get3A_456 = arith.constant 160 : index
        %get3A_457 = tpu.vector_load %arg9[%get3A_455, %get3A_456] {strides = array<i32>} : memref<128x256xf32, #tpu.memory_space<vmem>>, vector<1x16xf32>,
        %get3A_458 = vector.shape_cast %get3A_457 : vector<1x16xf32> to vector<16xf32>
        %get3A_459 = arith.index_cast %add3A_355 : i32 to index
        %get3A_460 = arith.constant 160 : index
        %get3A_461 = tpu.vector_load %arg9[%get3A_459, %get3A_460] {strides = array<i32>} : memref<128x256xf32, #tpu.memory_space<vmem>>, vector<1x16xf32>,
        %get3A_462 = vector.shape_cast %get3A_461 : vector<1x16xf32> to vector<16xf32>
        %mul3A_463 = arith.mulf %get3A_458, %get3A_462 : vector<16xf32>
        %add3A_464 = arith.addf %add3A_454, %mul3A_463 : vector<16xf32>
        %get3A_465 = arith.index_cast %mul3A_351 : i32 to index
        %get3A_466 = arith.constant 176 : index
        %get3A_467 = tpu.vector_load %arg9[%get3A_465, %get3A_466] {strides = array<i32>} : memref<128x256xf32, #tpu.memory_space<vmem>>, vector<1x16xf32>,
        %get3A_468 = vector.shape_cast %get3A_467 : vector<1x16xf32> to vector<16xf32>
        %get3A_469 = arith.index_cast %add3A_355 : i32 to index
        %get3A_470 = arith.constant 176 : index
        %get3A_471 = tpu.vector_load %arg9[%get3A_469, %get3A_470] {strides = array<i32>} : memref<128x256xf32, #tpu.memory_space<vmem>>, vector<1x16xf32>,
        %get3A_472 = vector.shape_cast %get3A_471 : vector<1x16xf32> to vector<16xf32>
        %mul3A_473 = arith.mulf %get3A_468, %get3A_472 : vector<16xf32>
        %add3A_474 = arith.addf %add3A_464, %mul3A_473 : vector<16xf32>
        %get3A_475 = arith.index_cast %mul3A_351 : i32 to index
        %get3A_476 = arith.constant 192 : index
        %get3A_477 = tpu.vector_load %arg9[%get3A_475, %get3A_476] {strides = array<i32>} : memref<128x256xf32, #tpu.memory_space<vmem>>, vector<1x16xf32>,
        %get3A_478 = vector.shape_cast %get3A_477 : vector<1x16xf32> to vector<16xf32>
        %get3A_479 = arith.index_cast %add3A_355 : i32 to index
        %get3A_480 = arith.constant 192 : index
        %get3A_481 = tpu.vector_load %arg9[%get3A_479, %get3A_480] {strides = array<i32>} : memref<128x256xf32, #tpu.memory_space<vmem>>, vector<1x16xf32>,
        %get3A_482 = vector.shape_cast %get3A_481 : vector<1x16xf32> to vector<16xf32>
        %mul3A_483 = arith.mulf %get3A_478, %get3A_482 : vector<16xf32>
        %add3A_484 = arith.addf %add3A_474, %mul3A_483 : vector<16xf32>
        %get3A_485 = arith.index_cast %mul3A_351 : i32 to index
        %get3A_486 = arith.constant 208 : index
        %get3A_487 = tpu.vector_load %arg9[%get3A_485, %get3A_486] {strides = array<i32>} : memref<128x256xf32, #tpu.memory_space<vmem>>, vector<1x16xf32>,
        %get3A_488 = vector.shape_cast %get3A_487 : vector<1x16xf32> to vector<16xf32>
        %get3A_489 = arith.index_cast %add3A_355 : i32 to index
        %get3A_490 = arith.constant 208 : index
        %get3A_491 = tpu.vector_load %arg9[%get3A_489, %get3A_490] {strides = array<i32>} : memref<128x256xf32, #tpu.memory_space<vmem>>, vector<1x16xf32>,
        %get3A_492 = vector.shape_cast %get3A_491 : vector<1x16xf32> to vector<16xf32>
        %mul3A_493 = arith.mulf %get3A_488, %get3A_492 : vector<16xf32>
        %add3A_494 = arith.addf %add3A_484, %mul3A_493 : vector<16xf32>
        %get3A_495 = arith.index_cast %mul3A_351 : i32 to index
        %get3A_496 = arith.constant 224 : index
        %get3A_497 = tpu.vector_load %arg9[%get3A_495, %get3A_496] {strides = array<i32>} : memref<128x256xf32, #tpu.memory_space<vmem>>, vector<1x16xf32>,
        %get3A_498 = vector.shape_cast %get3A_497 : vector<1x16xf32> to vector<16xf32>
        %get3A_499 = arith.index_cast %add3A_355 : i32 to index
        %get3A_500 = arith.constant 224 : index
        %get3A_501 = tpu.vector_load %arg9[%get3A_499, %get3A_500] {strides = array<i32>} : memref<128x256xf32, #tpu.memory_space<vmem>>, vector<1x16xf32>,
        %get3A_502 = vector.shape_cast %get3A_501 : vector<1x16xf32> to vector<16xf32>
        %mul3A_503 = arith.mulf %get3A_498, %get3A_502 : vector<16xf32>
        %add3A_504 = arith.addf %add3A_494, %mul3A_503 : vector<16xf32>
        %get3A_505 = arith.index_cast %mul3A_351 : i32 to index
        %get3A_506 = arith.constant 240 : index
        %get3A_507 = tpu.vector_load %arg9[%get3A_505, %get3A_506] {strides = array<i32>} : memref<128x256xf32, #tpu.memory_space<vmem>>, vector<1x16xf32>,
        %get3A_508 = vector.shape_cast %get3A_507 : vector<1x16xf32> to vector<16xf32>
        %get3A_509 = arith.index_cast %add3A_355 : i32 to index
        %get3A_510 = arith.constant 240 : index
        %get3A_511 = tpu.vector_load %arg9[%get3A_509, %get3A_510] {strides = array<i32>} : memref<128x256xf32, #tpu.memory_space<vmem>>, vector<1x16xf32>,
        %get3A_512 = vector.shape_cast %get3A_511 : vector<1x16xf32> to vector<16xf32>
        %mul3A_513 = arith.mulf %get3A_508, %get3A_512 : vector<16xf32>
        %add3A_514 = arith.addf %add3A_504, %mul3A_513 : vector<16xf32>
        %slice3A_515 = vector.extract_strided_slice %add3A_514 {offsets = [0], sizes = [1], strides = [1]} : vector<16xf32> to vector<1xf32>
        %squeeze3A_516 = vector.extract %slice3A_515[0] : f32 from vector<1xf32>
        %slice3A_517 = vector.extract_strided_slice %add3A_514 {offsets = [1], sizes = [1], strides = [1]} : vector<16xf32> to vector<1xf32>
        %squeeze3A_518 = vector.extract %slice3A_517[0] : f32 from vector<1xf32>
        %add3A_519 = arith.addf %squeeze3A_516, %squeeze3A_518 : f32
        %slice3A_520 = vector.extract_strided_slice %add3A_514 {offsets = [2], sizes = [1], strides = [1]} : vector<16xf32> to vector<1xf32>
        %squeeze3A_521 = vector.extract %slice3A_520[0] : f32 from vector<1xf32>
        %add3A_522 = arith.addf %add3A_519, %squeeze3A_521 : f32
        %slice3A_523 = vector.extract_strided_slice %add3A_514 {offsets = [3], sizes = [1], strides = [1]} : vector<16xf32> to vector<1xf32>
        %squeeze3A_524 = vector.extract %slice3A_523[0] : f32 from vector<1xf32>
        %add3A_525 = arith.addf %add3A_522, %squeeze3A_524 : f32
        %slice3A_526 = vector.extract_strided_slice %add3A_514 {offsets = [4], sizes = [1], strides = [1]} : vector<16xf32> to vector<1xf32>
        %squeeze3A_527 = vector.extract %slice3A_526[0] : f32 from vector<1xf32>
        %add3A_528 = arith.addf %add3A_525, %squeeze3A_527 : f32
        %slice3A_529 = vector.extract_strided_slice %add3A_514 {offsets = [5], sizes = [1], strides = [1]} : vector<16xf32> to vector<1xf32>
        %squeeze3A_530 = vector.extract %slice3A_529[0] : f32 from vector<1xf32>
        %add3A_531 = arith.addf %add3A_528, %squeeze3A_530 : f32
        %slice3A_532 = vector.extract_strided_slice %add3A_514 {offsets = [6], sizes = [1], strides = [1]} : vector<16xf32> to vector<1xf32>
        %squeeze3A_533 = vector.extract %slice3A_532[0] : f32 from vector<1xf32>
        %add3A_534 = arith.addf %add3A_531, %squeeze3A_533 : f32
        %slice3A_535 = vector.extract_strided_slice %add3A_514 {offsets = [7], sizes = [1], strides = [1]} : vector<16xf32> to vector<1xf32>
        %squeeze3A_536 = vector.extract %slice3A_535[0] : f32 from vector<1xf32>
        %add3A_537 = arith.addf %add3A_534, %squeeze3A_536 : f32
        %slice3A_538 = vector.extract_strided_slice %add3A_514 {offsets = [8], sizes = [1], strides = [1]} : vector<16xf32> to vector<1xf32>
        %squeeze3A_539 = vector.extract %slice3A_538[0] : f32 from vector<1xf32>
        %add3A_540 = arith.addf %add3A_537, %squeeze3A_539 : f32
        %slice3A_541 = vector.extract_strided_slice %add3A_514 {offsets = [9], sizes = [1], strides = [1]} : vector<16xf32> to vector<1xf32>
        %squeeze3A_542 = vector.extract %slice3A_541[0] : f32 from vector<1xf32>
        %add3A_543 = arith.addf %add3A_540, %squeeze3A_542 : f32
        %slice3A_544 = vector.extract_strided_slice %add3A_514 {offsets = [10], sizes = [1], strides = [1]} : vector<16xf32> to vector<1xf32>
        %squeeze3A_545 = vector.extract %slice3A_544[0] : f32 from vector<1xf32>
        %add3A_546 = arith.addf %add3A_543, %squeeze3A_545 : f32
        %slice3A_547 = vector.extract_strided_slice %add3A_514 {offsets = [11], sizes = [1], strides = [1]} : vector<16xf32> to vector<1xf32>
        %squeeze3A_548 = vector.extract %slice3A_547[0] : f32 from vector<1xf32>
        %add3A_549 = arith.addf %add3A_546, %squeeze3A_548 : f32
        %slice3A_550 = vector.extract_strided_slice %add3A_514 {offsets = [12], sizes = [1], strides = [1]} : vector<16xf32> to vector<1xf32>
        %squeeze3A_551 = vector.extract %slice3A_550[0] : f32 from vector<1xf32>
        %add3A_552 = arith.addf %add3A_549, %squeeze3A_551 : f32
        %slice3A_553 = vector.extract_strided_slice %add3A_514 {offsets = [13], sizes = [1], strides = [1]} : vector<16xf32> to vector<1xf32>
        %squeeze3A_554 = vector.extract %slice3A_553[0] : f32 from vector<1xf32>
        %add3A_555 = arith.addf %add3A_552, %squeeze3A_554 : f32
        %slice3A_556 = vector.extract_strided_slice %add3A_514 {offsets = [14], sizes = [1], strides = [1]} : vector<16xf32> to vector<1xf32>
        %squeeze3A_557 = vector.extract %slice3A_556[0] : f32 from vector<1xf32>
        %add3A_558 = arith.addf %add3A_555, %squeeze3A_557 : f32
        %slice3A_559 = vector.extract_strided_slice %add3A_514 {offsets = [15], sizes = [1], strides = [1]} : vector<16xf32> to vector<1xf32>
        %squeeze3A_560 = vector.extract %slice3A_559[0] : f32 from vector<1xf32>
        %add3A_561 = arith.addf %add3A_558, %squeeze3A_560 : f32
        %get3A_562 = arith.index_cast %mul3A_351 : i32 to index
        %get3A_563 = arith.constant 0 : index
        %get3A_564 = tpu.vector_load %arg10[%get3A_562, %get3A_563] {strides = array<i32>} : memref<128x128xf32, #tpu.memory_space<vmem>>, vector<1x128xf32>,
        %get3A_565 = vector.shape_cast %get3A_564 : vector<1x128xf32> to vector<128xf32>
        %get3A_566 = arith.index_cast %add3A_355 : i32 to index
        %get3A_567 = arith.constant 0 : index
        %get3A_568 = tpu.vector_load %arg10[%get3A_566, %get3A_567] {strides = array<i32>} : memref<128x128xf32, #tpu.memory_space<vmem>>, vector<1x128xf32>,
        %get3A_569 = vector.shape_cast %get3A_568 : vector<1x128xf32> to vector<128xf32>
        %mul3A_570 = arith.mulf %get3A_565, %get3A_569 : vector<128xf32>
        %slice3A_571 = vector.extract_strided_slice %mul3A_570 {offsets = [2], sizes = [1], strides = [1]} : vector<128xf32> to vector<1xf32>
        %squeeze3A_572 = vector.extract %slice3A_571[0] : f32 from vector<1xf32>
        %mul3A_573 = arith.mulf %add3A_561, %squeeze3A_572 : f32
        %slice3A_574 = vector.extract_strided_slice %mul3A_570 {offsets = [0], sizes = [1], strides = [1]} : vector<128xf32> to vector<1xf32>
        %squeeze3A_575 = vector.extract %slice3A_574[0] : f32 from vector<1xf32>
        %slice3A_576 = vector.extract_strided_slice %mul3A_570 {offsets = [1], sizes = [1], strides = [1]} : vector<128xf32> to vector<1xf32>
        %squeeze3A_577 = vector.extract %slice3A_576[0] : f32 from vector<1xf32>
        %add3A_578 = arith.addf %squeeze3A_575, %squeeze3A_577 : f32
        %get3A_579 = arith.index_cast %mul3A_351 : i32 to index
        %get3A_580 = arith.constant 0 : index
        %get3A_581 = tpu.vector_load %arg10[%get3A_579, %get3A_580] {strides = array<i32>} : memref<128x128xf32, #tpu.memory_space<vmem>>, vector<1x128xf32>,
        %get3A_582 = vector.shape_cast %get3A_581 : vector<1x128xf32> to vector<128xf32>
        %slice3A_583 = vector.extract_strided_slice %get3A_582 {offsets = [3], sizes = [1], strides = [1]} : vector<128xf32> to vector<1xf32>
        %squeeze3A_584 = vector.extract %slice3A_583[0] : f32 from vector<1xf32>
        %sub3A_585 = arith.constant 1.000000e+00 : f32
        %sub3A_586 = arith.subf %mul3A_573, %sub3A_585 : f32
        %sub3A_587 = arith.subf %mul3A_573, %squeeze3A_584 : f32
        %max3A_588 = arith.constant 0.000000e+00 : f32
        %max3A_589 = arith.maximumf %sub3A_587, %max3A_588 : f32
        %mul3A_590 = arith.mulf %sub3A_586, %sub3A_586 : f32
        %mul3A_591 = arith.mulf %mul3A_590, %add3A_578 : f32
        %mul3A_592 = arith.mulf %max3A_589, %max3A_589 : f32
        %sub3A_593 = arith.constant 1.000000e+00 : f32
        %sub3A_594 = arith.subf %sub3A_593, %add3A_578 : f32
        %mul3A_595 = arith.mulf %mul3A_592, %sub3A_594 : f32
        %add3A_596 = arith.addf %mul3A_591, %mul3A_595 : f32
        %mul3A_597 = arith.constant 64 : i32
        %mul3A_598 = arith.muli %add3A_80, %mul3A_597 : i32
        %add3A_599 = arith.addi %mul3A_598, %add3A_349 : i32
        %lt3A_600 = arith.constant 3125 : i32
        %lt3A_601 = arith.cmpi slt, %add3A_599, %lt3A_600 : i32
        %jit3A_602 = arith.constant 0.000000e+00 : f32
        %select_n3A_603 = arith.select %lt3A_601, %add3A_596, %jit3A_602 : f32
        %add3A_604 = arith.addf %add3A_345, %select_n3A_603 : f32
        scf.yield %add3A_604 : f32
      }
      %scan3A_86 = arith.constant 32 : i32
      %lt3A_87 = arith.constant 24 : i32
      %lt3A_88 = arith.cmpi slt, %scan3A_40, %lt3A_87 : i32
      %convert_element_type3A_89 = arith.extui %lt3A_88 : i1 to i32
      %cond3A_90 = arith.constant 0 : i32
      %cond3A_91 = arith.cmpi ne, %convert_element_type3A_89, %cond3A_90 : i32
      scf.if %cond3A_91 {
        %add3A_92 = arith.constant 3 : i32
        %add3A_93 = arith.addi %mul3A_43, %add3A_92 : i32
        %dma_start3A_94 = arith.constant 0 : i32
        %dma_start3A_95 = tpu.memref_slice %arg6[%add3A_93, %dma_start3A_94] : memref<50x128xi32, #tpu.memory_space<vmem>> -> memref<1x128xi32, #tpu.memory_space<vmem>>
        %dma_start3A_96 = tpu.memref_squeeze %dma_start3A_95 : memref<1x128xi32, #tpu.memory_space<vmem>> -> memref<128xi32, #tpu.memory_space<vmem>>
        %dma_start3A_97 = arith.constant 0 : i32
        %dma_start3A_98 = arith.constant 0 : i32
        %dma_start3A_99 = tpu.memref_slice %arg2[%dma_start3A_97, %dma_start3A_98] : memref<50000x256xf32, #tpu.memory_space<hbm>> -> memref<50000x256xf32, #tpu.memory_space<hbm>>
        tpu.enqueue_indirect_dma source(%dma_start3A_99 : memref<50000x256xf32, #tpu.memory_space<hbm>>) target(%arg9 : memref<128x256xf32, #tpu.memory_space<vmem>>) offsets(%dma_start3A_96 : memref<128xi32, #tpu.memory_space<vmem>>) semaphore(%arg14 : memref<!tpu.dma_semaphore, #tpu.memory_space<semaphore_mem>>)
        %dma_start3A_100 = arith.constant 0 : i32
        %dma_start3A_101 = tpu.memref_slice %arg6[%add3A_93, %dma_start3A_100] : memref<50x128xi32, #tpu.memory_space<vmem>> -> memref<1x128xi32, #tpu.memory_space<vmem>>
        %dma_start3A_102 = tpu.memref_squeeze %dma_start3A_101 : memref<1x128xi32, #tpu.memory_space<vmem>> -> memref<128xi32, #tpu.memory_space<vmem>>
        %dma_start3A_103 = arith.constant 0 : i32
        %dma_start3A_104 = arith.constant 0 : i32
        %dma_start3A_105 = tpu.memref_slice %arg3[%dma_start3A_103, %dma_start3A_104] : memref<50000x128xf32, #tpu.memory_space<hbm>> -> memref<50000x128xf32, #tpu.memory_space<hbm>>
        tpu.enqueue_indirect_dma source(%dma_start3A_105 : memref<50000x128xf32, #tpu.memory_space<hbm>>) target(%arg10 : memref<128x128xf32, #tpu.memory_space<vmem>>) offsets(%dma_start3A_102 : memref<128xi32, #tpu.memory_space<vmem>>) semaphore(%arg15 : memref<!tpu.dma_semaphore, #tpu.memory_space<semaphore_mem>>)
      } else {
      }
      scf.yield %scan3A_85 : f32
    }
    %scan3A_33 = arith.constant 25 : i32
    %eq3A = arith.constant 0 : i32
    %eq3A_34 = vector.broadcast %eq3A : i32 to vector<16xi32>
    %eq3A_35 = arith.cmpi eq, %iota3A, %eq3A_34 : vector<16xi32>
    %jit3A = arith.constant 0.000000e+00 : f32
    %broadcast_in_dim3A = vector.broadcast %scan3A_32 : f32 to vector<16xf32>
    %broadcast_in_dim3A_36 = vector.broadcast %jit3A : f32 to vector<16xf32>
    %select_n3A = arith.select %eq3A_35, %broadcast_in_dim3A, %broadcast_in_dim3A_36 : vector<16xi1>, vector<16xf32>
    %swap3A = arith.constant 0 : index
    %swap3A_37 = tpu.vector_load %arg11[%swap3A] {strides = array<i32>} : memref<16xf32, #tpu.memory_space<vmem>>, vector<16xf32>,
    %swap3A_38 = vector.shape_cast %swap3A_37 : vector<16xf32> to vector<16xf32>
    %swap3A_39 = vector.shape_cast %select_n3A : vector<16xf32> to vector<16xf32>
    tpu.vector_store %arg11[%swap3A], %swap3A_39 {strides = array<i32>} : memref<16xf32, #tpu.memory_space<vmem>>, vector<16xf32>,
    "tpu.region"() ({
      %run_scoped3A = tpu.sem_alloc : memref<!tpu.dma_semaphore, #tpu.memory_space<semaphore_mem>>
      %dma_start3A_40 = arith.constant 0 : i32
      %dma_start3A_41 = tpu.memref_slice %arg5[%add3A, %dma_start3A_40] : memref<32x16xf32, #tpu.memory_space<hbm>> -> memref<1x16xf32, #tpu.memory_space<hbm>>
      %dma_start3A_42 = tpu.memref_squeeze %dma_start3A_41 : memref<1x16xf32, #tpu.memory_space<hbm>> -> memref<16xf32, #tpu.memory_space<hbm>>
      %dma_start3A_43 = arith.constant 0 : i32
      %dma_start3A_44 = tpu.memref_slice %arg5[%add3A, %dma_start3A_43] : memref<32x16xf32, #tpu.memory_space<hbm>> -> memref<1x16xf32, #tpu.memory_space<hbm>>
      %dma_start3A_45 = tpu.memref_squeeze %dma_start3A_44 : memref<1x16xf32, #tpu.memory_space<hbm>> -> memref<16xf32, #tpu.memory_space<hbm>>
      tpu.enqueue_dma source(%arg11 : memref<16xf32, #tpu.memory_space<vmem>>) target(%dma_start3A_45 : memref<16xf32, #tpu.memory_space<hbm>>) target_semaphore(%run_scoped3A : memref<!tpu.dma_semaphore, #tpu.memory_space<semaphore_mem>>)
      %dma_wait3A = arith.constant 0 : i32
      %dma_wait3A_46 = tpu.memref_slice %arg5[%add3A, %dma_wait3A] : memref<32x16xf32, #tpu.memory_space<hbm>> -> memref<1x16xf32, #tpu.memory_space<hbm>>
      %dma_wait3A_47 = tpu.memref_squeeze %dma_wait3A_46 : memref<1x16xf32, #tpu.memory_space<hbm>> -> memref<16xf32, #tpu.memory_space<hbm>>
      %dma_wait3A_48 = arith.constant 0 : i32
      %dma_wait3A_49 = tpu.memref_slice %arg5[%add3A, %dma_wait3A_48] : memref<32x16xf32, #tpu.memory_space<hbm>> -> memref<1x16xf32, #tpu.memory_space<hbm>>
      %dma_wait3A_50 = tpu.memref_squeeze %dma_wait3A_49 : memref<1x16xf32, #tpu.memory_space<hbm>> -> memref<16xf32, #tpu.memory_space<hbm>>
      tpu.wait_dma2 semaphore(%run_scoped3A : memref<!tpu.dma_semaphore, #tpu.memory_space<semaphore_mem>>) src(%arg11 : memref<16xf32, #tpu.memory_space<vmem>>) dst(%dma_wait3A_50 : memref<16xf32, #tpu.memory_space<hbm>>)
      tpu.yield
    }) : () -> ()
    return
  }
}

#map = affine_map<(d0, d1) -> (0, 0, 0)>
#map1 = affine_map<(d0, d1) -> (0)>
#map2 = affine_map<(d0, d1) -> (0, 0)>
module attributes {stable_mosaic.version = 14 : i64} {
  func.func @_search_body(%arg0: i32, %arg1: i32, %arg2: memref<2x392x128xf32, #tpu.memory_space<hbm>>, %arg3: memref<200000xf32, #tpu.memory_space<hbm>>, %arg4: memref<200000xf32, #tpu.memory_space<hbm>>, %arg5: memref<16xi32, #tpu.memory_space<hbm>>, %arg6: memref<16xf32, #tpu.memory_space<hbm>>, %arg7: memref<32x6400xi32, #tpu.memory_space<hbm>>, %arg8: memref<2x392x128xf32, #tpu.memory_space<vmem>>, %arg9: memref<1x6408xf32, #tpu.memory_space<vmem>>, %arg10: memref<1x6408xf32, #tpu.memory_space<vmem>>, %arg11: memref<6400xi32, #tpu.memory_space<vmem>>, %arg12: memref<16xi32, #tpu.memory_space<vmem>>, %arg13: memref<16xf32, #tpu.memory_space<vmem>>) attributes {dimension_semantics = [#tpu.dimension_semantics<core_parallel>, #tpu.dimension_semantics<subcore_parallel>], iteration_bounds = array<i64: 2, 16>, scalar_prefetch = 0 : i64, scratch_operands = 6 : i64, tpu.core_type = #tpu.core_type<sc_vector_subcore>, window_params = [{transform_indices = #map}, {transform_indices = #map1}, {transform_indices = #map1}, {transform_indices = #map1}, {transform_indices = #map1}, {transform_indices = #map2}]} {
    %mul3A = arith.constant 2 : i32
    %mul3A_0 = arith.muli %arg1, %mul3A : i32
    %add3A = arith.addi %mul3A_0, %arg0 : i32
    %mul3A_1 = arith.constant 6250 : i32
    %mul3A_2 = arith.muli %add3A, %mul3A_1 : i32
    "tpu.region"() ({
      %run_scoped3A_68 = tpu.sem_alloc : memref<!tpu.dma_semaphore, #tpu.memory_space<semaphore_mem>>
      tpu.enqueue_dma source(%arg2 : memref<2x392x128xf32, #tpu.memory_space<hbm>>) target(%arg8 : memref<2x392x128xf32, #tpu.memory_space<vmem>>) target_semaphore(%run_scoped3A_68 : memref<!tpu.dma_semaphore, #tpu.memory_space<semaphore_mem>>)
      tpu.wait_dma2 semaphore(%run_scoped3A_68 : memref<!tpu.dma_semaphore, #tpu.memory_space<semaphore_mem>>) src(%arg2 : memref<2x392x128xf32, #tpu.memory_space<hbm>>) dst(%arg8 : memref<2x392x128xf32, #tpu.memory_space<vmem>>)
      tpu.yield
    }) : () -> ()
    "tpu.region"() ({
      %run_scoped3A_68 = tpu.sem_alloc : memref<!tpu.dma_semaphore, #tpu.memory_space<semaphore_mem>>
      tpu.enqueue_dma source(%arg5 : memref<16xi32, #tpu.memory_space<hbm>>) target(%arg12 : memref<16xi32, #tpu.memory_space<vmem>>) target_semaphore(%run_scoped3A_68 : memref<!tpu.dma_semaphore, #tpu.memory_space<semaphore_mem>>)
      tpu.wait_dma2 semaphore(%run_scoped3A_68 : memref<!tpu.dma_semaphore, #tpu.memory_space<semaphore_mem>>) src(%arg5 : memref<16xi32, #tpu.memory_space<hbm>>) dst(%arg12 : memref<16xi32, #tpu.memory_space<vmem>>)
      tpu.yield
    }) : () -> ()
    "tpu.region"() ({
      %run_scoped3A_68 = tpu.sem_alloc : memref<!tpu.dma_semaphore, #tpu.memory_space<semaphore_mem>>
      tpu.enqueue_dma source(%arg6 : memref<16xf32, #tpu.memory_space<hbm>>) target(%arg13 : memref<16xf32, #tpu.memory_space<vmem>>) target_semaphore(%run_scoped3A_68 : memref<!tpu.dma_semaphore, #tpu.memory_space<semaphore_mem>>)
      tpu.wait_dma2 semaphore(%run_scoped3A_68 : memref<!tpu.dma_semaphore, #tpu.memory_space<semaphore_mem>>) src(%arg6 : memref<16xf32, #tpu.memory_space<hbm>>) dst(%arg13 : memref<16xf32, #tpu.memory_space<vmem>>)
      tpu.yield
    }) : () -> ()
    %get3A = arith.constant 0 : index
    %get3A_3 = tpu.vector_load %arg12[%get3A] {strides = array<i32>} : memref<16xi32, #tpu.memory_space<vmem>>, vector<16xi32>,
    %get3A_4 = arith.constant 0 : index
    %get3A_5 = tpu.vector_load %arg13[%get3A_4] {strides = array<i32>} : memref<16xf32, #tpu.memory_space<vmem>>, vector<16xf32>,
    %slice3A = vector.extract_strided_slice %get3A_3 {offsets = [0], sizes = [1], strides = [1]} : vector<16xi32> to vector<1xi32>
    %squeeze3A = vector.extract %slice3A[0] : i32 from vector<1xi32>
    %slice3A_6 = vector.extract_strided_slice %get3A_3 {offsets = [1], sizes = [1], strides = [1]} : vector<16xi32> to vector<1xi32>
    %squeeze3A_7 = vector.extract %slice3A_6[0] : i32 from vector<1xi32>
    %slice3A_8 = vector.extract_strided_slice %get3A_5 {offsets = [0], sizes = [1], strides = [1]} : vector<16xf32> to vector<1xf32>
    %squeeze3A_9 = vector.extract %slice3A_8[0] : f32 from vector<1xf32>
    %slice3A_10 = vector.extract_strided_slice %get3A_5 {offsets = [1], sizes = [1], strides = [1]} : vector<16xf32> to vector<1xf32>
    %squeeze3A_11 = vector.extract %slice3A_10[0] : f32 from vector<1xf32>
    %jit3A = arith.constant 8 : i32
    %div3A = arith.divsi %mul3A_2, %jit3A : i32
    %sign3A = arith.constant 0 : i32
    %sign3A_12 = arith.cmpi sgt, %mul3A_2, %sign3A : i32
    %sign3A_13 = arith.extui %sign3A_12 : i1 to i32
    %sign3A_14 = arith.constant 0 : i32
    %sign3A_15 = arith.cmpi slt, %mul3A_2, %sign3A_14 : i32
    %sign3A_16 = arith.extui %sign3A_15 : i1 to i32
    %sign3A_17 = arith.subi %sign3A_13, %sign3A_16 : i32
    %sign3A_18 = arith.constant 0 : i32
    %sign3A_19 = arith.cmpi sgt, %jit3A, %sign3A_18 : i32
    %sign3A_20 = arith.extui %sign3A_19 : i1 to i32
    %sign3A_21 = arith.constant 0 : i32
    %sign3A_22 = arith.cmpi slt, %jit3A, %sign3A_21 : i32
    %sign3A_23 = arith.extui %sign3A_22 : i1 to i32
    %sign3A_24 = arith.subi %sign3A_20, %sign3A_23 : i32
    %ne3A = arith.cmpi ne, %sign3A_17, %sign3A_24 : i32
    %rem3A = arith.remsi %mul3A_2, %jit3A : i32
    %ne3A_25 = arith.constant 0 : i32
    %ne3A_26 = arith.cmpi ne, %rem3A, %ne3A_25 : i32
    %and3A = arith.andi %ne3A, %ne3A_26 : i1
    %sub3A = arith.constant 1 : i32
    %sub3A_27 = arith.subi %div3A, %sub3A : i32
    %select_n3A = arith.select %and3A, %sub3A_27, %div3A : i32
    %mul3A_28 = arith.constant 8 : i32
    %mul3A_29 = arith.muli %select_n3A, %mul3A_28 : i32
    %min3A = arith.constant 193592 : i32
    %min3A_30 = arith.minsi %mul3A_29, %min3A : i32
    %sub3A_31 = arith.subi %mul3A_2, %squeeze3A : i32
    %jit3A_32 = arith.constant 0 : i32
    %jit3A_33 = arith.constant 193592 : i32
    %max3A = arith.maxsi %jit3A_32, %sub3A_31 : i32
    %min3A_34 = arith.minsi %jit3A_33, %max3A : i32
    %jit3A_35 = arith.constant 8 : i32
    %div3A_36 = arith.divsi %min3A_34, %jit3A_35 : i32
    %sign3A_37 = arith.constant 0 : i32
    %sign3A_38 = arith.cmpi sgt, %min3A_34, %sign3A_37 : i32
    %sign3A_39 = arith.extui %sign3A_38 : i1 to i32
    %sign3A_40 = arith.constant 0 : i32
    %sign3A_41 = arith.cmpi slt, %min3A_34, %sign3A_40 : i32
    %sign3A_42 = arith.extui %sign3A_41 : i1 to i32
    %sign3A_43 = arith.subi %sign3A_39, %sign3A_42 : i32
    %sign3A_44 = arith.constant 0 : i32
    %sign3A_45 = arith.cmpi sgt, %jit3A_35, %sign3A_44 : i32
    %sign3A_46 = arith.extui %sign3A_45 : i1 to i32
    %sign3A_47 = arith.constant 0 : i32
    %sign3A_48 = arith.cmpi slt, %jit3A_35, %sign3A_47 : i32
    %sign3A_49 = arith.extui %sign3A_48 : i1 to i32
    %sign3A_50 = arith.subi %sign3A_46, %sign3A_49 : i32
    %ne3A_51 = arith.cmpi ne, %sign3A_43, %sign3A_50 : i32
    %rem3A_52 = arith.remsi %min3A_34, %jit3A_35 : i32
    %ne3A_53 = arith.constant 0 : i32
    %ne3A_54 = arith.cmpi ne, %rem3A_52, %ne3A_53 : i32
    %and3A_55 = arith.andi %ne3A_51, %ne3A_54 : i1
    %sub3A_56 = arith.constant 1 : i32
    %sub3A_57 = arith.subi %div3A_36, %sub3A_56 : i32
    %select_n3A_58 = arith.select %and3A_55, %sub3A_57, %div3A_36 : i32
    %mul3A_59 = arith.constant 8 : i32
    %mul3A_60 = arith.muli %select_n3A_58, %mul3A_59 : i32
    %multiple_of3A = tpu.assume_multiple %min3A_30, 8 : i32
    %multiple_of3A_61 = tpu.assume_multiple %mul3A_60, 8 : i32
    %run_scoped3A = arith.constant 0 : i32
    "tpu.region"() ({
      %run_scoped3A_68 = tpu.sem_alloc : memref<!tpu.dma_semaphore, #tpu.memory_space<semaphore_mem>>
      %dma_start3A = arith.constant 0 : i32
      %dma_start3A_69 = tpu.memref_slice %arg9[%run_scoped3A, %dma_start3A] : memref<1x6408xf32, #tpu.memory_space<vmem>> -> memref<1x6408xf32, #tpu.memory_space<vmem>>
      %dma_start3A_70 = tpu.memref_squeeze %dma_start3A_69 : memref<1x6408xf32, #tpu.memory_space<vmem>> -> memref<6408xf32, #tpu.memory_space<vmem>>
      %dma_start3A_71 = tpu.memref_slice %arg3[%multiple_of3A] : memref<200000xf32, #tpu.memory_space<hbm>> -> memref<6408xf32, #tpu.memory_space<hbm>>
      %dma_start3A_72 = arith.constant 0 : i32
      %dma_start3A_73 = tpu.memref_slice %arg9[%run_scoped3A, %dma_start3A_72] : memref<1x6408xf32, #tpu.memory_space<vmem>> -> memref<1x6408xf32, #tpu.memory_space<vmem>>
      %dma_start3A_74 = tpu.memref_squeeze %dma_start3A_73 : memref<1x6408xf32, #tpu.memory_space<vmem>> -> memref<6408xf32, #tpu.memory_space<vmem>>
      %dma_start3A_75 = tpu.memref_slice %arg3[%multiple_of3A] : memref<200000xf32, #tpu.memory_space<hbm>> -> memref<6408xf32, #tpu.memory_space<hbm>>
      tpu.enqueue_dma source(%dma_start3A_75 : memref<6408xf32, #tpu.memory_space<hbm>>) target(%dma_start3A_74 : memref<6408xf32, #tpu.memory_space<vmem>>) target_semaphore(%run_scoped3A_68 : memref<!tpu.dma_semaphore, #tpu.memory_space<semaphore_mem>>)
      %dma_wait3A = arith.constant 0 : i32
      %dma_wait3A_76 = tpu.memref_slice %arg9[%run_scoped3A, %dma_wait3A] : memref<1x6408xf32, #tpu.memory_space<vmem>> -> memref<1x6408xf32, #tpu.memory_space<vmem>>
      %dma_wait3A_77 = tpu.memref_squeeze %dma_wait3A_76 : memref<1x6408xf32, #tpu.memory_space<vmem>> -> memref<6408xf32, #tpu.memory_space<vmem>>
      %dma_wait3A_78 = tpu.memref_slice %arg3[%multiple_of3A] : memref<200000xf32, #tpu.memory_space<hbm>> -> memref<6408xf32, #tpu.memory_space<hbm>>
      %dma_wait3A_79 = arith.constant 0 : i32
      %dma_wait3A_80 = tpu.memref_slice %arg9[%run_scoped3A, %dma_wait3A_79] : memref<1x6408xf32, #tpu.memory_space<vmem>> -> memref<1x6408xf32, #tpu.memory_space<vmem>>
      %dma_wait3A_81 = tpu.memref_squeeze %dma_wait3A_80 : memref<1x6408xf32, #tpu.memory_space<vmem>> -> memref<6408xf32, #tpu.memory_space<vmem>>
      %dma_wait3A_82 = tpu.memref_slice %arg3[%multiple_of3A] : memref<200000xf32, #tpu.memory_space<hbm>> -> memref<6408xf32, #tpu.memory_space<hbm>>
      tpu.wait_dma2 semaphore(%run_scoped3A_68 : memref<!tpu.dma_semaphore, #tpu.memory_space<semaphore_mem>>) src(%dma_wait3A_82 : memref<6408xf32, #tpu.memory_space<hbm>>) dst(%dma_wait3A_81 : memref<6408xf32, #tpu.memory_space<vmem>>)
      tpu.yield
    }) : () -> ()
    %run_scoped3A_62 = arith.constant 0 : i32
    "tpu.region"() ({
      %run_scoped3A_68 = tpu.sem_alloc : memref<!tpu.dma_semaphore, #tpu.memory_space<semaphore_mem>>
      %dma_start3A = arith.constant 0 : i32
      %dma_start3A_69 = tpu.memref_slice %arg10[%run_scoped3A_62, %dma_start3A] : memref<1x6408xf32, #tpu.memory_space<vmem>> -> memref<1x6408xf32, #tpu.memory_space<vmem>>
      %dma_start3A_70 = tpu.memref_squeeze %dma_start3A_69 : memref<1x6408xf32, #tpu.memory_space<vmem>> -> memref<6408xf32, #tpu.memory_space<vmem>>
      %dma_start3A_71 = tpu.memref_slice %arg4[%multiple_of3A_61] : memref<200000xf32, #tpu.memory_space<hbm>> -> memref<6408xf32, #tpu.memory_space<hbm>>
      %dma_start3A_72 = arith.constant 0 : i32
      %dma_start3A_73 = tpu.memref_slice %arg10[%run_scoped3A_62, %dma_start3A_72] : memref<1x6408xf32, #tpu.memory_space<vmem>> -> memref<1x6408xf32, #tpu.memory_space<vmem>>
      %dma_start3A_74 = tpu.memref_squeeze %dma_start3A_73 : memref<1x6408xf32, #tpu.memory_space<vmem>> -> memref<6408xf32, #tpu.memory_space<vmem>>
      %dma_start3A_75 = tpu.memref_slice %arg4[%multiple_of3A_61] : memref<200000xf32, #tpu.memory_space<hbm>> -> memref<6408xf32, #tpu.memory_space<hbm>>
      tpu.enqueue_dma source(%dma_start3A_75 : memref<6408xf32, #tpu.memory_space<hbm>>) target(%dma_start3A_74 : memref<6408xf32, #tpu.memory_space<vmem>>) target_semaphore(%run_scoped3A_68 : memref<!tpu.dma_semaphore, #tpu.memory_space<semaphore_mem>>)
      %dma_wait3A = arith.constant 0 : i32
      %dma_wait3A_76 = tpu.memref_slice %arg10[%run_scoped3A_62, %dma_wait3A] : memref<1x6408xf32, #tpu.memory_space<vmem>> -> memref<1x6408xf32, #tpu.memory_space<vmem>>
      %dma_wait3A_77 = tpu.memref_squeeze %dma_wait3A_76 : memref<1x6408xf32, #tpu.memory_space<vmem>> -> memref<6408xf32, #tpu.memory_space<vmem>>
      %dma_wait3A_78 = tpu.memref_slice %arg4[%multiple_of3A_61] : memref<200000xf32, #tpu.memory_space<hbm>> -> memref<6408xf32, #tpu.memory_space<hbm>>
      %dma_wait3A_79 = arith.constant 0 : i32
      %dma_wait3A_80 = tpu.memref_slice %arg10[%run_scoped3A_62, %dma_wait3A_79] : memref<1x6408xf32, #tpu.memory_space<vmem>> -> memref<1x6408xf32, #tpu.memory_space<vmem>>
      %dma_wait3A_81 = tpu.memref_squeeze %dma_wait3A_80 : memref<1x6408xf32, #tpu.memory_space<vmem>> -> memref<6408xf32, #tpu.memory_space<vmem>>
      %dma_wait3A_82 = tpu.memref_slice %arg4[%multiple_of3A_61] : memref<200000xf32, #tpu.memory_space<hbm>> -> memref<6408xf32, #tpu.memory_space<hbm>>
      tpu.wait_dma2 semaphore(%run_scoped3A_68 : memref<!tpu.dma_semaphore, #tpu.memory_space<semaphore_mem>>) src(%dma_wait3A_82 : memref<6408xf32, #tpu.memory_space<hbm>>) dst(%dma_wait3A_81 : memref<6408xf32, #tpu.memory_space<vmem>>)
      tpu.yield
    }) : () -> ()
    %iota3A = tpu.iota {dimensions = array<i32: 0>} : vector<16xi32>
    %scan3A = arith.constant 0 : i32
    %scan3A_63 = arith.constant 0 : i32
    %scan3A_64 = arith.constant 200 : i32
    %scan3A_65 = arith.addi %scan3A_63, %scan3A_64 : i32
    %scan3A_66 = arith.constant 1 : i32
    scf.for %scan3A_68 = %scan3A_63 to %scan3A_65 step %scan3A_66  : i32 {
      %mul3A_69 = arith.constant 2 : i32
      %mul3A_70 = arith.muli %mul3A_69, %scan3A_68 : i32
      %mul3A_71 = arith.constant 2 : i32
      %mul3A_72 = arith.muli %mul3A_71, %scan3A_68 : i32
      %add3A_73 = arith.constant 1 : i32
      %add3A_74 = arith.addi %mul3A_72, %add3A_73 : i32
      %mul3A_75 = arith.constant 16 : i32
      %mul3A_76 = arith.muli %mul3A_70, %mul3A_75 : i32
      %add3A_77 = arith.addi %mul3A_2, %mul3A_76 : i32
      %add3A_78 = vector.broadcast %add3A_77 : i32 to vector<16xi32>
      %add3A_79 = arith.addi %add3A_78, %iota3A : vector<16xi32>
      %lt3A = vector.broadcast %squeeze3A : i32 to vector<16xi32>
      %lt3A_80 = arith.cmpi slt, %add3A_79, %lt3A : vector<16xi32>
      %sub3A_81 = vector.broadcast %multiple_of3A : i32 to vector<16xi32>
      %sub3A_82 = arith.subi %add3A_79, %sub3A_81 : vector<16xi32>
      %jit3A_83 = arith.constant 0 : i32
      %jit3A_84 = arith.constant 6407 : i32
      %max3A_85 = vector.broadcast %jit3A_83 : i32 to vector<16xi32>
      %max3A_86 = arith.maxsi %max3A_85, %sub3A_82 : vector<16xi32>
      %min3A_87 = vector.broadcast %jit3A_84 : i32 to vector<16xi32>
      %min3A_88 = arith.minsi %min3A_87, %max3A_86 : vector<16xi32>
      %sub3A_89 = vector.broadcast %squeeze3A : i32 to vector<16xi32>
      %sub3A_90 = arith.subi %add3A_79, %sub3A_89 : vector<16xi32>
      %jit3A_91 = arith.constant 0 : i32
      %jit3A_92 = arith.constant 199999 : i32
      %max3A_93 = vector.broadcast %jit3A_91 : i32 to vector<16xi32>
      %max3A_94 = arith.maxsi %max3A_93, %sub3A_90 : vector<16xi32>
      %min3A_95 = vector.broadcast %jit3A_92 : i32 to vector<16xi32>
      %min3A_96 = arith.minsi %min3A_95, %max3A_94 : vector<16xi32>
      %sub3A_97 = vector.broadcast %multiple_of3A_61 : i32 to vector<16xi32>
      %sub3A_98 = arith.subi %min3A_96, %sub3A_97 : vector<16xi32>
      %jit3A_99 = arith.constant 0 : i32
      %jit3A_100 = arith.constant 6407 : i32
      %max3A_101 = vector.broadcast %jit3A_99 : i32 to vector<16xi32>
      %max3A_102 = arith.maxsi %max3A_101, %sub3A_98 : vector<16xi32>
      %min3A_103 = vector.broadcast %jit3A_100 : i32 to vector<16xi32>
      %min3A_104 = arith.minsi %min3A_103, %max3A_102 : vector<16xi32>
      %broadcast_in_dim3A = arith.constant 0 : i32
      %broadcast_in_dim3A_105 = vector.broadcast %broadcast_in_dim3A : i32 to vector<16xi32>
      %gather3A = tpu.vector_load_idx %arg9[%broadcast_in_dim3A_105, %min3A_88] : memref<1x6408xf32, #tpu.memory_space<vmem>>[vector<16xi32>, vector<16xi32>], vector<16xf32>,
      %gather3A_106 = tpu.vector_load_idx %arg10[%broadcast_in_dim3A_105, %min3A_104] : memref<1x6408xf32, #tpu.memory_space<vmem>>[vector<16xi32>, vector<16xi32>], vector<16xf32>,
      %select_n3A_107 = arith.select %lt3A_80, %gather3A, %gather3A_106 : vector<16xi1>, vector<16xf32>
      %broadcast_in_dim3A_108 = vector.broadcast %squeeze3A_9 : f32 to vector<16xf32>
      %broadcast_in_dim3A_109 = vector.broadcast %squeeze3A_11 : f32 to vector<16xf32>
      %select_n3A_110 = arith.select %lt3A_80, %broadcast_in_dim3A_108, %broadcast_in_dim3A_109 : vector<16xi1>, vector<16xf32>
      %sub3A_111 = arith.constant 1.000000e+00 : f32
      %sub3A_112 = vector.broadcast %sub3A_111 : f32 to vector<16xf32>
      %sub3A_113 = arith.subf %sub3A_112, %select_n3A_107 : vector<16xf32>
      %mul3A_114 = arith.mulf %select_n3A_110, %sub3A_113 : vector<16xf32>
      %jit3A_115 = arith.constant 0 : i32
      %jit3A_116 = arith.constant 1 : i32
      %broadcast_in_dim3A_117 = vector.broadcast %jit3A_115 : i32 to vector<16xi32>
      %broadcast_in_dim3A_118 = vector.broadcast %jit3A_116 : i32 to vector<16xi32>
      %select_n3A_119 = arith.select %lt3A_80, %broadcast_in_dim3A_117, %broadcast_in_dim3A_118 : vector<16xi1>, vector<16xi32>
      %mul3A_120 = arith.constant 16 : i32
      %mul3A_121 = arith.muli %add3A_74, %mul3A_120 : i32
      %add3A_122 = arith.addi %mul3A_2, %mul3A_121 : i32
      %add3A_123 = vector.broadcast %add3A_122 : i32 to vector<16xi32>
      %add3A_124 = arith.addi %add3A_123, %iota3A : vector<16xi32>
      %lt3A_125 = vector.broadcast %squeeze3A : i32 to vector<16xi32>
      %lt3A_126 = arith.cmpi slt, %add3A_124, %lt3A_125 : vector<16xi32>
      %sub3A_127 = vector.broadcast %multiple_of3A : i32 to vector<16xi32>
      %sub3A_128 = arith.subi %add3A_124, %sub3A_127 : vector<16xi32>
      %jit3A_129 = arith.constant 0 : i32
      %jit3A_130 = arith.constant 6407 : i32
      %max3A_131 = vector.broadcast %jit3A_129 : i32 to vector<16xi32>
      %max3A_132 = arith.maxsi %max3A_131, %sub3A_128 : vector<16xi32>
      %min3A_133 = vector.broadcast %jit3A_130 : i32 to vector<16xi32>
      %min3A_134 = arith.minsi %min3A_133, %max3A_132 : vector<16xi32>
      %sub3A_135 = vector.broadcast %squeeze3A : i32 to vector<16xi32>
      %sub3A_136 = arith.subi %add3A_124, %sub3A_135 : vector<16xi32>
      %jit3A_137 = arith.constant 0 : i32
      %jit3A_138 = arith.constant 199999 : i32
      %max3A_139 = vector.broadcast %jit3A_137 : i32 to vector<16xi32>
      %max3A_140 = arith.maxsi %max3A_139, %sub3A_136 : vector<16xi32>
      %min3A_141 = vector.broadcast %jit3A_138 : i32 to vector<16xi32>
      %min3A_142 = arith.minsi %min3A_141, %max3A_140 : vector<16xi32>
      %sub3A_143 = vector.broadcast %multiple_of3A_61 : i32 to vector<16xi32>
      %sub3A_144 = arith.subi %min3A_142, %sub3A_143 : vector<16xi32>
      %jit3A_145 = arith.constant 0 : i32
      %jit3A_146 = arith.constant 6407 : i32
      %max3A_147 = vector.broadcast %jit3A_145 : i32 to vector<16xi32>
      %max3A_148 = arith.maxsi %max3A_147, %sub3A_144 : vector<16xi32>
      %min3A_149 = vector.broadcast %jit3A_146 : i32 to vector<16xi32>
      %min3A_150 = arith.minsi %min3A_149, %max3A_148 : vector<16xi32>
      %broadcast_in_dim3A_151 = arith.constant 0 : i32
      %broadcast_in_dim3A_152 = vector.broadcast %broadcast_in_dim3A_151 : i32 to vector<16xi32>
      %gather3A_153 = tpu.vector_load_idx %arg9[%broadcast_in_dim3A_152, %min3A_134] : memref<1x6408xf32, #tpu.memory_space<vmem>>[vector<16xi32>, vector<16xi32>], vector<16xf32>,
      %gather3A_154 = tpu.vector_load_idx %arg10[%broadcast_in_dim3A_152, %min3A_150] : memref<1x6408xf32, #tpu.memory_space<vmem>>[vector<16xi32>, vector<16xi32>], vector<16xf32>,
      %select_n3A_155 = arith.select %lt3A_126, %gather3A_153, %gather3A_154 : vector<16xi1>, vector<16xf32>
      %broadcast_in_dim3A_156 = vector.broadcast %squeeze3A_9 : f32 to vector<16xf32>
      %broadcast_in_dim3A_157 = vector.broadcast %squeeze3A_11 : f32 to vector<16xf32>
      %select_n3A_158 = arith.select %lt3A_126, %broadcast_in_dim3A_156, %broadcast_in_dim3A_157 : vector<16xi1>, vector<16xf32>
      %sub3A_159 = arith.constant 1.000000e+00 : f32
      %sub3A_160 = vector.broadcast %sub3A_159 : f32 to vector<16xf32>
      %sub3A_161 = arith.subf %sub3A_160, %select_n3A_155 : vector<16xf32>
      %mul3A_162 = arith.mulf %select_n3A_158, %sub3A_161 : vector<16xf32>
      %jit3A_163 = arith.constant 0 : i32
      %jit3A_164 = arith.constant 1 : i32
      %broadcast_in_dim3A_165 = vector.broadcast %jit3A_163 : i32 to vector<16xi32>
      %broadcast_in_dim3A_166 = vector.broadcast %jit3A_164 : i32 to vector<16xi32>
      %select_n3A_167 = arith.select %lt3A_126, %broadcast_in_dim3A_165, %broadcast_in_dim3A_166 : vector<16xi1>, vector<16xi32>
      %broadcast_in_dim3A_168 = arith.constant 0 : i32
      %broadcast_in_dim3A_169 = vector.broadcast %broadcast_in_dim3A_168 : i32 to vector<16xi32>
      %broadcast_in_dim3A_170 = arith.constant 50000 : i32
      %broadcast_in_dim3A_171 = vector.broadcast %broadcast_in_dim3A_170 : i32 to vector<16xi32>
      %broadcast_in_dim3A_172 = arith.constant 0 : i32
      %broadcast_in_dim3A_173 = vector.broadcast %broadcast_in_dim3A_172 : i32 to vector<16xi32>
      %broadcast_in_dim3A_174 = arith.constant 50000 : i32
      %broadcast_in_dim3A_175 = vector.broadcast %broadcast_in_dim3A_174 : i32 to vector<16xi32>
      %scan3A_176 = arith.constant 0 : i32
      %scan3A_177 = arith.constant 16 : i32
      %scan3A_178 = arith.addi %scan3A_176, %scan3A_177 : i32
      %scan3A_179 = arith.constant 1 : i32
      %scan3A_180:4 = scf.for %scan3A_211 = %scan3A_176 to %scan3A_178 step %scan3A_179 iter_args(%scan3A_212 = %broadcast_in_dim3A_169, %scan3A_213 = %broadcast_in_dim3A_171, %scan3A_214 = %broadcast_in_dim3A_173, %scan3A_215 = %broadcast_in_dim3A_175) -> (vector<16xi32>, vector<16xi32>, vector<16xi32>, vector<16xi32>)  : i32 {
        %add3A_216 = arith.addi %scan3A_212, %scan3A_213 : vector<16xi32>
        %shift_right_arithmetic3A = arith.constant 1 : i32
        %shift_right_arithmetic3A_217 = vector.broadcast %shift_right_arithmetic3A : i32 to vector<16xi32>
        %shift_right_arithmetic3A_218 = arith.shrsi %add3A_216, %shift_right_arithmetic3A_217 : vector<16xi32>
        %add3A_219 = arith.addi %scan3A_214, %scan3A_215 : vector<16xi32>
        %shift_right_arithmetic3A_220 = arith.constant 1 : i32
        %shift_right_arithmetic3A_221 = vector.broadcast %shift_right_arithmetic3A_220 : i32 to vector<16xi32>
        %shift_right_arithmetic3A_222 = arith.shrsi %add3A_219, %shift_right_arithmetic3A_221 : vector<16xi32>
        %shift_right_arithmetic3A_223 = arith.constant 7 : i32
        %shift_right_arithmetic3A_224 = vector.broadcast %shift_right_arithmetic3A_223 : i32 to vector<16xi32>
        %shift_right_arithmetic3A_225 = arith.shrsi %shift_right_arithmetic3A_218, %shift_right_arithmetic3A_224 : vector<16xi32>
        %and3A_226 = arith.constant 127 : i32
        %and3A_227 = vector.broadcast %and3A_226 : i32 to vector<16xi32>
        %and3A_228 = arith.andi %shift_right_arithmetic3A_218, %and3A_227 : vector<16xi32>
        %gather3A_229 = tpu.vector_load_idx %arg8[%select_n3A_119, %shift_right_arithmetic3A_225, %and3A_228] : memref<2x392x128xf32, #tpu.memory_space<vmem>>[vector<16xi32>, vector<16xi32>, vector<16xi32>], vector<16xf32>,
        %shift_right_arithmetic3A_230 = arith.constant 7 : i32
        %shift_right_arithmetic3A_231 = vector.broadcast %shift_right_arithmetic3A_230 : i32 to vector<16xi32>
        %shift_right_arithmetic3A_232 = arith.shrsi %shift_right_arithmetic3A_222, %shift_right_arithmetic3A_231 : vector<16xi32>
        %and3A_233 = arith.constant 127 : i32
        %and3A_234 = vector.broadcast %and3A_233 : i32 to vector<16xi32>
        %and3A_235 = arith.andi %shift_right_arithmetic3A_222, %and3A_234 : vector<16xi32>
        %gather3A_236 = tpu.vector_load_idx %arg8[%select_n3A_167, %shift_right_arithmetic3A_232, %and3A_235] : memref<2x392x128xf32, #tpu.memory_space<vmem>>[vector<16xi32>, vector<16xi32>, vector<16xi32>], vector<16xf32>,
        %lt3A_237 = arith.cmpf olt, %gather3A_229, %mul3A_114 : vector<16xf32>
        %lt3A_238 = arith.cmpf olt, %gather3A_236, %mul3A_162 : vector<16xf32>
        %add3A_239 = arith.constant 1 : i32
        %add3A_240 = vector.broadcast %add3A_239 : i32 to vector<16xi32>
        %add3A_241 = arith.addi %shift_right_arithmetic3A_218, %add3A_240 : vector<16xi32>
        %select_n3A_242 = arith.select %lt3A_237, %add3A_241, %scan3A_212 : vector<16xi1>, vector<16xi32>
        %select_n3A_243 = arith.select %lt3A_237, %scan3A_213, %shift_right_arithmetic3A_218 : vector<16xi1>, vector<16xi32>
        %add3A_244 = arith.constant 1 : i32
        %add3A_245 = vector.broadcast %add3A_244 : i32 to vector<16xi32>
        %add3A_246 = arith.addi %shift_right_arithmetic3A_222, %add3A_245 : vector<16xi32>
        %select_n3A_247 = arith.select %lt3A_238, %add3A_246, %scan3A_214 : vector<16xi1>, vector<16xi32>
        %select_n3A_248 = arith.select %lt3A_238, %scan3A_215, %shift_right_arithmetic3A_222 : vector<16xi1>, vector<16xi32>
        scf.yield %select_n3A_242, %select_n3A_243, %select_n3A_247, %select_n3A_248 : vector<16xi32>, vector<16xi32>, vector<16xi32>, vector<16xi32>
      }
      %scan3A_181 = arith.constant 16 : i32
      %lt3A_182 = vector.broadcast %squeeze3A_7 : i32 to vector<16xi32>
      %lt3A_183 = arith.cmpi slt, %add3A_79, %lt3A_182 : vector<16xi32>
      %jit3A_184 = arith.constant 0 : i32
      %jit3A_185 = arith.constant 49999 : i32
      %max3A_186 = vector.broadcast %jit3A_184 : i32 to vector<16xi32>
      %max3A_187 = arith.maxsi %max3A_186, %scan3A_180#0 : vector<16xi32>
      %min3A_188 = vector.broadcast %jit3A_185 : i32 to vector<16xi32>
      %min3A_189 = arith.minsi %min3A_188, %max3A_187 : vector<16xi32>
      %jit3A_190 = arith.constant 0 : i32
      %broadcast_in_dim3A_191 = vector.broadcast %jit3A_190 : i32 to vector<16xi32>
      %select_n3A_192 = arith.select %lt3A_183, %min3A_189, %broadcast_in_dim3A_191 : vector<16xi1>, vector<16xi32>
      %lt3A_193 = vector.broadcast %squeeze3A_7 : i32 to vector<16xi32>
      %lt3A_194 = arith.cmpi slt, %add3A_124, %lt3A_193 : vector<16xi32>
      %jit3A_195 = arith.constant 0 : i32
      %jit3A_196 = arith.constant 49999 : i32
      %max3A_197 = vector.broadcast %jit3A_195 : i32 to vector<16xi32>
      %max3A_198 = arith.maxsi %max3A_197, %scan3A_180#2 : vector<16xi32>
      %min3A_199 = vector.broadcast %jit3A_196 : i32 to vector<16xi32>
      %min3A_200 = arith.minsi %min3A_199, %max3A_198 : vector<16xi32>
      %jit3A_201 = arith.constant 0 : i32
      %broadcast_in_dim3A_202 = vector.broadcast %jit3A_201 : i32 to vector<16xi32>
      %select_n3A_203 = arith.select %lt3A_194, %min3A_200, %broadcast_in_dim3A_202 : vector<16xi1>, vector<16xi32>
      %mul3A_204 = arith.constant 16 : i32
      %mul3A_205 = arith.muli %mul3A_70, %mul3A_204 : i32
      %swap3A = arith.index_cast %mul3A_205 : i32 to index
      %swap3A_206 = tpu.vector_load %arg11[%swap3A] {strides = array<i32>} : memref<6400xi32, #tpu.memory_space<vmem>>, vector<16xi32>,
      tpu.vector_store %arg11[%swap3A], %select_n3A_192 {strides = array<i32>} : memref<6400xi32, #tpu.memory_space<vmem>>, vector<16xi32>,
      %mul3A_207 = arith.constant 16 : i32
      %mul3A_208 = arith.muli %add3A_74, %mul3A_207 : i32
      %swap3A_209 = arith.index_cast %mul3A_208 : i32 to index
      %swap3A_210 = tpu.vector_load %arg11[%swap3A_209] {strides = array<i32>} : memref<6400xi32, #tpu.memory_space<vmem>>, vector<16xi32>,
      tpu.vector_store %arg11[%swap3A_209], %select_n3A_203 {strides = array<i32>} : memref<6400xi32, #tpu.memory_space<vmem>>, vector<16xi32>,
    }
    %scan3A_67 = arith.constant 200 : i32
    "tpu.region"() ({
      %run_scoped3A_68 = tpu.sem_alloc : memref<!tpu.dma_semaphore, #tpu.memory_space<semaphore_mem>>
      %dma_start3A = arith.constant 0 : i32
      %dma_start3A_69 = tpu.memref_slice %arg7[%add3A, %dma_start3A] : memref<32x6400xi32, #tpu.memory_space<hbm>> -> memref<1x6400xi32, #tpu.memory_space<hbm>>
      %dma_start3A_70 = tpu.memref_squeeze %dma_start3A_69 : memref<1x6400xi32, #tpu.memory_space<hbm>> -> memref<6400xi32, #tpu.memory_space<hbm>>
      %dma_start3A_71 = arith.constant 0 : i32
      %dma_start3A_72 = tpu.memref_slice %arg7[%add3A, %dma_start3A_71] : memref<32x6400xi32, #tpu.memory_space<hbm>> -> memref<1x6400xi32, #tpu.memory_space<hbm>>
      %dma_start3A_73 = tpu.memref_squeeze %dma_start3A_72 : memref<1x6400xi32, #tpu.memory_space<hbm>> -> memref<6400xi32, #tpu.memory_space<hbm>>
      tpu.enqueue_dma source(%arg11 : memref<6400xi32, #tpu.memory_space<vmem>>) target(%dma_start3A_73 : memref<6400xi32, #tpu.memory_space<hbm>>) target_semaphore(%run_scoped3A_68 : memref<!tpu.dma_semaphore, #tpu.memory_space<semaphore_mem>>)
      %dma_wait3A = arith.constant 0 : i32
      %dma_wait3A_74 = tpu.memref_slice %arg7[%add3A, %dma_wait3A] : memref<32x6400xi32, #tpu.memory_space<hbm>> -> memref<1x6400xi32, #tpu.memory_space<hbm>>
      %dma_wait3A_75 = tpu.memref_squeeze %dma_wait3A_74 : memref<1x6400xi32, #tpu.memory_space<hbm>> -> memref<6400xi32, #tpu.memory_space<hbm>>
      %dma_wait3A_76 = arith.constant 0 : i32
      %dma_wait3A_77 = tpu.memref_slice %arg7[%add3A, %dma_wait3A_76] : memref<32x6400xi32, #tpu.memory_space<hbm>> -> memref<1x6400xi32, #tpu.memory_space<hbm>>
      %dma_wait3A_78 = tpu.memref_squeeze %dma_wait3A_77 : memref<1x6400xi32, #tpu.memory_space<hbm>> -> memref<6400xi32, #tpu.memory_space<hbm>>
      tpu.wait_dma2 semaphore(%run_scoped3A_68 : memref<!tpu.dma_semaphore, #tpu.memory_space<semaphore_mem>>) src(%arg11 : memref<6400xi32, #tpu.memory_space<vmem>>) dst(%dma_wait3A_78 : memref<6400xi32, #tpu.memory_space<hbm>>)
      tpu.yield
    }) : () -> ()
    return
  }
}

module attributes {stable_mosaic.version = 14 : i64} {
  func.func @_cdf_body(%arg0: memref<1x1xi32, #tpu.memory_space<vmem>>, %arg1: memref<782x128xf32, #tpu.memory_space<vmem>>, %arg2: memref<782x128xf32, #tpu.memory_space<vmem>>, %arg3: memref<2x392x128xf32, #tpu.memory_space<vmem>>, %arg4: memref<2x392x128xf32, #tpu.memory_space<vmem>>, %arg5: memref<1x16xi32, #tpu.memory_space<vmem>>, %arg6: memref<1x16xf32, #tpu.memory_space<vmem>>) attributes {dimension_semantics = [], scalar_prefetch = 0 : i64, scratch_operands = 0 : i64, tpu.core_type = #tpu.core_type<tc>} {
    %get3A = arith.constant 0 : index
    %get3A_0 = arith.constant 0 : index
    %get3A_1 = vector.load %arg1[%get3A, %get3A_0] : memref<782x128xf32, #tpu.memory_space<vmem>>, vector<782x128xf32>
    %get3A_2 = arith.constant 0 : index
    %get3A_3 = arith.constant 0 : index
    %get3A_4 = vector.load %arg2[%get3A_2, %get3A_3] : memref<782x128xf32, #tpu.memory_space<vmem>>, vector<782x128xf32>
    %get3A_5 = arith.constant 0 : index
    %get3A_6 = arith.constant 0 : index
    %get3A_7 = arith.constant 0 : index
    %get3A_8 = vector.load %arg3[%get3A_5, %get3A_6, %get3A_7] : memref<2x392x128xf32, #tpu.memory_space<vmem>>, vector<2x392x128xf32>
    %iota3A = tpu.iota {dimensions = array<i32: 0>} : vector<392x128xi32>
    %iota3A_9 = tpu.iota {dimensions = array<i32: 1>} : vector<392x128xi32>
    %mul3A = arith.constant 128 : i32
    %mul3A_10 = vector.broadcast %mul3A : i32 to vector<392x128xi32>
    %mul3A_11 = arith.muli %iota3A, %mul3A_10 : vector<392x128xi32>
    %add3A = arith.addi %mul3A_11, %iota3A_9 : vector<392x128xi32>
    %lt3A = arith.constant 50000 : i32
    %lt3A_12 = vector.broadcast %lt3A : i32 to vector<392x128xi32>
    %lt3A_13 = arith.cmpi slt, %add3A, %lt3A_12 : vector<392x128xi32>
    %broadcast_in_dim3A = vector.shape_cast %lt3A_13 : vector<392x128xi1> to vector<1x392x128xi1>
    %add3A_14 = arith.constant 9.99999997E-7 : f32
    %add3A_15 = vector.broadcast %add3A_14 : f32 to vector<2x392x128xf32>
    %add3A_16 = arith.addf %get3A_8, %add3A_15 : vector<2x392x128xf32>
    %jit3A = arith.constant 0.000000e+00 : f32
    %broadcast_in_dim3A_17 = vector.shape_cast %broadcast_in_dim3A : vector<1x392x128xi1> to vector<1x392x128xi1>
    %broadcast_in_dim3A_18 = vector.broadcast %broadcast_in_dim3A_17 : vector<1x392x128xi1> to vector<2x392x128xi1>
    %broadcast_in_dim3A_19 = vector.broadcast %jit3A : f32 to vector<2x392x128xf32>
    %select_n3A = arith.select %broadcast_in_dim3A_18, %add3A_16, %broadcast_in_dim3A_19 : vector<2x392x128xi1>, vector<2x392x128xf32>
    %reduce_sum3A = arith.constant dense<0.000000e+00> : vector<2xf32>
    %reduce_sum3A_20 = vector.multi_reduction <add>, %select_n3A, %reduce_sum3A [1, 2] : vector<2x392x128xf32> to vector<2xf32>
    %broadcast_in_dim3A_21 = vector.shape_cast %reduce_sum3A_20 : vector<2xf32> to vector<2x1x1xf32>
    %div3A = vector.broadcast %broadcast_in_dim3A_21 : vector<2x1x1xf32> to vector<2x392x128xf32>
    %div3A_22 = arith.divf %select_n3A, %div3A : vector<2x392x128xf32>
    %reduce_sum3A_23 = arith.constant dense<0.000000e+00> : vector<2xf32>
    %reduce_sum3A_24 = vector.multi_reduction <add>, %get3A_8, %reduce_sum3A_23 [1, 2] : vector<2x392x128xf32> to vector<2xf32>
    %slice3A = vector.extract_strided_slice %reduce_sum3A_24 {offsets = [0], sizes = [1], strides = [1]} : vector<2xf32> to vector<1xf32>
    %squeeze3A = vector.extract %slice3A[0] : f32 from vector<1xf32>
    %div3A_25 = arith.constant 5.000000e+04 : f32
    %div3A_26 = arith.divf %squeeze3A, %div3A_25 : f32
    %log3A = math.log %div3A_26 : f32
    %slice3A_27 = vector.extract_strided_slice %reduce_sum3A_24 {offsets = [1], sizes = [1], strides = [1]} : vector<2xf32> to vector<1xf32>
    %squeeze3A_28 = vector.extract %slice3A_27[0] : f32 from vector<1xf32>
    %div3A_29 = arith.constant 5.000000e+04 : f32
    %div3A_30 = arith.divf %squeeze3A_28, %div3A_29 : f32
    %log3A_31 = math.log %div3A_30 : f32
    %add3A_32 = vector.broadcast %log3A : f32 to vector<782x128xf32>
    %add3A_33 = arith.addf %get3A_1, %add3A_32 : vector<782x128xf32>
    %add3A_34 = vector.broadcast %log3A_31 : f32 to vector<782x128xf32>
    %add3A_35 = arith.addf %get3A_4, %add3A_34 : vector<782x128xf32>
    %ge3A = arith.cmpf oge, %add3A_33, %add3A_35 : vector<782x128xf32>
    %convert_element_type3A = arith.extui %ge3A : vector<782x128xi1> to vector<782x128xi32>
    %reduce_sum3A_36 = vector.shape_cast %convert_element_type3A : vector<782x128xi32> to vector<1x782x128xi32>
    %reduce_sum3A_37 = arith.constant dense<0> : vector<1xi32>
    %reduce_sum3A_38 = vector.multi_reduction <add>, %reduce_sum3A_36, %reduce_sum3A_37 [1, 2] : vector<1x782x128xi32> to vector<1xi32>
    %reduce_sum3A_39 = vector.shape_cast %reduce_sum3A_38 : vector<1xi32> to vector<1x1x1xi32>
    %reduce_sum3A_40 = vector.extract %reduce_sum3A_39[0, 0, 0] : i32 from vector<1x1x1xi32>
    %get3A_41 = arith.constant 0 : index
    %get3A_42 = arith.constant 0 : index
    %get3A_43 = vector.load %arg0[%get3A_41, %get3A_42] : memref<1x1xi32, #tpu.memory_space<vmem>>, vector<1x1xi32>
    %get3A_44 = vector.extract %get3A_43[0, 0] : i32 from vector<1x1xi32>
    %sub3A = arith.subi %get3A_44, %reduce_sum3A_40 : i32
    %reshape3A = vector.shape_cast %div3A_22 : vector<2x392x128xf32> to vector<784x128xf32>
    %iota3A_45 = tpu.iota {dimensions = array<i32: 0>} : vector<128x128xi32>
    %iota3A_46 = tpu.iota {dimensions = array<i32: 1>} : vector<128x128xi32>
    %le3A = arith.cmpi sle, %iota3A_45, %iota3A_46 : vector<128x128xi32>
    %convert_element_type3A_47 = arith.extui %le3A : vector<128x128xi1> to vector<128x128xi32>
    %convert_element_type3A_48 = arith.sitofp %convert_element_type3A_47 : vector<128x128xi32> to vector<128x128xf32>
    %dot_general3A = arith.constant dense<0.000000e+00> : vector<784x128xf32>
    %dot_general3A_49 = tpu.matmul %reshape3A, %convert_element_type3A_48, %dot_general3A {dimension_numbers = #tpu.dot_dimension_numbers<[1], [0], [0], [1], [0, 0, 1, 1], [], []>, precision = #tpu.contract_precision<fp32>, transpose_lhs_hint = false} : vector<784x128xf32>, vector<128x128xf32>, vector<784x128xf32> -> vector<784x128xf32>
    %slice3A_50 = vector.extract_strided_slice %dot_general3A_49 {offsets = [0, 127], sizes = [784, 1], strides = [1, 1]} : vector<784x128xf32> to vector<784x1xf32>
    %iota3A_51 = tpu.iota {dimensions = array<i32: 0>} : vector<784x784xi32>
    %iota3A_52 = tpu.iota {dimensions = array<i32: 1>} : vector<784x784xi32>
    %lt3A_53 = arith.cmpi slt, %iota3A_52, %iota3A_51 : vector<784x784xi32>
    %jit3A_54 = arith.constant 392 : i32
    %div3A_55 = vector.broadcast %jit3A_54 : i32 to vector<784x784xi32>
    %div3A_56 = arith.divsi %iota3A_52, %div3A_55 : vector<784x784xi32>
    %sign3A = arith.constant 0 : i32
    %sign3A_57 = vector.broadcast %sign3A : i32 to vector<784x784xi32>
    %sign3A_58 = arith.cmpi sgt, %iota3A_52, %sign3A_57 : vector<784x784xi32>
    %sign3A_59 = arith.extui %sign3A_58 : vector<784x784xi1> to vector<784x784xi32>
    %sign3A_60 = arith.constant 0 : i32
    %sign3A_61 = vector.broadcast %sign3A_60 : i32 to vector<784x784xi32>
    %sign3A_62 = arith.cmpi slt, %iota3A_52, %sign3A_61 : vector<784x784xi32>
    %sign3A_63 = arith.extui %sign3A_62 : vector<784x784xi1> to vector<784x784xi32>
    %sign3A_64 = arith.subi %sign3A_59, %sign3A_63 : vector<784x784xi32>
    %sign3A_65 = arith.constant 0 : i32
    %sign3A_66 = arith.cmpi sgt, %jit3A_54, %sign3A_65 : i32
    %sign3A_67 = arith.extui %sign3A_66 : i1 to i32
    %sign3A_68 = arith.constant 0 : i32
    %sign3A_69 = arith.cmpi slt, %jit3A_54, %sign3A_68 : i32
    %sign3A_70 = arith.extui %sign3A_69 : i1 to i32
    %sign3A_71 = arith.subi %sign3A_67, %sign3A_70 : i32
    %ne3A = vector.broadcast %sign3A_71 : i32 to vector<784x784xi32>
    %ne3A_72 = arith.cmpi ne, %sign3A_64, %ne3A : vector<784x784xi32>
    %rem3A = vector.broadcast %jit3A_54 : i32 to vector<784x784xi32>
    %rem3A_73 = arith.remsi %iota3A_52, %rem3A : vector<784x784xi32>
    %ne3A_74 = arith.constant 0 : i32
    %ne3A_75 = vector.broadcast %ne3A_74 : i32 to vector<784x784xi32>
    %ne3A_76 = arith.cmpi ne, %rem3A_73, %ne3A_75 : vector<784x784xi32>
    %and3A = arith.andi %ne3A_72, %ne3A_76 : vector<784x784xi1>
    %sub3A_77 = arith.constant 1 : i32
    %sub3A_78 = vector.broadcast %sub3A_77 : i32 to vector<784x784xi32>
    %sub3A_79 = arith.subi %div3A_56, %sub3A_78 : vector<784x784xi32>
    %select_n3A_80 = arith.select %and3A, %sub3A_79, %div3A_56 : vector<784x784xi1>, vector<784x784xi32>
    %jit3A_81 = arith.constant 392 : i32
    %div3A_82 = vector.broadcast %jit3A_81 : i32 to vector<784x784xi32>
    %div3A_83 = arith.divsi %iota3A_51, %div3A_82 : vector<784x784xi32>
    %sign3A_84 = arith.constant 0 : i32
    %sign3A_85 = vector.broadcast %sign3A_84 : i32 to vector<784x784xi32>
    %sign3A_86 = arith.cmpi sgt, %iota3A_51, %sign3A_85 : vector<784x784xi32>
    %sign3A_87 = arith.extui %sign3A_86 : vector<784x784xi1> to vector<784x784xi32>
    %sign3A_88 = arith.constant 0 : i32
    %sign3A_89 = vector.broadcast %sign3A_88 : i32 to vector<784x784xi32>
    %sign3A_90 = arith.cmpi slt, %iota3A_51, %sign3A_89 : vector<784x784xi32>
    %sign3A_91 = arith.extui %sign3A_90 : vector<784x784xi1> to vector<784x784xi32>
    %sign3A_92 = arith.subi %sign3A_87, %sign3A_91 : vector<784x784xi32>
    %sign3A_93 = arith.constant 0 : i32
    %sign3A_94 = arith.cmpi sgt, %jit3A_81, %sign3A_93 : i32
    %sign3A_95 = arith.extui %sign3A_94 : i1 to i32
    %sign3A_96 = arith.constant 0 : i32
    %sign3A_97 = arith.cmpi slt, %jit3A_81, %sign3A_96 : i32
    %sign3A_98 = arith.extui %sign3A_97 : i1 to i32
    %sign3A_99 = arith.subi %sign3A_95, %sign3A_98 : i32
    %ne3A_100 = vector.broadcast %sign3A_99 : i32 to vector<784x784xi32>
    %ne3A_101 = arith.cmpi ne, %sign3A_92, %ne3A_100 : vector<784x784xi32>
    %rem3A_102 = vector.broadcast %jit3A_81 : i32 to vector<784x784xi32>
    %rem3A_103 = arith.remsi %iota3A_51, %rem3A_102 : vector<784x784xi32>
    %ne3A_104 = arith.constant 0 : i32
    %ne3A_105 = vector.broadcast %ne3A_104 : i32 to vector<784x784xi32>
    %ne3A_106 = arith.cmpi ne, %rem3A_103, %ne3A_105 : vector<784x784xi32>
    %and3A_107 = arith.andi %ne3A_101, %ne3A_106 : vector<784x784xi1>
    %sub3A_108 = arith.constant 1 : i32
    %sub3A_109 = vector.broadcast %sub3A_108 : i32 to vector<784x784xi32>
    %sub3A_110 = arith.subi %div3A_83, %sub3A_109 : vector<784x784xi32>
    %select_n3A_111 = arith.select %and3A_107, %sub3A_110, %div3A_83 : vector<784x784xi1>, vector<784x784xi32>
    %eq3A = arith.cmpi eq, %select_n3A_80, %select_n3A_111 : vector<784x784xi32>
    %and3A_112 = arith.andi %lt3A_53, %eq3A : vector<784x784xi1>
    %convert_element_type3A_113 = arith.extui %and3A_112 : vector<784x784xi1> to vector<784x784xi32>
    %convert_element_type3A_114 = arith.sitofp %convert_element_type3A_113 : vector<784x784xi32> to vector<784x784xf32>
    %dot_general3A_115 = arith.constant dense<0.000000e+00> : vector<784x1xf32>
    %dot_general3A_116 = tpu.matmul %convert_element_type3A_114, %slice3A_50, %dot_general3A_115 {dimension_numbers = #tpu.dot_dimension_numbers<[1], [0], [0], [1], [0, 0, 1, 1], [], []>, precision = #tpu.contract_precision<fp32>, transpose_lhs_hint = false} : vector<784x784xf32>, vector<784x1xf32>, vector<784x1xf32> -> vector<784x1xf32>
    %add3A_117 = vector.broadcast %dot_general3A_116 : vector<784x1xf32> to vector<784x128xf32>
    %add3A_118 = arith.addf %dot_general3A_49, %add3A_117 : vector<784x128xf32>
    %reshape3A_119 = vector.shape_cast %add3A_118 : vector<784x128xf32> to vector<2x392x128xf32>
    %swap3A = arith.constant 0 : index
    %swap3A_120 = arith.constant 0 : index
    %swap3A_121 = arith.constant 0 : index
    %swap3A_122 = vector.load %arg4[%swap3A, %swap3A_120, %swap3A_121] : memref<2x392x128xf32, #tpu.memory_space<vmem>>, vector<2x392x128xf32>
    tpu.vector_store %arg4[%swap3A, %swap3A_120, %swap3A_121], %reshape3A_119 {strides = array<i32>} : memref<2x392x128xf32, #tpu.memory_space<vmem>>, vector<2x392x128xf32>,
    %slice3A_123 = vector.extract_strided_slice %add3A_118 {offsets = [391, 127], sizes = [1, 1], strides = [1, 1]} : vector<784x128xf32> to vector<1x1xf32>
    %squeeze3A_124 = vector.extract %slice3A_123[0, 0] : f32 from vector<1x1xf32>
    %slice3A_125 = vector.extract_strided_slice %add3A_118 {offsets = [783, 127], sizes = [1, 1], strides = [1, 1]} : vector<784x128xf32> to vector<1x1xf32>
    %squeeze3A_126 = vector.extract %slice3A_125[0, 0] : f32 from vector<1x1xf32>
    %mul3A_127 = arith.constant 2 : i32
    %mul3A_128 = arith.muli %mul3A_127, %reduce_sum3A_40 : i32
    %reshape3A_129 = vector.broadcast %mul3A_128 : i32 to vector<1x1xi32>
    %add3A_130 = arith.addi %reduce_sum3A_40, %sub3A : i32
    %mul3A_131 = arith.constant 2 : i32
    %mul3A_132 = arith.muli %mul3A_131, %add3A_130 : i32
    %reshape3A_133 = vector.broadcast %mul3A_132 : i32 to vector<1x1xi32>
    %broadcast_in_dim3A_134 = arith.constant 0 : i32
    %broadcast_in_dim3A_135 = vector.broadcast %broadcast_in_dim3A_134 : i32 to vector<1x14xi32>
    %concatenate3A = tpu.concatenate %reshape3A_129, %reshape3A_133, %broadcast_in_dim3A_135 in 1 : vector<1x1xi32>, vector<1x1xi32>, vector<1x14xi32> -> vector<1x16xi32>
    %swap3A_136 = arith.constant 0 : index
    %swap3A_137 = arith.constant 0 : index
    %swap3A_138 = vector.load %arg5[%swap3A_136, %swap3A_137] : memref<1x16xi32, #tpu.memory_space<vmem>>, vector<1x16xi32>
    tpu.vector_store %arg5[%swap3A_136, %swap3A_137], %concatenate3A {strides = array<i32>} : memref<1x16xi32, #tpu.memory_space<vmem>>, vector<1x16xi32>,
    %reshape3A_139 = vector.broadcast %squeeze3A_124 : f32 to vector<1x1xf32>
    %reshape3A_140 = vector.broadcast %squeeze3A_126 : f32 to vector<1x1xf32>
    %broadcast_in_dim3A_141 = arith.constant 0.000000e+00 : f32
    %broadcast_in_dim3A_142 = vector.broadcast %broadcast_in_dim3A_141 : f32 to vector<1x14xf32>
    %concatenate3A_143 = tpu.concatenate %reshape3A_139, %reshape3A_140, %broadcast_in_dim3A_142 in 1 : vector<1x1xf32>, vector<1x1xf32>, vector<1x14xf32> -> vector<1x16xf32>
    %swap3A_144 = arith.constant 0 : index
    %swap3A_145 = arith.constant 0 : index
    %swap3A_146 = vector.load %arg6[%swap3A_144, %swap3A_145] : memref<1x16xf32, #tpu.memory_space<vmem>>, vector<1x16xf32>
    tpu.vector_store %arg6[%swap3A_144, %swap3A_145], %concatenate3A_143 {strides = array<i32>} : memref<1x16xf32, #tpu.memory_space<vmem>>, vector<1x16xf32>,
    return
  }
}

module attributes {stable_mosaic.version = 14 : i64} {
  func.func @_aux_body(%arg0: i32, %arg1: memref<1x1xf32, #tpu.memory_space<vmem>>, %arg2: memref<1000x256xf32, #tpu.memory_space<vmem>>, %arg3: memref<1000x2xf32, #tpu.memory_space<vmem>>, %arg4: memref<1000x128xf32, #tpu.memory_space<vmem>>) attributes {dimension_semantics = [#tpu.dimension_semantics<arbitrary>], iteration_bounds = array<i64: 50>, scalar_prefetch = 0 : i64, scratch_operands = 0 : i64, tpu.core_type = #tpu.core_type<tc>, window_params = [{pipeline_mode = #tpu.pipeline_mode<synchronous>, transform_indices = @transform_0, window_bounds = array<i64: 1, 1>}, {transform_indices = @transform_1, window_bounds = array<i64: 1000, 256>}, {transform_indices = @transform_2, window_bounds = array<i64: 1000, 2>}, {transform_indices = @transform_3, window_bounds = array<i64: 1000, 128>}]} {
    %get3A = arith.constant 0 : index
    %get3A_0 = arith.constant 0 : index
    %get3A_1 = vector.load %arg2[%get3A, %get3A_0] : memref<1000x256xf32, #tpu.memory_space<vmem>>, vector<1000x256xf32>
    %mul3A = arith.mulf %get3A_1, %get3A_1 : vector<1000x256xf32>
    %reduce_sum3A = arith.constant dense<0.000000e+00> : vector<1000xf32>
    %reduce_sum3A_2 = vector.multi_reduction <add>, %mul3A, %reduce_sum3A [1] : vector<1000x256xf32> to vector<1000xf32>
    %broadcast_in_dim3A = vector.shape_cast %reduce_sum3A_2 : vector<1000xf32> to vector<1000x1xf32>
    %sqrt3A = math.sqrt %broadcast_in_dim3A : vector<1000x1xf32>
    %max3A = arith.constant 9.99999996E-13 : f32
    %max3A_3 = vector.broadcast %max3A : f32 to vector<1000x1xf32>
    %max3A_4 = arith.maximumf %sqrt3A, %max3A_3 : vector<1000x1xf32>
    %div3A = arith.constant 1.000000e+00 : f32
    %div3A_5 = vector.broadcast %div3A : f32 to vector<1000x1xf32>
    %div3A_6 = arith.divf %div3A_5, %max3A_4 : vector<1000x1xf32>
    %get3A_7 = arith.constant 0 : index
    %get3A_8 = arith.constant 0 : index
    %get3A_9 = vector.load %arg1[%get3A_7, %get3A_8] : memref<1x1xf32, #tpu.memory_space<vmem>>, vector<1x1xf32>
    %get3A_10 = vector.extract %get3A_9[0, 0] : f32 from vector<1x1xf32>
    %broadcast_in_dim3A_11 = vector.broadcast %get3A_10 : f32 to vector<1000x1xf32>
    %broadcast_in_dim3A_12 = arith.constant 0.000000e+00 : f32
    %broadcast_in_dim3A_13 = vector.broadcast %broadcast_in_dim3A_12 : f32 to vector<1000x124xf32>
    %get3A_14 = arith.constant 0 : index
    %get3A_15 = arith.constant 0 : index
    %get3A_16 = vector.load %arg3[%get3A_14, %get3A_15] : memref<1000x2xf32, #tpu.memory_space<vmem>>, vector<1000x2xf32>
    %concatenate3A = tpu.concatenate %get3A_16, %div3A_6, %broadcast_in_dim3A_11, %broadcast_in_dim3A_13 in 1 : vector<1000x2xf32>, vector<1000x1xf32>, vector<1000x1xf32>, vector<1000x124xf32> -> vector<1000x128xf32>
    %swap3A = arith.constant 0 : index
    %swap3A_17 = arith.constant 0 : index
    %swap3A_18 = vector.load %arg4[%swap3A, %swap3A_17] : memref<1000x128xf32, #tpu.memory_space<vmem>>, vector<1000x128xf32>
    tpu.vector_store %arg4[%swap3A, %swap3A_17], %concatenate3A {strides = array<i32>} : memref<1000x128xf32, #tpu.memory_space<vmem>>, vector<1000x128xf32>,
    return
  }
  func.func @transform_0(%arg0: i32) -> (i32, i32) {
    %c0_i32 = arith.constant 0 : i32
    %c0_i32_0 = arith.constant 0 : i32
    %c0_i32_1 = arith.constant 0 : i32
    return %c0_i32, %c0_i32_0 : i32, i32
  }
  func.func @transform_1(%arg0: i32) -> (i32, i32) {
    %c0_i32 = arith.constant 0 : i32
    %c0_i32_0 = arith.constant 0 : i32
    return %arg0, %c0_i32 : i32, i32
  }
  func.func @transform_2(%arg0: i32) -> (i32, i32) {
    %c0_i32 = arith.constant 0 : i32
    %c0_i32_0 = arith.constant 0 : i32
    return %arg0, %c0_i32 : i32, i32
  }
  func.func @transform_3(%arg0: i32) -> (i32, i32) {
    %c0_i32 = arith.constant 0 : i32
    %c0_i32_0 = arith.constant 0 : i32
    return %arg0, %c0_i32 : i32, i32
  }
}

</mosaic_0001>

<sc_bundles>
// kernel: kernel.6.cloned.1.call-start
scs
__scs_entry_jumppad:
0x0: {  	(pc) =	sbr.rel $0x88, $3  }
0x1: {  	(tag) =	ssettag $0x0;
	lr =	simm.s32 $0x1  }
0x2: {  	[smem:$0x3F9D] =	sst lr;
	_ =	strace $0xD0000000  }
0x3: {  	_ = 	snop  }
0x4: {  	_ = 	snop  }
0x5: {  	_ = 	snop  }
0x6: {  	_ = 	snop  }
0x7: {  	_ = 	snop  }
__scs_overlays_trampoline_lowered:
0x8: {  	[smem:$0x3FAC] =	sst s0  }
0x9: {  	[smem:$0x3FAD] =	sst s1  }
0xa: {  	[smem:$0x3FAE] =	sst s2  }
0xb: {  	[smem:$0x3FAF] =	sst s3  }
0xc: {  	[smem:$0x3FB0] =	sst s4  }
0xd: {  	[smem:$0x3FB1] =	sst s5  }
0xe: {  	[smem:$0x3FB2] =	sst s6  }
0xf: {  	[smem:$0x3FB3] =	sst s7  }
0x10: {  	[smem:$0x3FB4] =	sst s8  }
0x11: {  	[smem:$0x3FB5] =	sst s9;
	s0 =	simm.s32 @!p0 $0x0  }
0x12: {  	s1 =	sld [smem:$0x3F9B];
	s0 =	simm.s32 @p0 $0x1  }
0x13: {  	[smem:$0x3FB6] =	sst s0;
	s0 =	simm.s32 @!p1 $0x0  }
0x14: {  	s2 =	sld [smem:$0x3F9A];
	s0 =	simm.s32 @p1 $0x1  }
0x15: {  	[smem:$0x3FB7] =	sst s0;
	s0 =	simm.s32 @!p2 $0x0  }
0x16: {  	s3 =	sld [smem:$0x3FDB];
	s0 =	simm.s32 @p2 $0x1  }
0x17: {  	s4 =	simm.s32 $0x1BF5;
	[smem:$0x3FB9] =	sst s0  }
0x18: {  	s0 =	sld [smem:$0x3F9C];
	_ =	swait.ge [sflag:s4], $0x0  }
0x19: {  	s7 =	sld [smem:$0x3F9D]  }
0x1a: {  	s8 =	sadd.s32 $0xFFFFE003, lr  }
0x1b: {  	s9 =	sadd.s32 $0xFFFFFEF7, lr;
	s5 =	simm.s32 $0xFFFFFFFF;
	p2 =	slt.u32 s8, $0xFFFFF086  }
0x1c: {  	p1 =	slt.u32 s9, $0xF7A;
	s5 =	simm.s32 @!p2 $0x0  }
0x1d: {  	s5 =	simm.s32 @p1 $0x1;
	p0 =	seq.s32 s7, s2  }
0x1e: {  	s7 =	smul.u32 @!p0 $0xF7A, s2;
	p2 =	seq.s32 @!p0 s5, $0x0  }
0x1f: {  	s9 =	smul.u32 $0xF7A, s1;
	s8 =	simm.s32 @!p0 $0x1BF5;
	p2 =	por !p2, p0  }
0x20: {  	[sflag:s8] =	ssyncset.s32 @!p0 $0xFFFFF086;
	s6 =	sadd.s32 @!p0 s3, s7;
	s7 =	simm.s32 @!p0 $0x108  }
0x21: {  	s3 =	sadd.s32 s3, s9;
	s6 =	sadd.s32 @!p0 $0x88, s6;
	s7 =	simm.s32 @p2 $0x1082  }
0x22: {  	[simem:s7], [sflag:s8] =	dma.local @!p0 [hbm:s6], $0xF7A  }
0x23: {  	s9 =	sor.u32 $0xD0000000, s2;
	s6 =	simm.s32 $0x108;
	_ =	swait.ge @!p0 [sflag:s8], $0x0  }
0x24: {  	s3 =	sadd.s32 $0x88, s3;
	s6 =	simm.s32 @!p1 $0x1082;
	[sflag:s4] =	ssyncset.s32 $0xFFFFF086  }
0x25: {  	[simem:s6], [sflag:s4] =	dma.local [hbm:s3], $0xF7A  }
0x26: {  	[smem:$0x3F9D] =	sst s1;
	(tag) =	ssettag s2;
	_ =	strace s9  }
0x27: {  	s1 =	sld [smem:$0x3FAD]  }
0x28: {  	s2 =	sld [smem:$0x3FAE]  }
0x29: {  	s4 =	sld [smem:$0x3FB0]  }
0x2a: {  	p0 =	seq.s32 s5, $0x0;
	s5 =	sld [smem:$0x3FB1]  }
0x2b: {  	s6 =	sld [smem:$0x3FB2]  }
0x2c: {  	s7 =	sld [smem:$0x3FB3]  }
0x2d: {  	s3 =	simm.s32 $0x108;
	s8 =	sld [smem:$0x3FB4]  }
0x2e: {  	s3 =	simm.s32 @!p0 $0x1082;
	s9 =	sld [smem:$0x3FB5]  }
0x2f: {  	lr =	sadd.s32 s0, s3;
	s0 =	sld [smem:$0x3FAC]  }
0x30: {  	s3 =	sld [smem:$0x3FAF]  }
0x31: {  	[smem:$0x3FB8] =	sst s10  }
0x32: {  	s10 =	sld [smem:$0x3FB6];
	_ =	sdelay $0x3  }
0x33: {  	p0 =	seq.s32 s10, $0x1;
	s10 =	sld [smem:$0x3FB8];
	_ =	sdelay $0x3  }
0x34: {  	[smem:$0x3FB8] =	sst s10  }
0x35: {  	s10 =	sld [smem:$0x3FB7];
	_ =	sdelay $0x3  }
0x36: {  	p1 =	seq.s32 s10, $0x1;
	s10 =	sld [smem:$0x3FB8];
	_ =	sdelay $0x3  }
0x37: {  	[smem:$0x3FB8] =	sst s10  }
0x38: {  	s10 =	sld [smem:$0x3FB9]  }
0x39: {  	_ = 	snop;
	(pc) =	sbr.ind lr, $3  }
0x3a: {  	_ = 	snop  }
0x3b: {  	_ = 	snop  }
0x3c: {  	p2 =	seq.s32 s10, $0x1;
	s10 =	sld [smem:$0x3FB8]  }
0x3d: {  	_ =	shalt  }
0x3e: {  	_ =	shalt  }
0x3f: {  	_ =	shalt  }
0x40: {  	_ =	shalt  }
0x41: {  	_ =	shalt  }
0x42: {  	_ =	shalt  }
0x43: {  	_ =	shalt  }
0x44: {  	_ =	shalt  }
0x45: {  	_ =	shalt  }
0x46: {  	_ =	shalt  }
0x47: {  	_ =	shalt  }
0x48: {  	_ =	shalt  }
0x49: {  	_ =	shalt  }
0x4a: {  	_ =	shalt  }
0x4b: {  	_ =	shalt  }
0x4c: {  	_ =	shalt  }
0x4d: {  	_ =	shalt  }
0x4e: {  	_ =	shalt  }
0x4f: {  	_ =	shalt  }
0x50: {  	_ =	shalt  }
0x51: {  	_ =	shalt  }
0x52: {  	_ =	shalt  }
0x53: {  	_ =	shalt  }
0x54: {  	_ =	shalt  }
0x55: {  	_ =	shalt  }
0x56: {  	_ =	shalt  }
0x57: {  	_ =	shalt  }
0x58: {  	_ =	shalt  }
0x59: {  	_ =	shalt  }
0x5a: {  	_ =	shalt  }
0x5b: {  	_ =	shalt  }
0x5c: {  	_ =	shalt  }
0x5d: {  	_ =	shalt  }
0x5e: {  	_ =	shalt  }
0x5f: {  	_ =	shalt  }
0x60: {  	_ =	shalt  }
0x61: {  	_ =	shalt  }
0x62: {  	_ =	shalt  }
0x63: {  	_ =	shalt  }
0x64: {  	_ =	shalt  }
0x65: {  	_ =	shalt  }
0x66: {  	_ =	shalt  }
0x67: {  	_ =	shalt  }
0x68: {  	_ =	shalt  }
0x69: {  	_ =	shalt  }
0x6a: {  	_ =	shalt  }
0x6b: {  	_ =	shalt  }
0x6c: {  	_ =	shalt  }
0x6d: {  	_ =	shalt  }
0x6e: {  	_ =	shalt  }
0x6f: {  	_ =	shalt  }
0x70: {  	_ =	shalt  }
0x71: {  	_ =	shalt  }
0x72: {  	_ =	shalt  }
0x73: {  	_ =	shalt  }
0x74: {  	_ =	shalt  }
0x75: {  	_ =	shalt  }
0x76: {  	_ =	shalt  }
0x77: {  	_ =	shalt  }
0x78: {  	_ =	shalt  }
0x79: {  	_ =	shalt  }
0x7a: {  	_ =	shalt  }
0x7b: {  	_ =	shalt  }
0x7c: {  	_ =	shalt  }
0x7d: {  	_ =	shalt  }
0x7e: {  	_ =	shalt  }
0x7f: {  	_ =	shalt  }
0x80: {  	_ =	shalt  }
0x81: {  	_ =	shalt  }
0x82: {  	_ =	shalt  }
0x83: {  	_ =	shalt  }
0x84: {  	_ =	shalt  }
0x85: {  	_ =	shalt  }
0x86: {  	_ =	shalt  }
0x87: {  	_ =	shalt  }
.Lfunc_end0:
.L_simem_size_0:
called_computation_lowered:
.L_overlay_start_0:
0x88: {  	s2 =	sld [smem:$0x3FD9]  }
0x89: {  	s3 =	sld [smem:$0x3FFE];
	_ =	sdelay $0x1  }
0x8a: {  	s1 =	srdreg.scid  }
0x8b: {  	s0 =	sand.u32 $0x1, s1  }
0x8c: {  	s16 =	sshll.u32 s0, $0xA;
	s2 =	sadd.s32 s3, s2  }
0x8d: {  	s2 =	sadd.s32 s2, s16  }
0x8e: {  	[smem:$0x3FC4] =	sst s2  }
0x8f: {  	_ = 	snop  }
0x90: {  	(tm) =	ssettm $0x1  }
0x91: {  	s17 =	sld [smem:$0x3FFB];
	_ =	sdelay $0x3  }
0x92: {  	_ =	strace s17  }
0x93: {  	s2 =	sld [smem:$0x3FFC];
	_ =	sdelay $0x3  }
0x94: {  	_ =	strace s2  }
0x95: {  	s2 =	sld [smem:$0x3FFD];
	_ =	sdelay $0x3  }
0x96: {  	_ =	strace s2  }
0x97: {  	_ =	strace $0x8FFFFFFF  }
0x98: {  	s18 =	sld [smem:$0x3FDB];
	_ =	sdelay $0x1  }
0x99: {  	s19 =	simm.s32 $_scs_section_size  }
0x9a: {  	s4 =	simm.s32 $_size__tile_overlayer_lowered;
	s5 =	simm.s32 $_tile_overlayer_lowered  }
0x9b: {  	s22 =	simm.s32 $0x1BFF;
	s21 =	sshll.u32 s5, $0x1;
	s2 =	sadd.s32 s19, s18  }
0x9c: {  	s6 =	simm.s32 $0x0;
	s20 =	sshll.u32 s4, $0x1;
	s4 =	sadd.s32 s21, s2  }
0x9d: {  	[timem:s6], [sflag:s22] =	dma.local [hbm:s4], s20  }
0x9e: {  	_ =	swait.ge [sflag:s22], s20  }
0x9f: {  	s3 =	ssub.s32 $0x0, s20;
	[sflag:s22] =	ssyncset.done $0x0  }
0xa0: {  	[sflag:s22] =	ssyncadd.s32 s3;
	_ =	sdelay $0x1  }
0xa1: {  	s23 =	simm.s32 $0x1B8B  }
0xa2: {  	_ =	swait.ge [sflag:s23], $0x1  }
0xa3: {  	[sflag:s23] =	ssyncset.done $0x0  }
0xa4: {  	s25 =	simm.s32 $0x1B8E;
	s24 =	sld [smem:$0x3FFE];
	[sflag:s23] =	ssyncadd.s32 $0xFFFFFFFF  }
0xa5: {  	s26 =	simm.s32 $execute0_lowered;
	[smem:$0x3FD2] =	sst s25  }
0xa6: {  	s4 =	sshll.u32 s26, $0x1;
	_ =	strace $0x80000046;
	[dreg:$0x1] =	wrdreg $0xFFFFFFFF  }
0xa7: {  	s28 =	simm.s32 $_size_execute0_lowered;
	s2 =	sadd.s32 s2, s4;
	[dreg:$0x0] =	wrdreg $0x0  }
0xa8: {  	s4 =	sshll.u32 s28, $0x1;
	[dreg:$0x2] =	wrdreg s2  }
0xa9: {  	[dreg:$0x3] =	wrdreg s4  }
0xaa: {  	[dreg:$0x4] =	wrdreg $0xC0  }
0xab: {  	_ =	task [dreg:s6], $0x5FFFF  }
0xac: {  	[dreg:$0x1] =	wrdreg $0xFFFFFFFF  }
0xad: {  	[dreg:$0x0] =	wrdreg $0x60  }
0xae: {  	[dreg:$0x2] =	wrdreg s24  }
0xaf: {  	[dreg:$0x3] =	wrdreg $0x9  }
0xb0: {  	_ =	task.clear_ibuf [dreg:s6], $0x4FFFF;
	_ =	strace $0x90000046  }
0xb1: {  	s29 =	simm.s32 $0x9;
	_ =	strace $0x80000048  }
0xb2: {  	_ =	swait.ge [sflag:s29], $0x1  }
0xb3: {  	[sflag:s29] =	ssyncadd.s32 $0xFFFFFFFF  }
0xb4: {  	_ =	strace $0x90000048  }
0xb5: {  	_ =	sfence  }
0xb6: {  	s30 =	sld [smem:$0x0];
	_ =	sdelay $0x2  }
0xb7: {  	s31 =	sshll.u32 s1, $0xD;
	s1 =	sshrl.u32 s1, $0x2  }
0xb8: {  	s3 =	sand.u32 $0x4000, s31;
	s1 =	sadd.s32 s1, s30  }
0xb9: {  	s0 =	sor.u32 s3, s0;
	s1 =	sshll.u32 s1, $0x11  }
0xba: {  	s0 =	sor.u32 s1, s0  }
0xbb: {  	s0 =	sadd.s32 $0x8F2B, s0  }
0xbc: {  	[sflag:s0] =	ssyncadd.remote.s32 $0x1  }
0xbd: {  	_ =	sfence.sel $0xFFFF  }
0xbe: {  	[dreg:$0x0] =	wrdreg $0xFFFFFFFF;
	(pc) =	sbr.abs _section_cstart, $3  }
0xbf: {  	[dreg:$0x1] =	wrdreg $0xFFFFFFFF  }
0xc0: {  	_ =	task.clear_ibuf [dreg:s6], $0x2FFFF;
	_ =	strace $0x9FFFFFFF  }
0xc1: {  	(tm) =	ssettm $0x7FFFFFFF  }
tec
execute0_lowered:
.L_overlay_start_1:
0x0: {  	(tag) =	ssettag $0x1  }
0x1: {  	s1 =	srdreg.scid;
	s0 =	stileid.u32  }
0x2: {  	s8 =	rddreg [dreg:$0x0];
	s3 =	simm.s32 $0x0;
	s13 =	simm.s32 $0x1D480  }
0x3: {  	s14 =	simm.s32 $0x18800;
	s15 =	simm.s32 $0x1A180;
	s16 =	simm.s32 $0x80  }
0x4: {  	s18 =	simm.s32 $0x1BB00;
	s6 =	sand.u32 $0x1, s1;
	s26 =	sshll.u32 s0, $0x1  }
0x5: {  	s19 =	simm.s32 $0x0;
	s1 =	rddreg [dreg:$0x1];
	s4 =	sor.u32 s6, s26  }
0x6: {  	[smem:$0x7FF] =	sst s3;
	s28 =	sshrl.u32 s0, $0x2;
	s2 =	smul.u32 $0x186A, s4  }
0x7: {  	_ =	strace $0x80000047;
	s9 =	smul.u32 $0xC800, s28;
	s31 =	ssub.s32 $0x2, s6  }
0x8: {  	s6 =	sadd.s32 $0xC00, s8;
	s29 =	sshll.u32 s4, $0x7;
	s5 =	sand.u32 $0x3FFF8, s2  }
0x9: {  	s4 =	sadd.s32 $0xD400, s8;
	s12 =	sshrl.u32 s31, $0x1;
	s17 =	smin.u32 s5, $0x2F438  }
0xa: {  	s30 =	sand.u32 $0x380, s29;
	s12 =	ssub.s32 s31, s12;
	s7 =	sshrl.u32 s17, $0x3  }
0xb: {  	s5 =	sadd.s32 $0x7200, s8;
	s10 =	sadd.s32 s7, s8;
	s7 =	sor.u32 s9, s30  }
0xc: {  	v0 =	vmov s17;
	s17 =	simm.s32 $0x400;
	s11 =	sshrl.u32 s7, $0x3;
	s7 =	sadd.s32 $0xE00, s8  }
0xd: {  	s11 =	sadd.s32 s11, s8;
	s8 =	sadd.s32 $0x1000, s10;
	s10 =	smax.u32 s12, $0x1  }
0xe: {  	v1 =	vlaneseq.u32;
	v2 =	vimm.s32 $0xC400;
	s12 =	simm.s32 $0x1D400;
	s9 =	sadd.s32 $0x10600, s11;
	s11 =	simm.s32 $0x1  }
.LBB2_1:
0xf: {  	[tilespmem:s3], [sflag:$0x1] =	stream.linear.gather [hbm4b:s4+s3], $0x18800, $0x38;
	[tilespmem:$0x1D500] =	vst v63  }
0x10: {  	_ =	swait.ge [sflag:s11], $0x18800  }
0x11: {  	[sflag:s11] =	ssyncset.done $0x0  }
0x12: {  	[sflag:s11] =	ssyncadd.s32 $0xFFFE7800  }
0x13: {  	[tilespmem:s12], [sflag:$0x1] =	stream.linear.gather [hbm4b:s6+s3], $0x80, $0x38;
	[tilespmem:$0x1D500] =	vst v63  }
0x14: {  	_ =	swait.ge [sflag:s11], $0x80  }
0x15: {  	[sflag:s11] =	ssyncset.done $0x0  }
0x16: {  	[sflag:s11] =	ssyncadd.s32 $0xFFFFFF80  }
0x17: {  	[tilespmem:s13], [sflag:$0x1] =	stream.linear.gather [hbm4b:s7+s3], $0x80, $0x38;
	[tilespmem:$0x1D500] =	vst v63  }
0x18: {  	_ =	swait.ge [sflag:s11], $0x80  }
0x19: {  	[sflag:s11] =	ssyncset.done $0x0  }
0x1a: {  	[sflag:s11] =	ssyncadd.s32 $0xFFFFFF80  }
0x1b: {  	v7 =	vld [tilespmem:$0x1D400];
	_ =	sdelay $0x4  }
0x1c: {  	(v2sf) =	vpush v7, $0x0;
	_ =	sdelay $0xd  }
0x1d: {  	v6 =	vld [tilespmem:$0x1D480];
	[tilespmem:s14], [sflag:$0x1] =	stream.linear.gather [hbm4b:s8+s3], $0x1908, $0x38  }
0x1e: {  	s20 =	spop (v2sf)  }
0x1f: {  	s20 =	ssub.s32 s2, s20  }
0x20: {  	p0 =	sgt.s32 s20, $0x0  }
0x21: {  	p1 =	slt.s32 s20, $0x1;
	s20 =	simm.s32 @!p0 $0x0  }
0x22: {  	s20 =	smin.u32 s20, $0x2F438  }
0x23: {  	s21 =	sand.u32 $0x7, s20  }
0x24: {  	p6 =	sne.s32 s21, $0x0  }
0x25: {  	p0 =	por !p1, !p6  }
0x26: {  	s21 =	simm.s32 $0xFFFFFFFF;
	p0 =	por !p0, !p0  }
0x27: {  	s21 =	simm.s32 @!p0 $0x0  }
0x28: {  	s21 =	sshll.u32 s21, $0x3  }
0x29: {  	_ =	swait.ge [sflag:s11], $0x1908;
	s20 =	sadd.s32 s20, s21  }
0x2a: {  	[sflag:s11] =	ssyncset.done $0x0;
	s21 =	sshrl.u32 s20, $0x3  }
0x2b: {  	[sflag:s11] =	ssyncadd.s32 $0xFFFFE6F8;
	s21 =	sadd.s32 s5, s21  }
0x2c: {  	[tilespmem:s15], [sflag:$0x1] =	stream.linear.gather [hbm4b:s21+s3], $0x1908, $0x38;
	[tilespmem:$0x1D500] =	vst v63  }
0x2d: {  	_ =	swait.ge [sflag:s11], $0x1908  }
0x2e: {  	v3 =	vbroadcast v7, $0x0;
	v4 =	vbroadcast v6, $0x0;
	s20 =	sand.u32 $0xFFFFFFF8, s20;
	[sflag:s11] =	ssyncset.done $0x0  }
0x2f: {  	v6 =	vbroadcast v6, $0x1;
	v7 =	vbroadcast v7, $0x1;
	v5 =	vmov s20;
	s20 =	simm.s32 $0x0;
	[sflag:s11] =	ssyncadd.s32 $0xFFFFE6F8  }
.LBB2_2:
0x30: {  	s21 =	sshll.u32 s20, $0x5  }
0x31: {  	s22 =	sadd.s32 s2, s21  }
0x32: {  	v8 =	vadd.s32 s22, v1  }
0x33: {  	s22 =	sor.u32 $0x10, s21;
	v9 =	vsub.s32 v8, v3  }
0x34: {  	v10 =	vsub.s32 v8, v0;
	s23 =	sadd.s32 s2, s22;
	vm0 =	vgt.s32 v9, $0x0  }
0x35: {  	vm1 =	vgt.s32 v10, $0x0;
	v11 =	vnsel vm0, $0x0, v9;
	v9 =	vadd.s32 s23, v1  }
0x36: {  	v12 =	vnsel vm1, $0x0, v10;
	v11 =	vmin.u32 v11, $0x30D3F;
	v13 =	vsub.s32 v9, v3  }
0x37: {  	v10 =	vimm.s32 $0x0;
	v11 =	vsub.s32 v11, v5;
	vm0 =	vgt.s32 v13, $0x0  }
0x38: {  	v14 =	vmin.u32 v12, $0x1907;
	vm1 =	vgt.s32 v11, $0x0;
	v12 =	vnsel vm0, $0x0, v13  }
0x39: {  	v13 =	vsub.s32 v9, v0;
	v11 =	vnsel vm1, $0x0, v11;
	v12 =	vmin.u32 v12, $0x30D3F  }
0x3a: {  	vm0 =	vgt.s32 v13, $0x0;
	v15 =	vmin.u32 v11, $0x1907;
	v12 =	vsub.s32 v12, v5  }
0x3b: {  	v13 =	vnsel vm0, $0x0, v13;
	v11 =	vimm.s32 $0xC350;
	vm0 =	vgt.s32 v12, $0x0  }
0x3c: {  	v16 =	vmin.u32 v13, $0x1907;
	v13 =	vadd.s32 v10, v11;
	v12 =	vnsel vm0, $0x0, v12  }
0x3d: {  	vm0 =	vlt.s32 v8, v3;
	v13 =	vshra.s32 v13, $0x1;
	v17 =	vmin.u32 v12, $0x1907  }
0x3e: {  	v19 =	vld.idx.msk [tilespmem:v14+s14+$0x0], $0xffff;
	v12 =	vsel vm0, $0x0, v2;
	v18 =	vand.u32 $0xFFFFFF80, v13  }
0x3f: {  	vm1 =	vlt.s32 v9, v3;
	v20 =	vand.u32 $0x7F, v13;
	v14 =	vadd.s32 v12, v18;
	v15 =	vld.idx.msk [tilespmem:v15+s15+$0x0], $0xffff  }
0x40: {  	v21 =	vor.u32 v20, v14;
	v14 =	vsel vm1, $0x0, v2  }
0x41: {  	v16 =	vld.idx.msk [tilespmem:v16+s14+$0x0], $0xffff;
	v18 =	vadd.s32 v14, v18  }
0x42: {  	v18 =	vor.u32 v20, v18;
	v17 =	vld.idx.msk [tilespmem:v17+s15+$0x0], $0xffff;
	_ =	sdelay $0x1  }
0x43: {  	v15 =	vsel vm0, v19, v15  }
0x44: {  	v15 =	vsub.f32 $1.000000000e+00, v15  }
0x45: {  	v20 =	vsel vm0, v4, v6;
	v19 =	vld.idx.msk [tilespmem:v21+s3+$0x0], $0xffff  }
0x46: {  	v16 =	vsel vm1, v16, v17;
	v15 =	vmul.f32 v15, v20;
	v20 =	vld.idx.msk [tilespmem:v18+s3+$0x0], $0xffff  }
0x47: {  	v16 =	vsub.f32 $1.000000000e+00, v16  }
0x48: {  	v17 =	vsel vm1, v4, v6  }
0x49: {  	v22 =	vadd.s32 $0x1, v13;
	v21 =	vadd.s32 $0x1, v13;
	v16 =	vmul.f32 v16, v17  }
0x4a: {  	s23 =	simm.s32 $0xF;
	v18 =	vimm.s32 $0xC350;
	vm0 =	vlt.f32 v19, v15;
	v19 =	vmovc v13;
	v17 =	vimm.s32 $0x0  }
.LBB2_3:
0x4b: {  	p0 =	sne.s32 s23, $0x1;
	s23 =	sadd.s32 $0xFFFFFFFF, s23;
	vm1 =	vlt.f32 v20, v16;
	v10 =	vsel vm0, v22, v10;
	v11 =	vsel vm0, v11, v13  }
0x4c: {  	v13 =	vadd.s32 v10, v11;
	v17 =	vsel vm1, v21, v17;
	v18 =	vsel vm1, v18, v19  }
0x4d: {  	v13 =	vshra.s32 v13, $0x1;
	v19 =	vadd.s32 v17, v18  }
0x4e: {  	v19 =	vshra.s32 v19, $0x1;
	v20 =	vand.u32 $0xFFFFFF80, v13  }
0x4f: {  	v21 =	vand.u32 $0x7F, v13;
	v20 =	vadd.s32 v12, v20;
	v22 =	vand.u32 $0xFFFFFF80, v19  }
0x50: {  	v20 =	vor.u32 v21, v20;
	v21 =	vand.u32 $0x7F, v19;
	v22 =	vadd.s32 v14, v22  }
0x51: {  	v21 =	vor.u32 v21, v22;
	_ =	sdelay $0x3  }
0x52: {  	v22 =	vld.idx.msk [tilespmem:v20+s3+$0x0], $0xffff  }
0x53: {  	v20 =	vld.idx.msk [tilespmem:v21+s3+$0x0], $0xffff  }
.Ltmp0:
0x54: {  	(pc) =	sbr.rel @p0 .LBB2_3-.Ltmp0, $2  }
0x55: {  	_ =	sdelay $0x2  }
0x56: {  	v21 =	vadd.s32 $0x1, v19;
	vm0 =	vlt.f32 v22, v15;
	v22 =	vadd.s32 $0x1, v13  }
0x57: {  	vm1 =	vlt.f32 v20, v16;
	v10 =	vsel vm0, v22, v10;
	s20 =	sadd.s32 $0x1, s20  }
0x58: {  	v11 =	vsel vm1, v21, v17;
	vm0 =	vgt.s32 v10, $0x0;
	p0 =	sne.s32 s20, $0xC8  }
.Ltmp1:
0x59: {  	v10 =	vnsel vm0, $0x0, v10;
	vm13 =	vgt.s32 v11, $0x0;
	(pc) =	sbr.rel @p0 .LBB2_2-.Ltmp1, $4  }
0x5a: {  	vm14 =	vlt.s32 v8, v7;
	v8 =	vmin.u32 v10, $0xC34F;
	v62 =	vnsel vm13, $0x0, v11  }
0x5b: {  	vm15 =	vlt.s32 v9, v7;
	v8 =	vnsel vm14, $0x0, v8;
	v63 =	vmin.u32 v62, $0xC34F  }
0x5c: {  	v9 =	vnsel vm15, $0x0, v63;
	[tilespmem:s21+$0x1BB00] =	vst v8  }
0x5d: {  	[tilespmem:s22+$0x1BB00] =	vst v9  }
0x5e: {  	s19 =	sadd.s32 $0x1, s19  }
0x5f: {  	p0 =	sne.s32 s19, s10  }
.Ltmp2:
0x60: {  	_ = 	snop;
	(pc) =	sbr.rel @p0 .LBB2_1-.Ltmp2, $4  }
0x61: {  	[hbm4b:s9+s16] =	stream.strided.scatter [tilespmem:s18], [sflag:$0x1], $0x1900, s17, s16, $0x38;
	[tilespmem:$0x1D500] =	vst v63  }
0x62: {  	_ =	swait.ge [sflag:s11], $0x1900  }
0x63: {  	[sflag:s11] =	ssyncset.done $0x0  }
0x64: {  	[sflag:s11] =	ssyncadd.s32 $0xFFFFE700  }
0x65: {  	_ =	sfence.sel $0x180000  }
0x66: {  	[bflag:$0x0] =	sbarrier.arrive $0xFFFF  }
0x67: {  	p0 =	sne.s32 s0, $0x0;
	_ =	strace $0x90000047  }
0x68: {  	s0 =	sadd.s32 @!p0 $0x100000, s1;
	[bflag:$0x2] =	sbarrier.arrive $0xFFFF  }
0x69: {  	[sflag:s0] =	ssyncadd.tile.s32 @!p0 $0x1;
	_ =	shalt  }
.Lfunc_end2:
_tile_overlayer_lowered:
.L_overlay_start_2:
0x6a: {  	(tag) =	ssettag $0x2  }
0x6b: {  	s0 =	rddreg [dreg:$0x0];
	s2 =	stileid.u32  }
0x6c: {  	s1 =	rddreg [dreg:$0x1];
	p0 =	sne.s32 s2, $0x0  }
0x6d: {  	s3 =	rddreg [dreg:$0x2];
	[bflag:$0x3] =	sbarrier.arrive $0xFFFF;
	s2 =	simm.s32 @!p0 $0x1C01  }
0x6e: {  	[timem:s3], [sflag:s2] =	dma.local @!p0 [hbm:s0], s1  }
0x6f: {  	s0 =	simm.s32 @!p0 $0x1  }
0x70: {  	_ =	swait.ge @!p0 [sflag:s0], s1  }
0x71: {  	s1 =	ssub.s32 @!p0 $0x0, s1;
	[sflag:s0] =	ssyncset.done @!p0 $0x0  }
0x72: {  	[sflag:s0] =	ssyncadd.s32 @!p0 s1  }
0x73: {  	[bflag:$0x3] =	sbarrier.arrive $0xFFFF  }
0x74: {  	_ =	shalt  }

// kernel: kernel.9.cloned.1.call-start
scs
__scs_entry_jumppad:
0x0: {  	(pc) =	sbr.rel $0x88, $3  }
0x1: {  	(tag) =	ssettag $0x0;
	lr =	simm.s32 $0x1  }
0x2: {  	[smem:$0x3F9D] =	sst lr;
	_ =	strace $0xD0000000  }
0x3: {  	_ = 	snop  }
0x4: {  	_ = 	snop  }
0x5: {  	_ = 	snop  }
0x6: {  	_ = 	snop  }
0x7: {  	_ = 	snop  }
__scs_overlays_trampoline_lowered:
0x8: {  	[smem:$0x3FAC] =	sst s0  }
0x9: {  	[smem:$0x3FAD] =	sst s1  }
0xa: {  	[smem:$0x3FAE] =	sst s2  }
0xb: {  	[smem:$0x3FAF] =	sst s3  }
0xc: {  	[smem:$0x3FB0] =	sst s4  }
0xd: {  	[smem:$0x3FB1] =	sst s5  }
0xe: {  	[smem:$0x3FB2] =	sst s6  }
0xf: {  	[smem:$0x3FB3] =	sst s7  }
0x10: {  	[smem:$0x3FB4] =	sst s8  }
0x11: {  	[smem:$0x3FB5] =	sst s9;
	s0 =	simm.s32 @!p0 $0x0  }
0x12: {  	s1 =	sld [smem:$0x3F9B];
	s0 =	simm.s32 @p0 $0x1  }
0x13: {  	[smem:$0x3FB6] =	sst s0;
	s0 =	simm.s32 @!p1 $0x0  }
0x14: {  	s2 =	sld [smem:$0x3F9A];
	s0 =	simm.s32 @p1 $0x1  }
0x15: {  	[smem:$0x3FB7] =	sst s0;
	s0 =	simm.s32 @!p2 $0x0  }
0x16: {  	s3 =	sld [smem:$0x3FDB];
	s0 =	simm.s32 @p2 $0x1  }
0x17: {  	s4 =	simm.s32 $0x1BF5;
	[smem:$0x3FB9] =	sst s0  }
0x18: {  	s0 =	sld [smem:$0x3F9C];
	_ =	swait.ge [sflag:s4], $0x0  }
0x19: {  	s7 =	sld [smem:$0x3F9D]  }
0x1a: {  	s8 =	sadd.s32 $0xFFFFE003, lr  }
0x1b: {  	s9 =	sadd.s32 $0xFFFFFEF7, lr;
	s5 =	simm.s32 $0xFFFFFFFF;
	p2 =	slt.u32 s8, $0xFFFFF086  }
0x1c: {  	p1 =	slt.u32 s9, $0xF7A;
	s5 =	simm.s32 @!p2 $0x0  }
0x1d: {  	s5 =	simm.s32 @p1 $0x1;
	p0 =	seq.s32 s7, s2  }
0x1e: {  	s7 =	smul.u32 @!p0 $0xF7A, s2;
	p2 =	seq.s32 @!p0 s5, $0x0  }
0x1f: {  	s9 =	smul.u32 $0xF7A, s1;
	s8 =	simm.s32 @!p0 $0x1BF5;
	p2 =	por !p2, p0  }
0x20: {  	[sflag:s8] =	ssyncset.s32 @!p0 $0xFFFFF086;
	s6 =	sadd.s32 @!p0 s3, s7;
	s7 =	simm.s32 @!p0 $0x108  }
0x21: {  	s3 =	sadd.s32 s3, s9;
	s6 =	sadd.s32 @!p0 $0x88, s6;
	s7 =	simm.s32 @p2 $0x1082  }
0x22: {  	[simem:s7], [sflag:s8] =	dma.local @!p0 [hbm:s6], $0xF7A  }
0x23: {  	s9 =	sor.u32 $0xD0000000, s2;
	s6 =	simm.s32 $0x108;
	_ =	swait.ge @!p0 [sflag:s8], $0x0  }
0x24: {  	s3 =	sadd.s32 $0x88, s3;
	s6 =	simm.s32 @!p1 $0x1082;
	[sflag:s4] =	ssyncset.s32 $0xFFFFF086  }
0x25: {  	[simem:s6], [sflag:s4] =	dma.local [hbm:s3], $0xF7A  }
0x26: {  	[smem:$0x3F9D] =	sst s1;
	(tag) =	ssettag s2;
	_ =	strace s9  }
0x27: {  	s1 =	sld [smem:$0x3FAD]  }
0x28: {  	s2 =	sld [smem:$0x3FAE]  }
0x29: {  	s4 =	sld [smem:$0x3FB0]  }
0x2a: {  	p0 =	seq.s32 s5, $0x0;
	s5 =	sld [smem:$0x3FB1]  }
0x2b: {  	s6 =	sld [smem:$0x3FB2]  }
0x2c: {  	s7 =	sld [smem:$0x3FB3]  }
0x2d: {  	s3 =	simm.s32 $0x108;
	s8 =	sld [smem:$0x3FB4]  }
0x2e: {  	s3 =	simm.s32 @!p0 $0x1082;
	s9 =	sld [smem:$0x3FB5]  }
0x2f: {  	lr =	sadd.s32 s0, s3;
	s0 =	sld [smem:$0x3FAC]  }
0x30: {  	s3 =	sld [smem:$0x3FAF]  }
0x31: {  	[smem:$0x3FB8] =	sst s10  }
0x32: {  	s10 =	sld [smem:$0x3FB6];
	_ =	sdelay $0x3  }
0x33: {  	p0 =	seq.s32 s10, $0x1;
	s10 =	sld [smem:$0x3FB8];
	_ =	sdelay $0x3  }
0x34: {  	[smem:$0x3FB8] =	sst s10  }
0x35: {  	s10 =	sld [smem:$0x3FB7];
	_ =	sdelay $0x3  }
0x36: {  	p1 =	seq.s32 s10, $0x1;
	s10 =	sld [smem:$0x3FB8];
	_ =	sdelay $0x3  }
0x37: {  	[smem:$0x3FB8] =	sst s10  }
0x38: {  	s10 =	sld [smem:$0x3FB9]  }
0x39: {  	_ = 	snop;
	(pc) =	sbr.ind lr, $3  }
0x3a: {  	_ = 	snop  }
0x3b: {  	_ = 	snop  }
0x3c: {  	p2 =	seq.s32 s10, $0x1;
	s10 =	sld [smem:$0x3FB8]  }
0x3d: {  	_ =	shalt  }
0x3e: {  	_ =	shalt  }
0x3f: {  	_ =	shalt  }
0x40: {  	_ =	shalt  }
0x41: {  	_ =	shalt  }
0x42: {  	_ =	shalt  }
0x43: {  	_ =	shalt  }
0x44: {  	_ =	shalt  }
0x45: {  	_ =	shalt  }
0x46: {  	_ =	shalt  }
0x47: {  	_ =	shalt  }
0x48: {  	_ =	shalt  }
0x49: {  	_ =	shalt  }
0x4a: {  	_ =	shalt  }
0x4b: {  	_ =	shalt  }
0x4c: {  	_ =	shalt  }
0x4d: {  	_ =	shalt  }
0x4e: {  	_ =	shalt  }
0x4f: {  	_ =	shalt  }
0x50: {  	_ =	shalt  }
0x51: {  	_ =	shalt  }
0x52: {  	_ =	shalt  }
0x53: {  	_ =	shalt  }
0x54: {  	_ =	shalt  }
0x55: {  	_ =	shalt  }
0x56: {  	_ =	shalt  }
0x57: {  	_ =	shalt  }
0x58: {  	_ =	shalt  }
0x59: {  	_ =	shalt  }
0x5a: {  	_ =	shalt  }
0x5b: {  	_ =	shalt  }
0x5c: {  	_ =	shalt  }
0x5d: {  	_ =	shalt  }
0x5e: {  	_ =	shalt  }
0x5f: {  	_ =	shalt  }
0x60: {  	_ =	shalt  }
0x61: {  	_ =	shalt  }
0x62: {  	_ =	shalt  }
0x63: {  	_ =	shalt  }
0x64: {  	_ =	shalt  }
0x65: {  	_ =	shalt  }
0x66: {  	_ =	shalt  }
0x67: {  	_ =	shalt  }
0x68: {  	_ =	shalt  }
0x69: {  	_ =	shalt  }
0x6a: {  	_ =	shalt  }
0x6b: {  	_ =	shalt  }
0x6c: {  	_ =	shalt  }
0x6d: {  	_ =	shalt  }
0x6e: {  	_ =	shalt  }
0x6f: {  	_ =	shalt  }
0x70: {  	_ =	shalt  }
0x71: {  	_ =	shalt  }
0x72: {  	_ =	shalt  }
0x73: {  	_ =	shalt  }
0x74: {  	_ =	shalt  }
0x75: {  	_ =	shalt  }
0x76: {  	_ =	shalt  }
0x77: {  	_ =	shalt  }
0x78: {  	_ =	shalt  }
0x79: {  	_ =	shalt  }
0x7a: {  	_ =	shalt  }
0x7b: {  	_ =	shalt  }
0x7c: {  	_ =	shalt  }
0x7d: {  	_ =	shalt  }
0x7e: {  	_ =	shalt  }
0x7f: {  	_ =	shalt  }
0x80: {  	_ =	shalt  }
0x81: {  	_ =	shalt  }
0x82: {  	_ =	shalt  }
0x83: {  	_ =	shalt  }
0x84: {  	_ =	shalt  }
0x85: {  	_ =	shalt  }
0x86: {  	_ =	shalt  }
0x87: {  	_ =	shalt  }
.Lfunc_end0:
.L_simem_size_0:
called_computation.1_lowered:
.L_overlay_start_0:
0x88: {  	s2 =	sld [smem:$0x3FD9]  }
0x89: {  	s3 =	sld [smem:$0x3FFE];
	_ =	sdelay $0x1  }
0x8a: {  	s1 =	srdreg.scid  }
0x8b: {  	s0 =	sand.u32 $0x1, s1  }
0x8c: {  	s17 =	sshll.u32 s0, $0xA;
	s2 =	sadd.s32 s3, s2  }
0x8d: {  	s2 =	sadd.s32 s2, s17  }
0x8e: {  	[smem:$0x3FC4] =	sst s2  }
0x8f: {  	_ = 	snop  }
0x90: {  	s2 =	sld [smem:$0x3FC9];
	(tm) =	ssettm $0x1  }
0x91: {  	s18 =	sld [smem:$0x3FFB];
	_ =	sdelay $0x3  }
0x92: {  	_ =	strace s18  }
0x93: {  	s3 =	sld [smem:$0x3FFC];
	_ =	sdelay $0x3  }
0x94: {  	_ =	strace s3  }
0x95: {  	s3 =	sld [smem:$0x3FFD];
	_ =	sdelay $0x3  }
0x96: {  	_ =	strace s3  }
0x97: {  	_ =	strace $0x8FFFFFFF  }
0x98: {  	s19 =	sld [smem:$0x3FDB];
	_ =	sdelay $0x1  }
0x99: {  	s4 =	simm.s32 $_scs_section_size  }
0x9a: {  	s5 =	simm.s32 $_size__tile_overlayer_lowered;
	s6 =	simm.s32 $_tile_overlayer_lowered  }
0x9b: {  	s22 =	simm.s32 $0x1BFF;
	s21 =	sshll.u32 s6, $0x1;
	s3 =	sadd.s32 s4, s19  }
0x9c: {  	s7 =	simm.s32 $0x0;
	s20 =	sshll.u32 s5, $0x1;
	s5 =	sadd.s32 s21, s3  }
0x9d: {  	[timem:s7], [sflag:s22] =	dma.local [hbm:s5], s20  }
0x9e: {  	_ =	swait.ge [sflag:s22], s20  }
0x9f: {  	s4 =	ssub.s32 $0x0, s20;
	[sflag:s22] =	ssyncset.done $0x0  }
0xa0: {  	[sflag:s22] =	ssyncadd.s32 s4;
	_ =	sdelay $0x1  }
0xa1: {  	s23 =	simm.s32 $0x1B8B  }
0xa2: {  	_ =	swait.ge [sflag:s23], $0x1  }
0xa3: {  	[sflag:s23] =	ssyncset.done $0x0  }
0xa4: {  	s25 =	simm.s32 $0x1B8E;
	s24 =	sld [smem:$0x3FFE];
	[sflag:s23] =	ssyncadd.s32 $0xFFFFFFFF  }
0xa5: {  	s26 =	simm.s32 $execute0_lowered;
	[smem:$0x3FD2] =	sst s25  }
0xa6: {  	s5 =	sshll.u32 s26, $0x1;
	_ =	strace $0x80000049;
	[dreg:$0x1] =	wrdreg $0xFFFFFFFF  }
0xa7: {  	s28 =	simm.s32 $_size_execute0_lowered;
	s3 =	sadd.s32 s3, s5;
	[dreg:$0x0] =	wrdreg $0x0  }
0xa8: {  	s5 =	sshll.u32 s28, $0x1;
	[dreg:$0x2] =	wrdreg s3  }
0xa9: {  	[dreg:$0x3] =	wrdreg s5  }
0xaa: {  	[dreg:$0x4] =	wrdreg $0xC0  }
0xab: {  	_ =	task [dreg:s7], $0x5FFFF  }
0xac: {  	[dreg:$0x1] =	wrdreg $0xFFFFFFFF  }
0xad: {  	[dreg:$0x0] =	wrdreg $0x60  }
0xae: {  	[dreg:$0x2] =	wrdreg s2  }
0xaf: {  	[dreg:$0x3] =	wrdreg s24  }
0xb0: {  	[dreg:$0x4] =	wrdreg $0x9  }
0xb1: {  	_ =	task.clear_ibuf [dreg:s7], $0x5FFFF;
	_ =	strace $0x90000049  }
0xb2: {  	s29 =	simm.s32 $0x9;
	_ =	strace $0x8000004B  }
0xb3: {  	_ =	swait.ge [sflag:s29], $0x1  }
0xb4: {  	[sflag:s29] =	ssyncadd.s32 $0xFFFFFFFF  }
0xb5: {  	_ =	strace $0x9000004B  }
0xb6: {  	_ =	sfence  }
0xb7: {  	s30 =	sld [smem:$0x0];
	_ =	sdelay $0x2  }
0xb8: {  	s31 =	sshll.u32 s1, $0xD;
	s1 =	sshrl.u32 s1, $0x2  }
0xb9: {  	s3 =	sand.u32 $0x4000, s31;
	s1 =	sadd.s32 s1, s30  }
0xba: {  	s0 =	sor.u32 s3, s0;
	s1 =	sshll.u32 s1, $0x11  }
0xbb: {  	s0 =	sor.u32 s1, s0  }
0xbc: {  	s0 =	sadd.s32 $0x8F2B, s0  }
0xbd: {  	[sflag:s0] =	ssyncadd.remote.s32 $0x1  }
0xbe: {  	_ =	sfence.sel $0xFFFF  }
0xbf: {  	[dreg:$0x0] =	wrdreg $0xFFFFFFFF;
	(pc) =	sbr.abs _section_cstart, $3  }
0xc0: {  	[dreg:$0x1] =	wrdreg $0xFFFFFFFF  }
0xc1: {  	_ =	task.clear_ibuf [dreg:s7], $0x2FFFF;
	_ =	strace $0x9FFFFFFF  }
0xc2: {  	(tm) =	ssettm $0x7FFFFFFF  }
0xc3: {  	_ =	shalt  }
tec
execute0_lowered:
.L_overlay_start_1:
0x0: {  	(tag) =	ssettag $0x1  }
0x1: {  	s2 =	rddreg [dreg:$0x0]  }
0x2: {  	s0 =	rddreg [dreg:$0x1]  }
0x3: {  	s1 =	srdreg.scid;
	s4 =	stileid.u32;
	s3 =	simm.s32 $0x0  }
0x4: {  	s1 =	sand.u32 $0x1, s1;
	s4 =	sshll.u32 s4, $0x1;
	[smem:$0x7FF] =	sst s3  }
0x5: {  	s29 =	sadd.s32 $0xDA000, s0;
	s5 =	sor.u32 s1, s4;
	s1 =	ssub.s32 $0x2, s1  }
0x6: {  	_ =	strace $0x8000004A;
	s6 =	smul.u32 $0x380, s5;
	s7 =	sshrl.u32 s1, $0x1  }
.Ltmp0:
0x7: {  	[dreg:$0x3] =	wrdreg s29;
	s1 =	ssub.s32 s1, s7;
	(pc) =	sbr.rel .LBB2_1-.Ltmp0, $4  }
0x8: {  	s5 =	sshll.u32 s5, $0x4;
	s6 =	sadd.s32 s6, s0;
	s31 =	smax.u32 s1, $0x1  }
0x9: {  	v2 =	vlaneseq.u32;
	s0 =	sadd.s32 s5, s0;
	s30 =	sadd.s32 $0xC00, s6;
	[dreg:$0x6] =	wrdreg s31  }
0xa: {  	vm0 =	vmmov $0xffff;
	vm1 =	vcmask $0x300;
	v1 =	vshrl.u32 v2, $0x3;
	s0 =	sadd.s32 $0x7C00, s0;
	[dreg:$0x4] =	wrdreg s30  }
0xb: {  	v0 =	vand.u32 $0x7, v2;
	v2 =	vor.u32 $0x8, v2;
	v1 =	vmul.u32 $0x8, v1;
	s4 =	simm.s32 $0x0;
	s1 =	simm.s32 $0x5;
	[dreg:$0x5] =	wrdreg s0  }
.LBB2_10:
0xc: {  	v3 =	vmov s21  }
0xd: {  	v3 =	vnsel vm1, $0x0, v3  }
0xe: {  	s0 =	rddreg [dreg:$0x5];
	s1 =	simm.s32 $0x19C00;
	[tilespmem:$0x19C00] =	vst v3  }
0xf: {  	[hbm4b:s0+s3] =	stream.linear.scatter [tilespmem:s1], [sflag:$0x5], $0x80, $0x38;
	[tilespmem:$0x19C80] =	vst v63  }
0x10: {  	s1 =	simm.s32 $0x5  }
0x11: {  	_ =	swait.ge [sflag:s1], $0x80  }
0x12: {  	s4 =	rddreg [dreg:$0x7]  }
0x13: {  	s31 =	rddreg [dreg:$0x6];
	s4 =	sadd.s32 $0x1, s4  }
0x14: {  	p0 =	sne.s32 s4, s31  }
.Ltmp1:
0x15: {  	_ = 	snop;
	(pc) =	sbr.rel @!p0 .LBB2_11-.Ltmp1, $3  }
0x16: {  	_ =	sdelay $0x1  }
0x17: {  	[sflag:s1] =	ssyncset.done $0x0  }
0x18: {  	[sflag:s1] =	ssyncadd.s32 $0xFFFFFF80  }
.LBB2_1:
0x19: {  	[dreg:$0x7] =	wrdreg s4  }
0x1a: {  	s0 =	rddreg [dreg:$0x4]  }
0x1b: {  	[tilespmem:s3], [sflag:$0x5] =	stream.linear.gather [hbm4b:s0+s3], $0x1900, $0x38;
	[tilespmem:$0x19C80] =	vst v63  }
0x1c: {  	_ =	swait.ge [sflag:s1], $0x1900  }
0x1d: {  	[sflag:s1] =	ssyncset.done $0x0  }
0x1e: {  	[sflag:s1] =	ssyncadd.s32 $0xFFFFE700  }
0x1f: {  	v3 =	vld [tilespmem:$0x0];
	_ =	sdelay $0x4  }
0x20: {  	v4 =	vshll.u32 v3, $0x1  }
0x21: {  	v3 =	vand.u32 $0x7, v3;
	v4 =	vand.u32 $0xFFFFFFF0, v4  }
0x22: {  	v3 =	vor.u32 v3, v4  }
0x23: {  	v4 =	vperm.xlane v3, v0;
	_ =	sdelay $0x1  }
0x24: {  	v3 =	vperm.xlane v3, v2;
	v4 =	vadd.s32 v1, v4;
	_ =	sdelay $0x1  }
0x25: {  	v3 =	vadd.s32 v1, v3;
	_ =	sdelay $0x1  }
0x26: {  	s23 =	simm.s32 $0x1C00  }
0x27: {  	[tilespmem:s23], [sflag:$0x1] =	stream.indirect_vreg.gather [hbm4b:s2+s3], $0x80, v4, vm0, $0xb8;
	[tilespmem:$0x19C80] =	vst v63  }
0x28: {  	s24 =	simm.s32 $0x2400  }
0x29: {  	[tilespmem:s24], [sflag:$0x1] =	stream.indirect_vreg.gather [hbm4b:s2+s3], $0x80, v3, vm0, $0xb8;
	[tilespmem:$0x19C80] =	vst v63  }
0x2a: {  	v3 =	vld [tilespmem:$0x10];
	_ =	sdelay $0x4  }
0x2b: {  	v49 =	vshll.u32 v3, $0x1  }
0x2c: {  	v3 =	vand.u32 $0x7, v3;
	v4 =	vand.u32 $0xFFFFFFF0, v49  }
0x2d: {  	v3 =	vor.u32 v3, v4  }
0x2e: {  	v4 =	vperm.xlane v3, v0;
	_ =	sdelay $0x1  }
0x2f: {  	v3 =	vperm.xlane v3, v2;
	v4 =	vadd.s32 v1, v4;
	_ =	sdelay $0x1  }
0x30: {  	v3 =	vadd.s32 v1, v3;
	_ =	sdelay $0x1  }
0x31: {  	s25 =	simm.s32 $0x2C00  }
0x32: {  	[tilespmem:s25], [sflag:$0x1] =	stream.indirect_vreg.gather [hbm4b:s2+s3], $0x80, v4, vm0, $0xb8;
	[tilespmem:$0x19C80] =	vst v63  }
0x33: {  	s26 =	simm.s32 $0x3400  }
0x34: {  	[tilespmem:s26], [sflag:$0x1] =	stream.indirect_vreg.gather [hbm4b:s2+s3], $0x80, v3, vm0, $0xb8;
	[tilespmem:$0x19C80] =	vst v63  }
0x35: {  	v3 =	vld [tilespmem:$0x20];
	_ =	sdelay $0x4  }
0x36: {  	v50 =	vshll.u32 v3, $0x1  }
0x37: {  	v3 =	vand.u32 $0x7, v3;
	v4 =	vand.u32 $0xFFFFFFF0, v50  }
0x38: {  	v3 =	vor.u32 v3, v4  }
0x39: {  	v4 =	vperm.xlane v3, v0;
	_ =	sdelay $0x1  }
0x3a: {  	v3 =	vperm.xlane v3, v2;
	v4 =	vadd.s32 v1, v4;
	_ =	sdelay $0x1  }
0x3b: {  	v3 =	vadd.s32 v1, v3;
	_ =	sdelay $0x1  }
0x3c: {  	s28 =	simm.s32 $0x3C00  }
0x3d: {  	[tilespmem:s28], [sflag:$0x1] =	stream.indirect_vreg.gather [hbm4b:s2+s3], $0x80, v4, vm0, $0xb8;
	[tilespmem:$0x19C80] =	vst v63  }
0x3e: {  	s29 =	simm.s32 $0x4400  }
0x3f: {  	[tilespmem:s29], [sflag:$0x1] =	stream.indirect_vreg.gather [hbm4b:s2+s3], $0x80, v3, vm0, $0xb8;
	[tilespmem:$0x19C80] =	vst v63  }
0x40: {  	v3 =	vld [tilespmem:$0x30];
	_ =	sdelay $0x4  }
0x41: {  	v51 =	vshll.u32 v3, $0x1  }
0x42: {  	v3 =	vand.u32 $0x7, v3;
	v4 =	vand.u32 $0xFFFFFFF0, v51  }
0x43: {  	v3 =	vor.u32 v3, v4  }
0x44: {  	v4 =	vperm.xlane v3, v0;
	_ =	sdelay $0x1  }
0x45: {  	v3 =	vperm.xlane v3, v2;
	v4 =	vadd.s32 v1, v4;
	_ =	sdelay $0x1  }
0x46: {  	v3 =	vadd.s32 v1, v3;
	_ =	sdelay $0x1  }
0x47: {  	s30 =	simm.s32 $0x4C00  }
0x48: {  	[tilespmem:s30], [sflag:$0x1] =	stream.indirect_vreg.gather [hbm4b:s2+s3], $0x80, v4, vm0, $0xb8;
	[tilespmem:$0x19C80] =	vst v63  }
0x49: {  	s31 =	simm.s32 $0x5400  }
0x4a: {  	[tilespmem:s31], [sflag:$0x1] =	stream.indirect_vreg.gather [hbm4b:s2+s3], $0x80, v3, vm0, $0xb8;
	[tilespmem:$0x19C80] =	vst v63  }
0x4b: {  	v3 =	vld [tilespmem:$0x40];
	_ =	sdelay $0x4  }
0x4c: {  	v52 =	vshll.u32 v3, $0x1  }
0x4d: {  	v3 =	vand.u32 $0x7, v3;
	v4 =	vand.u32 $0xFFFFFFF0, v52  }
0x4e: {  	v3 =	vor.u32 v3, v4  }
0x4f: {  	v4 =	vperm.xlane v3, v0;
	_ =	sdelay $0x1  }
0x50: {  	v3 =	vperm.xlane v3, v2;
	v4 =	vadd.s32 v1, v4;
	_ =	sdelay $0x1  }
0x51: {  	v3 =	vadd.s32 v1, v3;
	_ =	sdelay $0x1  }
0x52: {  	s1 =	simm.s32 $0x5C00  }
0x53: {  	[tilespmem:s1], [sflag:$0x1] =	stream.indirect_vreg.gather [hbm4b:s2+s3], $0x80, v4, vm0, $0xb8;
	[tilespmem:$0x19C80] =	vst v63  }
0x54: {  	s4 =	simm.s32 $0x6400  }
0x55: {  	[tilespmem:s4], [sflag:$0x1] =	stream.indirect_vreg.gather [hbm4b:s2+s3], $0x80, v3, vm0, $0xb8;
	[tilespmem:$0x19C80] =	vst v63  }
0x56: {  	v3 =	vld [tilespmem:$0x50];
	_ =	sdelay $0x4  }
0x57: {  	v53 =	vshll.u32 v3, $0x1  }
0x58: {  	v3 =	vand.u32 $0x7, v3;
	v4 =	vand.u32 $0xFFFFFFF0, v53  }
0x59: {  	v3 =	vor.u32 v3, v4  }
0x5a: {  	v4 =	vperm.xlane v3, v0;
	_ =	sdelay $0x1  }
0x5b: {  	v3 =	vperm.xlane v3, v2;
	v4 =	vadd.s32 v1, v4;
	_ =	sdelay $0x1  }
0x5c: {  	v3 =	vadd.s32 v1, v3;
	_ =	sdelay $0x1  }
0x5d: {  	s5 =	simm.s32 $0x6C00  }
0x5e: {  	[tilespmem:s5], [sflag:$0x1] =	stream.indirect_vreg.gather [hbm4b:s2+s3], $0x80, v4, vm0, $0xb8;
	[tilespmem:$0x19C80] =	vst v63  }
0x5f: {  	s6 =	simm.s32 $0x7400  }
0x60: {  	[tilespmem:s6], [sflag:$0x1] =	stream.indirect_vreg.gather [hbm4b:s2+s3], $0x80, v3, vm0, $0xb8;
	[tilespmem:$0x19C80] =	vst v63  }
0x61: {  	v3 =	vld [tilespmem:$0x60];
	_ =	sdelay $0x4  }
0x62: {  	v54 =	vshll.u32 v3, $0x1  }
0x63: {  	v3 =	vand.u32 $0x7, v3;
	v4 =	vand.u32 $0xFFFFFFF0, v54  }
0x64: {  	v3 =	vor.u32 v3, v4  }
0x65: {  	v4 =	vperm.xlane v3, v0;
	_ =	sdelay $0x1  }
0x66: {  	v3 =	vperm.xlane v3, v2;
	v4 =	vadd.s32 v1, v4;
	_ =	sdelay $0x1  }
0x67: {  	v3 =	vadd.s32 v1, v3;
	_ =	sdelay $0x1  }
0x68: {  	s7 =	simm.s32 $0x7C00  }
0x69: {  	[tilespmem:s7], [sflag:$0x1] =	stream.indirect_vreg.gather [hbm4b:s2+s3], $0x80, v4, vm0, $0xb8;
	[tilespmem:$0x19C80] =	vst v63  }
0x6a: {  	s8 =	simm.s32 $0x8400  }
0x6b: {  	[tilespmem:s8], [sflag:$0x1] =	stream.indirect_vreg.gather [hbm4b:s2+s3], $0x80, v3, vm0, $0xb8;
	[tilespmem:$0x19C80] =	vst v63  }
0x6c: {  	v3 =	vld [tilespmem:$0x70];
	_ =	sdelay $0x4  }
0x6d: {  	v55 =	vshll.u32 v3, $0x1  }
0x6e: {  	v3 =	vand.u32 $0x7, v3;
	v4 =	vand.u32 $0xFFFFFFF0, v55  }
0x6f: {  	v3 =	vor.u32 v3, v4  }
0x70: {  	v4 =	vperm.xlane v3, v0;
	_ =	sdelay $0x1  }
0x71: {  	v3 =	vperm.xlane v3, v2;
	v4 =	vadd.s32 v1, v4;
	_ =	sdelay $0x1  }
0x72: {  	v3 =	vadd.s32 v1, v3;
	_ =	sdelay $0x1  }
0x73: {  	s9 =	simm.s32 $0x8C00  }
0x74: {  	[tilespmem:s9], [sflag:$0x1] =	stream.indirect_vreg.gather [hbm4b:s2+s3], $0x80, v4, vm0, $0xb8;
	[tilespmem:$0x19C80] =	vst v63  }
0x75: {  	s10 =	simm.s32 $0x9400  }
0x76: {  	[tilespmem:s10], [sflag:$0x1] =	stream.indirect_vreg.gather [hbm4b:s2+s3], $0x80, v3, vm0, $0xb8;
	[tilespmem:$0x19C80] =	vst v63  }
0x77: {  	s12 =	simm.s32 $0x80;
	s13 =	simm.s32 $0x9C00;
	s11 =	rddreg [dreg:$0x3]  }
0x78: {  	[tilespmem:s13], [sflag:$0x2] =	stream.indirect.gather [hbm4b:s11+s12], $0x80, s3, s12, $0xb8;
	[tilespmem:$0x19C80] =	vst v63  }
0x79: {  	v3 =	vld [tilespmem:$0x80];
	_ =	sdelay $0x4  }
0x7a: {  	v56 =	vshll.u32 v3, $0x1  }
0x7b: {  	v3 =	vand.u32 $0x7, v3;
	v4 =	vand.u32 $0xFFFFFFF0, v56  }
0x7c: {  	v3 =	vor.u32 v3, v4  }
0x7d: {  	v4 =	vperm.xlane v3, v0;
	_ =	sdelay $0x1  }
0x7e: {  	v3 =	vperm.xlane v3, v2;
	v4 =	vadd.s32 v1, v4;
	_ =	sdelay $0x1  }
0x7f: {  	v3 =	vadd.s32 v1, v3;
	_ =	sdelay $0x1  }
0x80: {  	s14 =	simm.s32 $0xDC00  }
0x81: {  	[tilespmem:s14], [sflag:$0x3] =	stream.indirect_vreg.gather [hbm4b:s2+s3], $0x80, v4, vm0, $0xb8;
	[tilespmem:$0x19C80] =	vst v63  }
0x82: {  	s15 =	simm.s32 $0xE400  }
0x83: {  	[tilespmem:s15], [sflag:$0x3] =	stream.indirect_vreg.gather [hbm4b:s2+s3], $0x80, v3, vm0, $0xb8;
	[tilespmem:$0x19C80] =	vst v63  }
0x84: {  	v3 =	vld [tilespmem:$0x90];
	_ =	sdelay $0x4  }
0x85: {  	v57 =	vshll.u32 v3, $0x1  }
0x86: {  	v3 =	vand.u32 $0x7, v3;
	v4 =	vand.u32 $0xFFFFFFF0, v57  }
0x87: {  	v3 =	vor.u32 v3, v4  }
0x88: {  	v4 =	vperm.xlane v3, v0;
	_ =	sdelay $0x1  }
0x89: {  	v3 =	vperm.xlane v3, v2;
	v4 =	vadd.s32 v1, v4;
	_ =	sdelay $0x1  }
0x8a: {  	v3 =	vadd.s32 v1, v3;
	_ =	sdelay $0x1  }
0x8b: {  	s16 =	simm.s32 $0xEC00  }
0x8c: {  	[tilespmem:s16], [sflag:$0x3] =	stream.indirect_vreg.gather [hbm4b:s2+s3], $0x80, v4, vm0, $0xb8;
	[tilespmem:$0x19C80] =	vst v63  }
0x8d: {  	s17 =	simm.s32 $0xF400  }
0x8e: {  	[tilespmem:s17], [sflag:$0x3] =	stream.indirect_vreg.gather [hbm4b:s2+s3], $0x80, v3, vm0, $0xb8;
	[tilespmem:$0x19C80] =	vst v63  }
0x8f: {  	v3 =	vld [tilespmem:$0xA0];
	_ =	sdelay $0x4  }
0x90: {  	v58 =	vshll.u32 v3, $0x1  }
0x91: {  	v3 =	vand.u32 $0x7, v3;
	v4 =	vand.u32 $0xFFFFFFF0, v58  }
0x92: {  	v3 =	vor.u32 v3, v4  }
0x93: {  	v4 =	vperm.xlane v3, v0;
	_ =	sdelay $0x1  }
0x94: {  	v3 =	vperm.xlane v3, v2;
	v4 =	vadd.s32 v1, v4;
	_ =	sdelay $0x1  }
0x95: {  	v3 =	vadd.s32 v1, v3;
	_ =	sdelay $0x1  }
0x96: {  	s18 =	simm.s32 $0xFC00  }
0x97: {  	[tilespmem:s18], [sflag:$0x3] =	stream.indirect_vreg.gather [hbm4b:s2+s3], $0x80, v4, vm0, $0xb8;
	[tilespmem:$0x19C80] =	vst v63  }
0x98: {  	s19 =	simm.s32 $0x10400  }
0x99: {  	[tilespmem:s19], [sflag:$0x3] =	stream.indirect_vreg.gather [hbm4b:s2+s3], $0x80, v3, vm0, $0xb8;
	[tilespmem:$0x19C80] =	vst v63  }
0x9a: {  	v3 =	vld [tilespmem:$0xB0];
	_ =	sdelay $0x4  }
0x9b: {  	v59 =	vshll.u32 v3, $0x1  }
0x9c: {  	v3 =	vand.u32 $0x7, v3;
	v4 =	vand.u32 $0xFFFFFFF0, v59  }
0x9d: {  	v3 =	vor.u32 v3, v4  }
0x9e: {  	v4 =	vperm.xlane v3, v0;
	_ =	sdelay $0x1  }
0x9f: {  	v3 =	vperm.xlane v3, v2;
	v4 =	vadd.s32 v1, v4;
	_ =	sdelay $0x1  }
0xa0: {  	v3 =	vadd.s32 v1, v3;
	_ =	sdelay $0x1  }
0xa1: {  	s20 =	simm.s32 $0x10C00  }
0xa2: {  	[tilespmem:s20], [sflag:$0x3] =	stream.indirect_vreg.gather [hbm4b:s2+s3], $0x80, v4, vm0, $0xb8;
	[tilespmem:$0x19C80] =	vst v63  }
0xa3: {  	s21 =	simm.s32 $0x11400  }
0xa4: {  	[tilespmem:s21], [sflag:$0x3] =	stream.indirect_vreg.gather [hbm4b:s2+s3], $0x80, v3, vm0, $0xb8;
	[tilespmem:$0x19C80] =	vst v63  }
0xa5: {  	v3 =	vld [tilespmem:$0xC0];
	_ =	sdelay $0x4  }
0xa6: {  	v60 =	vshll.u32 v3, $0x1  }
0xa7: {  	v3 =	vand.u32 $0x7, v3;
	v4 =	vand.u32 $0xFFFFFFF0, v60  }
0xa8: {  	v3 =	vor.u32 v3, v4  }
0xa9: {  	v4 =	vperm.xlane v3, v0;
	_ =	sdelay $0x1  }
0xaa: {  	v3 =	vperm.xlane v3, v2;
	v4 =	vadd.s32 v1, v4;
	_ =	sdelay $0x1  }
0xab: {  	v3 =	vadd.s32 v1, v3;
	_ =	sdelay $0x1  }
0xac: {  	s22 =	simm.s32 $0x11C00  }
0xad: {  	[tilespmem:s22], [sflag:$0x3] =	stream.indirect_vreg.gather [hbm4b:s2+s3], $0x80, v4, vm0, $0xb8;
	[tilespmem:$0x19C80] =	vst v63  }
0xae: {  	s23 =	simm.s32 $0x12400  }
0xaf: {  	[tilespmem:s23], [sflag:$0x3] =	stream.indirect_vreg.gather [hbm4b:s2+s3], $0x80, v3, vm0, $0xb8;
	[tilespmem:$0x19C80] =	vst v63  }
0xb0: {  	v3 =	vld [tilespmem:$0xD0];
	_ =	sdelay $0x4  }
0xb1: {  	v61 =	vshll.u32 v3, $0x1  }
0xb2: {  	v3 =	vand.u32 $0x7, v3;
	v4 =	vand.u32 $0xFFFFFFF0, v61  }
0xb3: {  	v3 =	vor.u32 v3, v4  }
0xb4: {  	v4 =	vperm.xlane v3, v0;
	_ =	sdelay $0x1  }
0xb5: {  	v3 =	vperm.xlane v3, v2;
	v4 =	vadd.s32 v1, v4;
	_ =	sdelay $0x1  }
0xb6: {  	v3 =	vadd.s32 v1, v3;
	_ =	sdelay $0x1  }
0xb7: {  	s24 =	simm.s32 $0x12C00  }
0xb8: {  	[tilespmem:s24], [sflag:$0x3] =	stream.indirect_vreg.gather [hbm4b:s2+s3], $0x80, v4, vm0, $0xb8;
	[tilespmem:$0x19C80] =	vst v63  }
0xb9: {  	s25 =	simm.s32 $0x13400  }
0xba: {  	[tilespmem:s25], [sflag:$0x3] =	stream.indirect_vreg.gather [hbm4b:s2+s3], $0x80, v3, vm0, $0xb8;
	[tilespmem:$0x19C80] =	vst v63  }
0xbb: {  	v3 =	vld [tilespmem:$0xE0];
	_ =	sdelay $0x4  }
0xbc: {  	v62 =	vshll.u32 v3, $0x1  }
0xbd: {  	v3 =	vand.u32 $0x7, v3;
	v4 =	vand.u32 $0xFFFFFFF0, v62  }
0xbe: {  	v3 =	vor.u32 v3, v4  }
0xbf: {  	v4 =	vperm.xlane v3, v0;
	_ =	sdelay $0x1  }
0xc0: {  	v3 =	vperm.xlane v3, v2;
	v4 =	vadd.s32 v1, v4;
	_ =	sdelay $0x1  }
0xc1: {  	v3 =	vadd.s32 v1, v3;
	_ =	sdelay $0x1  }
0xc2: {  	s26 =	simm.s32 $0x13C00  }
0xc3: {  	[tilespmem:s26], [sflag:$0x3] =	stream.indirect_vreg.gather [hbm4b:s2+s3], $0x80, v4, vm0, $0xb8;
	[tilespmem:$0x19C80] =	vst v63  }
0xc4: {  	s28 =	simm.s32 $0x14400  }
0xc5: {  	[tilespmem:s28], [sflag:$0x3] =	stream.indirect_vreg.gather [hbm4b:s2+s3], $0x80, v3, vm0, $0xb8;
	[tilespmem:$0x19C80] =	vst v63  }
0xc6: {  	v3 =	vld [tilespmem:$0xF0];
	_ =	sdelay $0x4  }
0xc7: {  	v63 =	vshll.u32 v3, $0x1  }
0xc8: {  	v3 =	vand.u32 $0x7, v3;
	v4 =	vand.u32 $0xFFFFFFF0, v63  }
0xc9: {  	v3 =	vor.u32 v3, v4  }
0xca: {  	v4 =	vperm.xlane v3, v0;
	_ =	sdelay $0x1  }
0xcb: {  	v3 =	vperm.xlane v3, v2;
	v4 =	vadd.s32 v1, v4;
	_ =	sdelay $0x1  }
0xcc: {  	v3 =	vadd.s32 v1, v3;
	_ =	sdelay $0x1  }
0xcd: {  	s29 =	simm.s32 $0x14C00  }
0xce: {  	[tilespmem:s29], [sflag:$0x3] =	stream.indirect_vreg.gather [hbm4b:s2+s3], $0x80, v4, vm0, $0xb8;
	[tilespmem:$0x19C80] =	vst v63  }
0xcf: {  	s30 =	simm.s32 $0x15400;
	s31 =	simm.s32 $0x15C00;
	s20 =	simm.s32 $0x40  }
0xd0: {  	[tilespmem:s30], [sflag:$0x3] =	stream.indirect_vreg.gather [hbm4b:s2+s3], $0x80, v3, vm0, $0xb8;
	[tilespmem:$0x19C80] =	vst v63  }
0xd1: {  	s21 =	simm.f32 $0.0e+00;
	s22 =	simm.s32 $0x0;
	s24 =	simm.s32 $0x0  }
0xd2: {  	[tilespmem:s31], [sflag:$0x4] =	stream.indirect.gather [hbm4b:s11+s12], $0x80, s12, s12, $0xb8;
	[tilespmem:$0x19C80] =	vst v63  }
.LBB2_2:
0xd3: {  	s0 =	simm.s32 $0x1  }
0xd4: {  	_ =	swait.ge [sflag:s0], $0x8000  }
0xd5: {  	[sflag:s0] =	ssyncset.done $0x0  }
0xd6: {  	s10 =	simm.s32 $0x2;
	[sflag:s0] =	ssyncadd.s32 $0xFFFF8000  }
0xd7: {  	_ =	swait.ge [sflag:s10], $0x4000  }
0xd8: {  	[sflag:s10] =	ssyncset.done $0x0  }
0xd9: {  	s11 =	simm.s32 $0x9D00;
	[sflag:s10] =	ssyncadd.s32 $0xFFFFC000  }
0xda: {  	s1 =	simm.s32 $0x0;
	v11 =	vld [tilespmem:s11+$0x0]  }
0xdb: {  	s5 =	simm.s32 $0x180;
	s6 =	sand.u32 $0x7800, s1;
	v12 =	vld [tilespmem:s11+$0x80]  }
0xdc: {  	s5 =	sand.u32 $0x380, s5;
	s6 =	sadd.s32 $0x1C00, s6;
	v4 =	vld [tilespmem:s11+$0xFFFFFF00]  }
0xdd: {  	s12 =	sor.u32 s5, s6;
	v10 =	vld [tilespmem:s11+$0xFFFFFF80]  }
0xde: {  	v3 =	vld [tilespmem:s12+$0x70]  }
0xdf: {  	v5 =	vld [tilespmem:s12+$0x60]  }
0xe0: {  	v6 =	vld [tilespmem:s12+$0x50]  }
0xe1: {  	v7 =	vld [tilespmem:s12+$0x40]  }
0xe2: {  	v8 =	vld [tilespmem:s12+$0x30]  }
0xe3: {  	s13 =	simm.s32 $0x100;
	v9 =	vld [tilespmem:s12+$0x20]  }
0xe4: {  	s7 =	simm.s32 $0x0;
	s5 =	sand.u32 $0x300, s13;
	v14 =	vld [tilespmem:s12+$0x0]  }
0xe5: {  	s8 =	simm.s32 $0x80;
	s7 =	sand.u32 $0x200, s7;
	s5 =	sor.u32 s5, s6;
	v16 =	vld [tilespmem:s12+$0x10]  }
0xe6: {  	s14 =	sand.u32 $0x280, s8;
	s7 =	sor.u32 s7, s6;
	v19 =	vld [tilespmem:s5+$0x70]  }
0xe7: {  	s6 =	sor.u32 s14, s6;
	v20 =	vld [tilespmem:s7+$0x70]  }
0xe8: {  	v21 =	vld [tilespmem:s6+$0x70]  }
0xe9: {  	v22 =	vld [tilespmem:s5+$0x60]  }
0xea: {  	v23 =	vld [tilespmem:s7+$0x60]  }
0xeb: {  	v24 =	vld [tilespmem:s6+$0x60]  }
0xec: {  	v25 =	vld [tilespmem:s5+$0x50]  }
0xed: {  	v26 =	vld [tilespmem:s7+$0x50]  }
0xee: {  	v27 =	vld [tilespmem:s6+$0x50]  }
0xef: {  	v28 =	vld [tilespmem:s5+$0x40]  }
0xf0: {  	v29 =	vld [tilespmem:s7+$0x40]  }
0xf1: {  	v30 =	vld [tilespmem:s6+$0x40]  }
0xf2: {  	v31 =	vld [tilespmem:s5+$0x30]  }
0xf3: {  	v32 =	vld [tilespmem:s7+$0x30]  }
0xf4: {  	v33 =	vld [tilespmem:s6+$0x30]  }
0xf5: {  	v34 =	vld [tilespmem:s5+$0x20]  }
0xf6: {  	v35 =	vld [tilespmem:s7+$0x20]  }
0xf7: {  	v36 =	vld [tilespmem:s6+$0x20]  }
0xf8: {  	v37 =	vld [tilespmem:s5+$0x0]  }
0xf9: {  	p0 =	por $0x0, $0x0;
	s0 =	simm.s32 $0x1;
	v38 =	vld [tilespmem:s5+$0x10]  }
0xfa: {  	s0 =	simm.s32 @!p0 $0x0;
	v39 =	vld [tilespmem:s7+$0x0]  }
0xfb: {  	s0 =	sshll.u32 s0, $0x9;
	v40 =	vld [tilespmem:s6+$0x0]  }
0xfc: {  	s0 =	sadd.s32 $0x0, s0;
	v41 =	vld [tilespmem:s7+$0x10]  }
0xfd: {  	s15 =	sor.u32 $0x460, s0;
	v42 =	vld [tilespmem:s6+$0x10]  }
0xfe: {  	s16 =	sor.u32 $0x450, s0;
	v13 =	vld [tilespmem:s15+$0x1C00]  }
0xff: {  	s17 =	sor.u32 $0x440, s0;
	v15 =	vld [tilespmem:s16+$0x1C00]  }
0x100: {  	s18 =	sand.u32 $0x3, s1;
	s1 =	sand.u32 $0x7, s1;
	s19 =	sor.u32 $0x430, s0;
	v18 =	vld [tilespmem:s17+$0x1C00]  }
0x101: {  	s1 =	sshll.u32 s1, $0x7;
	s25 =	sor.u32 $0x420, s0;
	v43 =	vld [tilespmem:s19+$0x1C00]  }
0x102: {  	s1 =	sadd.s32 $0x0, s1;
	s26 =	sor.u32 $0x410, s0;
	v44 =	vld [tilespmem:s25+$0x1C00]  }
0x103: {  	s14 =	sadd.s32 $0x180, s1;
	s4 =	sor.u32 $0x400, s0;
	v45 =	vld [tilespmem:s26+$0x1C00]  }
0x104: {  	s23 =	sshll.u32 s18, $0x8;
	v46 =	vld [tilespmem:s4+$0x1C00];
	s15 =	sor.u32 $0x400, s14  }
0x105: {  	s1 =	sadd.s32 $0x80, s1;
	s5 =	sadd.s32 $0x0, s23;
	s16 =	sor.u32 $0x410, s14;
	v54 =	vld [tilespmem:s15+$0x1C00]  }
0x106: {  	s5 =	sadd.s32 $0x100, s5;
	s17 =	sor.u32 $0x400, s1;
	v62 =	vld [tilespmem:s16+$0x1C00]  }
0x107: {  	s7 =	sor.u32 $0x470, s5;
	v63 =	vld [tilespmem:s17+$0x1C00]  }
0x108: {  	s8 =	sor.u32 $0x460, s5;
	v17 =	vld [tilespmem:s7+$0x1C00]  }
0x109: {  	s9 =	sor.u32 $0x450, s5;
	v47 =	vld [tilespmem:s8+$0x1C00]  }
0x10a: {  	s10 =	sor.u32 $0x440, s5;
	v48 =	vld [tilespmem:s9+$0x1C00]  }
0x10b: {  	s11 =	sor.u32 $0x430, s5;
	v49 =	vld [tilespmem:s10+$0x1C00]  }
0x10c: {  	s12 =	sor.u32 $0x420, s5;
	v50 =	vld [tilespmem:s11+$0x1C00]  }
0x10d: {  	s13 =	sor.u32 $0x410, s5;
	v51 =	vld [tilespmem:s12+$0x1C00]  }
0x10e: {  	s5 =	sor.u32 $0x400, s5;
	v52 =	vld [tilespmem:s13+$0x1C00]  }
0x10f: {  	s19 =	sor.u32 $0x410, s1;
	v53 =	vld [tilespmem:s5+$0x1C00];
	v14 =	vmul.f32 v14, v37;
	v16 =	vmul.f32 v16, v38  }
0x110: {  	s25 =	sor.u32 $0x420, s1;
	v9 =	vmul.f32 v9, v34;
	v8 =	vmul.f32 v8, v31;
	v31 =	vld [tilespmem:s19+$0x1C00]  }
0x111: {  	s4 =	sor.u32 $0x430, s1;
	v55 =	vmul.f32 v40, v39;
	v7 =	vmul.f32 v7, v28;
	v28 =	vld [tilespmem:s25+$0x1C00]  }
0x112: {  	s6 =	sor.u32 $0x450, s14;
	v56 =	vmul.f32 v42, v41;
	v6 =	vmul.f32 v6, v25;
	v25 =	vld [tilespmem:s4+$0x1C00];
	v14 =	vadd.f32 v16, v14  }
0x113: {  	s15 =	simm.s32 $0x400;
	s8 =	sor.u32 $0x440, s1;
	v35 =	vmul.f32 v36, v35;
	v29 =	vmul.f32 v30, v29;
	v30 =	vld [tilespmem:s6+$0x1C00]  }
0x114: {  	s16 =	simm.s32 $0x380;
	s9 =	sor.u32 $0x460, s14;
	s10 =	sor.u32 $0x450, s1;
	v5 =	vmul.f32 v5, v22;
	v22 =	vld [tilespmem:s8+$0x1C00];
	v38 =	vadd.f32 v56, v55;
	v9 =	vadd.f32 v9, v14  }
0x115: {  	s12 =	sor.u32 $0x460, s1;
	s13 =	sor.u32 $0x470, s1;
	s1 =	sand.u32 $0x7800, s15;
	v32 =	vmul.f32 v33, v32;
	v26 =	vmul.f32 v27, v26;
	v27 =	vld [tilespmem:s9+$0x1C00]  }
0x116: {  	s18 =	sor.u32 $0x420, s14;
	s5 =	sand.u32 $0x380, s16;
	s1 =	sadd.s32 $0x1C00, s1;
	v3 =	vmul.f32 v3, v19;
	v19 =	vld [tilespmem:s10+$0x1C00];
	v35 =	vadd.f32 v35, v38;
	v8 =	vadd.f32 v8, v9  }
0x117: {  	s17 =	sor.u32 s5, s1;
	v16 =	vld [tilespmem:s18+$0x1C00];
	s18 =	simm.s32 $0x300  }
0x118: {  	s23 =	sor.u32 $0x430, s14;
	v57 =	vld [tilespmem:s17+$0x10];
	s5 =	sand.u32 $0x300, s18;
	v32 =	vadd.f32 v32, v35;
	v7 =	vadd.f32 v7, v8  }
0x119: {  	v14 =	vld [tilespmem:s23+$0x1C00];
	s25 =	sor.u32 s5, s1  }
0x11a: {  	v36 =	vld [tilespmem:s25+$0x40];
	v8 =	vadd.f32 v29, v32;
	v6 =	vadd.f32 v6, v7  }
0x11b: {  	v37 =	vld [tilespmem:s25+$0x30]  }
0x11c: {  	v58 =	vld [tilespmem:s25+$0x20];
	v7 =	vadd.f32 v26, v8;
	v8 =	vmul.f32 v24, v23;
	v5 =	vadd.f32 v5, v6  }
0x11d: {  	s26 =	sor.u32 $0x440, s14;
	s23 =	simm.s32 $0x280;
	v60 =	vld [tilespmem:s25+$0x0];
	v6 =	vmul.f32 v21, v20  }
0x11e: {  	v9 =	vld [tilespmem:s26+$0x1C00];
	s26 =	sand.u32 $0x280, s23;
	v7 =	vadd.f32 v8, v7;
	v3 =	vadd.f32 v3, v5;
	v5 =	vmul.f32 v54, v53  }
0x11f: {  	v61 =	vld [tilespmem:s25+$0x10];
	s10 =	sor.u32 s26, s1;
	v8 =	vmul.f32 v62, v52  }
0x120: {  	v34 =	vld [tilespmem:s10+$0x40];
	v21 =	vmul.f32 v63, v46;
	v7 =	vadd.f32 v6, v7;
	v3 =	vadd.f32 v5, v3  }
0x121: {  	v16 =	vmul.f32 v16, v51;
	v39 =	vld [tilespmem:s10+$0x30]  }
0x122: {  	s11 =	sor.u32 $0x470, s14;
	v29 =	vmul.f32 v31, v45;
	v59 =	vld [tilespmem:s10+$0x20];
	v21 =	vadd.f32 v21, v7;
	v8 =	vadd.f32 v8, v3  }
0x123: {  	s0 =	sor.u32 $0x470, s0;
	s19 =	simm.s32 $0x200;
	v28 =	vmul.f32 v28, v44;
	v23 =	vld [tilespmem:s11+$0x1C00]  }
0x124: {  	s6 =	sand.u32 $0x200, s19;
	v14 =	vmul.f32 v14, v50;
	v24 =	vld [tilespmem:s0+$0x1C00];
	v21 =	vadd.f32 v29, v21;
	v16 =	vadd.f32 v16, v8  }
0x125: {  	v25 =	vmul.f32 v25, v43;
	v26 =	vld [tilespmem:s13+$0x1C00];
	s11 =	sor.u32 s6, s1  }
0x126: {  	v32 =	vld [tilespmem:s11+$0x40];
	v29 =	vmul.f32 v9, v49;
	v28 =	vadd.f32 v28, v21;
	v31 =	vadd.f32 v14, v16  }
0x127: {  	(v2sf) =	vpush v11, $0x3;
	v30 =	vmul.f32 v30, v48;
	v20 =	vld [tilespmem:s12+$0x1C00];
	v16 =	vmul.f32 v12, v11  }
0x128: {  	v38 =	vld [tilespmem:s11+$0x30];
	v11 =	vadd.f32 v25, v28;
	v12 =	vmul.f32 v22, v18;
	v18 =	vadd.f32 v29, v31  }
0x129: {  	v15 =	vmul.f32 v19, v15;
	v41 =	vld [tilespmem:s11+$0x20];
	(v2sf) =	vpush v16, $0x0  }
0x12a: {  	v62 =	vld [tilespmem:s11+$0x0];
	v25 =	vmul.f32 v27, v47;
	v12 =	vadd.f32 v12, v11;
	v18 =	vadd.f32 v30, v18  }
0x12b: {  	v63 =	vld [tilespmem:s10+$0x0];
	v11 =	vmul.f32 v10, v4;
	v10 =	vmul.f32 v23, v17;
	(v2sf) =	vpush v16, $0x1  }
0x12c: {  	s14 =	simm.s32 $0x9F00;
	v52 =	vld [tilespmem:s11+$0x10];
	v12 =	vadd.f32 v15, v12;
	v15 =	vmul.f32 v20, v13;
	v18 =	vadd.f32 v25, v18  }
0x12d: {  	v6 =	vld [tilespmem:s14+$0x80];
	(v2sf) =	vpush v11, $0x0  }
0x12e: {  	v53 =	vld [tilespmem:s10+$0x10];
	v19 =	vmul.f32 v26, v24;
	v12 =	vadd.f32 v15, v12;
	v33 =	vadd.f32 v10, v18  }
0x12f: {  	v5 =	vld [tilespmem:s14+$0x0];
	(v2sf) =	vpush v11, $0x1  }
0x130: {  	v7 =	vld [tilespmem:s14+$0xFFFFFF80];
	v24 =	vadd.f32 v19, v12;
	(v2sf) =	vpush v33, $0x0  }
0x131: {  	v3 =	vld [tilespmem:s14+$0xFFFFFF00];
	(v2sf) =	vpush v33, $0x1  }
0x132: {  	v9 =	vld [tilespmem:s17+$0x60];
	(v2sf) =	vpush v24, $0x0  }
0x133: {  	v8 =	vld [tilespmem:s17+$0x70];
	(v2sf) =	vpush v24, $0x1  }
0x134: {  	v21 =	vld [tilespmem:s17+$0x40];
	(v2sf) =	vpush v33, $0x2  }
0x135: {  	v14 =	vld [tilespmem:s17+$0x50];
	(v2sf) =	vpush v24, $0x2  }
0x136: {  	v28 =	vld [tilespmem:s17+$0x30];
	(v2sf) =	vpush v33, $0x3  }
0x137: {  	v22 =	vld [tilespmem:s17+$0x20]  }
0x138: {  	v27 =	vld [tilespmem:s10+$0x50];
	(v2sf) =	vpush v24, $0x3  }
0x139: {  	v29 =	vld [tilespmem:s17+$0x0];
	(v2sf) =	vpush v33, $0x4  }
0x13a: {  	s5 =	spop (v2sf);
	v17 =	vld [tilespmem:s25+$0x70];
	(v2sf) =	vpush v24, $0x4  }
0x13b: {  	v23 =	vld [tilespmem:s25+$0x60];
	s6 =	spop (v2sf);
	(v2sf) =	vpush v33, $0x5  }
0x13c: {  	p0 =	por !p0, !p0;
	s9 =	simm.s32 $0x4;
	v13 =	vld [tilespmem:s11+$0x70];
	s7 =	spop (v2sf);
	(v2sf) =	vpush v24, $0x5  }
0x13d: {  	s9 =	sand.u32 $0x7, s9;
	s14 =	simm.s32 $0x1;
	v20 =	vld [tilespmem:s10+$0x60];
	s0 =	spop (v2sf);
	(v2sf) =	vpush v33, $0x6  }
0x13e: {  	s9 =	sshll.u32 s9, $0x7;
	s14 =	simm.s32 @!p0 $0x0;
	v30 =	vld [tilespmem:s25+$0x50];
	s1 =	spop (v2sf);
	(v2sf) =	vpush v24, $0x6  }
0x13f: {  	s12 =	simm.s32 $0x2;
	s14 =	sshll.u32 s14, $0x9;
	v15 =	vld [tilespmem:s10+$0x70];
	(v2sf) =	vpush v33, $0x7;
	s13 =	spop (v2sf)  }
0x140: {  	s12 =	sand.u32 $0x3, s12;
	s8 =	sadd.s32 $0x400, s14;
	v25 =	vld [tilespmem:s11+$0x50];
	(v2sf) =	vpush v24, $0x7;
	s4 =	spop (v2sf)  }
0x141: {  	s19 =	sshll.u32 s12, $0x8;
	s18 =	sor.u32 $0x460, s8;
	v19 =	vld [tilespmem:s11+$0x60];
	(v2sf) =	vpush v33, $0x8;
	s15 =	spop (v2sf)  }
0x142: {  	s25 =	sor.u32 $0x450, s8;
	v10 =	vld [tilespmem:s18+$0x1C00];
	(v2sf) =	vpush v24, $0x8;
	s13 =	sadd.f32 s4, s13;
	s16 =	spop (v2sf)  }
0x143: {  	v12 =	vld [tilespmem:s25+$0x1C00];
	s18 =	sor.u32 $0x420, s8;
	(v2sf) =	vpush v33, $0x9;
	s16 =	sadd.f32 s16, s15;
	s17 =	spop (v2sf)  }
0x144: {  	v31 =	vld [tilespmem:s18+$0x1C00];
	s4 =	sor.u32 $0x440, s8;
	(v2sf) =	vpush v24, $0x9;
	s23 =	sadd.f32 s13, s17;
	s26 =	spop (v2sf)  }
0x145: {  	v18 =	vld [tilespmem:s4+$0x1C00];
	(v2sf) =	vpush v33, $0xA;
	s11 =	sadd.f32 s16, s26;
	s14 =	spop (v2sf);
	s16 =	sor.u32 $0x430, s8  }
0x146: {  	v35 =	vmul.f32 v57, v61;
	s10 =	sadd.s32 $0x400, s19;
	v29 =	vmul.f32 v29, v60;
	(v2sf) =	vpush v24, $0xA;
	s26 =	sor.u32 $0x400, s8;
	s12 =	sadd.f32 s23, s14;
	v26 =	vld [tilespmem:s16+$0x1C00]  }
0x147: {  	(v2sf) =	vpush v33, $0xB;
	s17 =	spop (v2sf);
	s23 =	sor.u32 $0x410, s8;
	s16 =	sadd.s32 $0x100, s10;
	v55 =	vld [tilespmem:s26+$0x1C00]  }
0x148: {  	v40 =	vmul.f32 v22, v58;
	v35 =	vadd.f32 v35, v29;
	(v2sf) =	vpush v24, $0xB;
	s11 =	sadd.f32 s11, s17;
	s19 =	spop (v2sf);
	v54 =	vld [tilespmem:s23+$0x1C00];
	s14 =	sor.u32 $0x470, s16  }
0x149: {  	v56 =	vmul.f32 v63, v62;
	v57 =	vmul.f32 v53, v52;
	s18 =	sor.u32 $0x460, s16;
	(v2sf) =	vpush v33, $0xC;
	s25 =	spop (v2sf);
	s12 =	sadd.f32 s12, s19;
	v22 =	vld [tilespmem:s14+$0x1C00]  }
0x14a: {  	v28 =	vmul.f32 v28, v37;
	v35 =	vadd.f32 v40, v35;
	v29 =	vld [tilespmem:s18+$0x1C00];
	(v2sf) =	vpush v24, $0xC;
	s4 =	spop (v2sf);
	s11 =	sadd.f32 s11, s25;
	s25 =	sor.u32 $0x450, s16  }
0x14b: {  	v41 =	vmul.f32 v59, v41;
	v44 =	vadd.f32 v57, v56;
	(v2sf) =	vpush v33, $0xD;
	s17 =	spop (v2sf);
	s19 =	sadd.f32 s12, s4;
	s4 =	sor.u32 $0x440, s16;
	v58 =	vld [tilespmem:s25+$0x1C00]  }
0x14c: {  	v21 =	vmul.f32 v21, v36;
	v28 =	vadd.f32 v28, v35;
	(v2sf) =	vpush v24, $0xD;
	s23 =	spop (v2sf);
	s11 =	sadd.f32 s11, s17;
	s17 =	sor.u32 $0x430, s16;
	v59 =	vld [tilespmem:s4+$0x1C00]  }
0x14d: {  	v61 =	vadd.f32 v41, v44;
	s4 =	sor.u32 $0x400, s16;
	(v2sf) =	vpush v33, $0xE;
	s26 =	spop (v2sf);
	s10 =	sadd.f32 s19, s23;
	v60 =	vld [tilespmem:s17+$0x1C00]  }
0x14e: {  	s9 =	sadd.s32 $0x400, s9;
	v38 =	vmul.f32 v39, v38;
	v21 =	vadd.f32 v21, v28;
	s19 =	sor.u32 $0x420, s16;
	v28 =	vld [tilespmem:s4+$0x1C00];
	(v2sf) =	vpush v24, $0xE;
	s18 =	spop (v2sf)  }
0x14f: {  	v14 =	vmul.f32 v14, v30;
	s25 =	sor.u32 $0x410, s16;
	v62 =	vld [tilespmem:s19+$0x1C00];
	(v2sf) =	vpush v33, $0xF;
	s23 =	sadd.f32 s10, s18;
	s10 =	sadd.s32 $0x180, s9  }
0x150: {  	v32 =	vmul.f32 v34, v32;
	v30 =	vadd.f32 v38, v61;
	(v2sf) =	vpush v16, $0x2;
	v16 =	vld [tilespmem:s25+$0x1C00];
	s15 =	sor.u32 $0x400, s10  }
0x151: {  	v9 =	vmul.f32 v9, v23;
	v14 =	vadd.f32 v14, v21;
	s11 =	sadd.f32 s11, s26;
	s9 =	sadd.s32 $0x80, s9;
	s17 =	sor.u32 $0x410, s10;
	v23 =	vld [tilespmem:s15+$0x1C00]  }
0x152: {  	s28 =	simm.s32 $0x580;
	v25 =	vmul.f32 v27, v25;
	s26 =	spop (v2sf);
	s19 =	sor.u32 $0x400, s9;
	(v2sf) =	vpush v24, $0xF;
	v24 =	vadd.f32 v32, v30;
	v21 =	vld [tilespmem:s17+$0x1C00]  }
0x153: {  	v8 =	vmul.f32 v8, v17;
	v9 =	vadd.f32 v9, v14;
	s11 =	sadd.f32 s11, s26;
	s16 =	spop (v2sf);
	s25 =	sor.u32 $0x420, s10;
	v27 =	vld [tilespmem:s19+$0x1C00]  }
0x154: {  	v19 =	vmul.f32 v20, v19;
	s4 =	sor.u32 $0x410, s9;
	s12 =	sadd.f32 s23, s16;
	s18 =	spop (v2sf);
	v14 =	vld [tilespmem:s25+$0x1C00];
	v17 =	vadd.f32 v25, v24  }
0x155: {  	v8 =	vadd.f32 v8, v9;
	s19 =	sor.u32 $0x420, s9;
	s11 =	sadd.f32 s11, s18;
	s23 =	spop (v2sf);
	(v2sf) =	vpush v11, $0x2;
	v11 =	vmul.f32 v15, v13;
	v13 =	vld [tilespmem:s4+$0x1C00]  }
0x156: {  	s17 =	sor.u32 $0x430, s10;
	s12 =	sadd.f32 s12, s23;
	s26 =	spop (v2sf);
	(v2sf) =	vpush v4, $0x3;
	v4 =	vld [tilespmem:s19+$0x1C00];
	v15 =	vadd.f32 v19, v17;
	v9 =	vmul.f32 v23, v28  }
0x157: {  	s25 =	sor.u32 $0x440, s10;
	s11 =	sadd.f32 s11, s26;
	s16 =	spop (v2sf);
	v17 =	vld [tilespmem:s17+$0x1C00];
	v16 =	vmul.f32 v21, v16  }
0x158: {  	s4 =	sor.u32 $0x430, s9;
	s12 =	sadd.f32 s12, s16;
	s18 =	spop (v2sf);
	v11 =	vadd.f32 v11, v15;
	v15 =	vmul.f32 v27, v55;
	v8 =	vadd.f32 v9, v8;
	v9 =	vld [tilespmem:s25+$0x1C00]  }
0x159: {  	v19 =	vld [tilespmem:s4+$0x1C00];
	s17 =	sor.u32 $0x450, s10;
	s11 =	sadd.f32 s11, s18;
	s23 =	spop (v2sf);
	v14 =	vmul.f32 v14, v62  }
0x15a: {  	s19 =	sor.u32 $0x440, s9;
	s12 =	sadd.f32 s12, s23;
	s26 =	spop (v2sf);
	v13 =	vmul.f32 v13, v54;
	v11 =	vadd.f32 v15, v11;
	v15 =	vld [tilespmem:s17+$0x1C00];
	v8 =	vadd.f32 v16, v8  }
0x15b: {  	s11 =	sadd.f32 s11, s26;
	s16 =	spop (v2sf);
	s25 =	sor.u32 $0x460, s10;
	v4 =	vmul.f32 v4, v31;
	v16 =	vld [tilespmem:s19+$0x1C00]  }
0x15c: {  	s4 =	sor.u32 $0x450, s9;
	s12 =	sadd.f32 s12, s16;
	s18 =	spop (v2sf);
	v17 =	vmul.f32 v17, v60;
	v11 =	vadd.f32 v13, v11;
	v13 =	vld [tilespmem:s25+$0x1C00];
	v8 =	vadd.f32 v14, v8  }
0x15d: {  	s11 =	sadd.f32 s11, s18;
	s23 =	spop (v2sf);
	s18 =	sor.u32 $0x460, s9;
	v14 =	vld [tilespmem:s4+$0x1C00];
	v9 =	vmul.f32 v9, v59  }
0x15e: {  	s10 =	sor.u32 $0x470, s10;
	s12 =	sadd.f32 s12, s23;
	s26 =	spop (v2sf);
	v4 =	vadd.f32 v4, v11;
	v11 =	vmul.f32 v19, v26;
	v19 =	vld [tilespmem:s18+$0x1C00];
	v8 =	vadd.f32 v17, v8  }
0x15f: {  	s8 =	sor.u32 $0x470, s8;
	s14 =	sand.u32 $0x380, s28;
	v27 =	vmul.f32 v6, v5;
	(v2sf) =	vpush v5, $0x3;
	s11 =	sadd.f32 s11, s26;
	v17 =	vld [tilespmem:s10+$0x1C00];
	v15 =	vmul.f32 v15, v58  }
0x160: {  	s16 =	spop (v2sf);
	s26 =	sor.u32 $0x470, s9;
	s9 =	simm.s32 $0x800;
	v4 =	vadd.f32 v11, v4;
	v6 =	vmul.f32 v16, v18;
	v11 =	vld [tilespmem:s8+$0x1C00];
	v8 =	vadd.f32 v9, v8  }
0x161: {  	(v2sf) =	vpush v27, $0x0;
	s12 =	sadd.f32 s12, s16;
	s17 =	spop (v2sf);
	v16 =	vld [tilespmem:s26+$0x1C00];
	s26 =	simm.s32 $0xA100;
	v13 =	vmul.f32 v13, v29  }
0x162: {  	s19 =	sadd.f32 s11, s17;
	s23 =	spop (v2sf);
	s8 =	sand.u32 $0x7800, s9;
	v5 =	vld [tilespmem:s26+$0x0];
	v4 =	vadd.f32 v6, v4;
	v12 =	vmul.f32 v14, v12;
	v8 =	vadd.f32 v15, v8  }
0x163: {  	(v2sf) =	vpush v27, $0x1;
	s11 =	sadd.f32 s12, s23;
	s25 =	spop (v2sf);
	v9 =	vmul.f32 v7, v3;
	s12 =	sadd.s32 $0x1C00, s8;
	v7 =	vld [tilespmem:s26+$0xFFFFFF00];
	v10 =	vmul.f32 v19, v10  }
0x164: {  	s6 =	sadd.f32 s7, s6;
	s4 =	spop (v2sf);
	v6 =	vld [tilespmem:s26+$0x80];
	s8 =	sor.u32 s14, s12;
	v14 =	vmul.f32 v17, v22;
	v12 =	vadd.f32 v12, v4;
	v13 =	vadd.f32 v13, v8  }
0x165: {  	s7 =	sadd.f32 s19, s4;
	s11 =	smul.f32 s11, s25;
	(v2sf) =	vpush v9, $0x0;
	v20 =	vld [tilespmem:s8+$0x30]  }
0x166: {  	s0 =	sadd.f32 s1, s0;
	s13 =	spop (v2sf);
	v24 =	vld [tilespmem:s8+$0x20];
	v11 =	vmul.f32 v16, v11;
	v15 =	vadd.f32 v10, v12;
	v21 =	vadd.f32 v14, v13  }
0x167: {  	v26 =	vld [tilespmem:s8+$0x0];
	s7 =	smul.f32 s7, s13;
	s15 =	sadd.f32 $-1.000000000e+00, s11;
	(v2sf) =	vpush v9, $0x1  }
0x168: {  	v28 =	vld [tilespmem:s8+$0x10];
	s5 =	ssub.f32 s11, s5;
	v63 =	vadd.f32 v11, v15;
	(v2sf) =	vpush v21, $0x0  }
0x169: {  	s17 =	spop (v2sf);
	v4 =	vld [tilespmem:s26+$0xFFFFFF80];
	s16 =	sadd.f32 $-1.000000000e+00, s7;
	(v2sf) =	vpush v21, $0x1  }
0x16a: {  	s23 =	simm.s32 $0x500;
	s4 =	simm.s32 $0x480;
	v8 =	vld [tilespmem:s8+$0x70];
	s7 =	ssub.f32 s7, s17;
	(v2sf) =	vpush v63, $0x0  }
0x16b: {  	s11 =	sand.u32 $0x300, s23;
	v10 =	vld [tilespmem:s8+$0x60];
	s10 =	smul.f32 s15, s15;
	s5 =	smax.f32 s5, $0.0e+00;
	(v2sf) =	vpush v63, $0x1  }
0x16c: {  	s13 =	sand.u32 $0x280, s4;
	s11 =	sor.u32 s11, s12;
	v12 =	vld [tilespmem:s8+$0x50];
	s5 =	smul.f32 s5, s5;
	(v2sf) =	vpush v21, $0x2  }
0x16d: {  	s9 =	sor.u32 s13, s12;
	v19 =	vld [tilespmem:s11+$0x60];
	s18 =	smul.f32 s16, s16;
	s7 =	smax.f32 s7, $0.0e+00;
	(v2sf) =	vpush v63, $0x2  }
0x16e: {  	s19 =	ssub.f32 $1.000000000e+00, s0;
	v18 =	vld [tilespmem:s9+$0x60];
	s7 =	smul.f32 s7, s7;
	(v2sf) =	vpush v21, $0x3  }
0x16f: {  	p1 =	slt.u32 s24, $0xC35;
	p0 =	por !p0, !p0;
	v25 =	vld [tilespmem:s11+$0x50];
	s0 =	smul.f32 s18, s0;
	(v2sf) =	vpush v63, $0x3  }
0x170: {  	s25 =	simm.s32 $0x400;
	s14 =	ssub.f32 $1.000000000e+00, s6;
	v23 =	vld [tilespmem:s9+$0x50];
	s7 =	smul.f32 s7, s19;
	(v2sf) =	vpush v21, $0x4  }
0x171: {  	s1 =	sand.u32 $0x200, s25;
	v31 =	vld [tilespmem:s11+$0x40];
	s15 =	smul.f32 s10, s6;
	s29 =	spop (v2sf);
	(v2sf) =	vpush v63, $0x4  }
0x172: {  	s13 =	simm.s32 $0x1;
	v30 =	vld [tilespmem:s9+$0x40];
	s5 =	smul.f32 s5, s14;
	s0 =	sadd.f32 s7, s0;
	(v2sf) =	vpush v21, $0x5  }
0x173: {  	v15 =	vld [tilespmem:s8+$0x40];
	s8 =	sor.u32 s1, s12;
	s16 =	sadd.s32 $0x1, s24;
	s30 =	spop (v2sf);
	(v2sf) =	vpush v63, $0x5  }
0x174: {  	v35 =	vld [tilespmem:s11+$0x30];
	s1 =	sadd.f32 s5, s15;
	s31 =	spop (v2sf);
	s0 =	simm.s32 @!p1 $0x0;
	(v2sf) =	vpush v21, $0x6  }
0x175: {  	v34 =	vld [tilespmem:s9+$0x30];
	p1 =	slt.u32 s16, $0xC35;
	s0 =	sadd.f32 s0, s21;
	s5 =	spop (v2sf);
	(v2sf) =	vpush v63, $0x6  }
0x176: {  	s13 =	simm.s32 @!p0 $0x0;
	v38 =	vld [tilespmem:s11+$0x20];
	s1 =	simm.s32 @!p1 $0x0;
	s6 =	spop (v2sf);
	(v2sf) =	vpush v21, $0x7  }
0x177: {  	v37 =	vld [tilespmem:s9+$0x20];
	s13 =	sshll.u32 s13, $0x9;
	s23 =	sadd.f32 s1, s0;
	(v2sf) =	vpush v63, $0x7;
	s17 =	spop (v2sf)  }
0x178: {  	v42 =	vld [tilespmem:s11+$0x0];
	s0 =	simm.s32 $0x4;
	s1 =	simm.s32 $0x8;
	s19 =	spop (v2sf);
	(v2sf) =	vpush v21, $0x8  }
0x179: {  	v43 =	vld [tilespmem:s11+$0x10];
	s18 =	sand.u32 $0x3, s0;
	s21 =	sand.u32 $0x7, s1;
	s25 =	spop (v2sf);
	(v2sf) =	vpush v63, $0x8  }
0x17a: {  	v44 =	vld [tilespmem:s9+$0x0];
	s10 =	sshll.u32 s18, $0x8;
	s7 =	sadd.f32 s19, s17;
	s4 =	spop (v2sf);
	(v2sf) =	vpush v21, $0x9  }
0x17b: {  	v46 =	vld [tilespmem:s9+$0x10];
	s14 =	sshll.u32 s21, $0x7;
	s12 =	sadd.f32 s4, s25;
	s16 =	spop (v2sf);
	(v2sf) =	vpush v63, $0x9  }
0x17c: {  	v14 =	vld [tilespmem:s11+$0x70];
	s15 =	sadd.f32 s7, s16;
	s17 =	spop (v2sf);
	(v2sf) =	vpush v21, $0xA;
	s16 =	sadd.s32 $0x800, s10  }
0x17d: {  	v13 =	vld [tilespmem:s9+$0x70];
	s7 =	sadd.s32 $0x800, s13;
	s12 =	sadd.f32 s12, s17;
	s18 =	spop (v2sf);
	(v2sf) =	vpush v63, $0xA  }
0x17e: {  	v11 =	vld [tilespmem:s8+$0x70];
	s10 =	sadd.s32 $0x800, s14;
	s19 =	sadd.f32 s15, s18;
	s21 =	spop (v2sf);
	(v2sf) =	vpush v21, $0xB  }
0x17f: {  	v16 =	vld [tilespmem:s8+$0x60];
	s17 =	sor.u32 $0x450, s7;
	s12 =	sadd.f32 s12, s21;
	s25 =	spop (v2sf);
	(v2sf) =	vpush v63, $0xB  }
0x180: {  	v22 =	vld [tilespmem:s8+$0x50];
	s14 =	sor.u32 $0x440, s7;
	s13 =	sadd.f32 s19, s25;
	s4 =	spop (v2sf);
	(v2sf) =	vpush v21, $0xC  }
0x181: {  	v29 =	vld [tilespmem:s8+$0x40];
	s9 =	sadd.s32 $0x180, s10;
	s15 =	sadd.f32 s12, s4;
	s19 =	spop (v2sf);
	(v2sf) =	vpush v63, $0xC  }
0x182: {  	v33 =	vld [tilespmem:s8+$0x30];
	s18 =	sor.u32 $0x430, s7;
	s12 =	sadd.f32 s13, s19;
	s25 =	spop (v2sf);
	(v2sf) =	vpush v21, $0xD  }
0x183: {  	v36 =	vld [tilespmem:s8+$0x20];
	s21 =	sor.u32 $0x460, s7;
	s11 =	sadd.f32 s15, s25;
	s4 =	spop (v2sf);
	(v2sf) =	vpush v63, $0xD  }
0x184: {  	v41 =	vld [tilespmem:s8+$0x0];
	s15 =	sor.u32 $0x420, s7;
	s19 =	sadd.f32 s12, s4;
	s4 =	spop (v2sf);
	(v2sf) =	vpush v21, $0xE  }
0x185: {  	v45 =	vld [tilespmem:s8+$0x10];
	s25 =	sor.u32 $0x410, s7;
	s12 =	sadd.f32 s11, s4;
	s13 =	spop (v2sf);
	(v2sf) =	vpush v63, $0xE  }
0x186: {  	v32 =	vld [tilespmem:s18+$0x1C00];
	s11 =	sadd.s32 $0x100, s16;
	s8 =	sadd.f32 s19, s13;
	s16 =	spop (v2sf);
	(v2sf) =	vpush v21, $0xF  }
0x187: {  	v17 =	vld [tilespmem:s21+$0x1C00];
	s12 =	sadd.f32 s12, s16;
	s19 =	spop (v2sf);
	(v2sf) =	vpush v27, $0x2;
	s16 =	sor.u32 $0x400, s7  }
0x188: {  	v21 =	vld [tilespmem:s17+$0x1C00];
	s13 =	sadd.f32 s8, s19;
	s21 =	spop (v2sf);
	(v2sf) =	vpush v63, $0xF;
	s8 =	simm.s32 $0xC00  }
0x189: {  	v27 =	vld [tilespmem:s14+$0x1C00];
	s12 =	sadd.f32 s12, s21;
	s14 =	spop (v2sf);
	s21 =	smov.u32 s24  }
.LBB2_3:
0x18a: {  	p1 =	sne.s32 s8, $0x7C00;
	v39 =	vld [tilespmem:s15+$0x1C00];
	s13 =	sadd.f32 s13, s14;
	s14 =	spop (v2sf);
	(v2sf) =	vpush v9, $0x2  }
0x18b: {  	s10 =	sadd.s32 $0x80, s10;
	v40 =	vld [tilespmem:s25+$0x1C00];
	s12 =	sadd.f32 s12, s14;
	s14 =	spop (v2sf)  }
0x18c: {  	v9 =	vmul.f32 v26, v42;
	v26 =	vmul.f32 v28, v43;
	s15 =	sor.u32 $0x470, s11;
	v47 =	vld [tilespmem:s16+$0x1C00];
	s13 =	sadd.f32 s13, s14;
	s14 =	spop (v2sf)  }
0x18d: {  	v28 =	vmul.f32 v24, v38;
	s16 =	sor.u32 $0x460, s11;
	v24 =	vld [tilespmem:s15+$0x1C00];
	s12 =	sadd.f32 s12, s14;
	(v2sf) =	vpush v3, $0x3;
	s14 =	spop (v2sf);
	v3 =	vmov v7  }
0x18e: {  	v38 =	vmul.f32 v44, v41;
	v41 =	vmul.f32 v46, v45;
	v26 =	vadd.f32 v26, v9;
	s15 =	sor.u32 $0x450, s11;
	v7 =	vld [tilespmem:s16+$0x1C00];
	s13 =	sadd.f32 s13, s14;
	s14 =	spop (v2sf)  }
0x18f: {  	v20 =	vmul.f32 v20, v35;
	s16 =	sor.u32 $0x440, s11;
	v9 =	vld [tilespmem:s15+$0x1C00];
	s12 =	sadd.f32 s12, s14;
	s14 =	spop (v2sf)  }
0x190: {  	v36 =	vmul.f32 v37, v36;
	v35 =	vadd.f32 v41, v38;
	v26 =	vadd.f32 v28, v26;
	s15 =	sor.u32 $0x430, s11;
	v28 =	vld [tilespmem:s16+$0x1C00];
	s13 =	sadd.f32 s13, s14;
	s14 =	spop (v2sf)  }
0x191: {  	v15 =	vmul.f32 v15, v31;
	s16 =	sor.u32 $0x420, s11;
	v31 =	vld [tilespmem:s15+$0x1C00];
	s12 =	sadd.f32 s12, s14;
	s14 =	spop (v2sf)  }
0x192: {  	v33 =	vmul.f32 v34, v33;
	v35 =	vadd.f32 v36, v35;
	v20 =	vadd.f32 v20, v26;
	s15 =	sor.u32 $0x410, s11;
	v26 =	vld [tilespmem:s16+$0x1C00];
	s13 =	sadd.f32 s13, s14;
	s14 =	spop (v2sf)  }
0x193: {  	v12 =	vmul.f32 v12, v25;
	s11 =	sor.u32 $0x400, s11;
	v25 =	vld [tilespmem:s15+$0x1C00];
	s12 =	sadd.f32 s12, s14;
	s14 =	spop (v2sf)  }
0x194: {  	v29 =	vmul.f32 v30, v29;
	v33 =	vadd.f32 v33, v35;
	v15 =	vadd.f32 v15, v20;
	v20 =	vld [tilespmem:s11+$0x1C00];
	s11 =	sor.u32 $0x400, s9;
	s13 =	sadd.f32 s13, s14;
	s14 =	spop (v2sf)  }
0x195: {  	v10 =	vmul.f32 v10, v19;
	v19 =	vld [tilespmem:s11+$0x1C00];
	s11 =	sor.u32 $0x410, s9;
	s12 =	sadd.f32 s12, s14;
	s14 =	spop (v2sf)  }
0x196: {  	v22 =	vmul.f32 v23, v22;
	v29 =	vadd.f32 v29, v33;
	s15 =	sor.u32 $0x400, s10;
	v12 =	vadd.f32 v12, v15;
	v15 =	vld [tilespmem:s11+$0x1C00];
	s13 =	sadd.f32 s13, s14;
	s14 =	spop (v2sf)  }
0x197: {  	v8 =	vmul.f32 v8, v14;
	s11 =	sadd.f32 s31, s30;
	v23 =	vld [tilespmem:s15+$0x1C00];
	s15 =	sor.u32 $0x420, s9;
	s16 =	spop (v2sf)  }
0x198: {  	v16 =	vmul.f32 v18, v16;
	s17 =	sor.u32 $0x410, s10;
	v14 =	vadd.f32 v22, v29;
	v10 =	vadd.f32 v10, v12;
	v12 =	vld [tilespmem:s15+$0x1C00];
	s12 =	sadd.f32 s12, s16;
	s13 =	smul.f32 s13, s14  }
0x199: {  	v11 =	vmul.f32 v13, v11;
	s5 =	sadd.f32 s6, s5;
	s14 =	sor.u32 $0x430, s9;
	v13 =	vld [tilespmem:s17+$0x1C00];
	s6 =	spop (v2sf)  }
0x19a: {  	v14 =	vadd.f32 v16, v14;
	s15 =	sor.u32 $0x420, s10;
	v8 =	vadd.f32 v8, v10;
	v10 =	vmul.f32 v19, v20;
	v16 =	vld [tilespmem:s14+$0x1C00];
	s6 =	smul.f32 s12, s6;
	s12 =	sadd.f32 $-1.000000000e+00, s13  }
0x19b: {  	s14 =	sor.u32 $0x440, s9;
	s13 =	ssub.f32 s13, s29;
	v18 =	vld [tilespmem:s15+$0x1C00];
	v15 =	vmul.f32 v15, v25  }
0x19c: {  	v11 =	vadd.f32 v11, v14;
	s15 =	sor.u32 $0x430, s10;
	v14 =	vmul.f32 v23, v47;
	v8 =	vadd.f32 v10, v8;
	v10 =	vld [tilespmem:s14+$0x1C00];
	s14 =	sadd.f32 $-1.000000000e+00, s6;
	s16 =	spop (v2sf)  }
0x19d: {  	s12 =	smul.f32 s12, s12;
	v19 =	vld [tilespmem:s15+$0x1C00];
	v12 =	vmul.f32 v12, v26;
	s15 =	sor.u32 $0x450, s9;
	s6 =	ssub.f32 s6, s16  }
0x19e: {  	s13 =	smax.f32 s13, $0.0e+00;
	s16 =	sor.u32 $0x440, s10;
	v11 =	vadd.f32 v14, v11;
	v13 =	vmul.f32 v13, v40;
	v8 =	vadd.f32 v15, v8;
	v14 =	vld [tilespmem:s15+$0x1C00];
	s14 =	smul.f32 s14, s14  }
0x19f: {  	s13 =	smul.f32 s13, s13;
	s15 =	sor.u32 $0x460, s9;
	v15 =	vld [tilespmem:s16+$0x1C00];
	v16 =	vmul.f32 v16, v31;
	s6 =	smax.f32 s6, $0.0e+00  }
0x1a0: {  	s16 =	sor.u32 $0x450, s10;
	v11 =	vadd.f32 v13, v11;
	v13 =	vmul.f32 v18, v39;
	v8 =	vadd.f32 v12, v8;
	v12 =	vld [tilespmem:s15+$0x1C00];
	s6 =	smul.f32 s6, s6;
	s15 =	ssub.f32 $1.000000000e+00, s5  }
0x1a1: {  	s9 =	sor.u32 $0x470, s9;
	s5 =	smul.f32 s14, s5;
	v18 =	vld [tilespmem:s16+$0x1C00];
	v10 =	vmul.f32 v10, v28  }
0x1a2: {  	s14 =	sor.u32 $0x460, s10;
	v11 =	vadd.f32 v13, v11;
	v13 =	vmul.f32 v19, v32;
	v8 =	vadd.f32 v16, v8;
	v16 =	vld [tilespmem:s9+$0x1C00];
	s6 =	smul.f32 s6, s15;
	s9 =	ssub.f32 $1.000000000e+00, s11  }
0x1a3: {  	s7 =	sor.u32 $0x470, s7;
	s21 =	sadd.s32 $0x2, s21;
	v32 =	vmul.f32 v6, v5;
	s11 =	smul.f32 s12, s11;
	v19 =	vld [tilespmem:s14+$0x1C00];
	v9 =	vmul.f32 v14, v9;
	(v2sf) =	vpush v5, $0x3  }
0x1a4: {  	v6 =	vadd.f32 v13, v11;
	v11 =	vmul.f32 v15, v27;
	v13 =	vld [tilespmem:s7+$0x1C00];
	s7 =	sor.u32 $0x470, s10;
	v8 =	vadd.f32 v10, v8;
	s5 =	sadd.f32 s6, s5;
	s6 =	smul.f32 s13, s9  }
0x1a5: {  	s28 =	sadd.s32 $0x200, s28;
	s26 =	sadd.s32 $0x200, s26;
	p2 =	slt.u32 s21, $0xC35;
	v10 =	vld [tilespmem:s7+$0x1C00];
	v12 =	vmul.f32 v12, v7;
	(v2sf) =	vpush v32, $0x0  }
0x1a6: {  	s7 =	sadd.s32 $0x1, s21;
	v5 =	vld [tilespmem:s26+$0x0];
	v11 =	vadd.f32 v11, v6;
	v14 =	vmul.f32 v18, v21;
	v8 =	vadd.f32 v9, v8;
	s5 =	simm.s32 @!p2 $0x0;
	s6 =	sadd.f32 s6, s11  }
0x1a7: {  	s9 =	sand.u32 $0x7800, s8;
	v9 =	vmul.f32 v4, v3;
	p2 =	slt.u32 s7, $0xC35;
	v6 =	vld [tilespmem:s26+$0x80];
	v15 =	vmul.f32 v16, v24;
	(v2sf) =	vpush v32, $0x1;
	s5 =	sadd.f32 s5, s23  }
0x1a8: {  	s7 =	sadd.s32 $0x1C00, s9;
	s9 =	sand.u32 $0x380, s28;
	v7 =	vld [tilespmem:s26+$0xFFFFFF00];
	v11 =	vadd.f32 v14, v11;
	v14 =	vmul.f32 v19, v17;
	v12 =	vadd.f32 v12, v8;
	s6 =	simm.s32 @!p2 $0x0  }
0x1a9: {  	s9 =	sor.u32 s9, s7;
	v4 =	vld [tilespmem:s26+$0xFFFFFF80];
	(v2sf) =	vpush v9, $0x0;
	s23 =	sadd.f32 s6, s5  }
0x1aa: {  	v8 =	vld [tilespmem:s9+$0x70];
	v11 =	vadd.f32 v14, v11;
	v13 =	vmul.f32 v10, v13;
	v21 =	vadd.f32 v15, v12  }
0x1ab: {  	v10 =	vld [tilespmem:s9+$0x60];
	(v2sf) =	vpush v9, $0x1  }
0x1ac: {  	v12 =	vld [tilespmem:s9+$0x50];
	v39 =	vadd.f32 v13, v11;
	(v2sf) =	vpush v21, $0x0  }
0x1ad: {  	v15 =	vld [tilespmem:s9+$0x40];
	(v2sf) =	vpush v21, $0x1  }
0x1ae: {  	v20 =	vld [tilespmem:s9+$0x30];
	(v2sf) =	vpush v39, $0x0  }
0x1af: {  	s5 =	sadd.s32 $0xFFFFFF80, s28;
	v24 =	vld [tilespmem:s9+$0x20];
	(v2sf) =	vpush v39, $0x1  }
0x1b0: {  	s6 =	sadd.s32 $0xFFFFFE80, s28;
	s5 =	sand.u32 $0x300, s5;
	v26 =	vld [tilespmem:s9+$0x0];
	(v2sf) =	vpush v21, $0x2  }
0x1b1: {  	s10 =	sadd.s32 $0xFFFFFF00, s28;
	s6 =	sand.u32 $0x200, s6;
	s12 =	sor.u32 s5, s7;
	v28 =	vld [tilespmem:s9+$0x10];
	(v2sf) =	vpush v39, $0x2  }
0x1b2: {  	s5 =	sand.u32 $0x280, s10;
	s9 =	sor.u32 s6, s7;
	v14 =	vld [tilespmem:s12+$0x70];
	(v2sf) =	vpush v21, $0x3;
	s29 =	spop (v2sf)  }
0x1b3: {  	s11 =	sor.u32 s5, s7;
	v11 =	vld [tilespmem:s9+$0x70];
	(v2sf) =	vpush v39, $0x3  }
0x1b4: {  	v13 =	vld [tilespmem:s11+$0x70];
	(v2sf) =	vpush v21, $0x4;
	s30 =	spop (v2sf)  }
0x1b5: {  	v19 =	vld [tilespmem:s12+$0x60];
	(v2sf) =	vpush v39, $0x4  }
0x1b6: {  	v16 =	vld [tilespmem:s9+$0x60];
	(v2sf) =	vpush v21, $0x5;
	s31 =	spop (v2sf)  }
0x1b7: {  	v18 =	vld [tilespmem:s11+$0x60];
	(v2sf) =	vpush v39, $0x5  }
0x1b8: {  	v25 =	vld [tilespmem:s12+$0x50];
	s5 =	spop (v2sf);
	(v2sf) =	vpush v21, $0x6  }
0x1b9: {  	v22 =	vld [tilespmem:s9+$0x50];
	(v2sf) =	vpush v39, $0x6  }
0x1ba: {  	s1 =	sadd.s32 $0x4, s1;
	v23 =	vld [tilespmem:s11+$0x50];
	s6 =	spop (v2sf);
	(v2sf) =	vpush v21, $0x7  }
0x1bb: {  	s0 =	sadd.s32 $0x2, s0;
	p0 =	por !p0, !p0;
	v31 =	vld [tilespmem:s12+$0x40];
	(v2sf) =	vpush v39, $0x7;
	s7 =	spop (v2sf)  }
0x1bc: {  	s15 =	simm.s32 $0x1;
	s10 =	sand.u32 $0x3, s0;
	v29 =	vld [tilespmem:s9+$0x40];
	s13 =	spop (v2sf);
	(v2sf) =	vpush v21, $0x8  }
0x1bd: {  	s14 =	sand.u32 $0x7, s1;
	s15 =	simm.s32 @!p0 $0x0;
	v30 =	vld [tilespmem:s11+$0x40];
	s16 =	spop (v2sf);
	(v2sf) =	vpush v39, $0x8  }
0x1be: {  	s10 =	sshll.u32 s10, $0x8;
	s7 =	sadd.f32 s13, s7;
	v35 =	vld [tilespmem:s12+$0x30];
	s13 =	spop (v2sf);
	(v2sf) =	vpush v21, $0x9  }
0x1bf: {  	s15 =	sshll.u32 s15, $0x9;
	v33 =	vld [tilespmem:s9+$0x30];
	s13 =	sadd.f32 s13, s16;
	(v2sf) =	vpush v39, $0x9;
	s16 =	spop (v2sf)  }
0x1c0: {  	s14 =	sshll.u32 s14, $0x7;
	v34 =	vld [tilespmem:s11+$0x30];
	s16 =	sadd.f32 s7, s16;
	s7 =	spop (v2sf);
	(v2sf) =	vpush v21, $0xA  }
0x1c1: {  	s17 =	sadd.s32 s8, s10;
	v38 =	vld [tilespmem:s12+$0x20];
	s13 =	sadd.f32 s13, s7;
	(v2sf) =	vpush v39, $0xA;
	s10 =	spop (v2sf)  }
0x1c2: {  	s7 =	sadd.s32 s15, s8;
	v36 =	vld [tilespmem:s9+$0x20];
	s15 =	sadd.f32 s16, s10;
	s16 =	spop (v2sf);
	(v2sf) =	vpush v21, $0xB  }
0x1c3: {  	s10 =	sadd.s32 s8, s14;
	v37 =	vld [tilespmem:s11+$0x20];
	s13 =	sadd.f32 s13, s16;
	(v2sf) =	vpush v39, $0xB;
	s14 =	spop (v2sf)  }
0x1c4: {  	s16 =	sor.u32 $0x460, s7;
	v42 =	vld [tilespmem:s12+$0x0];
	s14 =	sadd.f32 s15, s14;
	s15 =	spop (v2sf);
	(v2sf) =	vpush v21, $0xC  }
0x1c5: {  	s18 =	sor.u32 $0x450, s7;
	v43 =	vld [tilespmem:s12+$0x10];
	s12 =	sadd.f32 s13, s15;
	(v2sf) =	vpush v39, $0xC;
	s13 =	spop (v2sf)  }
0x1c6: {  	s19 =	sor.u32 $0x440, s7;
	v41 =	vld [tilespmem:s9+$0x0];
	s13 =	sadd.f32 s14, s13;
	s14 =	spop (v2sf);
	(v2sf) =	vpush v21, $0xD  }
0x1c7: {  	s4 =	sor.u32 $0x430, s7;
	v44 =	vld [tilespmem:s11+$0x0];
	s12 =	sadd.f32 s12, s14;
	(v2sf) =	vpush v39, $0xD;
	s14 =	spop (v2sf)  }
0x1c8: {  	v45 =	vld [tilespmem:s9+$0x10];
	s9 =	sadd.f32 s13, s14;
	s13 =	spop (v2sf)  }
0x1c9: {  	s15 =	sor.u32 $0x420, s7;
	(v2sf) =	vpush v21, $0xE;
	s12 =	sadd.f32 s12, s13  }
.Ltmp2:
0x1ca: {  	s25 =	sor.u32 $0x410, s7;
	v46 =	vld [tilespmem:s11+$0x10];
	(v2sf) =	vpush v39, $0xE;
	s13 =	spop (v2sf);
	(pc) =	sbr.rel @p1 .LBB2_3-.Ltmp2, $4  }
0x1cb: {  	s11 =	sadd.s32 $0x100, s17;
	v17 =	vld [tilespmem:s16+$0x1C00];
	s13 =	sadd.f32 s9, s13;
	s14 =	spop (v2sf);
	(v2sf) =	vpush v21, $0xF  }
0x1cc: {  	s9 =	sadd.s32 $0x180, s10;
	v21 =	vld [tilespmem:s18+$0x1C00];
	s12 =	sadd.f32 s12, s14;
	s14 =	spop (v2sf);
	(v2sf) =	vpush v32, $0x2  }
0x1cd: {  	s16 =	sor.u32 $0x400, s7;
	v27 =	vld [tilespmem:s19+$0x1C00];
	s13 =	sadd.f32 s13, s14;
	s14 =	spop (v2sf);
	(v2sf) =	vpush v39, $0xF  }
0x1ce: {  	s8 =	sadd.s32 $0x400, s8;
	v32 =	vld [tilespmem:s4+$0x1C00];
	s12 =	sadd.f32 s12, s14;
	s14 =	spop (v2sf)  }
0x1cf: {  	v39 =	vld [tilespmem:s15+$0x1C00]  }
0x1d0: {  	v40 =	vld [tilespmem:s25+$0x1C00]  }
0x1d1: {  	v26 =	vmul.f32 v26, v42;
	v53 =	vld [tilespmem:s16+$0x1C00];
	v28 =	vmul.f32 v28, v43;
	s0 =	sor.u32 $0x470, s11  }
0x1d2: {  	v24 =	vmul.f32 v24, v38;
	s18 =	sor.u32 $0x450, s11;
	v38 =	vld [tilespmem:s0+$0x1C00]  }
0x1d3: {  	v41 =	vmul.f32 v44, v41;
	v54 =	vmul.f32 v46, v45;
	s19 =	sor.u32 $0x440, s11;
	v55 =	vld [tilespmem:s18+$0x1C00];
	v26 =	vadd.f32 v28, v26  }
0x1d4: {  	v20 =	vmul.f32 v20, v35;
	s25 =	sor.u32 $0x430, s11;
	v56 =	vld [tilespmem:s19+$0x1C00]  }
0x1d5: {  	v36 =	vmul.f32 v37, v36;
	s26 =	sor.u32 $0x420, s11;
	v57 =	vld [tilespmem:s25+$0x1C00];
	v41 =	vadd.f32 v54, v41;
	v24 =	vadd.f32 v24, v26  }
0x1d6: {  	v15 =	vmul.f32 v15, v31;
	s28 =	sor.u32 $0x410, s11;
	v58 =	vld [tilespmem:s26+$0x1C00]  }
0x1d7: {  	v33 =	vmul.f32 v34, v33;
	s4 =	sor.u32 $0x400, s11;
	v59 =	vld [tilespmem:s28+$0x1C00];
	v36 =	vadd.f32 v36, v41;
	v20 =	vadd.f32 v20, v24  }
0x1d8: {  	v12 =	vmul.f32 v12, v25;
	s8 =	sor.u32 $0x400, s9;
	v60 =	vld [tilespmem:s4+$0x1C00]  }
0x1d9: {  	s1 =	sor.u32 $0x460, s11;
	v29 =	vmul.f32 v30, v29;
	s11 =	sor.u32 $0x410, s9;
	s0 =	sadd.s32 $0x80, s10;
	v61 =	vld [tilespmem:s8+$0x1C00];
	v33 =	vadd.f32 v33, v36;
	v15 =	vadd.f32 v15, v20  }
0x1da: {  	v10 =	vmul.f32 v10, v19;
	v62 =	vld [tilespmem:s11+$0x1C00];
	s4 =	sor.u32 $0x400, s0  }
0x1db: {  	v22 =	vmul.f32 v23, v22;
	s17 =	sor.u32 $0x430, s9;
	v63 =	vld [tilespmem:s4+$0x1C00];
	v29 =	vadd.f32 v29, v33;
	v12 =	vadd.f32 v12, v15  }
0x1dc: {  	v8 =	vmul.f32 v8, v14;
	v37 =	vld [tilespmem:s17+$0x1C00];
	s16 =	sor.u32 $0x410, s0  }
0x1dd: {  	s15 =	sor.u32 $0x420, s9;
	v16 =	vmul.f32 v18, v16;
	v34 =	vld [tilespmem:s16+$0x1C00];
	v30 =	vadd.f32 v22, v29;
	v10 =	vadd.f32 v10, v12  }
0x1de: {  	v11 =	vmul.f32 v13, v11;
	v33 =	vld [tilespmem:s15+$0x1C00]  }
0x1df: {  	v28 =	vld [tilespmem:s1+$0x1C00];
	s18 =	sor.u32 $0x420, s0;
	v36 =	vmul.f32 v61, v60;
	v14 =	vadd.f32 v16, v30;
	v8 =	vadd.f32 v8, v10  }
0x1e0: {  	s25 =	sor.u32 $0x430, s0;
	v41 =	vld [tilespmem:s18+$0x1C00];
	v43 =	vmul.f32 v63, v53  }
0x1e1: {  	s19 =	sor.u32 $0x440, s9;
	v45 =	vld [tilespmem:s25+$0x1C00];
	v15 =	vmul.f32 v62, v59;
	v11 =	vadd.f32 v11, v14;
	v8 =	vadd.f32 v36, v8  }
0x1e2: {  	s26 =	sor.u32 $0x450, s9;
	v44 =	vld [tilespmem:s19+$0x1C00];
	v13 =	vmul.f32 v34, v40  }
0x1e3: {  	s28 =	sor.u32 $0x440, s0;
	v46 =	vld [tilespmem:s26+$0x1C00];
	v12 =	vmul.f32 v33, v58;
	v11 =	vadd.f32 v43, v11;
	v8 =	vadd.f32 v15, v8  }
0x1e4: {  	s10 =	sadd.f32 s13, s14;
	s8 =	spop (v2sf);
	(v2sf) =	vpush v9, $0x2;
	s14 =	sor.u32 $0x450, s0;
	v47 =	vld [tilespmem:s28+$0x1C00];
	v48 =	vmul.f32 v37, v57  }
0x1e5: {  	s11 =	sor.u32 $0x460, s9;
	s8 =	sadd.f32 s12, s8;
	s13 =	spop (v2sf);
	v51 =	vld [tilespmem:s14+$0x1C00];
	v49 =	vmul.f32 v41, v39;
	v11 =	vadd.f32 v13, v11;
	v8 =	vadd.f32 v12, v8  }
0x1e6: {  	v50 =	vld [tilespmem:s11+$0x1C00];
	(v2sf) =	vpush v3, $0x3;
	s1 =	sadd.f32 s10, s13;
	s18 =	sor.u32 $0x460, s0;
	s15 =	spop (v2sf);
	v52 =	vmul.f32 v45, v32  }
0x1e7: {  	s16 =	sor.u32 $0x470, s9;
	s14 =	sadd.f32 s6, s5;
	v54 =	vld [tilespmem:s18+$0x1C00];
	s17 =	spop (v2sf);
	v10 =	vmul.f32 v44, v56;
	v11 =	vadd.f32 v49, v11;
	v8 =	vadd.f32 v48, v8  }
0x1e8: {  	s7 =	sor.u32 $0x470, s7;
	v3 =	vmul.f32 v6, v5;
	v53 =	vld [tilespmem:s16+$0x1C00];
	s4 =	sadd.f32 s8, s15;
	s19 =	spop (v2sf);
	(v2sf) =	vpush v5, $0x3;
	v14 =	vmul.f32 v46, v55  }
0x1e9: {  	s0 =	sor.u32 $0x470, s0;
	v57 =	vld [tilespmem:s7+$0x1C00];
	s1 =	sadd.f32 s1, s17;
	s25 =	spop (v2sf);
	v56 =	vmul.f32 v47, v27;
	v55 =	vadd.f32 v52, v11;
	v8 =	vadd.f32 v10, v8  }
0x1ea: {  	v60 =	vmul.f32 v51, v21;
	s4 =	sadd.f32 s4, s19;
	s26 =	spop (v2sf);
	(v2sf) =	vpush v3, $0x0;
	v58 =	vld [tilespmem:s0+$0x1C00]  }
0x1eb: {  	v59 =	vmul.f32 v50, v28;
	s1 =	sadd.f32 s1, s25;
	s7 =	spop (v2sf);
	v5 =	vadd.f32 v56, v55;
	v8 =	vadd.f32 v14, v8  }
0x1ec: {  	v4 =	vmul.f32 v4, v7;
	v62 =	vmul.f32 v54, v17;
	s28 =	sadd.f32 s4, s26;
	s8 =	spop (v2sf);
	(v2sf) =	vpush v3, $0x1  }
0x1ed: {  	v61 =	vmul.f32 v53, v38;
	s1 =	sadd.f32 s1, s7;
	s9 =	spop (v2sf);
	v5 =	vadd.f32 v60, v5;
	v8 =	vadd.f32 v59, v8  }
0x1ee: {  	s0 =	sadd.f32 s28, s8;
	s10 =	spop (v2sf);
	(v2sf) =	vpush v4, $0x0  }
0x1ef: {  	s1 =	sadd.f32 s1, s9;
	v63 =	vmul.f32 v58, v57;
	v5 =	vadd.f32 v62, v5;
	v8 =	vadd.f32 v61, v8  }
0x1f0: {  	s0 =	sadd.f32 s0, s10;
	s11 =	spop (v2sf);
	(v2sf) =	vpush v4, $0x1  }
0x1f1: {  	s1 =	sadd.f32 s1, s11;
	s12 =	spop (v2sf);
	v5 =	vadd.f32 v63, v5;
	(v2sf) =	vpush v8, $0x0  }
0x1f2: {  	s25 =	sadd.f32 s31, s30;
	s13 =	spop (v2sf);
	(v2sf) =	vpush v8, $0x1  }
0x1f3: {  	s0 =	sadd.f32 s0, s13;
	s1 =	smul.f32 s1, s12;
	(v2sf) =	vpush v5, $0x0  }
0x1f4: {  	s26 =	ssub.f32 $1.000000000e+00, s14;
	s15 =	spop (v2sf);
	(v2sf) =	vpush v5, $0x1  }
0x1f5: {  	s0 =	smul.f32 s0, s15;
	s16 =	sadd.f32 $-1.000000000e+00, s1;
	(v2sf) =	vpush v8, $0x2  }
0x1f6: {  	s1 =	ssub.f32 s1, s29;
	(v2sf) =	vpush v5, $0x2  }
0x1f7: {  	s18 =	spop (v2sf);
	s17 =	sadd.f32 $-1.000000000e+00, s0;
	(v2sf) =	vpush v8, $0x3  }
0x1f8: {  	s5 =	smul.f32 s16, s16;
	s1 =	smax.f32 s1, $0.0e+00;
	(v2sf) =	vpush v5, $0x3  }
0x1f9: {  	s0 =	ssub.f32 s0, s18;
	s19 =	smul.f32 s1, s1;
	(v2sf) =	vpush v8, $0x4  }
0x1fa: {  	s28 =	ssub.f32 $1.000000000e+00, s25;
	s6 =	smul.f32 s17, s17;
	(v2sf) =	vpush v5, $0x4  }
0x1fb: {  	s1 =	spop (v2sf);
	s0 =	smax.f32 s0, $0.0e+00;
	(v2sf) =	vpush v8, $0x5  }
0x1fc: {  	s4 =	smul.f32 s6, s14;
	s6 =	spop (v2sf);
	(v2sf) =	vpush v5, $0x5  }
0x1fd: {  	s0 =	smul.f32 s0, s0;
	s8 =	spop (v2sf);
	(v2sf) =	vpush v8, $0x6  }
0x1fe: {  	s29 =	smul.f32 s5, s25;
	s7 =	spop (v2sf);
	(v2sf) =	vpush v5, $0x6  }
0x1ff: {  	s0 =	smul.f32 s0, s26;
	s9 =	spop (v2sf);
	(v2sf) =	vpush v8, $0x7  }
0x200: {  	s10 =	smul.f32 s19, s28;
	(v2sf) =	vpush v5, $0x7;
	s30 =	spop (v2sf)  }
0x201: {  	s5 =	sadd.f32 s0, s4;
	s31 =	spop (v2sf);
	(v2sf) =	vpush v8, $0x8  }
0x202: {  	s0 =	sadd.f32 s10, s29;
	s13 =	spop (v2sf);
	(v2sf) =	vpush v5, $0x8  }
0x203: {  	s4 =	sadd.f32 s31, s30;
	s14 =	spop (v2sf);
	(v2sf) =	vpush v8, $0x9  }
0x204: {  	s10 =	sadd.f32 s14, s13;
	(v2sf) =	vpush v5, $0x9;
	s15 =	spop (v2sf)  }
0x205: {  	s4 =	sadd.f32 s4, s15;
	s16 =	spop (v2sf);
	(v2sf) =	vpush v8, $0xA  }
0x206: {  	s10 =	sadd.f32 s10, s16;
	(v2sf) =	vpush v5, $0xA;
	s17 =	spop (v2sf)  }
0x207: {  	s4 =	sadd.f32 s4, s17;
	s18 =	spop (v2sf);
	(v2sf) =	vpush v8, $0xB  }
0x208: {  	s10 =	sadd.f32 s10, s18;
	(v2sf) =	vpush v5, $0xB;
	s19 =	spop (v2sf)  }
0x209: {  	s4 =	sadd.f32 s4, s19;
	s25 =	spop (v2sf);
	(v2sf) =	vpush v8, $0xC  }
0x20a: {  	s10 =	sadd.f32 s10, s25;
	(v2sf) =	vpush v5, $0xC;
	s26 =	spop (v2sf)  }
0x20b: {  	s4 =	sadd.f32 s4, s26;
	s28 =	spop (v2sf);
	(v2sf) =	vpush v8, $0xD  }
0x20c: {  	s10 =	sadd.f32 s10, s28;
	(v2sf) =	vpush v5, $0xD;
	s29 =	spop (v2sf)  }
0x20d: {  	s4 =	sadd.f32 s4, s29;
	s30 =	spop (v2sf);
	(v2sf) =	vpush v8, $0xE  }
0x20e: {  	s10 =	sadd.f32 s10, s30;
	(v2sf) =	vpush v5, $0xE;
	s31 =	spop (v2sf)  }
0x20f: {  	s4 =	sadd.f32 s4, s31;
	s12 =	spop (v2sf);
	(v2sf) =	vpush v8, $0xF  }
0x210: {  	s10 =	sadd.f32 s10, s12;
	s13 =	spop (v2sf);
	(v2sf) =	vpush v3, $0x2  }
0x211: {  	s4 =	sadd.f32 s4, s13;
	s14 =	spop (v2sf);
	(v2sf) =	vpush v5, $0xF  }
0x212: {  	s10 =	sadd.f32 s10, s14;
	s15 =	spop (v2sf)  }
0x213: {  	(v2sf) =	vpush v4, $0x2;
	s4 =	sadd.f32 s4, s15;
	s16 =	spop (v2sf)  }
0x214: {  	s10 =	sadd.f32 s10, s16;
	s17 =	spop (v2sf)  }
0x215: {  	s4 =	sadd.f32 s4, s17;
	s18 =	spop (v2sf)  }
0x216: {  	(v2sf) =	vpush v7, $0x3;
	s10 =	sadd.f32 s10, s18;
	s19 =	spop (v2sf)  }
0x217: {  	s4 =	sadd.f32 s4, s19;
	s25 =	spop (v2sf)  }
0x218: {  	s10 =	sadd.f32 s10, s25;
	s26 =	spop (v2sf)  }
0x219: {  	s4 =	sadd.f32 s4, s26;
	s28 =	spop (v2sf)  }
0x21a: {  	s10 =	sadd.f32 s10, s28;
	s29 =	spop (v2sf)  }
0x21b: {  	s4 =	sadd.f32 s4, s29;
	s30 =	spop (v2sf)  }
0x21c: {  	s10 =	sadd.f32 s10, s30;
	s31 =	spop (v2sf)  }
0x21d: {  	s4 =	sadd.f32 s4, s31;
	s12 =	spop (v2sf)  }
0x21e: {  	s10 =	sadd.f32 s10, s12;
	s13 =	spop (v2sf)  }
0x21f: {  	s4 =	sadd.f32 s4, s13;
	s14 =	spop (v2sf)  }
0x220: {  	s6 =	sadd.f32 s8, s6;
	s15 =	spop (v2sf)  }
0x221: {  	s8 =	sadd.f32 s10, s15;
	s4 =	smul.f32 s4, s14  }
0x222: {  	s7 =	sadd.f32 s9, s7;
	s17 =	spop (v2sf)  }
0x223: {  	s8 =	smul.f32 s8, s17;
	s18 =	sadd.f32 $-1.000000000e+00, s4  }
0x224: {  	s1 =	ssub.f32 s4, s1  }
0x225: {  	s16 =	sadd.s32 $0x2, s21;
	s21 =	spop (v2sf);
	s19 =	sadd.f32 $-1.000000000e+00, s8  }
0x226: {  	s9 =	smul.f32 s18, s18;
	s1 =	smax.f32 s1, $0.0e+00  }
0x227: {  	s8 =	ssub.f32 s8, s21;
	s1 =	smul.f32 s1, s1  }
0x228: {  	s29 =	ssub.f32 $1.000000000e+00, s6;
	s4 =	smul.f32 s19, s19  }
0x229: {  	s8 =	smax.f32 s8, $0.0e+00;
	s6 =	smul.f32 s9, s6  }
0x22a: {  	s25 =	ssub.f32 $1.000000000e+00, s7;
	s8 =	smul.f32 s8, s8  }
0x22b: {  	s4 =	smul.f32 s4, s7  }
0x22c: {  	p0 =	slt.u32 s16, $0xC35;
	s26 =	sadd.s32 $0x1, s16;
	s28 =	smul.f32 s8, s25  }
0x22d: {  	s5 =	simm.s32 @!p0 $0x0;
	p0 =	slt.u32 s26, $0xC35;
	s1 =	smul.f32 s1, s29  }
0x22e: {  	s0 =	simm.s32 @!p0 $0x0;
	s30 =	sadd.s32 $0x2, s16;
	s4 =	sadd.f32 s28, s4  }
0x22f: {  	p0 =	slt.u32 s30, $0xC35;
	s31 =	sadd.s32 $0x1, s30;
	s1 =	sadd.f32 s1, s6  }
0x230: {  	s5 =	sadd.f32 s5, s23;
	s4 =	simm.s32 @!p0 $0x0;
	p0 =	slt.u32 s31, $0xC35  }
0x231: {  	s1 =	simm.s32 @!p0 $0x0;
	p0 =	seq.s32 s22, $0x18  }
.Ltmp3:
0x232: {  	s0 =	sadd.f32 s0, s5;
	(pc) =	sbr.rel @p0 .LBB2_6-.Ltmp3, $3  }
0x233: {  	_ = 	snop  }
0x234: {  	s0 =	sadd.f32 s4, s0;
	_ =	sdelay $0x1  }
0x235: {  	s21 =	sadd.f32 s1, s0  }
0x236: {  	s0 =	sshll.u32 s22, $0x8  }
0x237: {  	s0 =	sand.u32 $0x3FFFFF00, s0  }
0x238: {  	v3 =	vld [tilespmem:s0+$0x100];
	_ =	sdelay $0x4  }
0x239: {  	v4 =	vshll.u32 v3, $0x1  }
0x23a: {  	v3 =	vand.u32 $0x7, v3;
	v4 =	vand.u32 $0xFFFFFFF0, v4  }
0x23b: {  	v3 =	vor.u32 v3, v4  }
0x23c: {  	v4 =	vperm.xlane v3, v0;
	_ =	sdelay $0x1  }
0x23d: {  	v3 =	vperm.xlane v3, v2;
	v4 =	vadd.s32 v1, v4;
	_ =	sdelay $0x1  }
0x23e: {  	v3 =	vadd.s32 v1, v3;
	_ =	sdelay $0x1  }
0x23f: {  	s1 =	simm.s32 $0x1C00  }
0x240: {  	[tilespmem:s1], [sflag:$0x1] =	stream.indirect_vreg.gather [hbm4b:s2+s3], $0x80, v4, vm0, $0xb8;
	[tilespmem:$0x19C80] =	vst v63  }
0x241: {  	s11 =	simm.s32 $0x2400  }
0x242: {  	[tilespmem:s11], [sflag:$0x1] =	stream.indirect_vreg.gather [hbm4b:s2+s3], $0x80, v3, vm0, $0xb8;
	[tilespmem:$0x19C80] =	vst v63  }
0x243: {  	v3 =	vld [tilespmem:s0+$0x110];
	_ =	sdelay $0x4  }
0x244: {  	v57 =	vshll.u32 v3, $0x1  }
0x245: {  	v3 =	vand.u32 $0x7, v3;
	v4 =	vand.u32 $0xFFFFFFF0, v57  }
0x246: {  	v3 =	vor.u32 v3, v4  }
0x247: {  	v4 =	vperm.xlane v3, v0;
	_ =	sdelay $0x1  }
0x248: {  	v3 =	vperm.xlane v3, v2;
	v4 =	vadd.s32 v1, v4;
	_ =	sdelay $0x1  }
0x249: {  	v3 =	vadd.s32 v1, v3;
	_ =	sdelay $0x1  }
0x24a: {  	s12 =	simm.s32 $0x2C00  }
0x24b: {  	[tilespmem:s12], [sflag:$0x1] =	stream.indirect_vreg.gather [hbm4b:s2+s3], $0x80, v4, vm0, $0xb8;
	[tilespmem:$0x19C80] =	vst v63  }
0x24c: {  	s13 =	simm.s32 $0x3400  }
0x24d: {  	[tilespmem:s13], [sflag:$0x1] =	stream.indirect_vreg.gather [hbm4b:s2+s3], $0x80, v3, vm0, $0xb8;
	[tilespmem:$0x19C80] =	vst v63  }
0x24e: {  	v3 =	vld [tilespmem:s0+$0x120];
	_ =	sdelay $0x4  }
0x24f: {  	v58 =	vshll.u32 v3, $0x1  }
0x250: {  	v3 =	vand.u32 $0x7, v3;
	v4 =	vand.u32 $0xFFFFFFF0, v58  }
0x251: {  	v3 =	vor.u32 v3, v4  }
0x252: {  	v4 =	vperm.xlane v3, v0;
	_ =	sdelay $0x1  }
0x253: {  	v3 =	vperm.xlane v3, v2;
	v4 =	vadd.s32 v1, v4;
	_ =	sdelay $0x1  }
0x254: {  	v3 =	vadd.s32 v1, v3;
	_ =	sdelay $0x1  }
0x255: {  	s14 =	simm.s32 $0x3C00  }
0x256: {  	[tilespmem:s14], [sflag:$0x1] =	stream.indirect_vreg.gather [hbm4b:s2+s3], $0x80, v4, vm0, $0xb8;
	[tilespmem:$0x19C80] =	vst v63  }
0x257: {  	s15 =	simm.s32 $0x4400  }
0x258: {  	[tilespmem:s15], [sflag:$0x1] =	stream.indirect_vreg.gather [hbm4b:s2+s3], $0x80, v3, vm0, $0xb8;
	[tilespmem:$0x19C80] =	vst v63  }
0x259: {  	v3 =	vld [tilespmem:s0+$0x130];
	_ =	sdelay $0x4  }
0x25a: {  	v59 =	vshll.u32 v3, $0x1  }
0x25b: {  	v3 =	vand.u32 $0x7, v3;
	v4 =	vand.u32 $0xFFFFFFF0, v59  }
0x25c: {  	v3 =	vor.u32 v3, v4  }
0x25d: {  	v4 =	vperm.xlane v3, v0;
	_ =	sdelay $0x1  }
0x25e: {  	v3 =	vperm.xlane v3, v2;
	v4 =	vadd.s32 v1, v4;
	_ =	sdelay $0x1  }
0x25f: {  	v3 =	vadd.s32 v1, v3;
	_ =	sdelay $0x1  }
0x260: {  	s16 =	simm.s32 $0x4C00  }
0x261: {  	[tilespmem:s16], [sflag:$0x1] =	stream.indirect_vreg.gather [hbm4b:s2+s3], $0x80, v4, vm0, $0xb8;
	[tilespmem:$0x19C80] =	vst v63  }
0x262: {  	s17 =	simm.s32 $0x5400  }
0x263: {  	[tilespmem:s17], [sflag:$0x1] =	stream.indirect_vreg.gather [hbm4b:s2+s3], $0x80, v3, vm0, $0xb8;
	[tilespmem:$0x19C80] =	vst v63  }
0x264: {  	v3 =	vld [tilespmem:s0+$0x140];
	_ =	sdelay $0x4  }
0x265: {  	v60 =	vshll.u32 v3, $0x1  }
0x266: {  	v3 =	vand.u32 $0x7, v3;
	v4 =	vand.u32 $0xFFFFFFF0, v60  }
0x267: {  	v3 =	vor.u32 v3, v4  }
0x268: {  	v4 =	vperm.xlane v3, v0;
	_ =	sdelay $0x1  }
0x269: {  	v3 =	vperm.xlane v3, v2;
	v4 =	vadd.s32 v1, v4;
	_ =	sdelay $0x1  }
0x26a: {  	v3 =	vadd.s32 v1, v3;
	_ =	sdelay $0x1  }
0x26b: {  	s18 =	simm.s32 $0x5C00  }
0x26c: {  	[tilespmem:s18], [sflag:$0x1] =	stream.indirect_vreg.gather [hbm4b:s2+s3], $0x80, v4, vm0, $0xb8;
	[tilespmem:$0x19C80] =	vst v63  }
0x26d: {  	s19 =	simm.s32 $0x6400  }
0x26e: {  	[tilespmem:s19], [sflag:$0x1] =	stream.indirect_vreg.gather [hbm4b:s2+s3], $0x80, v3, vm0, $0xb8;
	[tilespmem:$0x19C80] =	vst v63  }
0x26f: {  	v3 =	vld [tilespmem:s0+$0x150];
	_ =	sdelay $0x4  }
0x270: {  	v61 =	vshll.u32 v3, $0x1  }
0x271: {  	v3 =	vand.u32 $0x7, v3;
	v4 =	vand.u32 $0xFFFFFFF0, v61  }
0x272: {  	v3 =	vor.u32 v3, v4  }
0x273: {  	v4 =	vperm.xlane v3, v0;
	_ =	sdelay $0x1  }
0x274: {  	v3 =	vperm.xlane v3, v2;
	v4 =	vadd.s32 v1, v4;
	_ =	sdelay $0x1  }
0x275: {  	v3 =	vadd.s32 v1, v3;
	_ =	sdelay $0x1  }
0x276: {  	s23 =	simm.s32 $0x6C00  }
0x277: {  	[tilespmem:s23], [sflag:$0x1] =	stream.indirect_vreg.gather [hbm4b:s2+s3], $0x80, v4, vm0, $0xb8;
	[tilespmem:$0x19C80] =	vst v63  }
0x278: {  	s25 =	simm.s32 $0x7400  }
0x279: {  	[tilespmem:s25], [sflag:$0x1] =	stream.indirect_vreg.gather [hbm4b:s2+s3], $0x80, v3, vm0, $0xb8;
	[tilespmem:$0x19C80] =	vst v63  }
0x27a: {  	v3 =	vld [tilespmem:s0+$0x160];
	_ =	sdelay $0x4  }
0x27b: {  	v62 =	vshll.u32 v3, $0x1  }
0x27c: {  	v3 =	vand.u32 $0x7, v3;
	v4 =	vand.u32 $0xFFFFFFF0, v62  }
0x27d: {  	v3 =	vor.u32 v3, v4  }
0x27e: {  	v4 =	vperm.xlane v3, v0;
	_ =	sdelay $0x1  }
0x27f: {  	v3 =	vperm.xlane v3, v2;
	v4 =	vadd.s32 v1, v4;
	_ =	sdelay $0x1  }
0x280: {  	v3 =	vadd.s32 v1, v3;
	_ =	sdelay $0x1  }
0x281: {  	s26 =	simm.s32 $0x7C00  }
0x282: {  	[tilespmem:s26], [sflag:$0x1] =	stream.indirect_vreg.gather [hbm4b:s2+s3], $0x80, v4, vm0, $0xb8;
	[tilespmem:$0x19C80] =	vst v63  }
0x283: {  	s28 =	simm.s32 $0x8400  }
0x284: {  	[tilespmem:s28], [sflag:$0x1] =	stream.indirect_vreg.gather [hbm4b:s2+s3], $0x80, v3, vm0, $0xb8;
	[tilespmem:$0x19C80] =	vst v63  }
0x285: {  	v3 =	vld [tilespmem:s0+$0x170];
	_ =	sdelay $0x4  }
0x286: {  	v63 =	vshll.u32 v3, $0x1  }
0x287: {  	v3 =	vand.u32 $0x7, v3;
	v4 =	vand.u32 $0xFFFFFFF0, v63  }
0x288: {  	v3 =	vor.u32 v3, v4  }
0x289: {  	v4 =	vperm.xlane v3, v0;
	_ =	sdelay $0x1  }
0x28a: {  	v3 =	vperm.xlane v3, v2;
	v4 =	vadd.s32 v1, v4;
	_ =	sdelay $0x1  }
0x28b: {  	v3 =	vadd.s32 v1, v3;
	_ =	sdelay $0x1  }
0x28c: {  	s29 =	simm.s32 $0x8C00  }
0x28d: {  	[tilespmem:s29], [sflag:$0x1] =	stream.indirect_vreg.gather [hbm4b:s2+s3], $0x80, v4, vm0, $0xb8;
	[tilespmem:$0x19C80] =	vst v63  }
0x28e: {  	s30 =	simm.s32 $0x9400;
	s31 =	rddreg [dreg:$0x3]  }
0x28f: {  	[tilespmem:s30], [sflag:$0x1] =	stream.indirect_vreg.gather [hbm4b:s2+s3], $0x80, v3, vm0, $0xb8;
	[tilespmem:$0x19C80] =	vst v63  }
0x290: {  	s4 =	simm.s32 $0x80;
	s5 =	simm.s32 $0x9C00;
	s0 =	sadd.s32 $0x100, s0  }
0x291: {  	[tilespmem:s5], [sflag:$0x2] =	stream.indirect.gather [hbm4b:s31+s4], $0x80, s0, s4, $0xb8;
	[tilespmem:$0x19C80] =	vst v63  }
.LBB2_6:
0x292: {  	s0 =	simm.s32 $0x3  }
0x293: {  	_ =	swait.ge [sflag:s0], $0x8000  }
0x294: {  	[sflag:s0] =	ssyncset.done $0x0  }
0x295: {  	s9 =	simm.s32 $0x4;
	[sflag:s0] =	ssyncadd.s32 $0xFFFF8000  }
0x296: {  	_ =	swait.ge [sflag:s9], $0x4000  }
0x297: {  	[sflag:s9] =	ssyncset.done $0x0  }
0x298: {  	s10 =	simm.s32 $0x15D00;
	[sflag:s9] =	ssyncadd.s32 $0xFFFFC000  }
0x299: {  	s1 =	simm.s32 $0x0;
	v11 =	vld [tilespmem:s10+$0x0]  }
0x29a: {  	s4 =	simm.s32 $0x180;
	s5 =	sand.u32 $0x7800, s1;
	v12 =	vld [tilespmem:s10+$0x80]  }
0x29b: {  	s4 =	sand.u32 $0x380, s4;
	s5 =	sadd.s32 $0xDC00, s5;
	v4 =	vld [tilespmem:s10+$0xFFFFFF00]  }
0x29c: {  	s11 =	sor.u32 s4, s5;
	v10 =	vld [tilespmem:s10+$0xFFFFFF80]  }
0x29d: {  	v3 =	vld [tilespmem:s11+$0x70]  }
0x29e: {  	v5 =	vld [tilespmem:s11+$0x60]  }
0x29f: {  	v6 =	vld [tilespmem:s11+$0x50]  }
0x2a0: {  	v7 =	vld [tilespmem:s11+$0x40]  }
0x2a1: {  	v8 =	vld [tilespmem:s11+$0x30]  }
0x2a2: {  	s12 =	simm.s32 $0x100;
	v9 =	vld [tilespmem:s11+$0x20]  }
0x2a3: {  	s6 =	simm.s32 $0x0;
	s4 =	sand.u32 $0x300, s12;
	v14 =	vld [tilespmem:s11+$0x0]  }
0x2a4: {  	s7 =	simm.s32 $0x80;
	s6 =	sand.u32 $0x200, s6;
	s4 =	sor.u32 s4, s5;
	v16 =	vld [tilespmem:s11+$0x10]  }
0x2a5: {  	s13 =	sand.u32 $0x280, s7;
	s6 =	sor.u32 s6, s5;
	v19 =	vld [tilespmem:s4+$0x70]  }
0x2a6: {  	s5 =	sor.u32 s13, s5;
	v20 =	vld [tilespmem:s6+$0x70]  }
0x2a7: {  	v21 =	vld [tilespmem:s5+$0x70]  }
0x2a8: {  	v22 =	vld [tilespmem:s4+$0x60]  }
0x2a9: {  	v23 =	vld [tilespmem:s6+$0x60]  }
0x2aa: {  	v24 =	vld [tilespmem:s5+$0x60]  }
0x2ab: {  	v25 =	vld [tilespmem:s4+$0x50]  }
0x2ac: {  	v26 =	vld [tilespmem:s6+$0x50]  }
0x2ad: {  	v27 =	vld [tilespmem:s5+$0x50]  }
0x2ae: {  	v28 =	vld [tilespmem:s4+$0x40]  }
0x2af: {  	v29 =	vld [tilespmem:s6+$0x40]  }
0x2b0: {  	v30 =	vld [tilespmem:s5+$0x40]  }
0x2b1: {  	v31 =	vld [tilespmem:s4+$0x30]  }
0x2b2: {  	v32 =	vld [tilespmem:s6+$0x30]  }
0x2b3: {  	v33 =	vld [tilespmem:s5+$0x30]  }
0x2b4: {  	v34 =	vld [tilespmem:s4+$0x20]  }
0x2b5: {  	v35 =	vld [tilespmem:s6+$0x20]  }
0x2b6: {  	v36 =	vld [tilespmem:s5+$0x20]  }
0x2b7: {  	v37 =	vld [tilespmem:s4+$0x0]  }
0x2b8: {  	p1 =	por $0x0, $0x0;
	s0 =	simm.s32 $0x1;
	v38 =	vld [tilespmem:s4+$0x10]  }
0x2b9: {  	s0 =	simm.s32 @!p1 $0x0;
	v39 =	vld [tilespmem:s6+$0x0]  }
0x2ba: {  	s0 =	sshll.u32 s0, $0x9;
	v40 =	vld [tilespmem:s5+$0x0]  }
0x2bb: {  	s0 =	sadd.s32 $0x0, s0;
	v41 =	vld [tilespmem:s6+$0x10]  }
0x2bc: {  	s14 =	sor.u32 $0x460, s0;
	v42 =	vld [tilespmem:s5+$0x10]  }
0x2bd: {  	s15 =	sor.u32 $0x450, s0;
	v13 =	vld [tilespmem:s14+$0xDC00]  }
0x2be: {  	s16 =	sor.u32 $0x440, s0;
	v15 =	vld [tilespmem:s15+$0xDC00]  }
0x2bf: {  	s17 =	sand.u32 $0x3, s1;
	s1 =	sand.u32 $0x7, s1;
	s18 =	sor.u32 $0x430, s0;
	v18 =	vld [tilespmem:s16+$0xDC00]  }
0x2c0: {  	s1 =	sshll.u32 s1, $0x7;
	s23 =	sor.u32 $0x420, s0;
	v43 =	vld [tilespmem:s18+$0xDC00]  }
0x2c1: {  	s1 =	sadd.s32 $0x0, s1;
	s25 =	sor.u32 $0x410, s0;
	v44 =	vld [tilespmem:s23+$0xDC00]  }
0x2c2: {  	s13 =	sadd.s32 $0x180, s1;
	s26 =	sor.u32 $0x400, s0;
	v45 =	vld [tilespmem:s25+$0xDC00]  }
0x2c3: {  	s19 =	sshll.u32 s17, $0x8;
	v46 =	vld [tilespmem:s26+$0xDC00];
	s14 =	sor.u32 $0x400, s13  }
0x2c4: {  	s1 =	sadd.s32 $0x80, s1;
	s4 =	sadd.s32 $0x0, s19;
	s15 =	sor.u32 $0x410, s13;
	v54 =	vld [tilespmem:s14+$0xDC00]  }
0x2c5: {  	s4 =	sadd.s32 $0x100, s4;
	s16 =	sor.u32 $0x400, s1;
	v62 =	vld [tilespmem:s15+$0xDC00]  }
0x2c6: {  	s6 =	sor.u32 $0x470, s4;
	v63 =	vld [tilespmem:s16+$0xDC00]  }
0x2c7: {  	s7 =	sor.u32 $0x460, s4;
	v17 =	vld [tilespmem:s6+$0xDC00]  }
0x2c8: {  	s8 =	sor.u32 $0x450, s4;
	v47 =	vld [tilespmem:s7+$0xDC00]  }
0x2c9: {  	s9 =	sor.u32 $0x440, s4;
	v48 =	vld [tilespmem:s8+$0xDC00]  }
0x2ca: {  	s10 =	sor.u32 $0x430, s4;
	v49 =	vld [tilespmem:s9+$0xDC00]  }
0x2cb: {  	s11 =	sor.u32 $0x420, s4;
	v50 =	vld [tilespmem:s10+$0xDC00]  }
0x2cc: {  	s12 =	sor.u32 $0x410, s4;
	v51 =	vld [tilespmem:s11+$0xDC00]  }
0x2cd: {  	s4 =	sor.u32 $0x400, s4;
	v52 =	vld [tilespmem:s12+$0xDC00]  }
0x2ce: {  	s18 =	sor.u32 $0x410, s1;
	v53 =	vld [tilespmem:s4+$0xDC00];
	v14 =	vmul.f32 v14, v37  }
0x2cf: {  	s23 =	sor.u32 $0x420, s1;
	v16 =	vmul.f32 v16, v38;
	v8 =	vmul.f32 v8, v31;
	v31 =	vld [tilespmem:s18+$0xDC00]  }
0x2d0: {  	s17 =	sor.u32 $0x420, s13;
	s26 =	sor.u32 $0x430, s1;
	v9 =	vmul.f32 v9, v34;
	v7 =	vmul.f32 v7, v28;
	v28 =	vld [tilespmem:s23+$0xDC00]  }
0x2d1: {  	s19 =	sor.u32 $0x430, s13;
	s25 =	sor.u32 $0x440, s13;
	s7 =	sor.u32 $0x450, s13;
	v55 =	vmul.f32 v40, v39;
	v6 =	vmul.f32 v6, v25;
	v25 =	vld [tilespmem:s26+$0xDC00]  }
0x2d2: {  	s15 =	simm.s32 $0x400;
	s16 =	simm.s32 $0x380;
	s8 =	sor.u32 $0x440, s1;
	v56 =	vmul.f32 v42, v41;
	v29 =	vmul.f32 v30, v29;
	v30 =	vld [tilespmem:s7+$0xDC00];
	v14 =	vadd.f32 v16, v14  }
0x2d3: {  	s9 =	sor.u32 $0x460, s13;
	s10 =	sor.u32 $0x450, s1;
	s11 =	sor.u32 $0x470, s13;
	v35 =	vmul.f32 v36, v35;
	v5 =	vmul.f32 v5, v22;
	v22 =	vld [tilespmem:s8+$0xDC00]  }
0x2d4: {  	s12 =	sor.u32 $0x460, s1;
	s13 =	sor.u32 $0x470, s1;
	s1 =	sand.u32 $0x7800, s15;
	v26 =	vmul.f32 v27, v26;
	v27 =	vld [tilespmem:s9+$0xDC00];
	v38 =	vadd.f32 v56, v55;
	v9 =	vadd.f32 v9, v14  }
0x2d5: {  	s4 =	sand.u32 $0x380, s16;
	s1 =	sadd.s32 $0xDC00, s1;
	v3 =	vmul.f32 v3, v19;
	v19 =	vld [tilespmem:s10+$0xDC00]  }
0x2d6: {  	v32 =	vmul.f32 v33, v32;
	s18 =	simm.s32 $0x300;
	v16 =	vld [tilespmem:s17+$0xDC00];
	s17 =	sor.u32 s4, s1;
	v35 =	vadd.f32 v35, v38;
	v8 =	vadd.f32 v8, v9  }
0x2d7: {  	s4 =	sand.u32 $0x300, s18;
	v57 =	vld [tilespmem:s17+$0x10]  }
0x2d8: {  	s4 =	sor.u32 s4, s1;
	v14 =	vld [tilespmem:s19+$0xDC00];
	v32 =	vadd.f32 v32, v35;
	v7 =	vadd.f32 v7, v8  }
0x2d9: {  	v36 =	vld [tilespmem:s4+$0x40]  }
0x2da: {  	v37 =	vld [tilespmem:s4+$0x30];
	v8 =	vadd.f32 v29, v32;
	v6 =	vadd.f32 v6, v7  }
0x2db: {  	v58 =	vld [tilespmem:s4+$0x20]  }
0x2dc: {  	s23 =	simm.s32 $0x280;
	v60 =	vld [tilespmem:s4+$0x0];
	v7 =	vadd.f32 v26, v8;
	v8 =	vmul.f32 v24, v23;
	v5 =	vadd.f32 v5, v6  }
0x2dd: {  	v9 =	vld [tilespmem:s25+$0xDC00];
	s25 =	sand.u32 $0x280, s23;
	v6 =	vmul.f32 v21, v20  }
0x2de: {  	v61 =	vld [tilespmem:s4+$0x10];
	s10 =	sor.u32 s25, s1;
	v7 =	vadd.f32 v8, v7;
	v3 =	vadd.f32 v3, v5;
	v5 =	vmul.f32 v54, v53  }
0x2df: {  	v34 =	vld [tilespmem:s10+$0x40];
	v8 =	vmul.f32 v62, v52  }
0x2e0: {  	v39 =	vld [tilespmem:s10+$0x30];
	v21 =	vmul.f32 v63, v46;
	v7 =	vadd.f32 v6, v7;
	v3 =	vadd.f32 v5, v3  }
0x2e1: {  	v16 =	vmul.f32 v16, v51;
	v59 =	vld [tilespmem:s10+$0x20]  }
0x2e2: {  	s0 =	sor.u32 $0x470, s0;
	s19 =	simm.s32 $0x200;
	v29 =	vmul.f32 v31, v45;
	v23 =	vld [tilespmem:s11+$0xDC00];
	v21 =	vadd.f32 v21, v7;
	v8 =	vadd.f32 v8, v3  }
0x2e3: {  	v28 =	vmul.f32 v28, v44;
	s5 =	sand.u32 $0x200, s19;
	v24 =	vld [tilespmem:s0+$0xDC00]  }
0x2e4: {  	v14 =	vmul.f32 v14, v50;
	v26 =	vld [tilespmem:s13+$0xDC00];
	s11 =	sor.u32 s5, s1;
	v21 =	vadd.f32 v29, v21;
	v16 =	vadd.f32 v16, v8  }
0x2e5: {  	v25 =	vmul.f32 v25, v43;
	v32 =	vld [tilespmem:s11+$0x40]  }
0x2e6: {  	v38 =	vld [tilespmem:s11+$0x30];
	v29 =	vmul.f32 v9, v49;
	v28 =	vadd.f32 v28, v21;
	v31 =	vadd.f32 v14, v16  }
0x2e7: {  	(v2sf) =	vpush v11, $0x3;
	v30 =	vmul.f32 v30, v48;
	v20 =	vld [tilespmem:s12+$0xDC00];
	v16 =	vmul.f32 v12, v11  }
0x2e8: {  	v41 =	vld [tilespmem:s11+$0x20];
	v11 =	vadd.f32 v25, v28;
	v12 =	vmul.f32 v22, v18;
	v18 =	vadd.f32 v29, v31  }
0x2e9: {  	v15 =	vmul.f32 v19, v15;
	v62 =	vld [tilespmem:s11+$0x0];
	(v2sf) =	vpush v16, $0x0  }
0x2ea: {  	v63 =	vld [tilespmem:s10+$0x0];
	v25 =	vmul.f32 v27, v47;
	v12 =	vadd.f32 v12, v11;
	v18 =	vadd.f32 v30, v18  }
0x2eb: {  	s14 =	simm.s32 $0x15F00;
	v52 =	vld [tilespmem:s11+$0x10];
	v11 =	vmul.f32 v10, v4;
	v10 =	vmul.f32 v23, v17;
	(v2sf) =	vpush v16, $0x1  }
0x2ec: {  	v6 =	vld [tilespmem:s14+$0x80];
	v12 =	vadd.f32 v15, v12;
	v15 =	vmul.f32 v20, v13;
	v18 =	vadd.f32 v25, v18  }
0x2ed: {  	v53 =	vld [tilespmem:s10+$0x10];
	(v2sf) =	vpush v11, $0x0  }
0x2ee: {  	v19 =	vmul.f32 v26, v24;
	v5 =	vld [tilespmem:s14+$0x0];
	v12 =	vadd.f32 v15, v12;
	v33 =	vadd.f32 v10, v18  }
0x2ef: {  	v7 =	vld [tilespmem:s14+$0xFFFFFF80];
	(v2sf) =	vpush v11, $0x1  }
0x2f0: {  	v3 =	vld [tilespmem:s14+$0xFFFFFF00];
	v24 =	vadd.f32 v19, v12;
	(v2sf) =	vpush v33, $0x0  }
0x2f1: {  	v9 =	vld [tilespmem:s17+$0x60];
	(v2sf) =	vpush v33, $0x1  }
0x2f2: {  	v8 =	vld [tilespmem:s17+$0x70];
	(v2sf) =	vpush v24, $0x0  }
0x2f3: {  	v21 =	vld [tilespmem:s17+$0x40];
	(v2sf) =	vpush v24, $0x1  }
0x2f4: {  	v14 =	vld [tilespmem:s17+$0x50];
	(v2sf) =	vpush v33, $0x2  }
0x2f5: {  	v28 =	vld [tilespmem:s17+$0x30];
	(v2sf) =	vpush v24, $0x2  }
0x2f6: {  	v22 =	vld [tilespmem:s17+$0x20];
	(v2sf) =	vpush v33, $0x3  }
0x2f7: {  	v27 =	vld [tilespmem:s10+$0x50];
	(v2sf) =	vpush v24, $0x3  }
0x2f8: {  	v29 =	vld [tilespmem:s17+$0x0];
	(v2sf) =	vpush v33, $0x4  }
0x2f9: {  	v17 =	vld [tilespmem:s4+$0x70];
	(v2sf) =	vpush v24, $0x4  }
0x2fa: {  	p1 =	por !p1, !p1;
	s8 =	simm.s32 $0x4;
	s5 =	spop (v2sf);
	v23 =	vld [tilespmem:s4+$0x60];
	(v2sf) =	vpush v33, $0x5  }
0x2fb: {  	s9 =	simm.s32 $0x2;
	s13 =	simm.s32 $0x1;
	v13 =	vld [tilespmem:s11+$0x70];
	s6 =	spop (v2sf);
	(v2sf) =	vpush v24, $0x5  }
0x2fc: {  	s26 =	sand.u32 $0x3, s9;
	s13 =	simm.s32 @!p1 $0x0;
	v20 =	vld [tilespmem:s10+$0x60];
	s7 =	spop (v2sf);
	(v2sf) =	vpush v33, $0x6  }
0x2fd: {  	s9 =	sand.u32 $0x7, s8;
	s13 =	sshll.u32 s13, $0x9;
	v30 =	vld [tilespmem:s4+$0x50];
	s0 =	spop (v2sf);
	(v2sf) =	vpush v24, $0x6  }
0x2fe: {  	s9 =	sshll.u32 s9, $0x7;
	s8 =	sadd.s32 $0x400, s13;
	v15 =	vld [tilespmem:s10+$0x70];
	s1 =	spop (v2sf);
	(v2sf) =	vpush v33, $0x7  }
0x2ff: {  	s9 =	sadd.s32 $0x400, s9;
	s18 =	sor.u32 $0x460, s8;
	v25 =	vld [tilespmem:s11+$0x50];
	(v2sf) =	vpush v24, $0x7;
	s12 =	spop (v2sf)  }
0x300: {  	s23 =	sor.u32 $0x450, s8;
	s4 =	sshll.u32 s26, $0x8;
	v19 =	vld [tilespmem:s11+$0x60];
	s14 =	spop (v2sf);
	(v2sf) =	vpush v33, $0x8  }
0x301: {  	s26 =	sor.u32 $0x440, s8;
	s4 =	sadd.s32 $0x400, s4;
	v10 =	vld [tilespmem:s18+$0xDC00];
	s15 =	spop (v2sf);
	(v2sf) =	vpush v24, $0x8  }
0x302: {  	s4 =	sadd.s32 $0x100, s4;
	v12 =	vld [tilespmem:s23+$0xDC00];
	s12 =	sadd.f32 s14, s12;
	s14 =	spop (v2sf);
	(v2sf) =	vpush v33, $0x9  }
0x303: {  	v18 =	vld [tilespmem:s26+$0xDC00];
	s18 =	sor.u32 $0x420, s8;
	s16 =	sadd.f32 s14, s15;
	(v2sf) =	vpush v24, $0x9;
	s17 =	spop (v2sf)  }
0x304: {  	s23 =	sor.u32 $0x410, s8;
	v31 =	vld [tilespmem:s18+$0xDC00];
	s19 =	sadd.f32 s12, s17;
	(v2sf) =	vpush v33, $0xA;
	s25 =	spop (v2sf)  }
0x305: {  	s26 =	sor.u32 $0x400, s8;
	v54 =	vld [tilespmem:s23+$0xDC00];
	(v2sf) =	vpush v24, $0xA;
	s11 =	sadd.f32 s16, s25;
	s15 =	spop (v2sf)  }
0x306: {  	v35 =	vmul.f32 v57, v61;
	v29 =	vmul.f32 v29, v60;
	v55 =	vld [tilespmem:s26+$0xDC00];
	s16 =	sor.u32 $0x430, s8;
	(v2sf) =	vpush v33, $0xB;
	s10 =	sadd.f32 s19, s15;
	s17 =	spop (v2sf)  }
0x307: {  	v26 =	vld [tilespmem:s16+$0xDC00];
	(v2sf) =	vpush v24, $0xB;
	s11 =	sadd.f32 s11, s17;
	s19 =	spop (v2sf);
	s17 =	sor.u32 $0x470, s4  }
0x308: {  	v40 =	vmul.f32 v22, v58;
	v35 =	vadd.f32 v35, v29;
	(v2sf) =	vpush v33, $0xC;
	s25 =	spop (v2sf);
	s10 =	sadd.f32 s10, s19;
	s19 =	sor.u32 $0x460, s4;
	v22 =	vld [tilespmem:s17+$0xDC00]  }
0x309: {  	v56 =	vmul.f32 v63, v62;
	v57 =	vmul.f32 v53, v52;
	s17 =	sor.u32 $0x430, s4;
	(v2sf) =	vpush v24, $0xC;
	s16 =	spop (v2sf);
	s11 =	sadd.f32 s11, s25;
	v29 =	vld [tilespmem:s19+$0xDC00]  }
0x30a: {  	v28 =	vmul.f32 v28, v37;
	v35 =	vadd.f32 v40, v35;
	s25 =	sor.u32 $0x450, s4;
	v60 =	vld [tilespmem:s17+$0xDC00];
	(v2sf) =	vpush v33, $0xD;
	s18 =	spop (v2sf);
	s10 =	sadd.f32 s10, s16  }
0x30b: {  	v41 =	vmul.f32 v59, v41;
	v44 =	vadd.f32 v57, v56;
	s19 =	sor.u32 $0x420, s4;
	s16 =	sor.u32 $0x440, s4;
	v58 =	vld [tilespmem:s25+$0xDC00];
	(v2sf) =	vpush v24, $0xD;
	s23 =	spop (v2sf)  }
0x30c: {  	v21 =	vmul.f32 v21, v36;
	v28 =	vadd.f32 v28, v35;
	s25 =	sor.u32 $0x410, s4;
	v62 =	vld [tilespmem:s19+$0xDC00];
	(v2sf) =	vpush v33, $0xE;
	s26 =	spop (v2sf);
	s10 =	sadd.f32 s10, s23  }
0x30d: {  	v38 =	vmul.f32 v39, v38;
	v61 =	vadd.f32 v41, v44;
	s4 =	sor.u32 $0x400, s4;
	s11 =	sadd.f32 s11, s18;
	v59 =	vld [tilespmem:s16+$0xDC00];
	(v2sf) =	vpush v24, $0xE;
	s18 =	spop (v2sf)  }
0x30e: {  	v14 =	vmul.f32 v14, v30;
	v21 =	vadd.f32 v21, v28;
	v28 =	vld [tilespmem:s4+$0xDC00];
	(v2sf) =	vpush v33, $0xF;
	s23 =	sadd.f32 s10, s18;
	s10 =	sadd.s32 $0x180, s9  }
0x30f: {  	v32 =	vmul.f32 v34, v32;
	v30 =	vadd.f32 v38, v61;
	s11 =	sadd.f32 s11, s26;
	(v2sf) =	vpush v16, $0x2;
	v16 =	vld [tilespmem:s25+$0xDC00];
	s13 =	sor.u32 $0x400, s10  }
0x310: {  	v9 =	vmul.f32 v9, v23;
	v14 =	vadd.f32 v14, v21;
	s26 =	spop (v2sf);
	s9 =	sadd.s32 $0x80, s9;
	s15 =	sor.u32 $0x410, s10;
	v23 =	vld [tilespmem:s13+$0xDC00]  }
0x311: {  	v25 =	vmul.f32 v27, v25;
	s11 =	sadd.f32 s11, s26;
	s14 =	spop (v2sf);
	s17 =	sor.u32 $0x400, s9;
	(v2sf) =	vpush v24, $0xF;
	v24 =	vadd.f32 v32, v30;
	v21 =	vld [tilespmem:s15+$0xDC00]  }
0x312: {  	v8 =	vmul.f32 v8, v17;
	v9 =	vadd.f32 v9, v14;
	s12 =	sadd.f32 s23, s14;
	v27 =	vld [tilespmem:s17+$0xDC00];
	s23 =	sor.u32 $0x420, s10  }
0x313: {  	s28 =	simm.s32 $0x580;
	v19 =	vmul.f32 v20, v19;
	s26 =	sor.u32 $0x410, s9;
	s16 =	spop (v2sf);
	v14 =	vld [tilespmem:s23+$0xDC00];
	v17 =	vadd.f32 v25, v24  }
0x314: {  	v8 =	vadd.f32 v8, v9;
	s18 =	sadd.f32 s11, s16;
	s19 =	spop (v2sf);
	(v2sf) =	vpush v11, $0x2;
	v11 =	vmul.f32 v15, v13;
	v13 =	vld [tilespmem:s26+$0xDC00];
	s16 =	sor.u32 $0x420, s9  }
0x315: {  	s14 =	sor.u32 $0x430, s10;
	s11 =	sadd.f32 s12, s19;
	s25 =	spop (v2sf);
	(v2sf) =	vpush v4, $0x3;
	v4 =	vld [tilespmem:s16+$0xDC00];
	v15 =	vadd.f32 v19, v17;
	v9 =	vmul.f32 v23, v28  }
0x316: {  	s4 =	sadd.f32 s18, s25;
	s13 =	spop (v2sf);
	s18 =	sor.u32 $0x440, s10;
	v17 =	vld [tilespmem:s14+$0xDC00];
	v16 =	vmul.f32 v21, v16  }
0x317: {  	s23 =	sor.u32 $0x430, s9;
	s11 =	sadd.f32 s11, s13;
	s15 =	spop (v2sf);
	v11 =	vadd.f32 v11, v15;
	v15 =	vmul.f32 v27, v55;
	v8 =	vadd.f32 v9, v8;
	v9 =	vld [tilespmem:s18+$0xDC00]  }
0x318: {  	s26 =	sor.u32 $0x450, s10;
	v19 =	vld [tilespmem:s23+$0xDC00];
	s4 =	sadd.f32 s4, s15;
	s17 =	spop (v2sf);
	v14 =	vmul.f32 v14, v62  }
0x319: {  	s15 =	sor.u32 $0x440, s9;
	s11 =	sadd.f32 s11, s17;
	s19 =	spop (v2sf);
	v13 =	vmul.f32 v13, v54;
	v11 =	vadd.f32 v15, v11;
	v15 =	vld [tilespmem:s26+$0xDC00];
	v8 =	vadd.f32 v16, v8  }
0x31a: {  	s17 =	sor.u32 $0x460, s10;
	s4 =	sadd.f32 s4, s19;
	s25 =	spop (v2sf);
	v4 =	vmul.f32 v4, v31;
	v16 =	vld [tilespmem:s15+$0xDC00]  }
0x31b: {  	s19 =	sor.u32 $0x450, s9;
	s11 =	sadd.f32 s11, s25;
	s14 =	spop (v2sf);
	v17 =	vmul.f32 v17, v60;
	v11 =	vadd.f32 v13, v11;
	v13 =	vld [tilespmem:s17+$0xDC00];
	v8 =	vadd.f32 v14, v8  }
0x31c: {  	s6 =	sadd.f32 s7, s6;
	s26 =	sor.u32 $0x460, s9;
	s16 =	spop (v2sf);
	v14 =	vld [tilespmem:s19+$0xDC00];
	v9 =	vmul.f32 v9, v59  }
0x31d: {  	s10 =	sor.u32 $0x470, s10;
	s11 =	sadd.f32 s11, s16;
	s18 =	spop (v2sf);
	v4 =	vadd.f32 v4, v11;
	v11 =	vmul.f32 v19, v26;
	v19 =	vld [tilespmem:s26+$0xDC00];
	v8 =	vadd.f32 v17, v8  }
0x31e: {  	s8 =	sor.u32 $0x470, s8;
	v27 =	vmul.f32 v6, v5;
	(v2sf) =	vpush v5, $0x3;
	s4 =	sadd.f32 s4, s14;
	s23 =	spop (v2sf);
	v17 =	vld [tilespmem:s10+$0xDC00];
	v15 =	vmul.f32 v15, v58  }
0x31f: {  	s15 =	sor.u32 $0x470, s9;
	s11 =	sadd.f32 s11, s23;
	s25 =	spop (v2sf);
	v4 =	vadd.f32 v11, v4;
	v6 =	vmul.f32 v16, v18;
	v11 =	vld [tilespmem:s8+$0xDC00];
	v8 =	vadd.f32 v9, v8  }
0x320: {  	(v2sf) =	vpush v27, $0x0;
	s4 =	sadd.f32 s4, s18;
	s26 =	simm.s32 $0x16100;
	s12 =	spop (v2sf);
	v16 =	vld [tilespmem:s15+$0xDC00];
	v13 =	vmul.f32 v13, v29  }
0x321: {  	s17 =	simm.s32 $0x800;
	s23 =	sand.u32 $0x380, s28;
	v5 =	vld [tilespmem:s26+$0x0];
	s10 =	sadd.f32 s11, s12;
	v4 =	vadd.f32 v6, v4;
	v12 =	vmul.f32 v14, v12;
	v8 =	vadd.f32 v15, v8  }
0x322: {  	(v2sf) =	vpush v27, $0x1;
	s4 =	sadd.f32 s4, s25;
	s14 =	spop (v2sf);
	s8 =	sand.u32 $0x7800, s17;
	v9 =	vmul.f32 v7, v3;
	v7 =	vld [tilespmem:s26+$0xFFFFFF00];
	v10 =	vmul.f32 v19, v10  }
0x323: {  	s16 =	spop (v2sf);
	s18 =	smul.f32 s10, s14;
	v6 =	vld [tilespmem:s26+$0x80];
	s10 =	sadd.s32 $0xDC00, s8;
	v14 =	vmul.f32 v17, v22;
	v12 =	vadd.f32 v12, v4;
	v13 =	vadd.f32 v13, v8  }
0x324: {  	s4 =	sadd.f32 s4, s16;
	s8 =	sor.u32 s23, s10;
	(v2sf) =	vpush v9, $0x0;
	v4 =	vld [tilespmem:s26+$0xFFFFFF80]  }
0x325: {  	s0 =	sadd.f32 s1, s0;
	s19 =	spop (v2sf);
	v20 =	vld [tilespmem:s8+$0x30];
	v11 =	vmul.f32 v16, v11;
	v15 =	vadd.f32 v10, v12;
	v21 =	vadd.f32 v14, v13  }
0x326: {  	s17 =	simm.s32 $0x500;
	s4 =	smul.f32 s4, s19;
	s25 =	sadd.f32 $-1.000000000e+00, s18;
	(v2sf) =	vpush v9, $0x1;
	v24 =	vld [tilespmem:s8+$0x20]  }
0x327: {  	s9 =	sand.u32 $0x300, s17;
	s13 =	spop (v2sf);
	s5 =	ssub.f32 s18, s5;
	v26 =	vld [tilespmem:s8+$0x0];
	v63 =	vadd.f32 v11, v15;
	(v2sf) =	vpush v21, $0x0  }
0x328: {  	s11 =	sor.u32 s9, s10;
	s18 =	simm.s32 $0x400;
	v28 =	vld [tilespmem:s8+$0x10];
	s12 =	sadd.f32 $-1.000000000e+00, s4;
	(v2sf) =	vpush v21, $0x1  }
0x329: {  	s19 =	simm.s32 $0x480;
	v8 =	vld [tilespmem:s8+$0x70];
	s14 =	smul.f32 s25, s25;
	s5 =	smax.f32 s5, $0.0e+00;
	(v2sf) =	vpush v63, $0x0  }
0x32a: {  	s23 =	sand.u32 $0x280, s19;
	v10 =	vld [tilespmem:s8+$0x60];
	s4 =	ssub.f32 s4, s13;
	s5 =	smul.f32 s5, s5;
	(v2sf) =	vpush v63, $0x1  }
0x32b: {  	s1 =	sand.u32 $0x200, s18;
	v12 =	vld [tilespmem:s8+$0x50];
	s9 =	sor.u32 s23, s10;
	s15 =	smul.f32 s12, s12;
	(v2sf) =	vpush v21, $0x2  }
0x32c: {  	v15 =	vld [tilespmem:s8+$0x40];
	s4 =	smax.f32 s4, $0.0e+00;
	s8 =	sor.u32 s1, s10;
	s10 =	smul.f32 s14, s6;
	(v2sf) =	vpush v63, $0x2  }
0x32d: {  	s16 =	ssub.f32 $1.000000000e+00, s0;
	v19 =	vld [tilespmem:s11+$0x60];
	s4 =	smul.f32 s4, s4;
	(v2sf) =	vpush v21, $0x3  }
0x32e: {  	v25 =	vld [tilespmem:s11+$0x50];
	s25 =	ssub.f32 $1.000000000e+00, s6;
	s0 =	smul.f32 s15, s0;
	(v2sf) =	vpush v63, $0x3  }
0x32f: {  	v31 =	vld [tilespmem:s11+$0x40];
	s4 =	smul.f32 s4, s16;
	(v2sf) =	vpush v21, $0x4  }
0x330: {  	p2 =	slt.u32 s20, $0xC35;
	v35 =	vld [tilespmem:s11+$0x30];
	s12 =	smul.f32 s5, s25;
	(v2sf) =	vpush v63, $0x4  }
0x331: {  	p1 =	por !p1, !p1;
	v38 =	vld [tilespmem:s11+$0x20];
	s29 =	spop (v2sf);
	s0 =	sadd.f32 s4, s0;
	(v2sf) =	vpush v21, $0x5  }
0x332: {  	v42 =	vld [tilespmem:s11+$0x0];
	s13 =	sadd.s32 $0x1, s20;
	s1 =	sadd.f32 s12, s10;
	s30 =	spop (v2sf);
	(v2sf) =	vpush v63, $0x5  }
0x333: {  	v43 =	vld [tilespmem:s11+$0x10];
	s12 =	simm.s32 $0x1;
	s31 =	spop (v2sf);
	s0 =	simm.s32 @!p2 $0x0;
	(v2sf) =	vpush v21, $0x6  }
0x334: {  	v14 =	vld [tilespmem:s11+$0x70];
	p2 =	slt.u32 s13, $0xC35;
	s0 =	sadd.f32 s0, s21;
	s5 =	spop (v2sf);
	(v2sf) =	vpush v63, $0x6  }
0x335: {  	v13 =	vld [tilespmem:s9+$0x70];
	s12 =	simm.s32 @!p1 $0x0;
	s1 =	simm.s32 @!p2 $0x0;
	s6 =	spop (v2sf);
	(v2sf) =	vpush v21, $0x7  }
0x336: {  	v18 =	vld [tilespmem:s9+$0x60];
	s12 =	sshll.u32 s12, $0x9;
	s23 =	sadd.f32 s1, s0;
	(v2sf) =	vpush v63, $0x7;
	s14 =	spop (v2sf)  }
0x337: {  	v23 =	vld [tilespmem:s9+$0x50];
	s0 =	simm.s32 $0x4;
	s1 =	simm.s32 $0x8;
	s16 =	spop (v2sf);
	(v2sf) =	vpush v21, $0x8  }
0x338: {  	v30 =	vld [tilespmem:s9+$0x40];
	s15 =	sand.u32 $0x3, s0;
	s17 =	sand.u32 $0x7, s1;
	s18 =	spop (v2sf);
	(v2sf) =	vpush v63, $0x8  }
0x339: {  	v34 =	vld [tilespmem:s9+$0x30];
	s7 =	sshll.u32 s15, $0x8;
	s4 =	sadd.f32 s16, s14;
	s19 =	spop (v2sf);
	(v2sf) =	vpush v21, $0x9  }
0x33a: {  	v37 =	vld [tilespmem:s9+$0x20];
	s13 =	sshll.u32 s17, $0x7;
	s10 =	sadd.f32 s19, s18;
	s21 =	spop (v2sf);
	(v2sf) =	vpush v63, $0x9  }
0x33b: {  	v44 =	vld [tilespmem:s9+$0x0];
	s16 =	sadd.s32 $0x800, s7;
	s4 =	sadd.f32 s4, s21;
	s25 =	spop (v2sf);
	(v2sf) =	vpush v21, $0xA  }
0x33c: {  	v46 =	vld [tilespmem:s9+$0x10];
	s7 =	sadd.s32 $0x800, s12;
	s14 =	sadd.f32 s10, s25;
	s15 =	spop (v2sf);
	(v2sf) =	vpush v63, $0xA  }
0x33d: {  	v11 =	vld [tilespmem:s8+$0x70];
	s10 =	sadd.s32 $0x800, s13;
	s4 =	sadd.f32 s4, s15;
	s17 =	spop (v2sf);
	(v2sf) =	vpush v21, $0xB  }
0x33e: {  	v16 =	vld [tilespmem:s8+$0x60];
	s13 =	sor.u32 $0x440, s7;
	s12 =	sadd.f32 s14, s17;
	s18 =	spop (v2sf);
	(v2sf) =	vpush v63, $0xB  }
0x33f: {  	v22 =	vld [tilespmem:s8+$0x50];
	s9 =	sadd.s32 $0x180, s10;
	s4 =	sadd.f32 s4, s18;
	s19 =	spop (v2sf);
	(v2sf) =	vpush v21, $0xC  }
0x340: {  	v29 =	vld [tilespmem:s8+$0x40];
	s14 =	sor.u32 $0x460, s7;
	s21 =	sadd.f32 s12, s19;
	s25 =	spop (v2sf);
	(v2sf) =	vpush v63, $0xC  }
0x341: {  	v33 =	vld [tilespmem:s8+$0x30];
	s17 =	sor.u32 $0x450, s7;
	s4 =	sadd.f32 s4, s25;
	s15 =	spop (v2sf);
	(v2sf) =	vpush v21, $0xD  }
0x342: {  	v36 =	vld [tilespmem:s8+$0x20];
	s18 =	sor.u32 $0x430, s7;
	s11 =	sadd.f32 s21, s15;
	s19 =	spop (v2sf);
	(v2sf) =	vpush v63, $0xD  }
0x343: {  	v41 =	vld [tilespmem:s8+$0x0];
	s25 =	sor.u32 $0x410, s7;
	s4 =	sadd.f32 s4, s19;
	s21 =	spop (v2sf);
	(v2sf) =	vpush v21, $0xE  }
0x344: {  	v45 =	vld [tilespmem:s8+$0x10];
	s15 =	sor.u32 $0x420, s7;
	s8 =	sadd.f32 s11, s21;
	s12 =	spop (v2sf);
	(v2sf) =	vpush v63, $0xE  }
0x345: {  	v17 =	vld [tilespmem:s14+$0xDC00];
	s11 =	sadd.s32 $0x100, s16;
	s4 =	sadd.f32 s4, s12;
	s16 =	spop (v2sf);
	(v2sf) =	vpush v21, $0xF  }
0x346: {  	v32 =	vld [tilespmem:s18+$0xDC00];
	s12 =	sadd.f32 s8, s16;
	s19 =	spop (v2sf);
	(v2sf) =	vpush v27, $0x2;
	s16 =	sor.u32 $0x400, s7  }
0x347: {  	v27 =	vld [tilespmem:s13+$0xDC00];
	s8 =	simm.s32 $0xC00;
	s13 =	sadd.f32 s4, s19;
	s21 =	spop (v2sf);
	(v2sf) =	vpush v63, $0xF  }
0x348: {  	v21 =	vld [tilespmem:s17+$0xDC00];
	s12 =	sadd.f32 s12, s21;
	s14 =	spop (v2sf);
	s21 =	smov.u32 s20  }
.LBB2_7:
0x349: {  	p2 =	sne.s32 s8, $0x7C00;
	v39 =	vld [tilespmem:s15+$0xDC00];
	s4 =	sadd.f32 s13, s14;
	s13 =	spop (v2sf);
	(v2sf) =	vpush v9, $0x2  }
0x34a: {  	s10 =	sadd.s32 $0x80, s10;
	v40 =	vld [tilespmem:s25+$0xDC00];
	s12 =	sadd.f32 s12, s13;
	s13 =	spop (v2sf)  }
0x34b: {  	v9 =	vmul.f32 v26, v42;
	v26 =	vmul.f32 v28, v43;
	s14 =	sor.u32 $0x470, s11;
	v47 =	vld [tilespmem:s16+$0xDC00];
	s4 =	sadd.f32 s4, s13;
	s13 =	spop (v2sf)  }
0x34c: {  	v28 =	vmul.f32 v24, v38;
	s15 =	sor.u32 $0x460, s11;
	v24 =	vld [tilespmem:s14+$0xDC00];
	s12 =	sadd.f32 s12, s13;
	(v2sf) =	vpush v3, $0x3;
	s13 =	spop (v2sf);
	v3 =	vmov v7  }
0x34d: {  	v38 =	vmul.f32 v44, v41;
	v41 =	vmul.f32 v46, v45;
	v26 =	vadd.f32 v26, v9;
	s14 =	sor.u32 $0x450, s11;
	v7 =	vld [tilespmem:s15+$0xDC00];
	s4 =	sadd.f32 s4, s13;
	s13 =	spop (v2sf)  }
0x34e: {  	v20 =	vmul.f32 v20, v35;
	s15 =	sor.u32 $0x440, s11;
	v9 =	vld [tilespmem:s14+$0xDC00];
	s12 =	sadd.f32 s12, s13;
	s13 =	spop (v2sf)  }
0x34f: {  	v36 =	vmul.f32 v37, v36;
	v35 =	vadd.f32 v41, v38;
	v26 =	vadd.f32 v28, v26;
	s14 =	sor.u32 $0x430, s11;
	v28 =	vld [tilespmem:s15+$0xDC00];
	s4 =	sadd.f32 s4, s13;
	s13 =	spop (v2sf)  }
0x350: {  	v15 =	vmul.f32 v15, v31;
	s15 =	sor.u32 $0x420, s11;
	v31 =	vld [tilespmem:s14+$0xDC00];
	s12 =	sadd.f32 s12, s13;
	s13 =	spop (v2sf)  }
0x351: {  	v33 =	vmul.f32 v34, v33;
	v35 =	vadd.f32 v36, v35;
	v20 =	vadd.f32 v20, v26;
	s14 =	sor.u32 $0x410, s11;
	v26 =	vld [tilespmem:s15+$0xDC00];
	s4 =	sadd.f32 s4, s13;
	s13 =	spop (v2sf)  }
0x352: {  	v12 =	vmul.f32 v12, v25;
	s11 =	sor.u32 $0x400, s11;
	v25 =	vld [tilespmem:s14+$0xDC00];
	s12 =	sadd.f32 s12, s13;
	s13 =	spop (v2sf)  }
0x353: {  	v29 =	vmul.f32 v30, v29;
	v33 =	vadd.f32 v33, v35;
	v15 =	vadd.f32 v15, v20;
	v20 =	vld [tilespmem:s11+$0xDC00];
	s11 =	sor.u32 $0x400, s9;
	s4 =	sadd.f32 s4, s13;
	s13 =	spop (v2sf)  }
0x354: {  	v10 =	vmul.f32 v10, v19;
	v19 =	vld [tilespmem:s11+$0xDC00];
	s11 =	sor.u32 $0x410, s9;
	s12 =	sadd.f32 s12, s13;
	s13 =	spop (v2sf)  }
0x355: {  	v22 =	vmul.f32 v23, v22;
	v29 =	vadd.f32 v29, v33;
	s14 =	sor.u32 $0x400, s10;
	v12 =	vadd.f32 v12, v15;
	v15 =	vld [tilespmem:s11+$0xDC00];
	s4 =	sadd.f32 s4, s13;
	s13 =	spop (v2sf)  }
0x356: {  	v8 =	vmul.f32 v8, v14;
	s11 =	sadd.f32 s31, s30;
	v23 =	vld [tilespmem:s14+$0xDC00];
	s14 =	sor.u32 $0x420, s9;
	s15 =	spop (v2sf)  }
0x357: {  	v16 =	vmul.f32 v18, v16;
	s16 =	sor.u32 $0x410, s10;
	v14 =	vadd.f32 v22, v29;
	v10 =	vadd.f32 v10, v12;
	v12 =	vld [tilespmem:s14+$0xDC00];
	s12 =	sadd.f32 s12, s15;
	s4 =	smul.f32 s4, s13  }
0x358: {  	v11 =	vmul.f32 v13, v11;
	s5 =	sadd.f32 s6, s5;
	s13 =	sor.u32 $0x430, s9;
	v13 =	vld [tilespmem:s16+$0xDC00];
	s6 =	spop (v2sf)  }
0x359: {  	v14 =	vadd.f32 v16, v14;
	s14 =	sor.u32 $0x420, s10;
	v8 =	vadd.f32 v8, v10;
	v10 =	vmul.f32 v19, v20;
	v16 =	vld [tilespmem:s13+$0xDC00];
	s6 =	smul.f32 s12, s6;
	s12 =	sadd.f32 $-1.000000000e+00, s4  }
0x35a: {  	s13 =	sor.u32 $0x440, s9;
	s4 =	ssub.f32 s4, s29;
	v18 =	vld [tilespmem:s14+$0xDC00];
	v15 =	vmul.f32 v15, v25  }
0x35b: {  	v11 =	vadd.f32 v11, v14;
	s14 =	sor.u32 $0x430, s10;
	v14 =	vmul.f32 v23, v47;
	v8 =	vadd.f32 v10, v8;
	v10 =	vld [tilespmem:s13+$0xDC00];
	s13 =	sadd.f32 $-1.000000000e+00, s6;
	s15 =	spop (v2sf)  }
0x35c: {  	s12 =	smul.f32 s12, s12;
	v19 =	vld [tilespmem:s14+$0xDC00];
	v12 =	vmul.f32 v12, v26;
	s14 =	sor.u32 $0x450, s9;
	s6 =	ssub.f32 s6, s15  }
0x35d: {  	s4 =	smax.f32 s4, $0.0e+00;
	s15 =	sor.u32 $0x440, s10;
	v11 =	vadd.f32 v14, v11;
	v13 =	vmul.f32 v13, v40;
	v8 =	vadd.f32 v15, v8;
	v14 =	vld [tilespmem:s14+$0xDC00];
	s13 =	smul.f32 s13, s13  }
0x35e: {  	s4 =	smul.f32 s4, s4;
	s14 =	sor.u32 $0x460, s9;
	v15 =	vld [tilespmem:s15+$0xDC00];
	v16 =	vmul.f32 v16, v31;
	s6 =	smax.f32 s6, $0.0e+00  }
0x35f: {  	s15 =	sor.u32 $0x450, s10;
	v11 =	vadd.f32 v13, v11;
	v13 =	vmul.f32 v18, v39;
	v8 =	vadd.f32 v12, v8;
	v12 =	vld [tilespmem:s14+$0xDC00];
	s6 =	smul.f32 s6, s6;
	s14 =	ssub.f32 $1.000000000e+00, s5  }
0x360: {  	s9 =	sor.u32 $0x470, s9;
	s5 =	smul.f32 s13, s5;
	v18 =	vld [tilespmem:s15+$0xDC00];
	v10 =	vmul.f32 v10, v28  }
0x361: {  	s13 =	sor.u32 $0x460, s10;
	v11 =	vadd.f32 v13, v11;
	v13 =	vmul.f32 v19, v32;
	v8 =	vadd.f32 v16, v8;
	v16 =	vld [tilespmem:s9+$0xDC00];
	s6 =	smul.f32 s6, s14;
	s9 =	ssub.f32 $1.000000000e+00, s11  }
0x362: {  	s7 =	sor.u32 $0x470, s7;
	s21 =	sadd.s32 $0x2, s21;
	v32 =	vmul.f32 v6, v5;
	s11 =	smul.f32 s12, s11;
	v19 =	vld [tilespmem:s13+$0xDC00];
	v9 =	vmul.f32 v14, v9;
	(v2sf) =	vpush v5, $0x3  }
0x363: {  	v6 =	vadd.f32 v13, v11;
	v11 =	vmul.f32 v15, v27;
	v13 =	vld [tilespmem:s7+$0xDC00];
	s7 =	sor.u32 $0x470, s10;
	v8 =	vadd.f32 v10, v8;
	s5 =	sadd.f32 s6, s5;
	s4 =	smul.f32 s4, s9  }
0x364: {  	s28 =	sadd.s32 $0x200, s28;
	s26 =	sadd.s32 $0x200, s26;
	p3 =	slt.u32 s21, $0xC35;
	v10 =	vld [tilespmem:s7+$0xDC00];
	v12 =	vmul.f32 v12, v7;
	(v2sf) =	vpush v32, $0x0  }
0x365: {  	s6 =	sadd.s32 $0x1, s21;
	v5 =	vld [tilespmem:s26+$0x0];
	v11 =	vadd.f32 v11, v6;
	v14 =	vmul.f32 v18, v21;
	v8 =	vadd.f32 v9, v8;
	s5 =	simm.s32 @!p3 $0x0;
	s4 =	sadd.f32 s4, s11  }
0x366: {  	s7 =	sand.u32 $0x7800, s8;
	v9 =	vmul.f32 v4, v3;
	p3 =	slt.u32 s6, $0xC35;
	v6 =	vld [tilespmem:s26+$0x80];
	v15 =	vmul.f32 v16, v24;
	(v2sf) =	vpush v32, $0x1;
	s5 =	sadd.f32 s5, s23  }
0x367: {  	s6 =	sadd.s32 $0xDC00, s7;
	s7 =	sand.u32 $0x380, s28;
	v7 =	vld [tilespmem:s26+$0xFFFFFF00];
	v11 =	vadd.f32 v14, v11;
	v14 =	vmul.f32 v19, v17;
	v12 =	vadd.f32 v12, v8;
	s4 =	simm.s32 @!p3 $0x0  }
0x368: {  	s7 =	sor.u32 s7, s6;
	v4 =	vld [tilespmem:s26+$0xFFFFFF80];
	(v2sf) =	vpush v9, $0x0;
	s23 =	sadd.f32 s4, s5  }
0x369: {  	v8 =	vld [tilespmem:s7+$0x70];
	v11 =	vadd.f32 v14, v11;
	v13 =	vmul.f32 v10, v13;
	v21 =	vadd.f32 v15, v12  }
0x36a: {  	v10 =	vld [tilespmem:s7+$0x60];
	(v2sf) =	vpush v9, $0x1  }
0x36b: {  	v12 =	vld [tilespmem:s7+$0x50];
	v39 =	vadd.f32 v13, v11;
	(v2sf) =	vpush v21, $0x0  }
0x36c: {  	v15 =	vld [tilespmem:s7+$0x40];
	(v2sf) =	vpush v21, $0x1  }
0x36d: {  	v20 =	vld [tilespmem:s7+$0x30];
	(v2sf) =	vpush v39, $0x0  }
0x36e: {  	s4 =	sadd.s32 $0xFFFFFF80, s28;
	v24 =	vld [tilespmem:s7+$0x20];
	(v2sf) =	vpush v39, $0x1  }
0x36f: {  	s5 =	sadd.s32 $0xFFFFFE80, s28;
	s4 =	sand.u32 $0x300, s4;
	v26 =	vld [tilespmem:s7+$0x0];
	(v2sf) =	vpush v21, $0x2  }
0x370: {  	s10 =	sadd.s32 $0xFFFFFF00, s28;
	s5 =	sand.u32 $0x200, s5;
	s12 =	sor.u32 s4, s6;
	v28 =	vld [tilespmem:s7+$0x10];
	(v2sf) =	vpush v39, $0x2  }
0x371: {  	s9 =	sor.u32 s5, s6;
	s4 =	sand.u32 $0x280, s10;
	v14 =	vld [tilespmem:s12+$0x70];
	(v2sf) =	vpush v21, $0x3;
	s29 =	spop (v2sf)  }
0x372: {  	s11 =	sor.u32 s4, s6;
	v11 =	vld [tilespmem:s9+$0x70];
	(v2sf) =	vpush v39, $0x3  }
0x373: {  	v13 =	vld [tilespmem:s11+$0x70];
	(v2sf) =	vpush v21, $0x4;
	s30 =	spop (v2sf)  }
0x374: {  	v19 =	vld [tilespmem:s12+$0x60];
	(v2sf) =	vpush v39, $0x4  }
0x375: {  	v16 =	vld [tilespmem:s9+$0x60];
	(v2sf) =	vpush v21, $0x5;
	s31 =	spop (v2sf)  }
0x376: {  	v18 =	vld [tilespmem:s11+$0x60];
	(v2sf) =	vpush v39, $0x5  }
0x377: {  	v25 =	vld [tilespmem:s12+$0x50];
	s5 =	spop (v2sf);
	(v2sf) =	vpush v21, $0x6  }
0x378: {  	v22 =	vld [tilespmem:s9+$0x50];
	(v2sf) =	vpush v39, $0x6  }
0x379: {  	s1 =	sadd.s32 $0x4, s1;
	v23 =	vld [tilespmem:s11+$0x50];
	s6 =	spop (v2sf);
	(v2sf) =	vpush v21, $0x7  }
0x37a: {  	s0 =	sadd.s32 $0x2, s0;
	p1 =	por !p1, !p1;
	v31 =	vld [tilespmem:s12+$0x40];
	(v2sf) =	vpush v39, $0x7;
	s4 =	spop (v2sf)  }
0x37b: {  	s14 =	simm.s32 $0x1;
	s7 =	sand.u32 $0x3, s0;
	v29 =	vld [tilespmem:s9+$0x40];
	s10 =	spop (v2sf);
	(v2sf) =	vpush v21, $0x8  }
0x37c: {  	s13 =	sand.u32 $0x7, s1;
	s14 =	simm.s32 @!p1 $0x0;
	v30 =	vld [tilespmem:s11+$0x40];
	s15 =	spop (v2sf);
	(v2sf) =	vpush v39, $0x8  }
0x37d: {  	s7 =	sshll.u32 s7, $0x8;
	s4 =	sadd.f32 s10, s4;
	v35 =	vld [tilespmem:s12+$0x30];
	s10 =	spop (v2sf);
	(v2sf) =	vpush v21, $0x9  }
0x37e: {  	s14 =	sshll.u32 s14, $0x9;
	v33 =	vld [tilespmem:s9+$0x30];
	s10 =	sadd.f32 s10, s15;
	(v2sf) =	vpush v39, $0x9;
	s15 =	spop (v2sf)  }
0x37f: {  	s13 =	sshll.u32 s13, $0x7;
	v34 =	vld [tilespmem:s11+$0x30];
	s4 =	sadd.f32 s4, s15;
	s15 =	spop (v2sf);
	(v2sf) =	vpush v21, $0xA  }
0x380: {  	s16 =	sadd.s32 s8, s7;
	v38 =	vld [tilespmem:s12+$0x20];
	s15 =	sadd.f32 s10, s15;
	(v2sf) =	vpush v39, $0xA;
	s10 =	spop (v2sf)  }
0x381: {  	s7 =	sadd.s32 s14, s8;
	v36 =	vld [tilespmem:s9+$0x20];
	s4 =	sadd.f32 s4, s10;
	s14 =	spop (v2sf);
	(v2sf) =	vpush v21, $0xB  }
0x382: {  	s10 =	sadd.s32 s8, s13;
	v37 =	vld [tilespmem:s11+$0x20];
	s13 =	sadd.f32 s15, s14;
	(v2sf) =	vpush v39, $0xB;
	s14 =	spop (v2sf)  }
0x383: {  	s17 =	sor.u32 $0x460, s7;
	v42 =	vld [tilespmem:s12+$0x0];
	s4 =	sadd.f32 s4, s14;
	s14 =	spop (v2sf);
	(v2sf) =	vpush v21, $0xC  }
0x384: {  	s18 =	sor.u32 $0x450, s7;
	v43 =	vld [tilespmem:s12+$0x10];
	s12 =	sadd.f32 s13, s14;
	(v2sf) =	vpush v39, $0xC;
	s13 =	spop (v2sf)  }
0x385: {  	s14 =	sor.u32 $0x440, s7;
	v41 =	vld [tilespmem:s9+$0x0];
	s4 =	sadd.f32 s4, s13;
	s13 =	spop (v2sf);
	(v2sf) =	vpush v21, $0xD  }
0x386: {  	s19 =	sor.u32 $0x430, s7;
	v44 =	vld [tilespmem:s11+$0x0];
	s12 =	sadd.f32 s12, s13;
	(v2sf) =	vpush v39, $0xD;
	s13 =	spop (v2sf)  }
0x387: {  	v45 =	vld [tilespmem:s9+$0x10];
	s4 =	sadd.f32 s4, s13;
	s9 =	spop (v2sf)  }
0x388: {  	s15 =	sor.u32 $0x420, s7;
	(v2sf) =	vpush v21, $0xE;
	s12 =	sadd.f32 s12, s9  }
.Ltmp4:
0x389: {  	s25 =	sor.u32 $0x410, s7;
	v46 =	vld [tilespmem:s11+$0x10];
	(v2sf) =	vpush v39, $0xE;
	s9 =	spop (v2sf);
	(pc) =	sbr.rel @p2 .LBB2_7-.Ltmp4, $4  }
0x38a: {  	s11 =	sadd.s32 $0x100, s16;
	v17 =	vld [tilespmem:s17+$0xDC00];
	s4 =	sadd.f32 s4, s9;
	s13 =	spop (v2sf);
	(v2sf) =	vpush v21, $0xF  }
0x38b: {  	s9 =	sadd.s32 $0x180, s10;
	v21 =	vld [tilespmem:s18+$0xDC00];
	s12 =	sadd.f32 s12, s13;
	s13 =	spop (v2sf);
	(v2sf) =	vpush v32, $0x2  }
0x38c: {  	s16 =	sor.u32 $0x400, s7;
	v27 =	vld [tilespmem:s14+$0xDC00];
	s13 =	sadd.f32 s4, s13;
	s4 =	spop (v2sf);
	(v2sf) =	vpush v39, $0xF  }
0x38d: {  	s8 =	sadd.s32 $0x400, s8;
	v32 =	vld [tilespmem:s19+$0xDC00];
	s12 =	sadd.f32 s12, s4;
	s14 =	spop (v2sf)  }
0x38e: {  	v39 =	vld [tilespmem:s15+$0xDC00]  }
0x38f: {  	v40 =	vld [tilespmem:s25+$0xDC00]  }
0x390: {  	v26 =	vmul.f32 v26, v42;
	v53 =	vld [tilespmem:s16+$0xDC00];
	v28 =	vmul.f32 v28, v43;
	s0 =	sor.u32 $0x470, s11  }
0x391: {  	v24 =	vmul.f32 v24, v38;
	s18 =	sor.u32 $0x450, s11;
	v38 =	vld [tilespmem:s0+$0xDC00]  }
0x392: {  	v41 =	vmul.f32 v44, v41;
	v54 =	vmul.f32 v46, v45;
	s19 =	sor.u32 $0x440, s11;
	v55 =	vld [tilespmem:s18+$0xDC00];
	v26 =	vadd.f32 v28, v26  }
0x393: {  	v20 =	vmul.f32 v20, v35;
	s25 =	sor.u32 $0x430, s11;
	v56 =	vld [tilespmem:s19+$0xDC00]  }
0x394: {  	v36 =	vmul.f32 v37, v36;
	s26 =	sor.u32 $0x420, s11;
	v57 =	vld [tilespmem:s25+$0xDC00];
	v41 =	vadd.f32 v54, v41;
	v24 =	vadd.f32 v24, v26  }
0x395: {  	v15 =	vmul.f32 v15, v31;
	s28 =	sor.u32 $0x410, s11;
	v58 =	vld [tilespmem:s26+$0xDC00]  }
0x396: {  	v33 =	vmul.f32 v34, v33;
	s4 =	sor.u32 $0x400, s11;
	v59 =	vld [tilespmem:s28+$0xDC00];
	v36 =	vadd.f32 v36, v41;
	v20 =	vadd.f32 v20, v24  }
0x397: {  	v12 =	vmul.f32 v12, v25;
	s8 =	sor.u32 $0x400, s9;
	v60 =	vld [tilespmem:s4+$0xDC00]  }
0x398: {  	s1 =	sor.u32 $0x460, s11;
	v29 =	vmul.f32 v30, v29;
	s11 =	sor.u32 $0x410, s9;
	s0 =	sadd.s32 $0x80, s10;
	v61 =	vld [tilespmem:s8+$0xDC00];
	v33 =	vadd.f32 v33, v36;
	v15 =	vadd.f32 v15, v20  }
0x399: {  	v10 =	vmul.f32 v10, v19;
	v62 =	vld [tilespmem:s11+$0xDC00];
	s4 =	sor.u32 $0x400, s0  }
0x39a: {  	v22 =	vmul.f32 v23, v22;
	s17 =	sor.u32 $0x430, s9;
	v63 =	vld [tilespmem:s4+$0xDC00];
	v29 =	vadd.f32 v29, v33;
	v12 =	vadd.f32 v12, v15  }
0x39b: {  	v8 =	vmul.f32 v8, v14;
	v37 =	vld [tilespmem:s17+$0xDC00];
	s16 =	sor.u32 $0x410, s0  }
0x39c: {  	s15 =	sor.u32 $0x420, s9;
	v16 =	vmul.f32 v18, v16;
	v34 =	vld [tilespmem:s16+$0xDC00];
	v30 =	vadd.f32 v22, v29;
	v10 =	vadd.f32 v10, v12  }
0x39d: {  	v11 =	vmul.f32 v13, v11;
	v33 =	vld [tilespmem:s15+$0xDC00]  }
0x39e: {  	v28 =	vld [tilespmem:s1+$0xDC00];
	s18 =	sor.u32 $0x420, s0;
	v36 =	vmul.f32 v61, v60;
	v14 =	vadd.f32 v16, v30;
	v8 =	vadd.f32 v8, v10  }
0x39f: {  	s25 =	sor.u32 $0x430, s0;
	v41 =	vld [tilespmem:s18+$0xDC00];
	v43 =	vmul.f32 v63, v53  }
0x3a0: {  	s19 =	sor.u32 $0x440, s9;
	v45 =	vld [tilespmem:s25+$0xDC00];
	v15 =	vmul.f32 v62, v59;
	v11 =	vadd.f32 v11, v14;
	v8 =	vadd.f32 v36, v8  }
0x3a1: {  	s26 =	sor.u32 $0x450, s9;
	v44 =	vld [tilespmem:s19+$0xDC00];
	v13 =	vmul.f32 v34, v40  }
0x3a2: {  	s28 =	sor.u32 $0x440, s0;
	v46 =	vld [tilespmem:s26+$0xDC00];
	v12 =	vmul.f32 v33, v58;
	v11 =	vadd.f32 v43, v11;
	v8 =	vadd.f32 v15, v8  }
0x3a3: {  	s10 =	sadd.f32 s13, s14;
	s8 =	spop (v2sf);
	(v2sf) =	vpush v9, $0x2;
	s14 =	sor.u32 $0x450, s0;
	v47 =	vld [tilespmem:s28+$0xDC00];
	v48 =	vmul.f32 v37, v57  }
0x3a4: {  	s11 =	sor.u32 $0x460, s9;
	s8 =	sadd.f32 s12, s8;
	s13 =	spop (v2sf);
	v51 =	vld [tilespmem:s14+$0xDC00];
	v49 =	vmul.f32 v41, v39;
	v11 =	vadd.f32 v13, v11;
	v8 =	vadd.f32 v12, v8  }
0x3a5: {  	v50 =	vld [tilespmem:s11+$0xDC00];
	(v2sf) =	vpush v3, $0x3;
	s1 =	sadd.f32 s10, s13;
	s18 =	sor.u32 $0x460, s0;
	s15 =	spop (v2sf);
	v52 =	vmul.f32 v45, v32  }
0x3a6: {  	s16 =	sor.u32 $0x470, s9;
	s14 =	sadd.f32 s6, s5;
	v54 =	vld [tilespmem:s18+$0xDC00];
	s17 =	spop (v2sf);
	v10 =	vmul.f32 v44, v56;
	v11 =	vadd.f32 v49, v11;
	v8 =	vadd.f32 v48, v8  }
0x3a7: {  	s7 =	sor.u32 $0x470, s7;
	v3 =	vmul.f32 v6, v5;
	v53 =	vld [tilespmem:s16+$0xDC00];
	s4 =	sadd.f32 s8, s15;
	s19 =	spop (v2sf);
	(v2sf) =	vpush v5, $0x3;
	v14 =	vmul.f32 v46, v55  }
0x3a8: {  	s0 =	sor.u32 $0x470, s0;
	v57 =	vld [tilespmem:s7+$0xDC00];
	s1 =	sadd.f32 s1, s17;
	s25 =	spop (v2sf);
	v56 =	vmul.f32 v47, v27;
	v55 =	vadd.f32 v52, v11;
	v8 =	vadd.f32 v10, v8  }
0x3a9: {  	v60 =	vmul.f32 v51, v21;
	s4 =	sadd.f32 s4, s19;
	s26 =	spop (v2sf);
	(v2sf) =	vpush v3, $0x0;
	v58 =	vld [tilespmem:s0+$0xDC00]  }
0x3aa: {  	v59 =	vmul.f32 v50, v28;
	s1 =	sadd.f32 s1, s25;
	s7 =	spop (v2sf);
	v5 =	vadd.f32 v56, v55;
	v8 =	vadd.f32 v14, v8  }
0x3ab: {  	v4 =	vmul.f32 v4, v7;
	v62 =	vmul.f32 v54, v17;
	s28 =	sadd.f32 s4, s26;
	s8 =	spop (v2sf);
	(v2sf) =	vpush v3, $0x1  }
0x3ac: {  	v61 =	vmul.f32 v53, v38;
	s1 =	sadd.f32 s1, s7;
	s9 =	spop (v2sf);
	v5 =	vadd.f32 v60, v5;
	v8 =	vadd.f32 v59, v8  }
0x3ad: {  	s0 =	sadd.f32 s28, s8;
	s10 =	spop (v2sf);
	(v2sf) =	vpush v4, $0x0  }
0x3ae: {  	s1 =	sadd.f32 s1, s9;
	v63 =	vmul.f32 v58, v57;
	v5 =	vadd.f32 v62, v5;
	v8 =	vadd.f32 v61, v8  }
0x3af: {  	s0 =	sadd.f32 s0, s10;
	s11 =	spop (v2sf);
	(v2sf) =	vpush v4, $0x1  }
0x3b0: {  	s1 =	sadd.f32 s1, s11;
	s12 =	spop (v2sf);
	v5 =	vadd.f32 v63, v5;
	(v2sf) =	vpush v8, $0x0  }
0x3b1: {  	s25 =	sadd.f32 s31, s30;
	s13 =	spop (v2sf);
	(v2sf) =	vpush v8, $0x1  }
0x3b2: {  	s0 =	sadd.f32 s0, s13;
	s1 =	smul.f32 s1, s12;
	(v2sf) =	vpush v5, $0x0  }
0x3b3: {  	s26 =	ssub.f32 $1.000000000e+00, s14;
	s15 =	spop (v2sf);
	(v2sf) =	vpush v5, $0x1  }
0x3b4: {  	s0 =	smul.f32 s0, s15;
	s16 =	sadd.f32 $-1.000000000e+00, s1;
	(v2sf) =	vpush v8, $0x2  }
0x3b5: {  	s1 =	ssub.f32 s1, s29;
	(v2sf) =	vpush v5, $0x2  }
0x3b6: {  	s18 =	spop (v2sf);
	s17 =	sadd.f32 $-1.000000000e+00, s0;
	(v2sf) =	vpush v8, $0x3  }
0x3b7: {  	s5 =	smul.f32 s16, s16;
	s1 =	smax.f32 s1, $0.0e+00;
	(v2sf) =	vpush v5, $0x3  }
0x3b8: {  	s0 =	ssub.f32 s0, s18;
	s19 =	smul.f32 s1, s1;
	(v2sf) =	vpush v8, $0x4  }
0x3b9: {  	s28 =	ssub.f32 $1.000000000e+00, s25;
	s6 =	smul.f32 s17, s17;
	(v2sf) =	vpush v5, $0x4  }
0x3ba: {  	s1 =	spop (v2sf);
	s0 =	smax.f32 s0, $0.0e+00;
	(v2sf) =	vpush v8, $0x5  }
0x3bb: {  	s4 =	smul.f32 s6, s14;
	s6 =	spop (v2sf);
	(v2sf) =	vpush v5, $0x5  }
0x3bc: {  	s0 =	smul.f32 s0, s0;
	s8 =	spop (v2sf);
	(v2sf) =	vpush v8, $0x6  }
0x3bd: {  	s29 =	smul.f32 s5, s25;
	s7 =	spop (v2sf);
	(v2sf) =	vpush v5, $0x6  }
0x3be: {  	s0 =	smul.f32 s0, s26;
	s9 =	spop (v2sf);
	(v2sf) =	vpush v8, $0x7  }
0x3bf: {  	s10 =	smul.f32 s19, s28;
	(v2sf) =	vpush v5, $0x7;
	s30 =	spop (v2sf)  }
0x3c0: {  	s5 =	sadd.f32 s0, s4;
	s31 =	spop (v2sf);
	(v2sf) =	vpush v8, $0x8  }
0x3c1: {  	s0 =	sadd.f32 s10, s29;
	s13 =	spop (v2sf);
	(v2sf) =	vpush v5, $0x8  }
0x3c2: {  	s4 =	sadd.f32 s31, s30;
	s14 =	spop (v2sf);
	(v2sf) =	vpush v8, $0x9  }
0x3c3: {  	s10 =	sadd.f32 s14, s13;
	(v2sf) =	vpush v5, $0x9;
	s15 =	spop (v2sf)  }
0x3c4: {  	s4 =	sadd.f32 s4, s15;
	s16 =	spop (v2sf);
	(v2sf) =	vpush v8, $0xA  }
0x3c5: {  	s10 =	sadd.f32 s10, s16;
	(v2sf) =	vpush v5, $0xA;
	s17 =	spop (v2sf)  }
0x3c6: {  	s4 =	sadd.f32 s4, s17;
	s18 =	spop (v2sf);
	(v2sf) =	vpush v8, $0xB  }
0x3c7: {  	s10 =	sadd.f32 s10, s18;
	(v2sf) =	vpush v5, $0xB;
	s19 =	spop (v2sf)  }
0x3c8: {  	s4 =	sadd.f32 s4, s19;
	s25 =	spop (v2sf);
	(v2sf) =	vpush v8, $0xC  }
0x3c9: {  	s10 =	sadd.f32 s10, s25;
	(v2sf) =	vpush v5, $0xC;
	s26 =	spop (v2sf)  }
0x3ca: {  	s4 =	sadd.f32 s4, s26;
	s28 =	spop (v2sf);
	(v2sf) =	vpush v8, $0xD  }
0x3cb: {  	s10 =	sadd.f32 s10, s28;
	(v2sf) =	vpush v5, $0xD;
	s29 =	spop (v2sf)  }
0x3cc: {  	s4 =	sadd.f32 s4, s29;
	s30 =	spop (v2sf);
	(v2sf) =	vpush v8, $0xE  }
0x3cd: {  	s10 =	sadd.f32 s10, s30;
	(v2sf) =	vpush v5, $0xE;
	s31 =	spop (v2sf)  }
0x3ce: {  	s4 =	sadd.f32 s4, s31;
	s12 =	spop (v2sf);
	(v2sf) =	vpush v8, $0xF  }
0x3cf: {  	s10 =	sadd.f32 s10, s12;
	s13 =	spop (v2sf);
	(v2sf) =	vpush v3, $0x2  }
0x3d0: {  	s4 =	sadd.f32 s4, s13;
	s14 =	spop (v2sf);
	(v2sf) =	vpush v5, $0xF  }
0x3d1: {  	s10 =	sadd.f32 s10, s14;
	s15 =	spop (v2sf)  }
0x3d2: {  	(v2sf) =	vpush v4, $0x2;
	s4 =	sadd.f32 s4, s15;
	s16 =	spop (v2sf)  }
0x3d3: {  	s10 =	sadd.f32 s10, s16;
	s17 =	spop (v2sf)  }
0x3d4: {  	s4 =	sadd.f32 s4, s17;
	s18 =	spop (v2sf)  }
0x3d5: {  	(v2sf) =	vpush v7, $0x3;
	s10 =	sadd.f32 s10, s18;
	s19 =	spop (v2sf)  }
0x3d6: {  	s4 =	sadd.f32 s4, s19;
	s25 =	spop (v2sf)  }
0x3d7: {  	s10 =	sadd.f32 s10, s25;
	s26 =	spop (v2sf)  }
0x3d8: {  	s4 =	sadd.f32 s4, s26;
	s28 =	spop (v2sf)  }
0x3d9: {  	s10 =	sadd.f32 s10, s28;
	s29 =	spop (v2sf)  }
0x3da: {  	s4 =	sadd.f32 s4, s29;
	s30 =	spop (v2sf)  }
0x3db: {  	s10 =	sadd.f32 s10, s30;
	s31 =	spop (v2sf)  }
0x3dc: {  	s4 =	sadd.f32 s4, s31;
	s12 =	spop (v2sf)  }
0x3dd: {  	s10 =	sadd.f32 s10, s12;
	s13 =	spop (v2sf)  }
0x3de: {  	s4 =	sadd.f32 s4, s13;
	s14 =	spop (v2sf)  }
0x3df: {  	s6 =	sadd.f32 s8, s6;
	s15 =	spop (v2sf)  }
0x3e0: {  	s8 =	sadd.f32 s10, s15;
	s4 =	smul.f32 s4, s14  }
0x3e1: {  	s7 =	sadd.f32 s9, s7;
	s17 =	spop (v2sf)  }
0x3e2: {  	s8 =	smul.f32 s8, s17;
	s18 =	sadd.f32 $-1.000000000e+00, s4  }
0x3e3: {  	s1 =	ssub.f32 s4, s1  }
0x3e4: {  	s16 =	sadd.s32 $0x2, s21;
	s21 =	spop (v2sf);
	s19 =	sadd.f32 $-1.000000000e+00, s8  }
0x3e5: {  	s8 =	ssub.f32 s8, s21  }
0x3e6: {  	s9 =	smul.f32 s18, s18;
	s1 =	smax.f32 s1, $0.0e+00  }
0x3e7: {  	s1 =	smul.f32 s1, s1  }
0x3e8: {  	s4 =	smul.f32 s19, s19;
	s8 =	smax.f32 s8, $0.0e+00  }
0x3e9: {  	p1 =	slt.u32 s16, $0xC35;
	s25 =	ssub.f32 $1.000000000e+00, s7;
	s8 =	smul.f32 s8, s8  }
0x3ea: {  	s5 =	simm.s32 @!p1 $0x0;
	s26 =	sadd.s32 $0x1, s16;
	s4 =	smul.f32 s4, s7  }
0x3eb: {  	p1 =	slt.u32 s26, $0xC35;
	s29 =	ssub.f32 $1.000000000e+00, s6;
	s28 =	smul.f32 s8, s25  }
0x3ec: {  	s5 =	sadd.f32 s5, s23;
	s0 =	simm.s32 @!p1 $0x0;
	s6 =	smul.f32 s9, s6  }
0x3ed: {  	s30 =	sadd.s32 $0x2, s16;
	s1 =	smul.f32 s1, s29;
	s4 =	sadd.f32 s28, s4  }
0x3ee: {  	s0 =	sadd.f32 s0, s5;
	p1 =	slt.u32 s30, $0xC35;
	s31 =	sadd.s32 $0x1, s30  }
.Ltmp5:
0x3ef: {  	s1 =	sadd.f32 s1, s6;
	s4 =	simm.s32 @!p1 $0x0;
	(pc) =	sbr.rel @p0 .LBB2_10-.Ltmp5, $3  }
0x3f0: {  	p1 =	slt.u32 s31, $0xC35;
	s0 =	sadd.f32 s4, s0  }
0x3f1: {  	s1 =	simm.s32 @!p1 $0x0  }
0x3f2: {  	s21 =	sadd.f32 s1, s0;
	_ =	sdelay $0x1  }
0x3f3: {  	s0 =	sshll.u32 s22, $0x8  }
0x3f4: {  	s0 =	sand.u32 $0x3FFFFF00, s0  }
0x3f5: {  	v3 =	vld [tilespmem:s0+$0x180];
	_ =	sdelay $0x4  }
0x3f6: {  	v4 =	vshll.u32 v3, $0x1  }
0x3f7: {  	v3 =	vand.u32 $0x7, v3;
	v4 =	vand.u32 $0xFFFFFFF0, v4  }
0x3f8: {  	v3 =	vor.u32 v3, v4  }
0x3f9: {  	v4 =	vperm.xlane v3, v0;
	_ =	sdelay $0x1  }
0x3fa: {  	v3 =	vperm.xlane v3, v2;
	v4 =	vadd.s32 v1, v4;
	_ =	sdelay $0x1  }
0x3fb: {  	v3 =	vadd.s32 v1, v3;
	_ =	sdelay $0x1  }
0x3fc: {  	s1 =	simm.s32 $0xDC00  }
0x3fd: {  	[tilespmem:s1], [sflag:$0x3] =	stream.indirect_vreg.gather [hbm4b:s2+s3], $0x80, v4, vm0, $0xb8;
	[tilespmem:$0x19C80] =	vst v63  }
0x3fe: {  	s11 =	simm.s32 $0xE400  }
0x3ff: {  	[tilespmem:s11], [sflag:$0x3] =	stream.indirect_vreg.gather [hbm4b:s2+s3], $0x80, v3, vm0, $0xb8;
	[tilespmem:$0x19C80] =	vst v63  }
0x400: {  	v3 =	vld [tilespmem:s0+$0x190];
	_ =	sdelay $0x4  }
0x401: {  	v57 =	vshll.u32 v3, $0x1  }
0x402: {  	v3 =	vand.u32 $0x7, v3;
	v4 =	vand.u32 $0xFFFFFFF0, v57  }
0x403: {  	v3 =	vor.u32 v3, v4  }
0x404: {  	v4 =	vperm.xlane v3, v0;
	_ =	sdelay $0x1  }
0x405: {  	v3 =	vperm.xlane v3, v2;
	v4 =	vadd.s32 v1, v4;
	_ =	sdelay $0x1  }
0x406: {  	v3 =	vadd.s32 v1, v3;
	_ =	sdelay $0x1  }
0x407: {  	s12 =	simm.s32 $0xEC00  }
0x408: {  	[tilespmem:s12], [sflag:$0x3] =	stream.indirect_vreg.gather [hbm4b:s2+s3], $0x80, v4, vm0, $0xb8;
	[tilespmem:$0x19C80] =	vst v63  }
0x409: {  	s13 =	simm.s32 $0xF400  }
0x40a: {  	[tilespmem:s13], [sflag:$0x3] =	stream.indirect_vreg.gather [hbm4b:s2+s3], $0x80, v3, vm0, $0xb8;
	[tilespmem:$0x19C80] =	vst v63  }
0x40b: {  	v3 =	vld [tilespmem:s0+$0x1A0];
	_ =	sdelay $0x4  }
0x40c: {  	v58 =	vshll.u32 v3, $0x1  }
0x40d: {  	v3 =	vand.u32 $0x7, v3;
	v4 =	vand.u32 $0xFFFFFFF0, v58  }
0x40e: {  	v3 =	vor.u32 v3, v4  }
0x40f: {  	v4 =	vperm.xlane v3, v0;
	_ =	sdelay $0x1  }
0x410: {  	v3 =	vperm.xlane v3, v2;
	v4 =	vadd.s32 v1, v4;
	_ =	sdelay $0x1  }
0x411: {  	v3 =	vadd.s32 v1, v3;
	_ =	sdelay $0x1  }
0x412: {  	s14 =	simm.s32 $0xFC00  }
0x413: {  	[tilespmem:s14], [sflag:$0x3] =	stream.indirect_vreg.gather [hbm4b:s2+s3], $0x80, v4, vm0, $0xb8;
	[tilespmem:$0x19C80] =	vst v63  }
0x414: {  	s15 =	simm.s32 $0x10400  }
0x415: {  	[tilespmem:s15], [sflag:$0x3] =	stream.indirect_vreg.gather [hbm4b:s2+s3], $0x80, v3, vm0, $0xb8;
	[tilespmem:$0x19C80] =	vst v63  }
0x416: {  	v3 =	vld [tilespmem:s0+$0x1B0];
	_ =	sdelay $0x4  }
0x417: {  	v59 =	vshll.u32 v3, $0x1  }
0x418: {  	v3 =	vand.u32 $0x7, v3;
	v4 =	vand.u32 $0xFFFFFFF0, v59  }
0x419: {  	v3 =	vor.u32 v3, v4  }
0x41a: {  	v4 =	vperm.xlane v3, v0;
	_ =	sdelay $0x1  }
0x41b: {  	v3 =	vperm.xlane v3, v2;
	v4 =	vadd.s32 v1, v4;
	_ =	sdelay $0x1  }
0x41c: {  	v3 =	vadd.s32 v1, v3;
	_ =	sdelay $0x1  }
0x41d: {  	s16 =	simm.s32 $0x10C00  }
0x41e: {  	[tilespmem:s16], [sflag:$0x3] =	stream.indirect_vreg.gather [hbm4b:s2+s3], $0x80, v4, vm0, $0xb8;
	[tilespmem:$0x19C80] =	vst v63  }
0x41f: {  	s17 =	simm.s32 $0x11400  }
0x420: {  	[tilespmem:s17], [sflag:$0x3] =	stream.indirect_vreg.gather [hbm4b:s2+s3], $0x80, v3, vm0, $0xb8;
	[tilespmem:$0x19C80] =	vst v63  }
0x421: {  	v3 =	vld [tilespmem:s0+$0x1C0];
	_ =	sdelay $0x4  }
0x422: {  	v60 =	vshll.u32 v3, $0x1  }
0x423: {  	v3 =	vand.u32 $0x7, v3;
	v4 =	vand.u32 $0xFFFFFFF0, v60  }
0x424: {  	v3 =	vor.u32 v3, v4  }
0x425: {  	v4 =	vperm.xlane v3, v0;
	_ =	sdelay $0x1  }
0x426: {  	v3 =	vperm.xlane v3, v2;
	v4 =	vadd.s32 v1, v4;
	_ =	sdelay $0x1  }
0x427: {  	v3 =	vadd.s32 v1, v3;
	_ =	sdelay $0x1  }
0x428: {  	s18 =	simm.s32 $0x11C00  }
0x429: {  	[tilespmem:s18], [sflag:$0x3] =	stream.indirect_vreg.gather [hbm4b:s2+s3], $0x80, v4, vm0, $0xb8;
	[tilespmem:$0x19C80] =	vst v63  }
0x42a: {  	s19 =	simm.s32 $0x12400  }
0x42b: {  	[tilespmem:s19], [sflag:$0x3] =	stream.indirect_vreg.gather [hbm4b:s2+s3], $0x80, v3, vm0, $0xb8;
	[tilespmem:$0x19C80] =	vst v63  }
0x42c: {  	v3 =	vld [tilespmem:s0+$0x1D0];
	_ =	sdelay $0x4  }
0x42d: {  	v61 =	vshll.u32 v3, $0x1  }
0x42e: {  	v3 =	vand.u32 $0x7, v3;
	v4 =	vand.u32 $0xFFFFFFF0, v61  }
0x42f: {  	v3 =	vor.u32 v3, v4  }
0x430: {  	v4 =	vperm.xlane v3, v0;
	_ =	sdelay $0x1  }
0x431: {  	v3 =	vperm.xlane v3, v2;
	v4 =	vadd.s32 v1, v4;
	_ =	sdelay $0x1  }
0x432: {  	v3 =	vadd.s32 v1, v3;
	_ =	sdelay $0x1  }
0x433: {  	s23 =	simm.s32 $0x12C00  }
0x434: {  	[tilespmem:s23], [sflag:$0x3] =	stream.indirect_vreg.gather [hbm4b:s2+s3], $0x80, v4, vm0, $0xb8;
	[tilespmem:$0x19C80] =	vst v63  }
0x435: {  	s25 =	simm.s32 $0x13400  }
0x436: {  	[tilespmem:s25], [sflag:$0x3] =	stream.indirect_vreg.gather [hbm4b:s2+s3], $0x80, v3, vm0, $0xb8;
	[tilespmem:$0x19C80] =	vst v63  }
0x437: {  	v3 =	vld [tilespmem:s0+$0x1E0];
	_ =	sdelay $0x4  }
0x438: {  	v62 =	vshll.u32 v3, $0x1  }
0x439: {  	v3 =	vand.u32 $0x7, v3;
	v4 =	vand.u32 $0xFFFFFFF0, v62  }
0x43a: {  	v3 =	vor.u32 v3, v4  }
0x43b: {  	v4 =	vperm.xlane v3, v0;
	_ =	sdelay $0x1  }
0x43c: {  	v3 =	vperm.xlane v3, v2;
	v4 =	vadd.s32 v1, v4;
	_ =	sdelay $0x1  }
0x43d: {  	v3 =	vadd.s32 v1, v3;
	_ =	sdelay $0x1  }
0x43e: {  	s26 =	simm.s32 $0x13C00  }
0x43f: {  	[tilespmem:s26], [sflag:$0x3] =	stream.indirect_vreg.gather [hbm4b:s2+s3], $0x80, v4, vm0, $0xb8;
	[tilespmem:$0x19C80] =	vst v63  }
0x440: {  	s28 =	simm.s32 $0x14400  }
0x441: {  	[tilespmem:s28], [sflag:$0x3] =	stream.indirect_vreg.gather [hbm4b:s2+s3], $0x80, v3, vm0, $0xb8;
	[tilespmem:$0x19C80] =	vst v63  }
0x442: {  	v3 =	vld [tilespmem:s0+$0x1F0];
	_ =	sdelay $0x4  }
0x443: {  	v63 =	vshll.u32 v3, $0x1  }
0x444: {  	v3 =	vand.u32 $0x7, v3;
	v4 =	vand.u32 $0xFFFFFFF0, v63  }
0x445: {  	v3 =	vor.u32 v3, v4  }
0x446: {  	v4 =	vperm.xlane v3, v0;
	_ =	sdelay $0x1  }
0x447: {  	v4 =	vadd.s32 v1, v4  }
0x448: {  	v3 =	vperm.xlane v3, v2;
	_ =	sdelay $0x1  }
0x449: {  	v3 =	vadd.s32 v1, v3  }
0x44a: {  	s29 =	simm.s32 $0x14C00  }
0x44b: {  	[tilespmem:s29], [sflag:$0x3] =	stream.indirect_vreg.gather [hbm4b:s2+s3], $0x80, v4, vm0, $0xb8;
	[tilespmem:$0x19C80] =	vst v63  }
.Ltmp6:
0x44c: {  	s30 =	simm.s32 $0x15400;
	s31 =	rddreg [dreg:$0x3];
	(pc) =	sbr.rel .LBB2_2-.Ltmp6, $4  }
0x44d: {  	s4 =	simm.s32 $0x80;
	s5 =	simm.s32 $0x15C00;
	s22 =	sadd.s32 $0x1, s22  }
0x44e: {  	[tilespmem:s30], [sflag:$0x3] =	stream.indirect_vreg.gather [hbm4b:s2+s3], $0x80, v3, vm0, $0xb8;
	[tilespmem:$0x19C80] =	vst v63  }
0x44f: {  	s24 =	sadd.s32 $0x80, s24;
	s20 =	sadd.s32 $0x80, s20;
	s0 =	sadd.s32 $0x180, s0  }
0x450: {  	[tilespmem:s5], [sflag:$0x4] =	stream.indirect.gather [hbm4b:s31+s4], $0x80, s0, s4, $0xb8;
	[tilespmem:$0x19C80] =	vst v63  }
.LBB2_11:
0x451: {  	_ =	sfence.sel $0x180000  }
0x452: {  	[bflag:$0x0] =	sbarrier.arrive $0xFFFF  }
0x453: {  	_ =	strace $0x9000004A  }
0x454: {  	s0 =	stileid.u32;
	[bflag:$0x2] =	sbarrier.arrive $0xFFFF  }
0x455: {  	p0 =	sne.s32 s0, $0x0;
	s0 =	rddreg [dreg:$0x2]  }
0x456: {  	s0 =	sadd.s32 @!p0 $0x100000, s0  }
0x457: {  	[sflag:s0] =	ssyncadd.tile.s32 @!p0 $0x1;
	_ =	shalt  }
.Lfunc_end2:
_tile_overlayer_lowered:
.L_overlay_start_2:
0x458: {  	(tag) =	ssettag $0x2  }
0x459: {  	s0 =	rddreg [dreg:$0x0];
	s2 =	stileid.u32  }
0x45a: {  	s1 =	rddreg [dreg:$0x1];
	p0 =	sne.s32 s2, $0x0  }
0x45b: {  	s3 =	rddreg [dreg:$0x2];
	[bflag:$0x3] =	sbarrier.arrive $0xFFFF;
	s2 =	simm.s32 @!p0 $0x1C05  }
0x45c: {  	[timem:s3], [sflag:s2] =	dma.local @!p0 [hbm:s0], s1  }
0x45d: {  	s0 =	simm.s32 @!p0 $0x5  }
0x45e: {  	_ =	swait.ge @!p0 [sflag:s0], s1  }
0x45f: {  	s1 =	ssub.s32 @!p0 $0x0, s1;
	[sflag:s0] =	ssyncset.done @!p0 $0x0  }
0x460: {  	[sflag:s0] =	ssyncadd.s32 @!p0 s1  }
0x461: {  	[bflag:$0x3] =	sbarrier.arrive $0xFFFF  }
0x462: {  	_ =	shalt  }

</sc_bundles>
